<compile_context>
chip_gen: v7x
topology: tpu7x:2x2x1
jax: 0.10.2.dev20260603
libtpu: 0.0.44.dev20260713+nightly
codegen_flags: <defaults>
</compile_context>

<pallas_src>
import dataclasses

import jax
import jax.numpy as jnp
from jax import lax
from jax.experimental import pallas as pl
from jax.experimental.pallas import tpu as pltpu
from jax.experimental.pallas import tpu_sc as plsc

N = 10000
E = 320000
D = 128
DH = D // 2
C = 128
NCH = 160
EPW = NCH * C
EPAD = 16 * EPW
NPAD = 10240
DUMMY = N
RB = 512
GRID = NPAD // RB
SPT = NPAD // 16
DCH = NCH // 2
NBUF = 8
LAG = 4



def _deg_body(dst_hbm, degp_hbm, idx_v, degp_v):
    c = lax.axis_index("core")
    s = lax.axis_index("subcore")
    w = c * 16 + s
    z16 = jnp.zeros((16,), jnp.float32)

    @pl.loop(0, NPAD // 16)
    def _(i):
        degp_v[pl.ds(i * 16, 16)] = z16

    pltpu.sync_copy(dst_hbm.at[s, pl.ds(c * DCH, DCH)], idx_v)
    one16 = jnp.ones((16,), jnp.float32)

    @pl.loop(0, DCH)
    def _(r):
        @pl.loop(0, C // 16)
        def _(k):
            iv = idx_v[r, pl.ds(k * 16, 16)]
            plsc.addupdate_scatter(degp_v, [iv], one16)

    pltpu.sync_copy(degp_v, degp_hbm.at[w])


def _agg_body(glo_hbm, ghi_hbm, src_hbm, dst_hbm, p_hbm, idxs_v, idxd_v,
              rows_v, wb_v, acc_sh, gs0, gs1, gs2, gs3, gs4, gs5, gs6, gs7,
              ss0, ss1, ss2, ss3, ss4, ss5, ss6, ss7):
    c = lax.axis_index("core")
    s = lax.axis_index("subcore")
    bufs = [rows_v.at[b] for b in range(NBUF)]
    gsems = [gs0, gs1, gs2, gs3, gs4, gs5, gs6, gs7][:NBUF]
    ssems = [ss0, ss1, ss2, ss3, ss4, ss5, ss6, ss7][:NBUF]
    pltpu.sync_copy(src_hbm.at[s], idxs_v)
    pltpu.sync_copy(dst_hbm.at[s], idxd_v)

    z32 = jnp.zeros((32,), jnp.bfloat16)

    @pl.loop(0, SPT)
    def _(r):
        @pl.loop(0, DH // 32)
        def _(k):
            wb_v[r, pl.ds(k * 32, 32)] = z32

    pltpu.sync_copy(wb_v, acc_sh.at[pl.ds(s * SPT, SPT)])
    plsc.subcore_barrier()

    def _loop(g_ref):
        def start_g(j, b):
            pltpu.async_copy(g_ref.at[idxs_v.at[j]], bufs[b], gsems[b])

        def wait_g(j, b):
            pltpu.make_async_copy(g_ref.at[pl.ds(0, C)], bufs[b],
                                  gsems[b]).wait()

        def start_s(j, b):
            pltpu.async_copy(bufs[b], acc_sh.at[idxd_v.at[j]], ssems[b],
                             add=True)

        def wait_s(j, b):
            pltpu.make_async_copy(bufs[b], acc_sh.at[pl.ds(0, C)],
                                  ssems[b]).wait()

        @pl.loop(0, NCH + NBUF, step=NBUF)
        def _(jo):
            for k in range(NBUF):
                j = jo + k
                b2 = (k - LAG) % NBUF

                @pl.when(j >= NBUF)
                def _():
                    wait_s(j - NBUF, k)

                @pl.when(j < NCH)
                def _():
                    start_g(j, k)

                @pl.when(jnp.logical_and(j >= LAG, j < NCH + LAG))
                def _():
                    wait_g(j - LAG, b2)
                    start_s(j - LAG, b2)

    @pl.when(c == 0)
    def _():
        _loop(glo_hbm)

    @pl.when(c == 1)
    def _():
        _loop(ghi_hbm)

    plsc.subcore_barrier()
    pltpu.sync_copy(acc_sh.at[pl.ds(s * SPT, SPT)], wb_v)
    pltpu.sync_copy(wb_v, p_hbm.at[c, pl.ds(s * SPT, SPT)])


def _sc_calls():
    mesh = plsc.VectorSubcoreMesh(core_axis_name="core",
                                  subcore_axis_name="subcore")
    cp = pltpu.CompilerParams(use_tc_tiling_on_sc=False)
    if "needs_layout_passes" in pltpu.CompilerParams.__dataclass_fields__:
        cp = dataclasses.replace(cp, needs_layout_passes=False)
    deg = pl.kernel(
        _deg_body,
        out_type=jax.ShapeDtypeStruct((32, NPAD), jnp.float32),
        mesh=mesh,
        compiler_params=cp,
        scratch_types=[pltpu.VMEM((DCH, C), jnp.int32),
                       pltpu.VMEM((NPAD,), jnp.float32)],
    )
    agg = pl.kernel(
        _agg_body,
        out_type=jax.ShapeDtypeStruct((2, NPAD, DH), jnp.bfloat16),
        mesh=mesh,
        compiler_params=cp,
        scratch_types=[pltpu.VMEM((NCH, C), jnp.int32),
                       pltpu.VMEM((NCH, C), jnp.int32),
                       pltpu.VMEM((NBUF, C, DH), jnp.bfloat16),
                       pltpu.VMEM((SPT, DH), jnp.bfloat16),
                       pltpu.VMEM_SHARED((NPAD, DH), jnp.bfloat16)]
                      + [pltpu.SemaphoreType.DMA] * 16,
    )
    return deg, agg



def _mm1_body(x_ref, w_ref, degp_ref, glo_ref, ghi_ref, dinv_ref):
    deg = jnp.sum(degp_ref[...], axis=0) + 1.0
    dinv = lax.rsqrt(deg)[:, None]
    h = jnp.dot(x_ref[...], w_ref[...], preferred_element_type=jnp.float32)
    g = (h * dinv).astype(jnp.bfloat16)
    glo_ref[...] = g[:, :DH]
    ghi_ref[...] = g[:, DH:]
    dinv_ref[...] = dinv


def _mm2_body(glo_ref, ghi_ref, p0_ref, p1_ref, dinv_ref, b1_ref, w2_ref,
              xh_ref, g2lo_ref, g2hi_ref):
    dinv = dinv_ref[...]
    y = jnp.concatenate(
        [glo_ref[...].astype(jnp.float32) + p0_ref[0].astype(jnp.float32),
         ghi_ref[...].astype(jnp.float32) + p1_ref[0].astype(jnp.float32)],
        axis=1)
    hrow = y * dinv + b1_ref[...]
    xh_ref[...] = hrow
    r = jnp.maximum(hrow, 0.0)
    h2 = jnp.dot(r, w2_ref[...], preferred_element_type=jnp.float32)
    g2 = (h2 * dinv).astype(jnp.bfloat16)
    g2lo_ref[...] = g2[:, :DH]
    g2hi_ref[...] = g2[:, DH:]


def _out_body(g2lo_ref, g2hi_ref, q0_ref, q1_ref, dinv_ref, b2_ref, o_ref):
    y = jnp.concatenate(
        [g2lo_ref[...].astype(jnp.float32) + q0_ref[0].astype(jnp.float32),
         g2hi_ref[...].astype(jnp.float32) + q1_ref[0].astype(jnp.float32)],
        axis=1)
    o_ref[...] = y * dinv_ref[...] + b2_ref[...]


def _row_spec(r_dim, c_dim):
    return pl.BlockSpec((r_dim, c_dim), lambda r: (r, 0))


def _tc_calls():
    full = pl.BlockSpec((D, D), lambda r: (0, 0))
    bias = pl.BlockSpec((1, D), lambda r: (0, 0))
    pslice = [pl.BlockSpec((1, RB, DH), lambda r: (0, r, 0)),
              pl.BlockSpec((1, RB, DH), lambda r: (1, r, 0))]
    bf = jnp.bfloat16
    mm1 = pl.pallas_call(
        _mm1_body,
        grid=(GRID,),
        in_specs=[_row_spec(RB, D), full,
                  pl.BlockSpec((32, RB), lambda r: (0, r))],
        out_specs=[_row_spec(RB, DH), _row_spec(RB, DH), _row_spec(RB, 1)],
        out_shape=[jax.ShapeDtypeStruct((NPAD, DH), bf),
                   jax.ShapeDtypeStruct((NPAD, DH), bf),
                   jax.ShapeDtypeStruct((NPAD, 1), jnp.float32)],
    )
    mm2 = pl.pallas_call(
        _mm2_body,
        grid=(GRID,),
        in_specs=[_row_spec(RB, DH), _row_spec(RB, DH)] + pslice
                 + [_row_spec(RB, 1), bias, full],
        out_specs=[_row_spec(RB, D), _row_spec(RB, DH), _row_spec(RB, DH)],
        out_shape=[jax.ShapeDtypeStruct((N, D), jnp.float32),
                   jax.ShapeDtypeStruct((NPAD, DH), bf),
                   jax.ShapeDtypeStruct((NPAD, DH), bf)],
    )
    out = pl.pallas_call(
        _out_body,
        grid=(GRID,),
        in_specs=[_row_spec(RB, DH), _row_spec(RB, DH)] + pslice
                 + [_row_spec(RB, 1), bias],
        out_specs=_row_spec(RB, D),
        out_shape=jax.ShapeDtypeStruct((N, D), jnp.float32),
    )
    return mm1, mm2, out



def kernel(x, edge_index, W1, b1, W2, b2):
    src = edge_index[0]
    dst = edge_index[1]
    pad = EPAD - E
    srcp = jnp.concatenate(
        [src, jnp.zeros((pad,), jnp.int32)]).reshape(16, NCH, C)
    dstp = jnp.concatenate(
        [dst, jnp.full((pad,), DUMMY, jnp.int32)]).reshape(16, NCH, C)
    b1r = b1.reshape(1, D)
    b2r = b2.reshape(1, D)

    deg_call, agg_call = _sc_calls()
    mm1, mm2, out_call = _tc_calls()

    degp = deg_call(dstp)
    g1lo, g1hi, dinv = mm1(x, W1, degp)
    p = agg_call(g1lo, g1hi, srcp, dstp)
    xh, g2lo, g2hi = mm2(g1lo, g1hi, p, p, dinv, b1r, W2)
    q = agg_call(g2lo, g2hi, srcp, dstp)
    h2 = out_call(g2lo, g2hi, q, q, dinv, b2r)
    return (h2, xh)

# --- scband reference (transcript-rebuilt; emitter-appended) ---
"""Pipeline reference for scband-simple-gcn-63333587746867 (READ-ONLY COPY).

The authoritative reference and input builder live on the scoring server;
editing this copy changes nothing except your own understanding.
"""

import jax, jax.numpy as jnp
import numpy as np

N = 10000
E = 320000
D_IN = 128
D_HID = 128
D_OUT = 128


def setup_inputs(seed: int = 0) -> dict:
    key = jax.random.key(seed)
    k1, k2, k3, k4 = jax.random.split(key, 4)
    x = jax.random.normal(k1, (N, D_IN), dtype=jnp.float32)
    edge_index = jax.random.randint(k2, (2, E), 0, N, dtype=jnp.int32)
    W1 = jax.random.normal(k3, (D_IN, D_HID), dtype=jnp.float32) / np.sqrt(D_IN)
    b1 = jnp.zeros((D_HID,), dtype=jnp.float32)
    W2 = jax.random.normal(k4, (D_HID, D_OUT), dtype=jnp.float32) / np.sqrt(D_HID)
    b2 = jnp.zeros((D_OUT,), dtype=jnp.float32)
    return {"x": x, "edge_index": edge_index, "W1": W1, "b1": b1, "W2": W2, "b2": b2}


def _gcn_conv(x, edge_index, W, b):
    # Faithful PyG GCNConv: add self-loops, symmetric D^{-1/2}(A+I)D^{-1/2} normalization,
    # linear transform, gather messages by src, scatter-add into dst, add bias.
    n = x.shape[0]
    loop = jnp.arange(n, dtype=edge_index.dtype)
    src = jnp.concatenate([edge_index[0], loop])
    dst = jnp.concatenate([edge_index[1], loop])
    h = x @ W
    deg = jnp.zeros((n,), dtype=h.dtype).at[dst].add(1.0)
    dinv = jnp.where(deg > 0, jax.lax.rsqrt(deg), 0.0)
    norm = dinv[src] * dinv[dst]
    msg = h[src] * norm[:, None]
    out = jnp.zeros_like(h).at[dst].add(msg)
    return out + b


def reference(x, edge_index, W1, b1, W2, b2):
    # eval mode: F.dropout(p=0.5, training=False) is identity
    h = _gcn_conv(x, edge_index, W1, b1)
    x_hidden = h  # detached copy of pre-relu hidden activations
    h2 = _gcn_conv(jax.nn.relu(h), edge_index, W2, b2)
    return (h2, x_hidden)

if __name__ == "__main__":
    import jax
    _d = setup_inputs()
    print(jax.jit(kernel)(*tuple(_d.values())))

</pallas_src>

<mosaic_0001>
#map = affine_map<(d0, d1) -> (0, 0)>
#map1 = affine_map<(d0, d1) -> (0, 0, 0)>
module attributes {stable_mosaic.version = 14 : i64} {
  func.func @_agg_body(%arg0: i32, %arg1: i32, %arg2: memref<10240x64xbf16, #tpu.memory_space<hbm>>, %arg3: memref<10240x64xbf16, #tpu.memory_space<hbm>>, %arg4: memref<16x160x128xi32, #tpu.memory_space<hbm>>, %arg5: memref<16x160x128xi32, #tpu.memory_space<hbm>>, %arg6: memref<2x10240x64xbf16, #tpu.memory_space<hbm>>, %arg7: memref<160x128xi32, #tpu.memory_space<vmem>>, %arg8: memref<160x128xi32, #tpu.memory_space<vmem>>, %arg9: memref<8x128x64xbf16, #tpu.memory_space<vmem>>, %arg10: memref<640x64xbf16, #tpu.memory_space<vmem>>, %arg11: memref<10240x64xbf16, #tpu.memory_space<vmem_shared>>, %arg12: memref<!tpu.dma_semaphore, #tpu.memory_space<semaphore_mem>>, %arg13: memref<!tpu.dma_semaphore, #tpu.memory_space<semaphore_mem>>, %arg14: memref<!tpu.dma_semaphore, #tpu.memory_space<semaphore_mem>>, %arg15: memref<!tpu.dma_semaphore, #tpu.memory_space<semaphore_mem>>, %arg16: memref<!tpu.dma_semaphore, #tpu.memory_space<semaphore_mem>>, %arg17: memref<!tpu.dma_semaphore, #tpu.memory_space<semaphore_mem>>, %arg18: memref<!tpu.dma_semaphore, #tpu.memory_space<semaphore_mem>>, %arg19: memref<!tpu.dma_semaphore, #tpu.memory_space<semaphore_mem>>, %arg20: memref<!tpu.dma_semaphore, #tpu.memory_space<semaphore_mem>>, %arg21: memref<!tpu.dma_semaphore, #tpu.memory_space<semaphore_mem>>, %arg22: memref<!tpu.dma_semaphore, #tpu.memory_space<semaphore_mem>>, %arg23: memref<!tpu.dma_semaphore, #tpu.memory_space<semaphore_mem>>, %arg24: memref<!tpu.dma_semaphore, #tpu.memory_space<semaphore_mem>>, %arg25: memref<!tpu.dma_semaphore, #tpu.memory_space<semaphore_mem>>, %arg26: memref<!tpu.dma_semaphore, #tpu.memory_space<semaphore_mem>>, %arg27: memref<!tpu.dma_semaphore, #tpu.memory_space<semaphore_mem>>) attributes {dimension_semantics = [#tpu.dimension_semantics<core_parallel>, #tpu.dimension_semantics<subcore_parallel>], iteration_bounds = array<i64: 2, 16>, scalar_prefetch = 0 : i64, scratch_operands = 21 : i64, tpu.core_type = #tpu.core_type<sc_vector_subcore>, window_params = [{transform_indices = #map}, {transform_indices = #map}, {transform_indices = #map1}, {transform_indices = #map1}, {transform_indices = #map1}]} {
    "tpu.region"() ({
      %run_scoped3A = tpu.sem_alloc : memref<!tpu.dma_semaphore, #tpu.memory_space<semaphore_mem>>
      %dma_start3A = arith.constant 0 : i32
      %dma_start3A_34 = arith.constant 0 : i32
      %dma_start3A_35 = tpu.memref_slice %arg4[%arg1, %dma_start3A, %dma_start3A_34] : memref<16x160x128xi32, #tpu.memory_space<hbm>> -> memref<1x160x128xi32, #tpu.memory_space<hbm>>
      %dma_start3A_36 = tpu.memref_squeeze %dma_start3A_35 : memref<1x160x128xi32, #tpu.memory_space<hbm>> -> memref<160x128xi32, #tpu.memory_space<hbm>>
      %dma_start3A_37 = arith.constant 0 : i32
      %dma_start3A_38 = arith.constant 0 : i32
      %dma_start3A_39 = tpu.memref_slice %arg4[%arg1, %dma_start3A_37, %dma_start3A_38] : memref<16x160x128xi32, #tpu.memory_space<hbm>> -> memref<1x160x128xi32, #tpu.memory_space<hbm>>
      %dma_start3A_40 = tpu.memref_squeeze %dma_start3A_39 : memref<1x160x128xi32, #tpu.memory_space<hbm>> -> memref<160x128xi32, #tpu.memory_space<hbm>>
      tpu.enqueue_dma source(%dma_start3A_40 : memref<160x128xi32, #tpu.memory_space<hbm>>) target(%arg7 : memref<160x128xi32, #tpu.memory_space<vmem>>) target_semaphore(%run_scoped3A : memref<!tpu.dma_semaphore, #tpu.memory_space<semaphore_mem>>)
      %dma_wait3A = arith.constant 0 : i32
      %dma_wait3A_41 = arith.constant 0 : i32
      %dma_wait3A_42 = tpu.memref_slice %arg4[%arg1, %dma_wait3A, %dma_wait3A_41] : memref<16x160x128xi32, #tpu.memory_space<hbm>> -> memref<1x160x128xi32, #tpu.memory_space<hbm>>
      %dma_wait3A_43 = tpu.memref_squeeze %dma_wait3A_42 : memref<1x160x128xi32, #tpu.memory_space<hbm>> -> memref<160x128xi32, #tpu.memory_space<hbm>>
      %dma_wait3A_44 = arith.constant 0 : i32
      %dma_wait3A_45 = arith.constant 0 : i32
      %dma_wait3A_46 = tpu.memref_slice %arg4[%arg1, %dma_wait3A_44, %dma_wait3A_45] : memref<16x160x128xi32, #tpu.memory_space<hbm>> -> memref<1x160x128xi32, #tpu.memory_space<hbm>>
      %dma_wait3A_47 = tpu.memref_squeeze %dma_wait3A_46 : memref<1x160x128xi32, #tpu.memory_space<hbm>> -> memref<160x128xi32, #tpu.memory_space<hbm>>
      tpu.wait_dma2 semaphore(%run_scoped3A : memref<!tpu.dma_semaphore, #tpu.memory_space<semaphore_mem>>) src(%dma_wait3A_47 : memref<160x128xi32, #tpu.memory_space<hbm>>) dst(%arg7 : memref<160x128xi32, #tpu.memory_space<vmem>>)
      tpu.yield
    }) : () -> ()
    "tpu.region"() ({
      %run_scoped3A = tpu.sem_alloc : memref<!tpu.dma_semaphore, #tpu.memory_space<semaphore_mem>>
      %dma_start3A = arith.constant 0 : i32
      %dma_start3A_34 = arith.constant 0 : i32
      %dma_start3A_35 = tpu.memref_slice %arg5[%arg1, %dma_start3A, %dma_start3A_34] : memref<16x160x128xi32, #tpu.memory_space<hbm>> -> memref<1x160x128xi32, #tpu.memory_space<hbm>>
      %dma_start3A_36 = tpu.memref_squeeze %dma_start3A_35 : memref<1x160x128xi32, #tpu.memory_space<hbm>> -> memref<160x128xi32, #tpu.memory_space<hbm>>
      %dma_start3A_37 = arith.constant 0 : i32
      %dma_start3A_38 = arith.constant 0 : i32
      %dma_start3A_39 = tpu.memref_slice %arg5[%arg1, %dma_start3A_37, %dma_start3A_38] : memref<16x160x128xi32, #tpu.memory_space<hbm>> -> memref<1x160x128xi32, #tpu.memory_space<hbm>>
      %dma_start3A_40 = tpu.memref_squeeze %dma_start3A_39 : memref<1x160x128xi32, #tpu.memory_space<hbm>> -> memref<160x128xi32, #tpu.memory_space<hbm>>
      tpu.enqueue_dma source(%dma_start3A_40 : memref<160x128xi32, #tpu.memory_space<hbm>>) target(%arg8 : memref<160x128xi32, #tpu.memory_space<vmem>>) target_semaphore(%run_scoped3A : memref<!tpu.dma_semaphore, #tpu.memory_space<semaphore_mem>>)
      %dma_wait3A = arith.constant 0 : i32
      %dma_wait3A_41 = arith.constant 0 : i32
      %dma_wait3A_42 = tpu.memref_slice %arg5[%arg1, %dma_wait3A, %dma_wait3A_41] : memref<16x160x128xi32, #tpu.memory_space<hbm>> -> memref<1x160x128xi32, #tpu.memory_space<hbm>>
      %dma_wait3A_43 = tpu.memref_squeeze %dma_wait3A_42 : memref<1x160x128xi32, #tpu.memory_space<hbm>> -> memref<160x128xi32, #tpu.memory_space<hbm>>
      %dma_wait3A_44 = arith.constant 0 : i32
      %dma_wait3A_45 = arith.constant 0 : i32
      %dma_wait3A_46 = tpu.memref_slice %arg5[%arg1, %dma_wait3A_44, %dma_wait3A_45] : memref<16x160x128xi32, #tpu.memory_space<hbm>> -> memref<1x160x128xi32, #tpu.memory_space<hbm>>
      %dma_wait3A_47 = tpu.memref_squeeze %dma_wait3A_46 : memref<1x160x128xi32, #tpu.memory_space<hbm>> -> memref<160x128xi32, #tpu.memory_space<hbm>>
      tpu.wait_dma2 semaphore(%run_scoped3A : memref<!tpu.dma_semaphore, #tpu.memory_space<semaphore_mem>>) src(%dma_wait3A_47 : memref<160x128xi32, #tpu.memory_space<hbm>>) dst(%arg8 : memref<160x128xi32, #tpu.memory_space<vmem>>)
      tpu.yield
    }) : () -> ()
    %broadcast_in_dim3A = arith.constant 0.000000e+00 : bf16
    %broadcast_in_dim3A_0 = vector.broadcast %broadcast_in_dim3A : bf16 to vector<32xbf16>
    %scan3A = arith.constant 0 : i32
    %scan3A_1 = arith.constant 640 : i32
    %scan3A_2 = arith.addi %scan3A, %scan3A_1 : i32
    %scan3A_3 = arith.constant 1 : i32
    scf.for %scan3A_34 = %scan3A to %scan3A_2 step %scan3A_3  : i32 {
      %mul3A_35 = arith.constant 1 : i32
      %mul3A_36 = arith.muli %scan3A_34, %mul3A_35 : i32
      %add3A = arith.constant 0 : i32
      %add3A_37 = arith.addi %add3A, %mul3A_36 : i32
      %scan3A_38 = arith.constant 0 : i32
      %scan3A_39 = arith.constant 2 : i32
      %scan3A_40 = arith.addi %scan3A_38, %scan3A_39 : i32
      %scan3A_41 = arith.constant 1 : i32
      scf.for %scan3A_43 = %scan3A_38 to %scan3A_40 step %scan3A_41  : i32 {
        %mul3A_44 = arith.constant 1 : i32
        %mul3A_45 = arith.muli %scan3A_43, %mul3A_44 : i32
        %add3A_46 = arith.constant 0 : i32
        %add3A_47 = arith.addi %add3A_46, %mul3A_45 : i32
        %mul3A_48 = arith.constant 32 : i32
        %mul3A_49 = arith.muli %add3A_47, %mul3A_48 : i32
        %swap3A = arith.index_cast %add3A_37 : i32 to index
        %swap3A_50 = arith.index_cast %mul3A_49 : i32 to index
        %swap3A_51 = tpu.vector_load %arg10[%swap3A, %swap3A_50] {strides = array<i32>} : memref<640x64xbf16, #tpu.memory_space<vmem>>, vector<32xbf16>,
        tpu.vector_store %arg10[%swap3A, %swap3A_50], %broadcast_in_dim3A_0 {strides = array<i32>} : memref<640x64xbf16, #tpu.memory_space<vmem>>, vector<32xbf16>,
      }
      %scan3A_42 = arith.constant 2 : i32
    }
    %scan3A_4 = arith.constant 640 : i32
    %mul3A = arith.constant 640 : i32
    %mul3A_5 = arith.muli %arg1, %mul3A : i32
    "tpu.region"() ({
      %run_scoped3A = tpu.sem_alloc : memref<!tpu.dma_semaphore, #tpu.memory_space<semaphore_mem>>
      %dma_start3A = arith.constant 0 : i32
      %dma_start3A_34 = tpu.memref_slice %arg11[%mul3A_5, %dma_start3A] : memref<10240x64xbf16, #tpu.memory_space<vmem_shared>> -> memref<640x64xbf16, #tpu.memory_space<vmem_shared>>
      %dma_start3A_35 = arith.constant 0 : i32
      %dma_start3A_36 = tpu.memref_slice %arg11[%mul3A_5, %dma_start3A_35] : memref<10240x64xbf16, #tpu.memory_space<vmem_shared>> -> memref<640x64xbf16, #tpu.memory_space<vmem_shared>>
      tpu.enqueue_dma source(%arg10 : memref<640x64xbf16, #tpu.memory_space<vmem>>) target(%dma_start3A_36 : memref<640x64xbf16, #tpu.memory_space<vmem_shared>>) target_semaphore(%run_scoped3A : memref<!tpu.dma_semaphore, #tpu.memory_space<semaphore_mem>>)
      %dma_wait3A = arith.constant 0 : i32
      %dma_wait3A_37 = tpu.memref_slice %arg11[%mul3A_5, %dma_wait3A] : memref<10240x64xbf16, #tpu.memory_space<vmem_shared>> -> memref<640x64xbf16, #tpu.memory_space<vmem_shared>>
      %dma_wait3A_38 = arith.constant 0 : i32
      %dma_wait3A_39 = tpu.memref_slice %arg11[%mul3A_5, %dma_wait3A_38] : memref<10240x64xbf16, #tpu.memory_space<vmem_shared>> -> memref<640x64xbf16, #tpu.memory_space<vmem_shared>>
      tpu.wait_dma2 semaphore(%run_scoped3A : memref<!tpu.dma_semaphore, #tpu.memory_space<semaphore_mem>>) src(%arg10 : memref<640x64xbf16, #tpu.memory_space<vmem>>) dst(%dma_wait3A_39 : memref<640x64xbf16, #tpu.memory_space<vmem_shared>>)
      tpu.yield
    }) : () -> ()
    %barrier3A = arith.constant 0 : index
    tpu.barrier barrier_id(%barrier3A)
    %eq3A = arith.constant 0 : i32
    %eq3A_6 = arith.cmpi eq, %arg0, %eq3A : i32
    %convert_element_type3A = arith.extui %eq3A_6 : i1 to i32
    %cond3A = arith.constant 0 : i32
    %cond3A_7 = arith.constant 4 : i32
    %cond3A_8 = arith.constant 1 : i32
    %cond3A_9 = arith.constant 5 : i32
    %cond3A_10 = arith.constant 2 : i32
    %cond3A_11 = arith.constant 6 : i32
    %cond3A_12 = arith.constant 3 : i32
    %cond3A_13 = arith.constant 7 : i32
    %cond3A_14 = arith.constant 0 : i32
    %cond3A_15 = arith.cmpi ne, %convert_element_type3A, %cond3A_14 : i32
    scf.if %cond3A_15 {
      %scan3A_34 = arith.constant 0 : i32
      %scan3A_35 = arith.constant 21 : i32
      %scan3A_36 = arith.addi %scan3A_34, %scan3A_35 : i32
      %scan3A_37 = arith.constant 1 : i32
      scf.for %scan3A_39 = %scan3A_34 to %scan3A_36 step %scan3A_37  : i32 {
        %mul3A_40 = arith.constant 8 : i32
        %mul3A_41 = arith.muli %scan3A_39, %mul3A_40 : i32
        %add3A = arith.constant 0 : i32
        %add3A_42 = arith.addi %add3A, %mul3A_41 : i32
        %add3A_43 = arith.constant 0 : i32
        %add3A_44 = arith.addi %add3A_42, %add3A_43 : i32
        %ge3A = arith.constant 8 : i32
        %ge3A_45 = arith.cmpi sge, %add3A_44, %ge3A : i32
        %convert_element_type3A_46 = arith.extui %ge3A_45 : i1 to i32
        %cond3A_47 = arith.constant 0 : i32
        %cond3A_48 = arith.cmpi ne, %convert_element_type3A_46, %cond3A_47 : i32
        scf.if %cond3A_48 {
          %sub3A = arith.constant 8 : i32
          %sub3A_200 = arith.subi %add3A_44, %sub3A : i32
          %dma_wait3A = arith.constant 0 : i32
          %dma_wait3A_201 = arith.constant 0 : i32
          %dma_wait3A_202 = tpu.memref_slice %arg9[%cond3A, %dma_wait3A, %dma_wait3A_201] : memref<8x128x64xbf16, #tpu.memory_space<vmem>> -> memref<1x128x64xbf16, #tpu.memory_space<vmem>>
          %dma_wait3A_203 = tpu.memref_squeeze %dma_wait3A_202 : memref<1x128x64xbf16, #tpu.memory_space<vmem>> -> memref<128x64xbf16, #tpu.memory_space<vmem>>
          %dma_wait3A_204 = arith.constant 0 : i32
          %dma_wait3A_205 = arith.constant 0 : i32
          %dma_wait3A_206 = tpu.memref_slice %arg11[%dma_wait3A_204, %dma_wait3A_205] : memref<10240x64xbf16, #tpu.memory_space<vmem_shared>> -> memref<128x64xbf16, #tpu.memory_space<vmem_shared>>
          %dma_wait3A_207 = arith.constant 0 : i32
          %dma_wait3A_208 = arith.constant 0 : i32
          %dma_wait3A_209 = tpu.memref_slice %arg11[%dma_wait3A_207, %dma_wait3A_208] : memref<10240x64xbf16, #tpu.memory_space<vmem_shared>> -> memref<128x64xbf16, #tpu.memory_space<vmem_shared>>
          %dma_wait3A_210 = arith.constant 0 : i32
          %dma_wait3A_211 = arith.constant 0 : i32
          %dma_wait3A_212 = tpu.memref_slice %arg9[%cond3A, %dma_wait3A_210, %dma_wait3A_211] : memref<8x128x64xbf16, #tpu.memory_space<vmem>> -> memref<1x128x64xbf16, #tpu.memory_space<vmem>>
          %dma_wait3A_213 = tpu.memref_squeeze %dma_wait3A_212 : memref<1x128x64xbf16, #tpu.memory_space<vmem>> -> memref<128x64xbf16, #tpu.memory_space<vmem>>
          tpu.wait_dma2 semaphore(%arg20 : memref<!tpu.dma_semaphore, #tpu.memory_space<semaphore_mem>>) src(%dma_wait3A_213 : memref<128x64xbf16, #tpu.memory_space<vmem>>) dst(%dma_wait3A_209 : memref<128x64xbf16, #tpu.memory_space<vmem_shared>>)
        } else {
        }
        %lt3A = arith.constant 160 : i32
        %lt3A_49 = arith.cmpi slt, %add3A_44, %lt3A : i32
        %convert_element_type3A_50 = arith.extui %lt3A_49 : i1 to i32
        %cond3A_51 = arith.constant 0 : i32
        %cond3A_52 = arith.cmpi ne, %convert_element_type3A_50, %cond3A_51 : i32
        scf.if %cond3A_52 {
          %dma_start3A = arith.constant 0 : i32
          %dma_start3A_200 = arith.constant 0 : i32
          %dma_start3A_201 = tpu.memref_slice %arg9[%cond3A, %dma_start3A, %dma_start3A_200] : memref<8x128x64xbf16, #tpu.memory_space<vmem>> -> memref<1x128x64xbf16, #tpu.memory_space<vmem>>
          %dma_start3A_202 = tpu.memref_squeeze %dma_start3A_201 : memref<1x128x64xbf16, #tpu.memory_space<vmem>> -> memref<128x64xbf16, #tpu.memory_space<vmem>>
          %dma_start3A_203 = arith.constant 0 : i32
          %dma_start3A_204 = tpu.memref_slice %arg7[%add3A_44, %dma_start3A_203] : memref<160x128xi32, #tpu.memory_space<vmem>> -> memref<1x128xi32, #tpu.memory_space<vmem>>
          %dma_start3A_205 = tpu.memref_squeeze %dma_start3A_204 : memref<1x128xi32, #tpu.memory_space<vmem>> -> memref<128xi32, #tpu.memory_space<vmem>>
          %dma_start3A_206 = arith.constant 0 : i32
          %dma_start3A_207 = arith.constant 0 : i32
          %dma_start3A_208 = tpu.memref_slice %arg2[%dma_start3A_206, %dma_start3A_207] : memref<10240x64xbf16, #tpu.memory_space<hbm>> -> memref<10240x64xbf16, #tpu.memory_space<hbm>>
          tpu.enqueue_indirect_dma source(%dma_start3A_208 : memref<10240x64xbf16, #tpu.memory_space<hbm>>) target(%dma_start3A_202 : memref<128x64xbf16, #tpu.memory_space<vmem>>) offsets(%dma_start3A_205 : memref<128xi32, #tpu.memory_space<vmem>>) semaphore(%arg12 : memref<!tpu.dma_semaphore, #tpu.memory_space<semaphore_mem>>)
        } else {
        }
        %ge3A_53 = arith.constant 4 : i32
        %ge3A_54 = arith.cmpi sge, %add3A_44, %ge3A_53 : i32
        %lt3A_55 = arith.constant 164 : i32
        %lt3A_56 = arith.cmpi slt, %add3A_44, %lt3A_55 : i32
        %and3A = arith.andi %ge3A_54, %lt3A_56 : i1
        %convert_element_type3A_57 = arith.extui %and3A : i1 to i32
        %cond3A_58 = arith.constant 0 : i32
        %cond3A_59 = arith.cmpi ne, %convert_element_type3A_57, %cond3A_58 : i32
        scf.if %cond3A_59 {
          %sub3A = arith.constant 4 : i32
          %sub3A_200 = arith.subi %add3A_44, %sub3A : i32
          %dma_wait3A = arith.constant 0 : i32
          %dma_wait3A_201 = arith.constant 0 : i32
          %dma_wait3A_202 = tpu.memref_slice %arg9[%cond3A_7, %dma_wait3A, %dma_wait3A_201] : memref<8x128x64xbf16, #tpu.memory_space<vmem>> -> memref<1x128x64xbf16, #tpu.memory_space<vmem>>
          %dma_wait3A_203 = tpu.memref_squeeze %dma_wait3A_202 : memref<1x128x64xbf16, #tpu.memory_space<vmem>> -> memref<128x64xbf16, #tpu.memory_space<vmem>>
          %dma_wait3A_204 = arith.constant 0 : i32
          %dma_wait3A_205 = arith.constant 0 : i32
          %dma_wait3A_206 = tpu.memref_slice %arg2[%dma_wait3A_204, %dma_wait3A_205] : memref<10240x64xbf16, #tpu.memory_space<hbm>> -> memref<128x64xbf16, #tpu.memory_space<hbm>>
          %dma_wait3A_207 = arith.constant 0 : i32
          %dma_wait3A_208 = arith.constant 0 : i32
          %dma_wait3A_209 = tpu.memref_slice %arg9[%cond3A_7, %dma_wait3A_207, %dma_wait3A_208] : memref<8x128x64xbf16, #tpu.memory_space<vmem>> -> memref<1x128x64xbf16, #tpu.memory_space<vmem>>
          %dma_wait3A_210 = tpu.memref_squeeze %dma_wait3A_209 : memref<1x128x64xbf16, #tpu.memory_space<vmem>> -> memref<128x64xbf16, #tpu.memory_space<vmem>>
          %dma_wait3A_211 = arith.constant 0 : i32
          %dma_wait3A_212 = arith.constant 0 : i32
          %dma_wait3A_213 = tpu.memref_slice %arg2[%dma_wait3A_211, %dma_wait3A_212] : memref<10240x64xbf16, #tpu.memory_space<hbm>> -> memref<128x64xbf16, #tpu.memory_space<hbm>>
          tpu.wait_dma2 semaphore(%arg16 : memref<!tpu.dma_semaphore, #tpu.memory_space<semaphore_mem>>) src(%dma_wait3A_213 : memref<128x64xbf16, #tpu.memory_space<hbm>>) dst(%dma_wait3A_210 : memref<128x64xbf16, #tpu.memory_space<vmem>>)
          %sub3A_214 = arith.constant 4 : i32
          %sub3A_215 = arith.subi %add3A_44, %sub3A_214 : i32
          %dma_start3A = arith.constant 0 : i32
          %dma_start3A_216 = arith.constant 0 : i32
          %dma_start3A_217 = tpu.memref_slice %arg9[%cond3A_7, %dma_start3A, %dma_start3A_216] : memref<8x128x64xbf16, #tpu.memory_space<vmem>> -> memref<1x128x64xbf16, #tpu.memory_space<vmem>>
          %dma_start3A_218 = tpu.memref_squeeze %dma_start3A_217 : memref<1x128x64xbf16, #tpu.memory_space<vmem>> -> memref<128x64xbf16, #tpu.memory_space<vmem>>
          %dma_start3A_219 = arith.constant 0 : i32
          %dma_start3A_220 = tpu.memref_slice %arg8[%sub3A_215, %dma_start3A_219] : memref<160x128xi32, #tpu.memory_space<vmem>> -> memref<1x128xi32, #tpu.memory_space<vmem>>
          %dma_start3A_221 = tpu.memref_squeeze %dma_start3A_220 : memref<1x128xi32, #tpu.memory_space<vmem>> -> memref<128xi32, #tpu.memory_space<vmem>>
          %dma_start3A_222 = arith.constant 0 : i32
          %dma_start3A_223 = arith.constant 0 : i32
          %dma_start3A_224 = tpu.memref_slice %arg11[%dma_start3A_222, %dma_start3A_223] : memref<10240x64xbf16, #tpu.memory_space<vmem_shared>> -> memref<10240x64xbf16, #tpu.memory_space<vmem_shared>>
          tpu.enqueue_indirect_dma source(%dma_start3A_218 : memref<128x64xbf16, #tpu.memory_space<vmem>>) target(%dma_start3A_224 : memref<10240x64xbf16, #tpu.memory_space<vmem_shared>>) offsets(%dma_start3A_221 : memref<128xi32, #tpu.memory_space<vmem>>) semaphore(%arg24 : memref<!tpu.dma_semaphore, #tpu.memory_space<semaphore_mem>>) {add = true}
        } else {
        }
        %add3A_60 = arith.constant 1 : i32
        %add3A_61 = arith.addi %add3A_42, %add3A_60 : i32
        %ge3A_62 = arith.constant 8 : i32
        %ge3A_63 = arith.cmpi sge, %add3A_61, %ge3A_62 : i32
        %convert_element_type3A_64 = arith.extui %ge3A_63 : i1 to i32
        %cond3A_65 = arith.constant 0 : i32
        %cond3A_66 = arith.cmpi ne, %convert_element_type3A_64, %cond3A_65 : i32
        scf.if %cond3A_66 {
          %sub3A = arith.constant 8 : i32
          %sub3A_200 = arith.subi %add3A_61, %sub3A : i32
          %dma_wait3A = arith.constant 0 : i32
          %dma_wait3A_201 = arith.constant 0 : i32
          %dma_wait3A_202 = tpu.memref_slice %arg9[%cond3A_8, %dma_wait3A, %dma_wait3A_201] : memref<8x128x64xbf16, #tpu.memory_space<vmem>> -> memref<1x128x64xbf16, #tpu.memory_space<vmem>>
          %dma_wait3A_203 = tpu.memref_squeeze %dma_wait3A_202 : memref<1x128x64xbf16, #tpu.memory_space<vmem>> -> memref<128x64xbf16, #tpu.memory_space<vmem>>
          %dma_wait3A_204 = arith.constant 0 : i32
          %dma_wait3A_205 = arith.constant 0 : i32
          %dma_wait3A_206 = tpu.memref_slice %arg11[%dma_wait3A_204, %dma_wait3A_205] : memref<10240x64xbf16, #tpu.memory_space<vmem_shared>> -> memref<128x64xbf16, #tpu.memory_space<vmem_shared>>
          %dma_wait3A_207 = arith.constant 0 : i32
          %dma_wait3A_208 = arith.constant 0 : i32
          %dma_wait3A_209 = tpu.memref_slice %arg11[%dma_wait3A_207, %dma_wait3A_208] : memref<10240x64xbf16, #tpu.memory_space<vmem_shared>> -> memref<128x64xbf16, #tpu.memory_space<vmem_shared>>
          %dma_wait3A_210 = arith.constant 0 : i32
          %dma_wait3A_211 = arith.constant 0 : i32
          %dma_wait3A_212 = tpu.memref_slice %arg9[%cond3A_8, %dma_wait3A_210, %dma_wait3A_211] : memref<8x128x64xbf16, #tpu.memory_space<vmem>> -> memref<1x128x64xbf16, #tpu.memory_space<vmem>>
          %dma_wait3A_213 = tpu.memref_squeeze %dma_wait3A_212 : memref<1x128x64xbf16, #tpu.memory_space<vmem>> -> memref<128x64xbf16, #tpu.memory_space<vmem>>
          tpu.wait_dma2 semaphore(%arg21 : memref<!tpu.dma_semaphore, #tpu.memory_space<semaphore_mem>>) src(%dma_wait3A_213 : memref<128x64xbf16, #tpu.memory_space<vmem>>) dst(%dma_wait3A_209 : memref<128x64xbf16, #tpu.memory_space<vmem_shared>>)
        } else {
        }
        %lt3A_67 = arith.constant 160 : i32
        %lt3A_68 = arith.cmpi slt, %add3A_61, %lt3A_67 : i32
        %convert_element_type3A_69 = arith.extui %lt3A_68 : i1 to i32
        %cond3A_70 = arith.constant 0 : i32
        %cond3A_71 = arith.cmpi ne, %convert_element_type3A_69, %cond3A_70 : i32
        scf.if %cond3A_71 {
          %dma_start3A = arith.constant 0 : i32
          %dma_start3A_200 = arith.constant 0 : i32
          %dma_start3A_201 = tpu.memref_slice %arg9[%cond3A_8, %dma_start3A, %dma_start3A_200] : memref<8x128x64xbf16, #tpu.memory_space<vmem>> -> memref<1x128x64xbf16, #tpu.memory_space<vmem>>
          %dma_start3A_202 = tpu.memref_squeeze %dma_start3A_201 : memref<1x128x64xbf16, #tpu.memory_space<vmem>> -> memref<128x64xbf16, #tpu.memory_space<vmem>>
          %dma_start3A_203 = arith.constant 0 : i32
          %dma_start3A_204 = tpu.memref_slice %arg7[%add3A_61, %dma_start3A_203] : memref<160x128xi32, #tpu.memory_space<vmem>> -> memref<1x128xi32, #tpu.memory_space<vmem>>
          %dma_start3A_205 = tpu.memref_squeeze %dma_start3A_204 : memref<1x128xi32, #tpu.memory_space<vmem>> -> memref<128xi32, #tpu.memory_space<vmem>>
          %dma_start3A_206 = arith.constant 0 : i32
          %dma_start3A_207 = arith.constant 0 : i32
          %dma_start3A_208 = tpu.memref_slice %arg2[%dma_start3A_206, %dma_start3A_207] : memref<10240x64xbf16, #tpu.memory_space<hbm>> -> memref<10240x64xbf16, #tpu.memory_space<hbm>>
          tpu.enqueue_indirect_dma source(%dma_start3A_208 : memref<10240x64xbf16, #tpu.memory_space<hbm>>) target(%dma_start3A_202 : memref<128x64xbf16, #tpu.memory_space<vmem>>) offsets(%dma_start3A_205 : memref<128xi32, #tpu.memory_space<vmem>>) semaphore(%arg13 : memref<!tpu.dma_semaphore, #tpu.memory_space<semaphore_mem>>)
        } else {
        }
        %ge3A_72 = arith.constant 4 : i32
        %ge3A_73 = arith.cmpi sge, %add3A_61, %ge3A_72 : i32
        %lt3A_74 = arith.constant 164 : i32
        %lt3A_75 = arith.cmpi slt, %add3A_61, %lt3A_74 : i32
        %and3A_76 = arith.andi %ge3A_73, %lt3A_75 : i1
        %convert_element_type3A_77 = arith.extui %and3A_76 : i1 to i32
        %cond3A_78 = arith.constant 0 : i32
        %cond3A_79 = arith.cmpi ne, %convert_element_type3A_77, %cond3A_78 : i32
        scf.if %cond3A_79 {
          %sub3A = arith.constant 4 : i32
          %sub3A_200 = arith.subi %add3A_61, %sub3A : i32
          %dma_wait3A = arith.constant 0 : i32
          %dma_wait3A_201 = arith.constant 0 : i32
          %dma_wait3A_202 = tpu.memref_slice %arg9[%cond3A_9, %dma_wait3A, %dma_wait3A_201] : memref<8x128x64xbf16, #tpu.memory_space<vmem>> -> memref<1x128x64xbf16, #tpu.memory_space<vmem>>
          %dma_wait3A_203 = tpu.memref_squeeze %dma_wait3A_202 : memref<1x128x64xbf16, #tpu.memory_space<vmem>> -> memref<128x64xbf16, #tpu.memory_space<vmem>>
          %dma_wait3A_204 = arith.constant 0 : i32
          %dma_wait3A_205 = arith.constant 0 : i32
          %dma_wait3A_206 = tpu.memref_slice %arg2[%dma_wait3A_204, %dma_wait3A_205] : memref<10240x64xbf16, #tpu.memory_space<hbm>> -> memref<128x64xbf16, #tpu.memory_space<hbm>>
          %dma_wait3A_207 = arith.constant 0 : i32
          %dma_wait3A_208 = arith.constant 0 : i32
          %dma_wait3A_209 = tpu.memref_slice %arg9[%cond3A_9, %dma_wait3A_207, %dma_wait3A_208] : memref<8x128x64xbf16, #tpu.memory_space<vmem>> -> memref<1x128x64xbf16, #tpu.memory_space<vmem>>
          %dma_wait3A_210 = tpu.memref_squeeze %dma_wait3A_209 : memref<1x128x64xbf16, #tpu.memory_space<vmem>> -> memref<128x64xbf16, #tpu.memory_space<vmem>>
          %dma_wait3A_211 = arith.constant 0 : i32
          %dma_wait3A_212 = arith.constant 0 : i32
          %dma_wait3A_213 = tpu.memref_slice %arg2[%dma_wait3A_211, %dma_wait3A_212] : memref<10240x64xbf16, #tpu.memory_space<hbm>> -> memref<128x64xbf16, #tpu.memory_space<hbm>>
          tpu.wait_dma2 semaphore(%arg17 : memref<!tpu.dma_semaphore, #tpu.memory_space<semaphore_mem>>) src(%dma_wait3A_213 : memref<128x64xbf16, #tpu.memory_space<hbm>>) dst(%dma_wait3A_210 : memref<128x64xbf16, #tpu.memory_space<vmem>>)
          %sub3A_214 = arith.constant 4 : i32
          %sub3A_215 = arith.subi %add3A_61, %sub3A_214 : i32
          %dma_start3A = arith.constant 0 : i32
          %dma_start3A_216 = arith.constant 0 : i32
          %dma_start3A_217 = tpu.memref_slice %arg9[%cond3A_9, %dma_start3A, %dma_start3A_216] : memref<8x128x64xbf16, #tpu.memory_space<vmem>> -> memref<1x128x64xbf16, #tpu.memory_space<vmem>>
          %dma_start3A_218 = tpu.memref_squeeze %dma_start3A_217 : memref<1x128x64xbf16, #tpu.memory_space<vmem>> -> memref<128x64xbf16, #tpu.memory_space<vmem>>
          %dma_start3A_219 = arith.constant 0 : i32
          %dma_start3A_220 = tpu.memref_slice %arg8[%sub3A_215, %dma_start3A_219] : memref<160x128xi32, #tpu.memory_space<vmem>> -> memref<1x128xi32, #tpu.memory_space<vmem>>
          %dma_start3A_221 = tpu.memref_squeeze %dma_start3A_220 : memref<1x128xi32, #tpu.memory_space<vmem>> -> memref<128xi32, #tpu.memory_space<vmem>>
          %dma_start3A_222 = arith.constant 0 : i32
          %dma_start3A_223 = arith.constant 0 : i32
          %dma_start3A_224 = tpu.memref_slice %arg11[%dma_start3A_222, %dma_start3A_223] : memref<10240x64xbf16, #tpu.memory_space<vmem_shared>> -> memref<10240x64xbf16, #tpu.memory_space<vmem_shared>>
          tpu.enqueue_indirect_dma source(%dma_start3A_218 : memref<128x64xbf16, #tpu.memory_space<vmem>>) target(%dma_start3A_224 : memref<10240x64xbf16, #tpu.memory_space<vmem_shared>>) offsets(%dma_start3A_221 : memref<128xi32, #tpu.memory_space<vmem>>) semaphore(%arg25 : memref<!tpu.dma_semaphore, #tpu.memory_space<semaphore_mem>>) {add = true}
        } else {
        }
        %add3A_80 = arith.constant 2 : i32
        %add3A_81 = arith.addi %add3A_42, %add3A_80 : i32
        %ge3A_82 = arith.constant 8 : i32
        %ge3A_83 = arith.cmpi sge, %add3A_81, %ge3A_82 : i32
        %convert_element_type3A_84 = arith.extui %ge3A_83 : i1 to i32
        %cond3A_85 = arith.constant 0 : i32
        %cond3A_86 = arith.cmpi ne, %convert_element_type3A_84, %cond3A_85 : i32
        scf.if %cond3A_86 {
          %sub3A = arith.constant 8 : i32
          %sub3A_200 = arith.subi %add3A_81, %sub3A : i32
          %dma_wait3A = arith.constant 0 : i32
          %dma_wait3A_201 = arith.constant 0 : i32
          %dma_wait3A_202 = tpu.memref_slice %arg9[%cond3A_10, %dma_wait3A, %dma_wait3A_201] : memref<8x128x64xbf16, #tpu.memory_space<vmem>> -> memref<1x128x64xbf16, #tpu.memory_space<vmem>>
          %dma_wait3A_203 = tpu.memref_squeeze %dma_wait3A_202 : memref<1x128x64xbf16, #tpu.memory_space<vmem>> -> memref<128x64xbf16, #tpu.memory_space<vmem>>
          %dma_wait3A_204 = arith.constant 0 : i32
          %dma_wait3A_205 = arith.constant 0 : i32
          %dma_wait3A_206 = tpu.memref_slice %arg11[%dma_wait3A_204, %dma_wait3A_205] : memref<10240x64xbf16, #tpu.memory_space<vmem_shared>> -> memref<128x64xbf16, #tpu.memory_space<vmem_shared>>
          %dma_wait3A_207 = arith.constant 0 : i32
          %dma_wait3A_208 = arith.constant 0 : i32
          %dma_wait3A_209 = tpu.memref_slice %arg11[%dma_wait3A_207, %dma_wait3A_208] : memref<10240x64xbf16, #tpu.memory_space<vmem_shared>> -> memref<128x64xbf16, #tpu.memory_space<vmem_shared>>
          %dma_wait3A_210 = arith.constant 0 : i32
          %dma_wait3A_211 = arith.constant 0 : i32
          %dma_wait3A_212 = tpu.memref_slice %arg9[%cond3A_10, %dma_wait3A_210, %dma_wait3A_211] : memref<8x128x64xbf16, #tpu.memory_space<vmem>> -> memref<1x128x64xbf16, #tpu.memory_space<vmem>>
          %dma_wait3A_213 = tpu.memref_squeeze %dma_wait3A_212 : memref<1x128x64xbf16, #tpu.memory_space<vmem>> -> memref<128x64xbf16, #tpu.memory_space<vmem>>
          tpu.wait_dma2 semaphore(%arg22 : memref<!tpu.dma_semaphore, #tpu.memory_space<semaphore_mem>>) src(%dma_wait3A_213 : memref<128x64xbf16, #tpu.memory_space<vmem>>) dst(%dma_wait3A_209 : memref<128x64xbf16, #tpu.memory_space<vmem_shared>>)
        } else {
        }
        %lt3A_87 = arith.constant 160 : i32
        %lt3A_88 = arith.cmpi slt, %add3A_81, %lt3A_87 : i32
        %convert_element_type3A_89 = arith.extui %lt3A_88 : i1 to i32
        %cond3A_90 = arith.constant 0 : i32
        %cond3A_91 = arith.cmpi ne, %convert_element_type3A_89, %cond3A_90 : i32
        scf.if %cond3A_91 {
          %dma_start3A = arith.constant 0 : i32
          %dma_start3A_200 = arith.constant 0 : i32
          %dma_start3A_201 = tpu.memref_slice %arg9[%cond3A_10, %dma_start3A, %dma_start3A_200] : memref<8x128x64xbf16, #tpu.memory_space<vmem>> -> memref<1x128x64xbf16, #tpu.memory_space<vmem>>
          %dma_start3A_202 = tpu.memref_squeeze %dma_start3A_201 : memref<1x128x64xbf16, #tpu.memory_space<vmem>> -> memref<128x64xbf16, #tpu.memory_space<vmem>>
          %dma_start3A_203 = arith.constant 0 : i32
          %dma_start3A_204 = tpu.memref_slice %arg7[%add3A_81, %dma_start3A_203] : memref<160x128xi32, #tpu.memory_space<vmem>> -> memref<1x128xi32, #tpu.memory_space<vmem>>
          %dma_start3A_205 = tpu.memref_squeeze %dma_start3A_204 : memref<1x128xi32, #tpu.memory_space<vmem>> -> memref<128xi32, #tpu.memory_space<vmem>>
          %dma_start3A_206 = arith.constant 0 : i32
          %dma_start3A_207 = arith.constant 0 : i32
          %dma_start3A_208 = tpu.memref_slice %arg2[%dma_start3A_206, %dma_start3A_207] : memref<10240x64xbf16, #tpu.memory_space<hbm>> -> memref<10240x64xbf16, #tpu.memory_space<hbm>>
          tpu.enqueue_indirect_dma source(%dma_start3A_208 : memref<10240x64xbf16, #tpu.memory_space<hbm>>) target(%dma_start3A_202 : memref<128x64xbf16, #tpu.memory_space<vmem>>) offsets(%dma_start3A_205 : memref<128xi32, #tpu.memory_space<vmem>>) semaphore(%arg14 : memref<!tpu.dma_semaphore, #tpu.memory_space<semaphore_mem>>)
        } else {
        }
        %ge3A_92 = arith.constant 4 : i32
        %ge3A_93 = arith.cmpi sge, %add3A_81, %ge3A_92 : i32
        %lt3A_94 = arith.constant 164 : i32
        %lt3A_95 = arith.cmpi slt, %add3A_81, %lt3A_94 : i32
        %and3A_96 = arith.andi %ge3A_93, %lt3A_95 : i1
        %convert_element_type3A_97 = arith.extui %and3A_96 : i1 to i32
        %cond3A_98 = arith.constant 0 : i32
        %cond3A_99 = arith.cmpi ne, %convert_element_type3A_97, %cond3A_98 : i32
        scf.if %cond3A_99 {
          %sub3A = arith.constant 4 : i32
          %sub3A_200 = arith.subi %add3A_81, %sub3A : i32
          %dma_wait3A = arith.constant 0 : i32
          %dma_wait3A_201 = arith.constant 0 : i32
          %dma_wait3A_202 = tpu.memref_slice %arg9[%cond3A_11, %dma_wait3A, %dma_wait3A_201] : memref<8x128x64xbf16, #tpu.memory_space<vmem>> -> memref<1x128x64xbf16, #tpu.memory_space<vmem>>
          %dma_wait3A_203 = tpu.memref_squeeze %dma_wait3A_202 : memref<1x128x64xbf16, #tpu.memory_space<vmem>> -> memref<128x64xbf16, #tpu.memory_space<vmem>>
          %dma_wait3A_204 = arith.constant 0 : i32
          %dma_wait3A_205 = arith.constant 0 : i32
          %dma_wait3A_206 = tpu.memref_slice %arg2[%dma_wait3A_204, %dma_wait3A_205] : memref<10240x64xbf16, #tpu.memory_space<hbm>> -> memref<128x64xbf16, #tpu.memory_space<hbm>>
          %dma_wait3A_207 = arith.constant 0 : i32
          %dma_wait3A_208 = arith.constant 0 : i32
          %dma_wait3A_209 = tpu.memref_slice %arg9[%cond3A_11, %dma_wait3A_207, %dma_wait3A_208] : memref<8x128x64xbf16, #tpu.memory_space<vmem>> -> memref<1x128x64xbf16, #tpu.memory_space<vmem>>
          %dma_wait3A_210 = tpu.memref_squeeze %dma_wait3A_209 : memref<1x128x64xbf16, #tpu.memory_space<vmem>> -> memref<128x64xbf16, #tpu.memory_space<vmem>>
          %dma_wait3A_211 = arith.constant 0 : i32
          %dma_wait3A_212 = arith.constant 0 : i32
          %dma_wait3A_213 = tpu.memref_slice %arg2[%dma_wait3A_211, %dma_wait3A_212] : memref<10240x64xbf16, #tpu.memory_space<hbm>> -> memref<128x64xbf16, #tpu.memory_space<hbm>>
          tpu.wait_dma2 semaphore(%arg18 : memref<!tpu.dma_semaphore, #tpu.memory_space<semaphore_mem>>) src(%dma_wait3A_213 : memref<128x64xbf16, #tpu.memory_space<hbm>>) dst(%dma_wait3A_210 : memref<128x64xbf16, #tpu.memory_space<vmem>>)
          %sub3A_214 = arith.constant 4 : i32
          %sub3A_215 = arith.subi %add3A_81, %sub3A_214 : i32
          %dma_start3A = arith.constant 0 : i32
          %dma_start3A_216 = arith.constant 0 : i32
          %dma_start3A_217 = tpu.memref_slice %arg9[%cond3A_11, %dma_start3A, %dma_start3A_216] : memref<8x128x64xbf16, #tpu.memory_space<vmem>> -> memref<1x128x64xbf16, #tpu.memory_space<vmem>>
          %dma_start3A_218 = tpu.memref_squeeze %dma_start3A_217 : memref<1x128x64xbf16, #tpu.memory_space<vmem>> -> memref<128x64xbf16, #tpu.memory_space<vmem>>
          %dma_start3A_219 = arith.constant 0 : i32
          %dma_start3A_220 = tpu.memref_slice %arg8[%sub3A_215, %dma_start3A_219] : memref<160x128xi32, #tpu.memory_space<vmem>> -> memref<1x128xi32, #tpu.memory_space<vmem>>
          %dma_start3A_221 = tpu.memref_squeeze %dma_start3A_220 : memref<1x128xi32, #tpu.memory_space<vmem>> -> memref<128xi32, #tpu.memory_space<vmem>>
          %dma_start3A_222 = arith.constant 0 : i32
          %dma_start3A_223 = arith.constant 0 : i32
          %dma_start3A_224 = tpu.memref_slice %arg11[%dma_start3A_222, %dma_start3A_223] : memref<10240x64xbf16, #tpu.memory_space<vmem_shared>> -> memref<10240x64xbf16, #tpu.memory_space<vmem_shared>>
          tpu.enqueue_indirect_dma source(%dma_start3A_218 : memref<128x64xbf16, #tpu.memory_space<vmem>>) target(%dma_start3A_224 : memref<10240x64xbf16, #tpu.memory_space<vmem_shared>>) offsets(%dma_start3A_221 : memref<128xi32, #tpu.memory_space<vmem>>) semaphore(%arg26 : memref<!tpu.dma_semaphore, #tpu.memory_space<semaphore_mem>>) {add = true}
        } else {
        }
        %add3A_100 = arith.constant 3 : i32
        %add3A_101 = arith.addi %add3A_42, %add3A_100 : i32
        %ge3A_102 = arith.constant 8 : i32
        %ge3A_103 = arith.cmpi sge, %add3A_101, %ge3A_102 : i32
        %convert_element_type3A_104 = arith.extui %ge3A_103 : i1 to i32
        %cond3A_105 = arith.constant 0 : i32
        %cond3A_106 = arith.cmpi ne, %convert_element_type3A_104, %cond3A_105 : i32
        scf.if %cond3A_106 {
          %sub3A = arith.constant 8 : i32
          %sub3A_200 = arith.subi %add3A_101, %sub3A : i32
          %dma_wait3A = arith.constant 0 : i32
          %dma_wait3A_201 = arith.constant 0 : i32
          %dma_wait3A_202 = tpu.memref_slice %arg9[%cond3A_12, %dma_wait3A, %dma_wait3A_201] : memref<8x128x64xbf16, #tpu.memory_space<vmem>> -> memref<1x128x64xbf16, #tpu.memory_space<vmem>>
          %dma_wait3A_203 = tpu.memref_squeeze %dma_wait3A_202 : memref<1x128x64xbf16, #tpu.memory_space<vmem>> -> memref<128x64xbf16, #tpu.memory_space<vmem>>
          %dma_wait3A_204 = arith.constant 0 : i32
          %dma_wait3A_205 = arith.constant 0 : i32
          %dma_wait3A_206 = tpu.memref_slice %arg11[%dma_wait3A_204, %dma_wait3A_205] : memref<10240x64xbf16, #tpu.memory_space<vmem_shared>> -> memref<128x64xbf16, #tpu.memory_space<vmem_shared>>
          %dma_wait3A_207 = arith.constant 0 : i32
          %dma_wait3A_208 = arith.constant 0 : i32
          %dma_wait3A_209 = tpu.memref_slice %arg11[%dma_wait3A_207, %dma_wait3A_208] : memref<10240x64xbf16, #tpu.memory_space<vmem_shared>> -> memref<128x64xbf16, #tpu.memory_space<vmem_shared>>
          %dma_wait3A_210 = arith.constant 0 : i32
          %dma_wait3A_211 = arith.constant 0 : i32
          %dma_wait3A_212 = tpu.memref_slice %arg9[%cond3A_12, %dma_wait3A_210, %dma_wait3A_211] : memref<8x128x64xbf16, #tpu.memory_space<vmem>> -> memref<1x128x64xbf16, #tpu.memory_space<vmem>>
          %dma_wait3A_213 = tpu.memref_squeeze %dma_wait3A_212 : memref<1x128x64xbf16, #tpu.memory_space<vmem>> -> memref<128x64xbf16, #tpu.memory_space<vmem>>
          tpu.wait_dma2 semaphore(%arg23 : memref<!tpu.dma_semaphore, #tpu.memory_space<semaphore_mem>>) src(%dma_wait3A_213 : memref<128x64xbf16, #tpu.memory_space<vmem>>) dst(%dma_wait3A_209 : memref<128x64xbf16, #tpu.memory_space<vmem_shared>>)
        } else {
        }
        %lt3A_107 = arith.constant 160 : i32
        %lt3A_108 = arith.cmpi slt, %add3A_101, %lt3A_107 : i32
        %convert_element_type3A_109 = arith.extui %lt3A_108 : i1 to i32
        %cond3A_110 = arith.constant 0 : i32
        %cond3A_111 = arith.cmpi ne, %convert_element_type3A_109, %cond3A_110 : i32
        scf.if %cond3A_111 {
          %dma_start3A = arith.constant 0 : i32
          %dma_start3A_200 = arith.constant 0 : i32
          %dma_start3A_201 = tpu.memref_slice %arg9[%cond3A_12, %dma_start3A, %dma_start3A_200] : memref<8x128x64xbf16, #tpu.memory_space<vmem>> -> memref<1x128x64xbf16, #tpu.memory_space<vmem>>
          %dma_start3A_202 = tpu.memref_squeeze %dma_start3A_201 : memref<1x128x64xbf16, #tpu.memory_space<vmem>> -> memref<128x64xbf16, #tpu.memory_space<vmem>>
          %dma_start3A_203 = arith.constant 0 : i32
          %dma_start3A_204 = tpu.memref_slice %arg7[%add3A_101, %dma_start3A_203] : memref<160x128xi32, #tpu.memory_space<vmem>> -> memref<1x128xi32, #tpu.memory_space<vmem>>
          %dma_start3A_205 = tpu.memref_squeeze %dma_start3A_204 : memref<1x128xi32, #tpu.memory_space<vmem>> -> memref<128xi32, #tpu.memory_space<vmem>>
          %dma_start3A_206 = arith.constant 0 : i32
          %dma_start3A_207 = arith.constant 0 : i32
          %dma_start3A_208 = tpu.memref_slice %arg2[%dma_start3A_206, %dma_start3A_207] : memref<10240x64xbf16, #tpu.memory_space<hbm>> -> memref<10240x64xbf16, #tpu.memory_space<hbm>>
          tpu.enqueue_indirect_dma source(%dma_start3A_208 : memref<10240x64xbf16, #tpu.memory_space<hbm>>) target(%dma_start3A_202 : memref<128x64xbf16, #tpu.memory_space<vmem>>) offsets(%dma_start3A_205 : memref<128xi32, #tpu.memory_space<vmem>>) semaphore(%arg15 : memref<!tpu.dma_semaphore, #tpu.memory_space<semaphore_mem>>)
        } else {
        }
        %ge3A_112 = arith.constant 4 : i32
        %ge3A_113 = arith.cmpi sge, %add3A_101, %ge3A_112 : i32
        %lt3A_114 = arith.constant 164 : i32
        %lt3A_115 = arith.cmpi slt, %add3A_101, %lt3A_114 : i32
        %and3A_116 = arith.andi %ge3A_113, %lt3A_115 : i1
        %convert_element_type3A_117 = arith.extui %and3A_116 : i1 to i32
        %cond3A_118 = arith.constant 0 : i32
        %cond3A_119 = arith.cmpi ne, %convert_element_type3A_117, %cond3A_118 : i32
        scf.if %cond3A_119 {
          %sub3A = arith.constant 4 : i32
          %sub3A_200 = arith.subi %add3A_101, %sub3A : i32
          %dma_wait3A = arith.constant 0 : i32
          %dma_wait3A_201 = arith.constant 0 : i32
          %dma_wait3A_202 = tpu.memref_slice %arg9[%cond3A_13, %dma_wait3A, %dma_wait3A_201] : memref<8x128x64xbf16, #tpu.memory_space<vmem>> -> memref<1x128x64xbf16, #tpu.memory_space<vmem>>
          %dma_wait3A_203 = tpu.memref_squeeze %dma_wait3A_202 : memref<1x128x64xbf16, #tpu.memory_space<vmem>> -> memref<128x64xbf16, #tpu.memory_space<vmem>>
          %dma_wait3A_204 = arith.constant 0 : i32
          %dma_wait3A_205 = arith.constant 0 : i32
          %dma_wait3A_206 = tpu.memref_slice %arg2[%dma_wait3A_204, %dma_wait3A_205] : memref<10240x64xbf16, #tpu.memory_space<hbm>> -> memref<128x64xbf16, #tpu.memory_space<hbm>>
          %dma_wait3A_207 = arith.constant 0 : i32
          %dma_wait3A_208 = arith.constant 0 : i32
          %dma_wait3A_209 = tpu.memref_slice %arg9[%cond3A_13, %dma_wait3A_207, %dma_wait3A_208] : memref<8x128x64xbf16, #tpu.memory_space<vmem>> -> memref<1x128x64xbf16, #tpu.memory_space<vmem>>
          %dma_wait3A_210 = tpu.memref_squeeze %dma_wait3A_209 : memref<1x128x64xbf16, #tpu.memory_space<vmem>> -> memref<128x64xbf16, #tpu.memory_space<vmem>>
          %dma_wait3A_211 = arith.constant 0 : i32
          %dma_wait3A_212 = arith.constant 0 : i32
          %dma_wait3A_213 = tpu.memref_slice %arg2[%dma_wait3A_211, %dma_wait3A_212] : memref<10240x64xbf16, #tpu.memory_space<hbm>> -> memref<128x64xbf16, #tpu.memory_space<hbm>>
          tpu.wait_dma2 semaphore(%arg19 : memref<!tpu.dma_semaphore, #tpu.memory_space<semaphore_mem>>) src(%dma_wait3A_213 : memref<128x64xbf16, #tpu.memory_space<hbm>>) dst(%dma_wait3A_210 : memref<128x64xbf16, #tpu.memory_space<vmem>>)
          %sub3A_214 = arith.constant 4 : i32
          %sub3A_215 = arith.subi %add3A_101, %sub3A_214 : i32
          %dma_start3A = arith.constant 0 : i32
          %dma_start3A_216 = arith.constant 0 : i32
          %dma_start3A_217 = tpu.memref_slice %arg9[%cond3A_13, %dma_start3A, %dma_start3A_216] : memref<8x128x64xbf16, #tpu.memory_space<vmem>> -> memref<1x128x64xbf16, #tpu.memory_space<vmem>>
          %dma_start3A_218 = tpu.memref_squeeze %dma_start3A_217 : memref<1x128x64xbf16, #tpu.memory_space<vmem>> -> memref<128x64xbf16, #tpu.memory_space<vmem>>
          %dma_start3A_219 = arith.constant 0 : i32
          %dma_start3A_220 = tpu.memref_slice %arg8[%sub3A_215, %dma_start3A_219] : memref<160x128xi32, #tpu.memory_space<vmem>> -> memref<1x128xi32, #tpu.memory_space<vmem>>
          %dma_start3A_221 = tpu.memref_squeeze %dma_start3A_220 : memref<1x128xi32, #tpu.memory_space<vmem>> -> memref<128xi32, #tpu.memory_space<vmem>>
          %dma_start3A_222 = arith.constant 0 : i32
          %dma_start3A_223 = arith.constant 0 : i32
          %dma_start3A_224 = tpu.memref_slice %arg11[%dma_start3A_222, %dma_start3A_223] : memref<10240x64xbf16, #tpu.memory_space<vmem_shared>> -> memref<10240x64xbf16, #tpu.memory_space<vmem_shared>>
          tpu.enqueue_indirect_dma source(%dma_start3A_218 : memref<128x64xbf16, #tpu.memory_space<vmem>>) target(%dma_start3A_224 : memref<10240x64xbf16, #tpu.memory_space<vmem_shared>>) offsets(%dma_start3A_221 : memref<128xi32, #tpu.memory_space<vmem>>) semaphore(%arg27 : memref<!tpu.dma_semaphore, #tpu.memory_space<semaphore_mem>>) {add = true}
        } else {
        }
        %add3A_120 = arith.constant 4 : i32
        %add3A_121 = arith.addi %add3A_42, %add3A_120 : i32
        %ge3A_122 = arith.constant 8 : i32
        %ge3A_123 = arith.cmpi sge, %add3A_121, %ge3A_122 : i32
        %convert_element_type3A_124 = arith.extui %ge3A_123 : i1 to i32
        %cond3A_125 = arith.constant 0 : i32
        %cond3A_126 = arith.cmpi ne, %convert_element_type3A_124, %cond3A_125 : i32
        scf.if %cond3A_126 {
          %sub3A = arith.constant 8 : i32
          %sub3A_200 = arith.subi %add3A_121, %sub3A : i32
          %dma_wait3A = arith.constant 0 : i32
          %dma_wait3A_201 = arith.constant 0 : i32
          %dma_wait3A_202 = tpu.memref_slice %arg9[%cond3A_7, %dma_wait3A, %dma_wait3A_201] : memref<8x128x64xbf16, #tpu.memory_space<vmem>> -> memref<1x128x64xbf16, #tpu.memory_space<vmem>>
          %dma_wait3A_203 = tpu.memref_squeeze %dma_wait3A_202 : memref<1x128x64xbf16, #tpu.memory_space<vmem>> -> memref<128x64xbf16, #tpu.memory_space<vmem>>
          %dma_wait3A_204 = arith.constant 0 : i32
          %dma_wait3A_205 = arith.constant 0 : i32
          %dma_wait3A_206 = tpu.memref_slice %arg11[%dma_wait3A_204, %dma_wait3A_205] : memref<10240x64xbf16, #tpu.memory_space<vmem_shared>> -> memref<128x64xbf16, #tpu.memory_space<vmem_shared>>
          %dma_wait3A_207 = arith.constant 0 : i32
          %dma_wait3A_208 = arith.constant 0 : i32
          %dma_wait3A_209 = tpu.memref_slice %arg11[%dma_wait3A_207, %dma_wait3A_208] : memref<10240x64xbf16, #tpu.memory_space<vmem_shared>> -> memref<128x64xbf16, #tpu.memory_space<vmem_shared>>
          %dma_wait3A_210 = arith.constant 0 : i32
          %dma_wait3A_211 = arith.constant 0 : i32
          %dma_wait3A_212 = tpu.memref_slice %arg9[%cond3A_7, %dma_wait3A_210, %dma_wait3A_211] : memref<8x128x64xbf16, #tpu.memory_space<vmem>> -> memref<1x128x64xbf16, #tpu.memory_space<vmem>>
          %dma_wait3A_213 = tpu.memref_squeeze %dma_wait3A_212 : memref<1x128x64xbf16, #tpu.memory_space<vmem>> -> memref<128x64xbf16, #tpu.memory_space<vmem>>
          tpu.wait_dma2 semaphore(%arg24 : memref<!tpu.dma_semaphore, #tpu.memory_space<semaphore_mem>>) src(%dma_wait3A_213 : memref<128x64xbf16, #tpu.memory_space<vmem>>) dst(%dma_wait3A_209 : memref<128x64xbf16, #tpu.memory_space<vmem_shared>>)
        } else {
        }
        %lt3A_127 = arith.constant 160 : i32
        %lt3A_128 = arith.cmpi slt, %add3A_121, %lt3A_127 : i32
        %convert_element_type3A_129 = arith.extui %lt3A_128 : i1 to i32
        %cond3A_130 = arith.constant 0 : i32
        %cond3A_131 = arith.cmpi ne, %convert_element_type3A_129, %cond3A_130 : i32
        scf.if %cond3A_131 {
          %dma_start3A = arith.constant 0 : i32
          %dma_start3A_200 = arith.constant 0 : i32
          %dma_start3A_201 = tpu.memref_slice %arg9[%cond3A_7, %dma_start3A, %dma_start3A_200] : memref<8x128x64xbf16, #tpu.memory_space<vmem>> -> memref<1x128x64xbf16, #tpu.memory_space<vmem>>
          %dma_start3A_202 = tpu.memref_squeeze %dma_start3A_201 : memref<1x128x64xbf16, #tpu.memory_space<vmem>> -> memref<128x64xbf16, #tpu.memory_space<vmem>>
          %dma_start3A_203 = arith.constant 0 : i32
          %dma_start3A_204 = tpu.memref_slice %arg7[%add3A_121, %dma_start3A_203] : memref<160x128xi32, #tpu.memory_space<vmem>> -> memref<1x128xi32, #tpu.memory_space<vmem>>
          %dma_start3A_205 = tpu.memref_squeeze %dma_start3A_204 : memref<1x128xi32, #tpu.memory_space<vmem>> -> memref<128xi32, #tpu.memory_space<vmem>>
          %dma_start3A_206 = arith.constant 0 : i32
          %dma_start3A_207 = arith.constant 0 : i32
          %dma_start3A_208 = tpu.memref_slice %arg2[%dma_start3A_206, %dma_start3A_207] : memref<10240x64xbf16, #tpu.memory_space<hbm>> -> memref<10240x64xbf16, #tpu.memory_space<hbm>>
          tpu.enqueue_indirect_dma source(%dma_start3A_208 : memref<10240x64xbf16, #tpu.memory_space<hbm>>) target(%dma_start3A_202 : memref<128x64xbf16, #tpu.memory_space<vmem>>) offsets(%dma_start3A_205 : memref<128xi32, #tpu.memory_space<vmem>>) semaphore(%arg16 : memref<!tpu.dma_semaphore, #tpu.memory_space<semaphore_mem>>)
        } else {
        }
        %ge3A_132 = arith.constant 4 : i32
        %ge3A_133 = arith.cmpi sge, %add3A_121, %ge3A_132 : i32
        %lt3A_134 = arith.constant 164 : i32
        %lt3A_135 = arith.cmpi slt, %add3A_121, %lt3A_134 : i32
        %and3A_136 = arith.andi %ge3A_133, %lt3A_135 : i1
        %convert_element_type3A_137 = arith.extui %and3A_136 : i1 to i32
        %cond3A_138 = arith.constant 0 : i32
        %cond3A_139 = arith.cmpi ne, %convert_element_type3A_137, %cond3A_138 : i32
        scf.if %cond3A_139 {
          %sub3A = arith.constant 4 : i32
          %sub3A_200 = arith.subi %add3A_121, %sub3A : i32
          %dma_wait3A = arith.constant 0 : i32
          %dma_wait3A_201 = arith.constant 0 : i32
          %dma_wait3A_202 = tpu.memref_slice %arg9[%cond3A, %dma_wait3A, %dma_wait3A_201] : memref<8x128x64xbf16, #tpu.memory_space<vmem>> -> memref<1x128x64xbf16, #tpu.memory_space<vmem>>
          %dma_wait3A_203 = tpu.memref_squeeze %dma_wait3A_202 : memref<1x128x64xbf16, #tpu.memory_space<vmem>> -> memref<128x64xbf16, #tpu.memory_space<vmem>>
          %dma_wait3A_204 = arith.constant 0 : i32
          %dma_wait3A_205 = arith.constant 0 : i32
          %dma_wait3A_206 = tpu.memref_slice %arg2[%dma_wait3A_204, %dma_wait3A_205] : memref<10240x64xbf16, #tpu.memory_space<hbm>> -> memref<128x64xbf16, #tpu.memory_space<hbm>>
          %dma_wait3A_207 = arith.constant 0 : i32
          %dma_wait3A_208 = arith.constant 0 : i32
          %dma_wait3A_209 = tpu.memref_slice %arg9[%cond3A, %dma_wait3A_207, %dma_wait3A_208] : memref<8x128x64xbf16, #tpu.memory_space<vmem>> -> memref<1x128x64xbf16, #tpu.memory_space<vmem>>
          %dma_wait3A_210 = tpu.memref_squeeze %dma_wait3A_209 : memref<1x128x64xbf16, #tpu.memory_space<vmem>> -> memref<128x64xbf16, #tpu.memory_space<vmem>>
          %dma_wait3A_211 = arith.constant 0 : i32
          %dma_wait3A_212 = arith.constant 0 : i32
          %dma_wait3A_213 = tpu.memref_slice %arg2[%dma_wait3A_211, %dma_wait3A_212] : memref<10240x64xbf16, #tpu.memory_space<hbm>> -> memref<128x64xbf16, #tpu.memory_space<hbm>>
          tpu.wait_dma2 semaphore(%arg12 : memref<!tpu.dma_semaphore, #tpu.memory_space<semaphore_mem>>) src(%dma_wait3A_213 : memref<128x64xbf16, #tpu.memory_space<hbm>>) dst(%dma_wait3A_210 : memref<128x64xbf16, #tpu.memory_space<vmem>>)
          %sub3A_214 = arith.constant 4 : i32
          %sub3A_215 = arith.subi %add3A_121, %sub3A_214 : i32
          %dma_start3A = arith.constant 0 : i32
          %dma_start3A_216 = arith.constant 0 : i32
          %dma_start3A_217 = tpu.memref_slice %arg9[%cond3A, %dma_start3A, %dma_start3A_216] : memref<8x128x64xbf16, #tpu.memory_space<vmem>> -> memref<1x128x64xbf16, #tpu.memory_space<vmem>>
          %dma_start3A_218 = tpu.memref_squeeze %dma_start3A_217 : memref<1x128x64xbf16, #tpu.memory_space<vmem>> -> memref<128x64xbf16, #tpu.memory_space<vmem>>
          %dma_start3A_219 = arith.constant 0 : i32
          %dma_start3A_220 = tpu.memref_slice %arg8[%sub3A_215, %dma_start3A_219] : memref<160x128xi32, #tpu.memory_space<vmem>> -> memref<1x128xi32, #tpu.memory_space<vmem>>
          %dma_start3A_221 = tpu.memref_squeeze %dma_start3A_220 : memref<1x128xi32, #tpu.memory_space<vmem>> -> memref<128xi32, #tpu.memory_space<vmem>>
          %dma_start3A_222 = arith.constant 0 : i32
          %dma_start3A_223 = arith.constant 0 : i32
          %dma_start3A_224 = tpu.memref_slice %arg11[%dma_start3A_222, %dma_start3A_223] : memref<10240x64xbf16, #tpu.memory_space<vmem_shared>> -> memref<10240x64xbf16, #tpu.memory_space<vmem_shared>>
          tpu.enqueue_indirect_dma source(%dma_start3A_218 : memref<128x64xbf16, #tpu.memory_space<vmem>>) target(%dma_start3A_224 : memref<10240x64xbf16, #tpu.memory_space<vmem_shared>>) offsets(%dma_start3A_221 : memref<128xi32, #tpu.memory_space<vmem>>) semaphore(%arg20 : memref<!tpu.dma_semaphore, #tpu.memory_space<semaphore_mem>>) {add = true}
        } else {
        }
        %add3A_140 = arith.constant 5 : i32
        %add3A_141 = arith.addi %add3A_42, %add3A_140 : i32
        %ge3A_142 = arith.constant 8 : i32
        %ge3A_143 = arith.cmpi sge, %add3A_141, %ge3A_142 : i32
        %convert_element_type3A_144 = arith.extui %ge3A_143 : i1 to i32
        %cond3A_145 = arith.constant 0 : i32
        %cond3A_146 = arith.cmpi ne, %convert_element_type3A_144, %cond3A_145 : i32
        scf.if %cond3A_146 {
          %sub3A = arith.constant 8 : i32
          %sub3A_200 = arith.subi %add3A_141, %sub3A : i32
          %dma_wait3A = arith.constant 0 : i32
          %dma_wait3A_201 = arith.constant 0 : i32
          %dma_wait3A_202 = tpu.memref_slice %arg9[%cond3A_9, %dma_wait3A, %dma_wait3A_201] : memref<8x128x64xbf16, #tpu.memory_space<vmem>> -> memref<1x128x64xbf16, #tpu.memory_space<vmem>>
          %dma_wait3A_203 = tpu.memref_squeeze %dma_wait3A_202 : memref<1x128x64xbf16, #tpu.memory_space<vmem>> -> memref<128x64xbf16, #tpu.memory_space<vmem>>
          %dma_wait3A_204 = arith.constant 0 : i32
          %dma_wait3A_205 = arith.constant 0 : i32
          %dma_wait3A_206 = tpu.memref_slice %arg11[%dma_wait3A_204, %dma_wait3A_205] : memref<10240x64xbf16, #tpu.memory_space<vmem_shared>> -> memref<128x64xbf16, #tpu.memory_space<vmem_shared>>
          %dma_wait3A_207 = arith.constant 0 : i32
          %dma_wait3A_208 = arith.constant 0 : i32
          %dma_wait3A_209 = tpu.memref_slice %arg11[%dma_wait3A_207, %dma_wait3A_208] : memref<10240x64xbf16, #tpu.memory_space<vmem_shared>> -> memref<128x64xbf16, #tpu.memory_space<vmem_shared>>
          %dma_wait3A_210 = arith.constant 0 : i32
          %dma_wait3A_211 = arith.constant 0 : i32
          %dma_wait3A_212 = tpu.memref_slice %arg9[%cond3A_9, %dma_wait3A_210, %dma_wait3A_211] : memref<8x128x64xbf16, #tpu.memory_space<vmem>> -> memref<1x128x64xbf16, #tpu.memory_space<vmem>>
          %dma_wait3A_213 = tpu.memref_squeeze %dma_wait3A_212 : memref<1x128x64xbf16, #tpu.memory_space<vmem>> -> memref<128x64xbf16, #tpu.memory_space<vmem>>
          tpu.wait_dma2 semaphore(%arg25 : memref<!tpu.dma_semaphore, #tpu.memory_space<semaphore_mem>>) src(%dma_wait3A_213 : memref<128x64xbf16, #tpu.memory_space<vmem>>) dst(%dma_wait3A_209 : memref<128x64xbf16, #tpu.memory_space<vmem_shared>>)
        } else {
        }
        %lt3A_147 = arith.constant 160 : i32
        %lt3A_148 = arith.cmpi slt, %add3A_141, %lt3A_147 : i32
        %convert_element_type3A_149 = arith.extui %lt3A_148 : i1 to i32
        %cond3A_150 = arith.constant 0 : i32
        %cond3A_151 = arith.cmpi ne, %convert_element_type3A_149, %cond3A_150 : i32
        scf.if %cond3A_151 {
          %dma_start3A = arith.constant 0 : i32
          %dma_start3A_200 = arith.constant 0 : i32
          %dma_start3A_201 = tpu.memref_slice %arg9[%cond3A_9, %dma_start3A, %dma_start3A_200] : memref<8x128x64xbf16, #tpu.memory_space<vmem>> -> memref<1x128x64xbf16, #tpu.memory_space<vmem>>
          %dma_start3A_202 = tpu.memref_squeeze %dma_start3A_201 : memref<1x128x64xbf16, #tpu.memory_space<vmem>> -> memref<128x64xbf16, #tpu.memory_space<vmem>>
          %dma_start3A_203 = arith.constant 0 : i32
          %dma_start3A_204 = tpu.memref_slice %arg7[%add3A_141, %dma_start3A_203] : memref<160x128xi32, #tpu.memory_space<vmem>> -> memref<1x128xi32, #tpu.memory_space<vmem>>
          %dma_start3A_205 = tpu.memref_squeeze %dma_start3A_204 : memref<1x128xi32, #tpu.memory_space<vmem>> -> memref<128xi32, #tpu.memory_space<vmem>>
          %dma_start3A_206 = arith.constant 0 : i32
          %dma_start3A_207 = arith.constant 0 : i32
          %dma_start3A_208 = tpu.memref_slice %arg2[%dma_start3A_206, %dma_start3A_207] : memref<10240x64xbf16, #tpu.memory_space<hbm>> -> memref<10240x64xbf16, #tpu.memory_space<hbm>>
          tpu.enqueue_indirect_dma source(%dma_start3A_208 : memref<10240x64xbf16, #tpu.memory_space<hbm>>) target(%dma_start3A_202 : memref<128x64xbf16, #tpu.memory_space<vmem>>) offsets(%dma_start3A_205 : memref<128xi32, #tpu.memory_space<vmem>>) semaphore(%arg17 : memref<!tpu.dma_semaphore, #tpu.memory_space<semaphore_mem>>)
        } else {
        }
        %ge3A_152 = arith.constant 4 : i32
        %ge3A_153 = arith.cmpi sge, %add3A_141, %ge3A_152 : i32
        %lt3A_154 = arith.constant 164 : i32
        %lt3A_155 = arith.cmpi slt, %add3A_141, %lt3A_154 : i32
        %and3A_156 = arith.andi %ge3A_153, %lt3A_155 : i1
        %convert_element_type3A_157 = arith.extui %and3A_156 : i1 to i32
        %cond3A_158 = arith.constant 0 : i32
        %cond3A_159 = arith.cmpi ne, %convert_element_type3A_157, %cond3A_158 : i32
        scf.if %cond3A_159 {
          %sub3A = arith.constant 4 : i32
          %sub3A_200 = arith.subi %add3A_141, %sub3A : i32
          %dma_wait3A = arith.constant 0 : i32
          %dma_wait3A_201 = arith.constant 0 : i32
          %dma_wait3A_202 = tpu.memref_slice %arg9[%cond3A_8, %dma_wait3A, %dma_wait3A_201] : memref<8x128x64xbf16, #tpu.memory_space<vmem>> -> memref<1x128x64xbf16, #tpu.memory_space<vmem>>
          %dma_wait3A_203 = tpu.memref_squeeze %dma_wait3A_202 : memref<1x128x64xbf16, #tpu.memory_space<vmem>> -> memref<128x64xbf16, #tpu.memory_space<vmem>>
          %dma_wait3A_204 = arith.constant 0 : i32
          %dma_wait3A_205 = arith.constant 0 : i32
          %dma_wait3A_206 = tpu.memref_slice %arg2[%dma_wait3A_204, %dma_wait3A_205] : memref<10240x64xbf16, #tpu.memory_space<hbm>> -> memref<128x64xbf16, #tpu.memory_space<hbm>>
          %dma_wait3A_207 = arith.constant 0 : i32
          %dma_wait3A_208 = arith.constant 0 : i32
          %dma_wait3A_209 = tpu.memref_slice %arg9[%cond3A_8, %dma_wait3A_207, %dma_wait3A_208] : memref<8x128x64xbf16, #tpu.memory_space<vmem>> -> memref<1x128x64xbf16, #tpu.memory_space<vmem>>
          %dma_wait3A_210 = tpu.memref_squeeze %dma_wait3A_209 : memref<1x128x64xbf16, #tpu.memory_space<vmem>> -> memref<128x64xbf16, #tpu.memory_space<vmem>>
          %dma_wait3A_211 = arith.constant 0 : i32
          %dma_wait3A_212 = arith.constant 0 : i32
          %dma_wait3A_213 = tpu.memref_slice %arg2[%dma_wait3A_211, %dma_wait3A_212] : memref<10240x64xbf16, #tpu.memory_space<hbm>> -> memref<128x64xbf16, #tpu.memory_space<hbm>>
          tpu.wait_dma2 semaphore(%arg13 : memref<!tpu.dma_semaphore, #tpu.memory_space<semaphore_mem>>) src(%dma_wait3A_213 : memref<128x64xbf16, #tpu.memory_space<hbm>>) dst(%dma_wait3A_210 : memref<128x64xbf16, #tpu.memory_space<vmem>>)
          %sub3A_214 = arith.constant 4 : i32
          %sub3A_215 = arith.subi %add3A_141, %sub3A_214 : i32
          %dma_start3A = arith.constant 0 : i32
          %dma_start3A_216 = arith.constant 0 : i32
          %dma_start3A_217 = tpu.memref_slice %arg9[%cond3A_8, %dma_start3A, %dma_start3A_216] : memref<8x128x64xbf16, #tpu.memory_space<vmem>> -> memref<1x128x64xbf16, #tpu.memory_space<vmem>>
          %dma_start3A_218 = tpu.memref_squeeze %dma_start3A_217 : memref<1x128x64xbf16, #tpu.memory_space<vmem>> -> memref<128x64xbf16, #tpu.memory_space<vmem>>
          %dma_start3A_219 = arith.constant 0 : i32
          %dma_start3A_220 = tpu.memref_slice %arg8[%sub3A_215, %dma_start3A_219] : memref<160x128xi32, #tpu.memory_space<vmem>> -> memref<1x128xi32, #tpu.memory_space<vmem>>
          %dma_start3A_221 = tpu.memref_squeeze %dma_start3A_220 : memref<1x128xi32, #tpu.memory_space<vmem>> -> memref<128xi32, #tpu.memory_space<vmem>>
          %dma_start3A_222 = arith.constant 0 : i32
          %dma_start3A_223 = arith.constant 0 : i32
          %dma_start3A_224 = tpu.memref_slice %arg11[%dma_start3A_222, %dma_start3A_223] : memref<10240x64xbf16, #tpu.memory_space<vmem_shared>> -> memref<10240x64xbf16, #tpu.memory_space<vmem_shared>>
          tpu.enqueue_indirect_dma source(%dma_start3A_218 : memref<128x64xbf16, #tpu.memory_space<vmem>>) target(%dma_start3A_224 : memref<10240x64xbf16, #tpu.memory_space<vmem_shared>>) offsets(%dma_start3A_221 : memref<128xi32, #tpu.memory_space<vmem>>) semaphore(%arg21 : memref<!tpu.dma_semaphore, #tpu.memory_space<semaphore_mem>>) {add = true}
        } else {
        }
        %add3A_160 = arith.constant 6 : i32
        %add3A_161 = arith.addi %add3A_42, %add3A_160 : i32
        %ge3A_162 = arith.constant 8 : i32
        %ge3A_163 = arith.cmpi sge, %add3A_161, %ge3A_162 : i32
        %convert_element_type3A_164 = arith.extui %ge3A_163 : i1 to i32
        %cond3A_165 = arith.constant 0 : i32
        %cond3A_166 = arith.cmpi ne, %convert_element_type3A_164, %cond3A_165 : i32
        scf.if %cond3A_166 {
          %sub3A = arith.constant 8 : i32
          %sub3A_200 = arith.subi %add3A_161, %sub3A : i32
          %dma_wait3A = arith.constant 0 : i32
          %dma_wait3A_201 = arith.constant 0 : i32
          %dma_wait3A_202 = tpu.memref_slice %arg9[%cond3A_11, %dma_wait3A, %dma_wait3A_201] : memref<8x128x64xbf16, #tpu.memory_space<vmem>> -> memref<1x128x64xbf16, #tpu.memory_space<vmem>>
          %dma_wait3A_203 = tpu.memref_squeeze %dma_wait3A_202 : memref<1x128x64xbf16, #tpu.memory_space<vmem>> -> memref<128x64xbf16, #tpu.memory_space<vmem>>
          %dma_wait3A_204 = arith.constant 0 : i32
          %dma_wait3A_205 = arith.constant 0 : i32
          %dma_wait3A_206 = tpu.memref_slice %arg11[%dma_wait3A_204, %dma_wait3A_205] : memref<10240x64xbf16, #tpu.memory_space<vmem_shared>> -> memref<128x64xbf16, #tpu.memory_space<vmem_shared>>
          %dma_wait3A_207 = arith.constant 0 : i32
          %dma_wait3A_208 = arith.constant 0 : i32
          %dma_wait3A_209 = tpu.memref_slice %arg11[%dma_wait3A_207, %dma_wait3A_208] : memref<10240x64xbf16, #tpu.memory_space<vmem_shared>> -> memref<128x64xbf16, #tpu.memory_space<vmem_shared>>
          %dma_wait3A_210 = arith.constant 0 : i32
          %dma_wait3A_211 = arith.constant 0 : i32
          %dma_wait3A_212 = tpu.memref_slice %arg9[%cond3A_11, %dma_wait3A_210, %dma_wait3A_211] : memref<8x128x64xbf16, #tpu.memory_space<vmem>> -> memref<1x128x64xbf16, #tpu.memory_space<vmem>>
          %dma_wait3A_213 = tpu.memref_squeeze %dma_wait3A_212 : memref<1x128x64xbf16, #tpu.memory_space<vmem>> -> memref<128x64xbf16, #tpu.memory_space<vmem>>
          tpu.wait_dma2 semaphore(%arg26 : memref<!tpu.dma_semaphore, #tpu.memory_space<semaphore_mem>>) src(%dma_wait3A_213 : memref<128x64xbf16, #tpu.memory_space<vmem>>) dst(%dma_wait3A_209 : memref<128x64xbf16, #tpu.memory_space<vmem_shared>>)
        } else {
        }
        %lt3A_167 = arith.constant 160 : i32
        %lt3A_168 = arith.cmpi slt, %add3A_161, %lt3A_167 : i32
        %convert_element_type3A_169 = arith.extui %lt3A_168 : i1 to i32
        %cond3A_170 = arith.constant 0 : i32
        %cond3A_171 = arith.cmpi ne, %convert_element_type3A_169, %cond3A_170 : i32
        scf.if %cond3A_171 {
          %dma_start3A = arith.constant 0 : i32
          %dma_start3A_200 = arith.constant 0 : i32
          %dma_start3A_201 = tpu.memref_slice %arg9[%cond3A_11, %dma_start3A, %dma_start3A_200] : memref<8x128x64xbf16, #tpu.memory_space<vmem>> -> memref<1x128x64xbf16, #tpu.memory_space<vmem>>
          %dma_start3A_202 = tpu.memref_squeeze %dma_start3A_201 : memref<1x128x64xbf16, #tpu.memory_space<vmem>> -> memref<128x64xbf16, #tpu.memory_space<vmem>>
          %dma_start3A_203 = arith.constant 0 : i32
          %dma_start3A_204 = tpu.memref_slice %arg7[%add3A_161, %dma_start3A_203] : memref<160x128xi32, #tpu.memory_space<vmem>> -> memref<1x128xi32, #tpu.memory_space<vmem>>
          %dma_start3A_205 = tpu.memref_squeeze %dma_start3A_204 : memref<1x128xi32, #tpu.memory_space<vmem>> -> memref<128xi32, #tpu.memory_space<vmem>>
          %dma_start3A_206 = arith.constant 0 : i32
          %dma_start3A_207 = arith.constant 0 : i32
          %dma_start3A_208 = tpu.memref_slice %arg2[%dma_start3A_206, %dma_start3A_207] : memref<10240x64xbf16, #tpu.memory_space<hbm>> -> memref<10240x64xbf16, #tpu.memory_space<hbm>>
          tpu.enqueue_indirect_dma source(%dma_start3A_208 : memref<10240x64xbf16, #tpu.memory_space<hbm>>) target(%dma_start3A_202 : memref<128x64xbf16, #tpu.memory_space<vmem>>) offsets(%dma_start3A_205 : memref<128xi32, #tpu.memory_space<vmem>>) semaphore(%arg18 : memref<!tpu.dma_semaphore, #tpu.memory_space<semaphore_mem>>)
        } else {
        }
        %ge3A_172 = arith.constant 4 : i32
        %ge3A_173 = arith.cmpi sge, %add3A_161, %ge3A_172 : i32
        %lt3A_174 = arith.constant 164 : i32
        %lt3A_175 = arith.cmpi slt, %add3A_161, %lt3A_174 : i32
        %and3A_176 = arith.andi %ge3A_173, %lt3A_175 : i1
        %convert_element_type3A_177 = arith.extui %and3A_176 : i1 to i32
        %cond3A_178 = arith.constant 0 : i32
        %cond3A_179 = arith.cmpi ne, %convert_element_type3A_177, %cond3A_178 : i32
        scf.if %cond3A_179 {
          %sub3A = arith.constant 4 : i32
          %sub3A_200 = arith.subi %add3A_161, %sub3A : i32
          %dma_wait3A = arith.constant 0 : i32
          %dma_wait3A_201 = arith.constant 0 : i32
          %dma_wait3A_202 = tpu.memref_slice %arg9[%cond3A_10, %dma_wait3A, %dma_wait3A_201] : memref<8x128x64xbf16, #tpu.memory_space<vmem>> -> memref<1x128x64xbf16, #tpu.memory_space<vmem>>
          %dma_wait3A_203 = tpu.memref_squeeze %dma_wait3A_202 : memref<1x128x64xbf16, #tpu.memory_space<vmem>> -> memref<128x64xbf16, #tpu.memory_space<vmem>>
          %dma_wait3A_204 = arith.constant 0 : i32
          %dma_wait3A_205 = arith.constant 0 : i32
          %dma_wait3A_206 = tpu.memref_slice %arg2[%dma_wait3A_204, %dma_wait3A_205] : memref<10240x64xbf16, #tpu.memory_space<hbm>> -> memref<128x64xbf16, #tpu.memory_space<hbm>>
          %dma_wait3A_207 = arith.constant 0 : i32
          %dma_wait3A_208 = arith.constant 0 : i32
          %dma_wait3A_209 = tpu.memref_slice %arg9[%cond3A_10, %dma_wait3A_207, %dma_wait3A_208] : memref<8x128x64xbf16, #tpu.memory_space<vmem>> -> memref<1x128x64xbf16, #tpu.memory_space<vmem>>
          %dma_wait3A_210 = tpu.memref_squeeze %dma_wait3A_209 : memref<1x128x64xbf16, #tpu.memory_space<vmem>> -> memref<128x64xbf16, #tpu.memory_space<vmem>>
          %dma_wait3A_211 = arith.constant 0 : i32
          %dma_wait3A_212 = arith.constant 0 : i32
          %dma_wait3A_213 = tpu.memref_slice %arg2[%dma_wait3A_211, %dma_wait3A_212] : memref<10240x64xbf16, #tpu.memory_space<hbm>> -> memref<128x64xbf16, #tpu.memory_space<hbm>>
          tpu.wait_dma2 semaphore(%arg14 : memref<!tpu.dma_semaphore, #tpu.memory_space<semaphore_mem>>) src(%dma_wait3A_213 : memref<128x64xbf16, #tpu.memory_space<hbm>>) dst(%dma_wait3A_210 : memref<128x64xbf16, #tpu.memory_space<vmem>>)
          %sub3A_214 = arith.constant 4 : i32
          %sub3A_215 = arith.subi %add3A_161, %sub3A_214 : i32
          %dma_start3A = arith.constant 0 : i32
          %dma_start3A_216 = arith.constant 0 : i32
          %dma_start3A_217 = tpu.memref_slice %arg9[%cond3A_10, %dma_start3A, %dma_start3A_216] : memref<8x128x64xbf16, #tpu.memory_space<vmem>> -> memref<1x128x64xbf16, #tpu.memory_space<vmem>>
          %dma_start3A_218 = tpu.memref_squeeze %dma_start3A_217 : memref<1x128x64xbf16, #tpu.memory_space<vmem>> -> memref<128x64xbf16, #tpu.memory_space<vmem>>
          %dma_start3A_219 = arith.constant 0 : i32
          %dma_start3A_220 = tpu.memref_slice %arg8[%sub3A_215, %dma_start3A_219] : memref<160x128xi32, #tpu.memory_space<vmem>> -> memref<1x128xi32, #tpu.memory_space<vmem>>
          %dma_start3A_221 = tpu.memref_squeeze %dma_start3A_220 : memref<1x128xi32, #tpu.memory_space<vmem>> -> memref<128xi32, #tpu.memory_space<vmem>>
          %dma_start3A_222 = arith.constant 0 : i32
          %dma_start3A_223 = arith.constant 0 : i32
          %dma_start3A_224 = tpu.memref_slice %arg11[%dma_start3A_222, %dma_start3A_223] : memref<10240x64xbf16, #tpu.memory_space<vmem_shared>> -> memref<10240x64xbf16, #tpu.memory_space<vmem_shared>>
          tpu.enqueue_indirect_dma source(%dma_start3A_218 : memref<128x64xbf16, #tpu.memory_space<vmem>>) target(%dma_start3A_224 : memref<10240x64xbf16, #tpu.memory_space<vmem_shared>>) offsets(%dma_start3A_221 : memref<128xi32, #tpu.memory_space<vmem>>) semaphore(%arg22 : memref<!tpu.dma_semaphore, #tpu.memory_space<semaphore_mem>>) {add = true}
        } else {
        }
        %add3A_180 = arith.constant 7 : i32
        %add3A_181 = arith.addi %add3A_42, %add3A_180 : i32
        %ge3A_182 = arith.constant 8 : i32
        %ge3A_183 = arith.cmpi sge, %add3A_181, %ge3A_182 : i32
        %convert_element_type3A_184 = arith.extui %ge3A_183 : i1 to i32
        %cond3A_185 = arith.constant 0 : i32
        %cond3A_186 = arith.cmpi ne, %convert_element_type3A_184, %cond3A_185 : i32
        scf.if %cond3A_186 {
          %sub3A = arith.constant 8 : i32
          %sub3A_200 = arith.subi %add3A_181, %sub3A : i32
          %dma_wait3A = arith.constant 0 : i32
          %dma_wait3A_201 = arith.constant 0 : i32
          %dma_wait3A_202 = tpu.memref_slice %arg9[%cond3A_13, %dma_wait3A, %dma_wait3A_201] : memref<8x128x64xbf16, #tpu.memory_space<vmem>> -> memref<1x128x64xbf16, #tpu.memory_space<vmem>>
          %dma_wait3A_203 = tpu.memref_squeeze %dma_wait3A_202 : memref<1x128x64xbf16, #tpu.memory_space<vmem>> -> memref<128x64xbf16, #tpu.memory_space<vmem>>
          %dma_wait3A_204 = arith.constant 0 : i32
          %dma_wait3A_205 = arith.constant 0 : i32
          %dma_wait3A_206 = tpu.memref_slice %arg11[%dma_wait3A_204, %dma_wait3A_205] : memref<10240x64xbf16, #tpu.memory_space<vmem_shared>> -> memref<128x64xbf16, #tpu.memory_space<vmem_shared>>
          %dma_wait3A_207 = arith.constant 0 : i32
          %dma_wait3A_208 = arith.constant 0 : i32
          %dma_wait3A_209 = tpu.memref_slice %arg11[%dma_wait3A_207, %dma_wait3A_208] : memref<10240x64xbf16, #tpu.memory_space<vmem_shared>> -> memref<128x64xbf16, #tpu.memory_space<vmem_shared>>
          %dma_wait3A_210 = arith.constant 0 : i32
          %dma_wait3A_211 = arith.constant 0 : i32
          %dma_wait3A_212 = tpu.memref_slice %arg9[%cond3A_13, %dma_wait3A_210, %dma_wait3A_211] : memref<8x128x64xbf16, #tpu.memory_space<vmem>> -> memref<1x128x64xbf16, #tpu.memory_space<vmem>>
          %dma_wait3A_213 = tpu.memref_squeeze %dma_wait3A_212 : memref<1x128x64xbf16, #tpu.memory_space<vmem>> -> memref<128x64xbf16, #tpu.memory_space<vmem>>
          tpu.wait_dma2 semaphore(%arg27 : memref<!tpu.dma_semaphore, #tpu.memory_space<semaphore_mem>>) src(%dma_wait3A_213 : memref<128x64xbf16, #tpu.memory_space<vmem>>) dst(%dma_wait3A_209 : memref<128x64xbf16, #tpu.memory_space<vmem_shared>>)
        } else {
        }
        %lt3A_187 = arith.constant 160 : i32
        %lt3A_188 = arith.cmpi slt, %add3A_181, %lt3A_187 : i32
        %convert_element_type3A_189 = arith.extui %lt3A_188 : i1 to i32
        %cond3A_190 = arith.constant 0 : i32
        %cond3A_191 = arith.cmpi ne, %convert_element_type3A_189, %cond3A_190 : i32
        scf.if %cond3A_191 {
          %dma_start3A = arith.constant 0 : i32
          %dma_start3A_200 = arith.constant 0 : i32
          %dma_start3A_201 = tpu.memref_slice %arg9[%cond3A_13, %dma_start3A, %dma_start3A_200] : memref<8x128x64xbf16, #tpu.memory_space<vmem>> -> memref<1x128x64xbf16, #tpu.memory_space<vmem>>
          %dma_start3A_202 = tpu.memref_squeeze %dma_start3A_201 : memref<1x128x64xbf16, #tpu.memory_space<vmem>> -> memref<128x64xbf16, #tpu.memory_space<vmem>>
          %dma_start3A_203 = arith.constant 0 : i32
          %dma_start3A_204 = tpu.memref_slice %arg7[%add3A_181, %dma_start3A_203] : memref<160x128xi32, #tpu.memory_space<vmem>> -> memref<1x128xi32, #tpu.memory_space<vmem>>
          %dma_start3A_205 = tpu.memref_squeeze %dma_start3A_204 : memref<1x128xi32, #tpu.memory_space<vmem>> -> memref<128xi32, #tpu.memory_space<vmem>>
          %dma_start3A_206 = arith.constant 0 : i32
          %dma_start3A_207 = arith.constant 0 : i32
          %dma_start3A_208 = tpu.memref_slice %arg2[%dma_start3A_206, %dma_start3A_207] : memref<10240x64xbf16, #tpu.memory_space<hbm>> -> memref<10240x64xbf16, #tpu.memory_space<hbm>>
          tpu.enqueue_indirect_dma source(%dma_start3A_208 : memref<10240x64xbf16, #tpu.memory_space<hbm>>) target(%dma_start3A_202 : memref<128x64xbf16, #tpu.memory_space<vmem>>) offsets(%dma_start3A_205 : memref<128xi32, #tpu.memory_space<vmem>>) semaphore(%arg19 : memref<!tpu.dma_semaphore, #tpu.memory_space<semaphore_mem>>)
        } else {
        }
        %ge3A_192 = arith.constant 4 : i32
        %ge3A_193 = arith.cmpi sge, %add3A_181, %ge3A_192 : i32
        %lt3A_194 = arith.constant 164 : i32
        %lt3A_195 = arith.cmpi slt, %add3A_181, %lt3A_194 : i32
        %and3A_196 = arith.andi %ge3A_193, %lt3A_195 : i1
        %convert_element_type3A_197 = arith.extui %and3A_196 : i1 to i32
        %cond3A_198 = arith.constant 0 : i32
        %cond3A_199 = arith.cmpi ne, %convert_element_type3A_197, %cond3A_198 : i32
        scf.if %cond3A_199 {
          %sub3A = arith.constant 4 : i32
          %sub3A_200 = arith.subi %add3A_181, %sub3A : i32
          %dma_wait3A = arith.constant 0 : i32
          %dma_wait3A_201 = arith.constant 0 : i32
          %dma_wait3A_202 = tpu.memref_slice %arg9[%cond3A_12, %dma_wait3A, %dma_wait3A_201] : memref<8x128x64xbf16, #tpu.memory_space<vmem>> -> memref<1x128x64xbf16, #tpu.memory_space<vmem>>
          %dma_wait3A_203 = tpu.memref_squeeze %dma_wait3A_202 : memref<1x128x64xbf16, #tpu.memory_space<vmem>> -> memref<128x64xbf16, #tpu.memory_space<vmem>>
          %dma_wait3A_204 = arith.constant 0 : i32
          %dma_wait3A_205 = arith.constant 0 : i32
          %dma_wait3A_206 = tpu.memref_slice %arg2[%dma_wait3A_204, %dma_wait3A_205] : memref<10240x64xbf16, #tpu.memory_space<hbm>> -> memref<128x64xbf16, #tpu.memory_space<hbm>>
          %dma_wait3A_207 = arith.constant 0 : i32
          %dma_wait3A_208 = arith.constant 0 : i32
          %dma_wait3A_209 = tpu.memref_slice %arg9[%cond3A_12, %dma_wait3A_207, %dma_wait3A_208] : memref<8x128x64xbf16, #tpu.memory_space<vmem>> -> memref<1x128x64xbf16, #tpu.memory_space<vmem>>
          %dma_wait3A_210 = tpu.memref_squeeze %dma_wait3A_209 : memref<1x128x64xbf16, #tpu.memory_space<vmem>> -> memref<128x64xbf16, #tpu.memory_space<vmem>>
          %dma_wait3A_211 = arith.constant 0 : i32
          %dma_wait3A_212 = arith.constant 0 : i32
          %dma_wait3A_213 = tpu.memref_slice %arg2[%dma_wait3A_211, %dma_wait3A_212] : memref<10240x64xbf16, #tpu.memory_space<hbm>> -> memref<128x64xbf16, #tpu.memory_space<hbm>>
          tpu.wait_dma2 semaphore(%arg15 : memref<!tpu.dma_semaphore, #tpu.memory_space<semaphore_mem>>) src(%dma_wait3A_213 : memref<128x64xbf16, #tpu.memory_space<hbm>>) dst(%dma_wait3A_210 : memref<128x64xbf16, #tpu.memory_space<vmem>>)
          %sub3A_214 = arith.constant 4 : i32
          %sub3A_215 = arith.subi %add3A_181, %sub3A_214 : i32
          %dma_start3A = arith.constant 0 : i32
          %dma_start3A_216 = arith.constant 0 : i32
          %dma_start3A_217 = tpu.memref_slice %arg9[%cond3A_12, %dma_start3A, %dma_start3A_216] : memref<8x128x64xbf16, #tpu.memory_space<vmem>> -> memref<1x128x64xbf16, #tpu.memory_space<vmem>>
          %dma_start3A_218 = tpu.memref_squeeze %dma_start3A_217 : memref<1x128x64xbf16, #tpu.memory_space<vmem>> -> memref<128x64xbf16, #tpu.memory_space<vmem>>
          %dma_start3A_219 = arith.constant 0 : i32
          %dma_start3A_220 = tpu.memref_slice %arg8[%sub3A_215, %dma_start3A_219] : memref<160x128xi32, #tpu.memory_space<vmem>> -> memref<1x128xi32, #tpu.memory_space<vmem>>
          %dma_start3A_221 = tpu.memref_squeeze %dma_start3A_220 : memref<1x128xi32, #tpu.memory_space<vmem>> -> memref<128xi32, #tpu.memory_space<vmem>>
          %dma_start3A_222 = arith.constant 0 : i32
          %dma_start3A_223 = arith.constant 0 : i32
          %dma_start3A_224 = tpu.memref_slice %arg11[%dma_start3A_222, %dma_start3A_223] : memref<10240x64xbf16, #tpu.memory_space<vmem_shared>> -> memref<10240x64xbf16, #tpu.memory_space<vmem_shared>>
          tpu.enqueue_indirect_dma source(%dma_start3A_218 : memref<128x64xbf16, #tpu.memory_space<vmem>>) target(%dma_start3A_224 : memref<10240x64xbf16, #tpu.memory_space<vmem_shared>>) offsets(%dma_start3A_221 : memref<128xi32, #tpu.memory_space<vmem>>) semaphore(%arg23 : memref<!tpu.dma_semaphore, #tpu.memory_space<semaphore_mem>>) {add = true}
        } else {
        }
      }
      %scan3A_38 = arith.constant 21 : i32
    } else {
    }
    %eq3A_16 = arith.constant 1 : i32
    %eq3A_17 = arith.cmpi eq, %arg0, %eq3A_16 : i32
    %convert_element_type3A_18 = arith.extui %eq3A_17 : i1 to i32
    %cond3A_19 = arith.constant 0 : i32
    %cond3A_20 = arith.constant 4 : i32
    %cond3A_21 = arith.constant 1 : i32
    %cond3A_22 = arith.constant 5 : i32
    %cond3A_23 = arith.constant 2 : i32
    %cond3A_24 = arith.constant 6 : i32
    %cond3A_25 = arith.constant 3 : i32
    %cond3A_26 = arith.constant 7 : i32
    %cond3A_27 = arith.constant 0 : i32
    %cond3A_28 = arith.cmpi ne, %convert_element_type3A_18, %cond3A_27 : i32
    scf.if %cond3A_28 {
      %scan3A_34 = arith.constant 0 : i32
      %scan3A_35 = arith.constant 21 : i32
      %scan3A_36 = arith.addi %scan3A_34, %scan3A_35 : i32
      %scan3A_37 = arith.constant 1 : i32
      scf.for %scan3A_39 = %scan3A_34 to %scan3A_36 step %scan3A_37  : i32 {
        %mul3A_40 = arith.constant 8 : i32
        %mul3A_41 = arith.muli %scan3A_39, %mul3A_40 : i32
        %add3A = arith.constant 0 : i32
        %add3A_42 = arith.addi %add3A, %mul3A_41 : i32
        %add3A_43 = arith.constant 0 : i32
        %add3A_44 = arith.addi %add3A_42, %add3A_43 : i32
        %ge3A = arith.constant 8 : i32
        %ge3A_45 = arith.cmpi sge, %add3A_44, %ge3A : i32
        %convert_element_type3A_46 = arith.extui %ge3A_45 : i1 to i32
        %cond3A_47 = arith.constant 0 : i32
        %cond3A_48 = arith.cmpi ne, %convert_element_type3A_46, %cond3A_47 : i32
        scf.if %cond3A_48 {
          %sub3A = arith.constant 8 : i32
          %sub3A_200 = arith.subi %add3A_44, %sub3A : i32
          %dma_wait3A = arith.constant 0 : i32
          %dma_wait3A_201 = arith.constant 0 : i32
          %dma_wait3A_202 = tpu.memref_slice %arg9[%cond3A_19, %dma_wait3A, %dma_wait3A_201] : memref<8x128x64xbf16, #tpu.memory_space<vmem>> -> memref<1x128x64xbf16, #tpu.memory_space<vmem>>
          %dma_wait3A_203 = tpu.memref_squeeze %dma_wait3A_202 : memref<1x128x64xbf16, #tpu.memory_space<vmem>> -> memref<128x64xbf16, #tpu.memory_space<vmem>>
          %dma_wait3A_204 = arith.constant 0 : i32
          %dma_wait3A_205 = arith.constant 0 : i32
          %dma_wait3A_206 = tpu.memref_slice %arg11[%dma_wait3A_204, %dma_wait3A_205] : memref<10240x64xbf16, #tpu.memory_space<vmem_shared>> -> memref<128x64xbf16, #tpu.memory_space<vmem_shared>>
          %dma_wait3A_207 = arith.constant 0 : i32
          %dma_wait3A_208 = arith.constant 0 : i32
          %dma_wait3A_209 = tpu.memref_slice %arg11[%dma_wait3A_207, %dma_wait3A_208] : memref<10240x64xbf16, #tpu.memory_space<vmem_shared>> -> memref<128x64xbf16, #tpu.memory_space<vmem_shared>>
          %dma_wait3A_210 = arith.constant 0 : i32
          %dma_wait3A_211 = arith.constant 0 : i32
          %dma_wait3A_212 = tpu.memref_slice %arg9[%cond3A_19, %dma_wait3A_210, %dma_wait3A_211] : memref<8x128x64xbf16, #tpu.memory_space<vmem>> -> memref<1x128x64xbf16, #tpu.memory_space<vmem>>
          %dma_wait3A_213 = tpu.memref_squeeze %dma_wait3A_212 : memref<1x128x64xbf16, #tpu.memory_space<vmem>> -> memref<128x64xbf16, #tpu.memory_space<vmem>>
          tpu.wait_dma2 semaphore(%arg20 : memref<!tpu.dma_semaphore, #tpu.memory_space<semaphore_mem>>) src(%dma_wait3A_213 : memref<128x64xbf16, #tpu.memory_space<vmem>>) dst(%dma_wait3A_209 : memref<128x64xbf16, #tpu.memory_space<vmem_shared>>)
        } else {
        }
        %lt3A = arith.constant 160 : i32
        %lt3A_49 = arith.cmpi slt, %add3A_44, %lt3A : i32
        %convert_element_type3A_50 = arith.extui %lt3A_49 : i1 to i32
        %cond3A_51 = arith.constant 0 : i32
        %cond3A_52 = arith.cmpi ne, %convert_element_type3A_50, %cond3A_51 : i32
        scf.if %cond3A_52 {
          %dma_start3A = arith.constant 0 : i32
          %dma_start3A_200 = arith.constant 0 : i32
          %dma_start3A_201 = tpu.memref_slice %arg9[%cond3A_19, %dma_start3A, %dma_start3A_200] : memref<8x128x64xbf16, #tpu.memory_space<vmem>> -> memref<1x128x64xbf16, #tpu.memory_space<vmem>>
          %dma_start3A_202 = tpu.memref_squeeze %dma_start3A_201 : memref<1x128x64xbf16, #tpu.memory_space<vmem>> -> memref<128x64xbf16, #tpu.memory_space<vmem>>
          %dma_start3A_203 = arith.constant 0 : i32
          %dma_start3A_204 = tpu.memref_slice %arg7[%add3A_44, %dma_start3A_203] : memref<160x128xi32, #tpu.memory_space<vmem>> -> memref<1x128xi32, #tpu.memory_space<vmem>>
          %dma_start3A_205 = tpu.memref_squeeze %dma_start3A_204 : memref<1x128xi32, #tpu.memory_space<vmem>> -> memref<128xi32, #tpu.memory_space<vmem>>
          %dma_start3A_206 = arith.constant 0 : i32
          %dma_start3A_207 = arith.constant 0 : i32
          %dma_start3A_208 = tpu.memref_slice %arg3[%dma_start3A_206, %dma_start3A_207] : memref<10240x64xbf16, #tpu.memory_space<hbm>> -> memref<10240x64xbf16, #tpu.memory_space<hbm>>
          tpu.enqueue_indirect_dma source(%dma_start3A_208 : memref<10240x64xbf16, #tpu.memory_space<hbm>>) target(%dma_start3A_202 : memref<128x64xbf16, #tpu.memory_space<vmem>>) offsets(%dma_start3A_205 : memref<128xi32, #tpu.memory_space<vmem>>) semaphore(%arg12 : memref<!tpu.dma_semaphore, #tpu.memory_space<semaphore_mem>>)
        } else {
        }
        %ge3A_53 = arith.constant 4 : i32
        %ge3A_54 = arith.cmpi sge, %add3A_44, %ge3A_53 : i32
        %lt3A_55 = arith.constant 164 : i32
        %lt3A_56 = arith.cmpi slt, %add3A_44, %lt3A_55 : i32
        %and3A = arith.andi %ge3A_54, %lt3A_56 : i1
        %convert_element_type3A_57 = arith.extui %and3A : i1 to i32
        %cond3A_58 = arith.constant 0 : i32
        %cond3A_59 = arith.cmpi ne, %convert_element_type3A_57, %cond3A_58 : i32
        scf.if %cond3A_59 {
          %sub3A = arith.constant 4 : i32
          %sub3A_200 = arith.subi %add3A_44, %sub3A : i32
          %dma_wait3A = arith.constant 0 : i32
          %dma_wait3A_201 = arith.constant 0 : i32
          %dma_wait3A_202 = tpu.memref_slice %arg9[%cond3A_20, %dma_wait3A, %dma_wait3A_201] : memref<8x128x64xbf16, #tpu.memory_space<vmem>> -> memref<1x128x64xbf16, #tpu.memory_space<vmem>>
          %dma_wait3A_203 = tpu.memref_squeeze %dma_wait3A_202 : memref<1x128x64xbf16, #tpu.memory_space<vmem>> -> memref<128x64xbf16, #tpu.memory_space<vmem>>
          %dma_wait3A_204 = arith.constant 0 : i32
          %dma_wait3A_205 = arith.constant 0 : i32
          %dma_wait3A_206 = tpu.memref_slice %arg3[%dma_wait3A_204, %dma_wait3A_205] : memref<10240x64xbf16, #tpu.memory_space<hbm>> -> memref<128x64xbf16, #tpu.memory_space<hbm>>
          %dma_wait3A_207 = arith.constant 0 : i32
          %dma_wait3A_208 = arith.constant 0 : i32
          %dma_wait3A_209 = tpu.memref_slice %arg9[%cond3A_20, %dma_wait3A_207, %dma_wait3A_208] : memref<8x128x64xbf16, #tpu.memory_space<vmem>> -> memref<1x128x64xbf16, #tpu.memory_space<vmem>>
          %dma_wait3A_210 = tpu.memref_squeeze %dma_wait3A_209 : memref<1x128x64xbf16, #tpu.memory_space<vmem>> -> memref<128x64xbf16, #tpu.memory_space<vmem>>
          %dma_wait3A_211 = arith.constant 0 : i32
          %dma_wait3A_212 = arith.constant 0 : i32
          %dma_wait3A_213 = tpu.memref_slice %arg3[%dma_wait3A_211, %dma_wait3A_212] : memref<10240x64xbf16, #tpu.memory_space<hbm>> -> memref<128x64xbf16, #tpu.memory_space<hbm>>
          tpu.wait_dma2 semaphore(%arg16 : memref<!tpu.dma_semaphore, #tpu.memory_space<semaphore_mem>>) src(%dma_wait3A_213 : memref<128x64xbf16, #tpu.memory_space<hbm>>) dst(%dma_wait3A_210 : memref<128x64xbf16, #tpu.memory_space<vmem>>)
          %sub3A_214 = arith.constant 4 : i32
          %sub3A_215 = arith.subi %add3A_44, %sub3A_214 : i32
          %dma_start3A = arith.constant 0 : i32
          %dma_start3A_216 = arith.constant 0 : i32
          %dma_start3A_217 = tpu.memref_slice %arg9[%cond3A_20, %dma_start3A, %dma_start3A_216] : memref<8x128x64xbf16, #tpu.memory_space<vmem>> -> memref<1x128x64xbf16, #tpu.memory_space<vmem>>
          %dma_start3A_218 = tpu.memref_squeeze %dma_start3A_217 : memref<1x128x64xbf16, #tpu.memory_space<vmem>> -> memref<128x64xbf16, #tpu.memory_space<vmem>>
          %dma_start3A_219 = arith.constant 0 : i32
          %dma_start3A_220 = tpu.memref_slice %arg8[%sub3A_215, %dma_start3A_219] : memref<160x128xi32, #tpu.memory_space<vmem>> -> memref<1x128xi32, #tpu.memory_space<vmem>>
          %dma_start3A_221 = tpu.memref_squeeze %dma_start3A_220 : memref<1x128xi32, #tpu.memory_space<vmem>> -> memref<128xi32, #tpu.memory_space<vmem>>
          %dma_start3A_222 = arith.constant 0 : i32
          %dma_start3A_223 = arith.constant 0 : i32
          %dma_start3A_224 = tpu.memref_slice %arg11[%dma_start3A_222, %dma_start3A_223] : memref<10240x64xbf16, #tpu.memory_space<vmem_shared>> -> memref<10240x64xbf16, #tpu.memory_space<vmem_shared>>
          tpu.enqueue_indirect_dma source(%dma_start3A_218 : memref<128x64xbf16, #tpu.memory_space<vmem>>) target(%dma_start3A_224 : memref<10240x64xbf16, #tpu.memory_space<vmem_shared>>) offsets(%dma_start3A_221 : memref<128xi32, #tpu.memory_space<vmem>>) semaphore(%arg24 : memref<!tpu.dma_semaphore, #tpu.memory_space<semaphore_mem>>) {add = true}
        } else {
        }
        %add3A_60 = arith.constant 1 : i32
        %add3A_61 = arith.addi %add3A_42, %add3A_60 : i32
        %ge3A_62 = arith.constant 8 : i32
        %ge3A_63 = arith.cmpi sge, %add3A_61, %ge3A_62 : i32
        %convert_element_type3A_64 = arith.extui %ge3A_63 : i1 to i32
        %cond3A_65 = arith.constant 0 : i32
        %cond3A_66 = arith.cmpi ne, %convert_element_type3A_64, %cond3A_65 : i32
        scf.if %cond3A_66 {
          %sub3A = arith.constant 8 : i32
          %sub3A_200 = arith.subi %add3A_61, %sub3A : i32
          %dma_wait3A = arith.constant 0 : i32
          %dma_wait3A_201 = arith.constant 0 : i32
          %dma_wait3A_202 = tpu.memref_slice %arg9[%cond3A_21, %dma_wait3A, %dma_wait3A_201] : memref<8x128x64xbf16, #tpu.memory_space<vmem>> -> memref<1x128x64xbf16, #tpu.memory_space<vmem>>
          %dma_wait3A_203 = tpu.memref_squeeze %dma_wait3A_202 : memref<1x128x64xbf16, #tpu.memory_space<vmem>> -> memref<128x64xbf16, #tpu.memory_space<vmem>>
          %dma_wait3A_204 = arith.constant 0 : i32
          %dma_wait3A_205 = arith.constant 0 : i32
          %dma_wait3A_206 = tpu.memref_slice %arg11[%dma_wait3A_204, %dma_wait3A_205] : memref<10240x64xbf16, #tpu.memory_space<vmem_shared>> -> memref<128x64xbf16, #tpu.memory_space<vmem_shared>>
          %dma_wait3A_207 = arith.constant 0 : i32
          %dma_wait3A_208 = arith.constant 0 : i32
          %dma_wait3A_209 = tpu.memref_slice %arg11[%dma_wait3A_207, %dma_wait3A_208] : memref<10240x64xbf16, #tpu.memory_space<vmem_shared>> -> memref<128x64xbf16, #tpu.memory_space<vmem_shared>>
          %dma_wait3A_210 = arith.constant 0 : i32
          %dma_wait3A_211 = arith.constant 0 : i32
          %dma_wait3A_212 = tpu.memref_slice %arg9[%cond3A_21, %dma_wait3A_210, %dma_wait3A_211] : memref<8x128x64xbf16, #tpu.memory_space<vmem>> -> memref<1x128x64xbf16, #tpu.memory_space<vmem>>
          %dma_wait3A_213 = tpu.memref_squeeze %dma_wait3A_212 : memref<1x128x64xbf16, #tpu.memory_space<vmem>> -> memref<128x64xbf16, #tpu.memory_space<vmem>>
          tpu.wait_dma2 semaphore(%arg21 : memref<!tpu.dma_semaphore, #tpu.memory_space<semaphore_mem>>) src(%dma_wait3A_213 : memref<128x64xbf16, #tpu.memory_space<vmem>>) dst(%dma_wait3A_209 : memref<128x64xbf16, #tpu.memory_space<vmem_shared>>)
        } else {
        }
        %lt3A_67 = arith.constant 160 : i32
        %lt3A_68 = arith.cmpi slt, %add3A_61, %lt3A_67 : i32
        %convert_element_type3A_69 = arith.extui %lt3A_68 : i1 to i32
        %cond3A_70 = arith.constant 0 : i32
        %cond3A_71 = arith.cmpi ne, %convert_element_type3A_69, %cond3A_70 : i32
        scf.if %cond3A_71 {
          %dma_start3A = arith.constant 0 : i32
          %dma_start3A_200 = arith.constant 0 : i32
          %dma_start3A_201 = tpu.memref_slice %arg9[%cond3A_21, %dma_start3A, %dma_start3A_200] : memref<8x128x64xbf16, #tpu.memory_space<vmem>> -> memref<1x128x64xbf16, #tpu.memory_space<vmem>>
          %dma_start3A_202 = tpu.memref_squeeze %dma_start3A_201 : memref<1x128x64xbf16, #tpu.memory_space<vmem>> -> memref<128x64xbf16, #tpu.memory_space<vmem>>
          %dma_start3A_203 = arith.constant 0 : i32
          %dma_start3A_204 = tpu.memref_slice %arg7[%add3A_61, %dma_start3A_203] : memref<160x128xi32, #tpu.memory_space<vmem>> -> memref<1x128xi32, #tpu.memory_space<vmem>>
          %dma_start3A_205 = tpu.memref_squeeze %dma_start3A_204 : memref<1x128xi32, #tpu.memory_space<vmem>> -> memref<128xi32, #tpu.memory_space<vmem>>
          %dma_start3A_206 = arith.constant 0 : i32
          %dma_start3A_207 = arith.constant 0 : i32
          %dma_start3A_208 = tpu.memref_slice %arg3[%dma_start3A_206, %dma_start3A_207] : memref<10240x64xbf16, #tpu.memory_space<hbm>> -> memref<10240x64xbf16, #tpu.memory_space<hbm>>
          tpu.enqueue_indirect_dma source(%dma_start3A_208 : memref<10240x64xbf16, #tpu.memory_space<hbm>>) target(%dma_start3A_202 : memref<128x64xbf16, #tpu.memory_space<vmem>>) offsets(%dma_start3A_205 : memref<128xi32, #tpu.memory_space<vmem>>) semaphore(%arg13 : memref<!tpu.dma_semaphore, #tpu.memory_space<semaphore_mem>>)
        } else {
        }
        %ge3A_72 = arith.constant 4 : i32
        %ge3A_73 = arith.cmpi sge, %add3A_61, %ge3A_72 : i32
        %lt3A_74 = arith.constant 164 : i32
        %lt3A_75 = arith.cmpi slt, %add3A_61, %lt3A_74 : i32
        %and3A_76 = arith.andi %ge3A_73, %lt3A_75 : i1
        %convert_element_type3A_77 = arith.extui %and3A_76 : i1 to i32
        %cond3A_78 = arith.constant 0 : i32
        %cond3A_79 = arith.cmpi ne, %convert_element_type3A_77, %cond3A_78 : i32
        scf.if %cond3A_79 {
          %sub3A = arith.constant 4 : i32
          %sub3A_200 = arith.subi %add3A_61, %sub3A : i32
          %dma_wait3A = arith.constant 0 : i32
          %dma_wait3A_201 = arith.constant 0 : i32
          %dma_wait3A_202 = tpu.memref_slice %arg9[%cond3A_22, %dma_wait3A, %dma_wait3A_201] : memref<8x128x64xbf16, #tpu.memory_space<vmem>> -> memref<1x128x64xbf16, #tpu.memory_space<vmem>>
          %dma_wait3A_203 = tpu.memref_squeeze %dma_wait3A_202 : memref<1x128x64xbf16, #tpu.memory_space<vmem>> -> memref<128x64xbf16, #tpu.memory_space<vmem>>
          %dma_wait3A_204 = arith.constant 0 : i32
          %dma_wait3A_205 = arith.constant 0 : i32
          %dma_wait3A_206 = tpu.memref_slice %arg3[%dma_wait3A_204, %dma_wait3A_205] : memref<10240x64xbf16, #tpu.memory_space<hbm>> -> memref<128x64xbf16, #tpu.memory_space<hbm>>
          %dma_wait3A_207 = arith.constant 0 : i32
          %dma_wait3A_208 = arith.constant 0 : i32
          %dma_wait3A_209 = tpu.memref_slice %arg9[%cond3A_22, %dma_wait3A_207, %dma_wait3A_208] : memref<8x128x64xbf16, #tpu.memory_space<vmem>> -> memref<1x128x64xbf16, #tpu.memory_space<vmem>>
          %dma_wait3A_210 = tpu.memref_squeeze %dma_wait3A_209 : memref<1x128x64xbf16, #tpu.memory_space<vmem>> -> memref<128x64xbf16, #tpu.memory_space<vmem>>
          %dma_wait3A_211 = arith.constant 0 : i32
          %dma_wait3A_212 = arith.constant 0 : i32
          %dma_wait3A_213 = tpu.memref_slice %arg3[%dma_wait3A_211, %dma_wait3A_212] : memref<10240x64xbf16, #tpu.memory_space<hbm>> -> memref<128x64xbf16, #tpu.memory_space<hbm>>
          tpu.wait_dma2 semaphore(%arg17 : memref<!tpu.dma_semaphore, #tpu.memory_space<semaphore_mem>>) src(%dma_wait3A_213 : memref<128x64xbf16, #tpu.memory_space<hbm>>) dst(%dma_wait3A_210 : memref<128x64xbf16, #tpu.memory_space<vmem>>)
          %sub3A_214 = arith.constant 4 : i32
          %sub3A_215 = arith.subi %add3A_61, %sub3A_214 : i32
          %dma_start3A = arith.constant 0 : i32
          %dma_start3A_216 = arith.constant 0 : i32
          %dma_start3A_217 = tpu.memref_slice %arg9[%cond3A_22, %dma_start3A, %dma_start3A_216] : memref<8x128x64xbf16, #tpu.memory_space<vmem>> -> memref<1x128x64xbf16, #tpu.memory_space<vmem>>
          %dma_start3A_218 = tpu.memref_squeeze %dma_start3A_217 : memref<1x128x64xbf16, #tpu.memory_space<vmem>> -> memref<128x64xbf16, #tpu.memory_space<vmem>>
          %dma_start3A_219 = arith.constant 0 : i32
          %dma_start3A_220 = tpu.memref_slice %arg8[%sub3A_215, %dma_start3A_219] : memref<160x128xi32, #tpu.memory_space<vmem>> -> memref<1x128xi32, #tpu.memory_space<vmem>>
          %dma_start3A_221 = tpu.memref_squeeze %dma_start3A_220 : memref<1x128xi32, #tpu.memory_space<vmem>> -> memref<128xi32, #tpu.memory_space<vmem>>
          %dma_start3A_222 = arith.constant 0 : i32
          %dma_start3A_223 = arith.constant 0 : i32
          %dma_start3A_224 = tpu.memref_slice %arg11[%dma_start3A_222, %dma_start3A_223] : memref<10240x64xbf16, #tpu.memory_space<vmem_shared>> -> memref<10240x64xbf16, #tpu.memory_space<vmem_shared>>
          tpu.enqueue_indirect_dma source(%dma_start3A_218 : memref<128x64xbf16, #tpu.memory_space<vmem>>) target(%dma_start3A_224 : memref<10240x64xbf16, #tpu.memory_space<vmem_shared>>) offsets(%dma_start3A_221 : memref<128xi32, #tpu.memory_space<vmem>>) semaphore(%arg25 : memref<!tpu.dma_semaphore, #tpu.memory_space<semaphore_mem>>) {add = true}
        } else {
        }
        %add3A_80 = arith.constant 2 : i32
        %add3A_81 = arith.addi %add3A_42, %add3A_80 : i32
        %ge3A_82 = arith.constant 8 : i32
        %ge3A_83 = arith.cmpi sge, %add3A_81, %ge3A_82 : i32
        %convert_element_type3A_84 = arith.extui %ge3A_83 : i1 to i32
        %cond3A_85 = arith.constant 0 : i32
        %cond3A_86 = arith.cmpi ne, %convert_element_type3A_84, %cond3A_85 : i32
        scf.if %cond3A_86 {
          %sub3A = arith.constant 8 : i32
          %sub3A_200 = arith.subi %add3A_81, %sub3A : i32
          %dma_wait3A = arith.constant 0 : i32
          %dma_wait3A_201 = arith.constant 0 : i32
          %dma_wait3A_202 = tpu.memref_slice %arg9[%cond3A_23, %dma_wait3A, %dma_wait3A_201] : memref<8x128x64xbf16, #tpu.memory_space<vmem>> -> memref<1x128x64xbf16, #tpu.memory_space<vmem>>
          %dma_wait3A_203 = tpu.memref_squeeze %dma_wait3A_202 : memref<1x128x64xbf16, #tpu.memory_space<vmem>> -> memref<128x64xbf16, #tpu.memory_space<vmem>>
          %dma_wait3A_204 = arith.constant 0 : i32
          %dma_wait3A_205 = arith.constant 0 : i32
          %dma_wait3A_206 = tpu.memref_slice %arg11[%dma_wait3A_204, %dma_wait3A_205] : memref<10240x64xbf16, #tpu.memory_space<vmem_shared>> -> memref<128x64xbf16, #tpu.memory_space<vmem_shared>>
          %dma_wait3A_207 = arith.constant 0 : i32
          %dma_wait3A_208 = arith.constant 0 : i32
          %dma_wait3A_209 = tpu.memref_slice %arg11[%dma_wait3A_207, %dma_wait3A_208] : memref<10240x64xbf16, #tpu.memory_space<vmem_shared>> -> memref<128x64xbf16, #tpu.memory_space<vmem_shared>>
          %dma_wait3A_210 = arith.constant 0 : i32
          %dma_wait3A_211 = arith.constant 0 : i32
          %dma_wait3A_212 = tpu.memref_slice %arg9[%cond3A_23, %dma_wait3A_210, %dma_wait3A_211] : memref<8x128x64xbf16, #tpu.memory_space<vmem>> -> memref<1x128x64xbf16, #tpu.memory_space<vmem>>
          %dma_wait3A_213 = tpu.memref_squeeze %dma_wait3A_212 : memref<1x128x64xbf16, #tpu.memory_space<vmem>> -> memref<128x64xbf16, #tpu.memory_space<vmem>>
          tpu.wait_dma2 semaphore(%arg22 : memref<!tpu.dma_semaphore, #tpu.memory_space<semaphore_mem>>) src(%dma_wait3A_213 : memref<128x64xbf16, #tpu.memory_space<vmem>>) dst(%dma_wait3A_209 : memref<128x64xbf16, #tpu.memory_space<vmem_shared>>)
        } else {
        }
        %lt3A_87 = arith.constant 160 : i32
        %lt3A_88 = arith.cmpi slt, %add3A_81, %lt3A_87 : i32
        %convert_element_type3A_89 = arith.extui %lt3A_88 : i1 to i32
        %cond3A_90 = arith.constant 0 : i32
        %cond3A_91 = arith.cmpi ne, %convert_element_type3A_89, %cond3A_90 : i32
        scf.if %cond3A_91 {
          %dma_start3A = arith.constant 0 : i32
          %dma_start3A_200 = arith.constant 0 : i32
          %dma_start3A_201 = tpu.memref_slice %arg9[%cond3A_23, %dma_start3A, %dma_start3A_200] : memref<8x128x64xbf16, #tpu.memory_space<vmem>> -> memref<1x128x64xbf16, #tpu.memory_space<vmem>>
          %dma_start3A_202 = tpu.memref_squeeze %dma_start3A_201 : memref<1x128x64xbf16, #tpu.memory_space<vmem>> -> memref<128x64xbf16, #tpu.memory_space<vmem>>
          %dma_start3A_203 = arith.constant 0 : i32
          %dma_start3A_204 = tpu.memref_slice %arg7[%add3A_81, %dma_start3A_203] : memref<160x128xi32, #tpu.memory_space<vmem>> -> memref<1x128xi32, #tpu.memory_space<vmem>>
          %dma_start3A_205 = tpu.memref_squeeze %dma_start3A_204 : memref<1x128xi32, #tpu.memory_space<vmem>> -> memref<128xi32, #tpu.memory_space<vmem>>
          %dma_start3A_206 = arith.constant 0 : i32
          %dma_start3A_207 = arith.constant 0 : i32
          %dma_start3A_208 = tpu.memref_slice %arg3[%dma_start3A_206, %dma_start3A_207] : memref<10240x64xbf16, #tpu.memory_space<hbm>> -> memref<10240x64xbf16, #tpu.memory_space<hbm>>
          tpu.enqueue_indirect_dma source(%dma_start3A_208 : memref<10240x64xbf16, #tpu.memory_space<hbm>>) target(%dma_start3A_202 : memref<128x64xbf16, #tpu.memory_space<vmem>>) offsets(%dma_start3A_205 : memref<128xi32, #tpu.memory_space<vmem>>) semaphore(%arg14 : memref<!tpu.dma_semaphore, #tpu.memory_space<semaphore_mem>>)
        } else {
        }
        %ge3A_92 = arith.constant 4 : i32
        %ge3A_93 = arith.cmpi sge, %add3A_81, %ge3A_92 : i32
        %lt3A_94 = arith.constant 164 : i32
        %lt3A_95 = arith.cmpi slt, %add3A_81, %lt3A_94 : i32
        %and3A_96 = arith.andi %ge3A_93, %lt3A_95 : i1
        %convert_element_type3A_97 = arith.extui %and3A_96 : i1 to i32
        %cond3A_98 = arith.constant 0 : i32
        %cond3A_99 = arith.cmpi ne, %convert_element_type3A_97, %cond3A_98 : i32
        scf.if %cond3A_99 {
          %sub3A = arith.constant 4 : i32
          %sub3A_200 = arith.subi %add3A_81, %sub3A : i32
          %dma_wait3A = arith.constant 0 : i32
          %dma_wait3A_201 = arith.constant 0 : i32
          %dma_wait3A_202 = tpu.memref_slice %arg9[%cond3A_24, %dma_wait3A, %dma_wait3A_201] : memref<8x128x64xbf16, #tpu.memory_space<vmem>> -> memref<1x128x64xbf16, #tpu.memory_space<vmem>>
          %dma_wait3A_203 = tpu.memref_squeeze %dma_wait3A_202 : memref<1x128x64xbf16, #tpu.memory_space<vmem>> -> memref<128x64xbf16, #tpu.memory_space<vmem>>
          %dma_wait3A_204 = arith.constant 0 : i32
          %dma_wait3A_205 = arith.constant 0 : i32
          %dma_wait3A_206 = tpu.memref_slice %arg3[%dma_wait3A_204, %dma_wait3A_205] : memref<10240x64xbf16, #tpu.memory_space<hbm>> -> memref<128x64xbf16, #tpu.memory_space<hbm>>
          %dma_wait3A_207 = arith.constant 0 : i32
          %dma_wait3A_208 = arith.constant 0 : i32
          %dma_wait3A_209 = tpu.memref_slice %arg9[%cond3A_24, %dma_wait3A_207, %dma_wait3A_208] : memref<8x128x64xbf16, #tpu.memory_space<vmem>> -> memref<1x128x64xbf16, #tpu.memory_space<vmem>>
          %dma_wait3A_210 = tpu.memref_squeeze %dma_wait3A_209 : memref<1x128x64xbf16, #tpu.memory_space<vmem>> -> memref<128x64xbf16, #tpu.memory_space<vmem>>
          %dma_wait3A_211 = arith.constant 0 : i32
          %dma_wait3A_212 = arith.constant 0 : i32
          %dma_wait3A_213 = tpu.memref_slice %arg3[%dma_wait3A_211, %dma_wait3A_212] : memref<10240x64xbf16, #tpu.memory_space<hbm>> -> memref<128x64xbf16, #tpu.memory_space<hbm>>
          tpu.wait_dma2 semaphore(%arg18 : memref<!tpu.dma_semaphore, #tpu.memory_space<semaphore_mem>>) src(%dma_wait3A_213 : memref<128x64xbf16, #tpu.memory_space<hbm>>) dst(%dma_wait3A_210 : memref<128x64xbf16, #tpu.memory_space<vmem>>)
          %sub3A_214 = arith.constant 4 : i32
          %sub3A_215 = arith.subi %add3A_81, %sub3A_214 : i32
          %dma_start3A = arith.constant 0 : i32
          %dma_start3A_216 = arith.constant 0 : i32
          %dma_start3A_217 = tpu.memref_slice %arg9[%cond3A_24, %dma_start3A, %dma_start3A_216] : memref<8x128x64xbf16, #tpu.memory_space<vmem>> -> memref<1x128x64xbf16, #tpu.memory_space<vmem>>
          %dma_start3A_218 = tpu.memref_squeeze %dma_start3A_217 : memref<1x128x64xbf16, #tpu.memory_space<vmem>> -> memref<128x64xbf16, #tpu.memory_space<vmem>>
          %dma_start3A_219 = arith.constant 0 : i32
          %dma_start3A_220 = tpu.memref_slice %arg8[%sub3A_215, %dma_start3A_219] : memref<160x128xi32, #tpu.memory_space<vmem>> -> memref<1x128xi32, #tpu.memory_space<vmem>>
          %dma_start3A_221 = tpu.memref_squeeze %dma_start3A_220 : memref<1x128xi32, #tpu.memory_space<vmem>> -> memref<128xi32, #tpu.memory_space<vmem>>
          %dma_start3A_222 = arith.constant 0 : i32
          %dma_start3A_223 = arith.constant 0 : i32
          %dma_start3A_224 = tpu.memref_slice %arg11[%dma_start3A_222, %dma_start3A_223] : memref<10240x64xbf16, #tpu.memory_space<vmem_shared>> -> memref<10240x64xbf16, #tpu.memory_space<vmem_shared>>
          tpu.enqueue_indirect_dma source(%dma_start3A_218 : memref<128x64xbf16, #tpu.memory_space<vmem>>) target(%dma_start3A_224 : memref<10240x64xbf16, #tpu.memory_space<vmem_shared>>) offsets(%dma_start3A_221 : memref<128xi32, #tpu.memory_space<vmem>>) semaphore(%arg26 : memref<!tpu.dma_semaphore, #tpu.memory_space<semaphore_mem>>) {add = true}
        } else {
        }
        %add3A_100 = arith.constant 3 : i32
        %add3A_101 = arith.addi %add3A_42, %add3A_100 : i32
        %ge3A_102 = arith.constant 8 : i32
        %ge3A_103 = arith.cmpi sge, %add3A_101, %ge3A_102 : i32
        %convert_element_type3A_104 = arith.extui %ge3A_103 : i1 to i32
        %cond3A_105 = arith.constant 0 : i32
        %cond3A_106 = arith.cmpi ne, %convert_element_type3A_104, %cond3A_105 : i32
        scf.if %cond3A_106 {
          %sub3A = arith.constant 8 : i32
          %sub3A_200 = arith.subi %add3A_101, %sub3A : i32
          %dma_wait3A = arith.constant 0 : i32
          %dma_wait3A_201 = arith.constant 0 : i32
          %dma_wait3A_202 = tpu.memref_slice %arg9[%cond3A_25, %dma_wait3A, %dma_wait3A_201] : memref<8x128x64xbf16, #tpu.memory_space<vmem>> -> memref<1x128x64xbf16, #tpu.memory_space<vmem>>
          %dma_wait3A_203 = tpu.memref_squeeze %dma_wait3A_202 : memref<1x128x64xbf16, #tpu.memory_space<vmem>> -> memref<128x64xbf16, #tpu.memory_space<vmem>>
          %dma_wait3A_204 = arith.constant 0 : i32
          %dma_wait3A_205 = arith.constant 0 : i32
          %dma_wait3A_206 = tpu.memref_slice %arg11[%dma_wait3A_204, %dma_wait3A_205] : memref<10240x64xbf16, #tpu.memory_space<vmem_shared>> -> memref<128x64xbf16, #tpu.memory_space<vmem_shared>>
          %dma_wait3A_207 = arith.constant 0 : i32
          %dma_wait3A_208 = arith.constant 0 : i32
          %dma_wait3A_209 = tpu.memref_slice %arg11[%dma_wait3A_207, %dma_wait3A_208] : memref<10240x64xbf16, #tpu.memory_space<vmem_shared>> -> memref<128x64xbf16, #tpu.memory_space<vmem_shared>>
          %dma_wait3A_210 = arith.constant 0 : i32
          %dma_wait3A_211 = arith.constant 0 : i32
          %dma_wait3A_212 = tpu.memref_slice %arg9[%cond3A_25, %dma_wait3A_210, %dma_wait3A_211] : memref<8x128x64xbf16, #tpu.memory_space<vmem>> -> memref<1x128x64xbf16, #tpu.memory_space<vmem>>
          %dma_wait3A_213 = tpu.memref_squeeze %dma_wait3A_212 : memref<1x128x64xbf16, #tpu.memory_space<vmem>> -> memref<128x64xbf16, #tpu.memory_space<vmem>>
          tpu.wait_dma2 semaphore(%arg23 : memref<!tpu.dma_semaphore, #tpu.memory_space<semaphore_mem>>) src(%dma_wait3A_213 : memref<128x64xbf16, #tpu.memory_space<vmem>>) dst(%dma_wait3A_209 : memref<128x64xbf16, #tpu.memory_space<vmem_shared>>)
        } else {
        }
        %lt3A_107 = arith.constant 160 : i32
        %lt3A_108 = arith.cmpi slt, %add3A_101, %lt3A_107 : i32
        %convert_element_type3A_109 = arith.extui %lt3A_108 : i1 to i32
        %cond3A_110 = arith.constant 0 : i32
        %cond3A_111 = arith.cmpi ne, %convert_element_type3A_109, %cond3A_110 : i32
        scf.if %cond3A_111 {
          %dma_start3A = arith.constant 0 : i32
          %dma_start3A_200 = arith.constant 0 : i32
          %dma_start3A_201 = tpu.memref_slice %arg9[%cond3A_25, %dma_start3A, %dma_start3A_200] : memref<8x128x64xbf16, #tpu.memory_space<vmem>> -> memref<1x128x64xbf16, #tpu.memory_space<vmem>>
          %dma_start3A_202 = tpu.memref_squeeze %dma_start3A_201 : memref<1x128x64xbf16, #tpu.memory_space<vmem>> -> memref<128x64xbf16, #tpu.memory_space<vmem>>
          %dma_start3A_203 = arith.constant 0 : i32
          %dma_start3A_204 = tpu.memref_slice %arg7[%add3A_101, %dma_start3A_203] : memref<160x128xi32, #tpu.memory_space<vmem>> -> memref<1x128xi32, #tpu.memory_space<vmem>>
          %dma_start3A_205 = tpu.memref_squeeze %dma_start3A_204 : memref<1x128xi32, #tpu.memory_space<vmem>> -> memref<128xi32, #tpu.memory_space<vmem>>
          %dma_start3A_206 = arith.constant 0 : i32
          %dma_start3A_207 = arith.constant 0 : i32
          %dma_start3A_208 = tpu.memref_slice %arg3[%dma_start3A_206, %dma_start3A_207] : memref<10240x64xbf16, #tpu.memory_space<hbm>> -> memref<10240x64xbf16, #tpu.memory_space<hbm>>
          tpu.enqueue_indirect_dma source(%dma_start3A_208 : memref<10240x64xbf16, #tpu.memory_space<hbm>>) target(%dma_start3A_202 : memref<128x64xbf16, #tpu.memory_space<vmem>>) offsets(%dma_start3A_205 : memref<128xi32, #tpu.memory_space<vmem>>) semaphore(%arg15 : memref<!tpu.dma_semaphore, #tpu.memory_space<semaphore_mem>>)
        } else {
        }
        %ge3A_112 = arith.constant 4 : i32
        %ge3A_113 = arith.cmpi sge, %add3A_101, %ge3A_112 : i32
        %lt3A_114 = arith.constant 164 : i32
        %lt3A_115 = arith.cmpi slt, %add3A_101, %lt3A_114 : i32
        %and3A_116 = arith.andi %ge3A_113, %lt3A_115 : i1
        %convert_element_type3A_117 = arith.extui %and3A_116 : i1 to i32
        %cond3A_118 = arith.constant 0 : i32
        %cond3A_119 = arith.cmpi ne, %convert_element_type3A_117, %cond3A_118 : i32
        scf.if %cond3A_119 {
          %sub3A = arith.constant 4 : i32
          %sub3A_200 = arith.subi %add3A_101, %sub3A : i32
          %dma_wait3A = arith.constant 0 : i32
          %dma_wait3A_201 = arith.constant 0 : i32
          %dma_wait3A_202 = tpu.memref_slice %arg9[%cond3A_26, %dma_wait3A, %dma_wait3A_201] : memref<8x128x64xbf16, #tpu.memory_space<vmem>> -> memref<1x128x64xbf16, #tpu.memory_space<vmem>>
          %dma_wait3A_203 = tpu.memref_squeeze %dma_wait3A_202 : memref<1x128x64xbf16, #tpu.memory_space<vmem>> -> memref<128x64xbf16, #tpu.memory_space<vmem>>
          %dma_wait3A_204 = arith.constant 0 : i32
          %dma_wait3A_205 = arith.constant 0 : i32
          %dma_wait3A_206 = tpu.memref_slice %arg3[%dma_wait3A_204, %dma_wait3A_205] : memref<10240x64xbf16, #tpu.memory_space<hbm>> -> memref<128x64xbf16, #tpu.memory_space<hbm>>
          %dma_wait3A_207 = arith.constant 0 : i32
          %dma_wait3A_208 = arith.constant 0 : i32
          %dma_wait3A_209 = tpu.memref_slice %arg9[%cond3A_26, %dma_wait3A_207, %dma_wait3A_208] : memref<8x128x64xbf16, #tpu.memory_space<vmem>> -> memref<1x128x64xbf16, #tpu.memory_space<vmem>>
          %dma_wait3A_210 = tpu.memref_squeeze %dma_wait3A_209 : memref<1x128x64xbf16, #tpu.memory_space<vmem>> -> memref<128x64xbf16, #tpu.memory_space<vmem>>
          %dma_wait3A_211 = arith.constant 0 : i32
          %dma_wait3A_212 = arith.constant 0 : i32
          %dma_wait3A_213 = tpu.memref_slice %arg3[%dma_wait3A_211, %dma_wait3A_212] : memref<10240x64xbf16, #tpu.memory_space<hbm>> -> memref<128x64xbf16, #tpu.memory_space<hbm>>
          tpu.wait_dma2 semaphore(%arg19 : memref<!tpu.dma_semaphore, #tpu.memory_space<semaphore_mem>>) src(%dma_wait3A_213 : memref<128x64xbf16, #tpu.memory_space<hbm>>) dst(%dma_wait3A_210 : memref<128x64xbf16, #tpu.memory_space<vmem>>)
          %sub3A_214 = arith.constant 4 : i32
          %sub3A_215 = arith.subi %add3A_101, %sub3A_214 : i32
          %dma_start3A = arith.constant 0 : i32
          %dma_start3A_216 = arith.constant 0 : i32
          %dma_start3A_217 = tpu.memref_slice %arg9[%cond3A_26, %dma_start3A, %dma_start3A_216] : memref<8x128x64xbf16, #tpu.memory_space<vmem>> -> memref<1x128x64xbf16, #tpu.memory_space<vmem>>
          %dma_start3A_218 = tpu.memref_squeeze %dma_start3A_217 : memref<1x128x64xbf16, #tpu.memory_space<vmem>> -> memref<128x64xbf16, #tpu.memory_space<vmem>>
          %dma_start3A_219 = arith.constant 0 : i32
          %dma_start3A_220 = tpu.memref_slice %arg8[%sub3A_215, %dma_start3A_219] : memref<160x128xi32, #tpu.memory_space<vmem>> -> memref<1x128xi32, #tpu.memory_space<vmem>>
          %dma_start3A_221 = tpu.memref_squeeze %dma_start3A_220 : memref<1x128xi32, #tpu.memory_space<vmem>> -> memref<128xi32, #tpu.memory_space<vmem>>
          %dma_start3A_222 = arith.constant 0 : i32
          %dma_start3A_223 = arith.constant 0 : i32
          %dma_start3A_224 = tpu.memref_slice %arg11[%dma_start3A_222, %dma_start3A_223] : memref<10240x64xbf16, #tpu.memory_space<vmem_shared>> -> memref<10240x64xbf16, #tpu.memory_space<vmem_shared>>
          tpu.enqueue_indirect_dma source(%dma_start3A_218 : memref<128x64xbf16, #tpu.memory_space<vmem>>) target(%dma_start3A_224 : memref<10240x64xbf16, #tpu.memory_space<vmem_shared>>) offsets(%dma_start3A_221 : memref<128xi32, #tpu.memory_space<vmem>>) semaphore(%arg27 : memref<!tpu.dma_semaphore, #tpu.memory_space<semaphore_mem>>) {add = true}
        } else {
        }
        %add3A_120 = arith.constant 4 : i32
        %add3A_121 = arith.addi %add3A_42, %add3A_120 : i32
        %ge3A_122 = arith.constant 8 : i32
        %ge3A_123 = arith.cmpi sge, %add3A_121, %ge3A_122 : i32
        %convert_element_type3A_124 = arith.extui %ge3A_123 : i1 to i32
        %cond3A_125 = arith.constant 0 : i32
        %cond3A_126 = arith.cmpi ne, %convert_element_type3A_124, %cond3A_125 : i32
        scf.if %cond3A_126 {
          %sub3A = arith.constant 8 : i32
          %sub3A_200 = arith.subi %add3A_121, %sub3A : i32
          %dma_wait3A = arith.constant 0 : i32
          %dma_wait3A_201 = arith.constant 0 : i32
          %dma_wait3A_202 = tpu.memref_slice %arg9[%cond3A_20, %dma_wait3A, %dma_wait3A_201] : memref<8x128x64xbf16, #tpu.memory_space<vmem>> -> memref<1x128x64xbf16, #tpu.memory_space<vmem>>
          %dma_wait3A_203 = tpu.memref_squeeze %dma_wait3A_202 : memref<1x128x64xbf16, #tpu.memory_space<vmem>> -> memref<128x64xbf16, #tpu.memory_space<vmem>>
          %dma_wait3A_204 = arith.constant 0 : i32
          %dma_wait3A_205 = arith.constant 0 : i32
          %dma_wait3A_206 = tpu.memref_slice %arg11[%dma_wait3A_204, %dma_wait3A_205] : memref<10240x64xbf16, #tpu.memory_space<vmem_shared>> -> memref<128x64xbf16, #tpu.memory_space<vmem_shared>>
          %dma_wait3A_207 = arith.constant 0 : i32
          %dma_wait3A_208 = arith.constant 0 : i32
          %dma_wait3A_209 = tpu.memref_slice %arg11[%dma_wait3A_207, %dma_wait3A_208] : memref<10240x64xbf16, #tpu.memory_space<vmem_shared>> -> memref<128x64xbf16, #tpu.memory_space<vmem_shared>>
          %dma_wait3A_210 = arith.constant 0 : i32
          %dma_wait3A_211 = arith.constant 0 : i32
          %dma_wait3A_212 = tpu.memref_slice %arg9[%cond3A_20, %dma_wait3A_210, %dma_wait3A_211] : memref<8x128x64xbf16, #tpu.memory_space<vmem>> -> memref<1x128x64xbf16, #tpu.memory_space<vmem>>
          %dma_wait3A_213 = tpu.memref_squeeze %dma_wait3A_212 : memref<1x128x64xbf16, #tpu.memory_space<vmem>> -> memref<128x64xbf16, #tpu.memory_space<vmem>>
          tpu.wait_dma2 semaphore(%arg24 : memref<!tpu.dma_semaphore, #tpu.memory_space<semaphore_mem>>) src(%dma_wait3A_213 : memref<128x64xbf16, #tpu.memory_space<vmem>>) dst(%dma_wait3A_209 : memref<128x64xbf16, #tpu.memory_space<vmem_shared>>)
        } else {
        }
        %lt3A_127 = arith.constant 160 : i32
        %lt3A_128 = arith.cmpi slt, %add3A_121, %lt3A_127 : i32
        %convert_element_type3A_129 = arith.extui %lt3A_128 : i1 to i32
        %cond3A_130 = arith.constant 0 : i32
        %cond3A_131 = arith.cmpi ne, %convert_element_type3A_129, %cond3A_130 : i32
        scf.if %cond3A_131 {
          %dma_start3A = arith.constant 0 : i32
          %dma_start3A_200 = arith.constant 0 : i32
          %dma_start3A_201 = tpu.memref_slice %arg9[%cond3A_20, %dma_start3A, %dma_start3A_200] : memref<8x128x64xbf16, #tpu.memory_space<vmem>> -> memref<1x128x64xbf16, #tpu.memory_space<vmem>>
          %dma_start3A_202 = tpu.memref_squeeze %dma_start3A_201 : memref<1x128x64xbf16, #tpu.memory_space<vmem>> -> memref<128x64xbf16, #tpu.memory_space<vmem>>
          %dma_start3A_203 = arith.constant 0 : i32
          %dma_start3A_204 = tpu.memref_slice %arg7[%add3A_121, %dma_start3A_203] : memref<160x128xi32, #tpu.memory_space<vmem>> -> memref<1x128xi32, #tpu.memory_space<vmem>>
          %dma_start3A_205 = tpu.memref_squeeze %dma_start3A_204 : memref<1x128xi32, #tpu.memory_space<vmem>> -> memref<128xi32, #tpu.memory_space<vmem>>
          %dma_start3A_206 = arith.constant 0 : i32
          %dma_start3A_207 = arith.constant 0 : i32
          %dma_start3A_208 = tpu.memref_slice %arg3[%dma_start3A_206, %dma_start3A_207] : memref<10240x64xbf16, #tpu.memory_space<hbm>> -> memref<10240x64xbf16, #tpu.memory_space<hbm>>
          tpu.enqueue_indirect_dma source(%dma_start3A_208 : memref<10240x64xbf16, #tpu.memory_space<hbm>>) target(%dma_start3A_202 : memref<128x64xbf16, #tpu.memory_space<vmem>>) offsets(%dma_start3A_205 : memref<128xi32, #tpu.memory_space<vmem>>) semaphore(%arg16 : memref<!tpu.dma_semaphore, #tpu.memory_space<semaphore_mem>>)
        } else {
        }
        %ge3A_132 = arith.constant 4 : i32
        %ge3A_133 = arith.cmpi sge, %add3A_121, %ge3A_132 : i32
        %lt3A_134 = arith.constant 164 : i32
        %lt3A_135 = arith.cmpi slt, %add3A_121, %lt3A_134 : i32
        %and3A_136 = arith.andi %ge3A_133, %lt3A_135 : i1
        %convert_element_type3A_137 = arith.extui %and3A_136 : i1 to i32
        %cond3A_138 = arith.constant 0 : i32
        %cond3A_139 = arith.cmpi ne, %convert_element_type3A_137, %cond3A_138 : i32
        scf.if %cond3A_139 {
          %sub3A = arith.constant 4 : i32
          %sub3A_200 = arith.subi %add3A_121, %sub3A : i32
          %dma_wait3A = arith.constant 0 : i32
          %dma_wait3A_201 = arith.constant 0 : i32
          %dma_wait3A_202 = tpu.memref_slice %arg9[%cond3A_19, %dma_wait3A, %dma_wait3A_201] : memref<8x128x64xbf16, #tpu.memory_space<vmem>> -> memref<1x128x64xbf16, #tpu.memory_space<vmem>>
          %dma_wait3A_203 = tpu.memref_squeeze %dma_wait3A_202 : memref<1x128x64xbf16, #tpu.memory_space<vmem>> -> memref<128x64xbf16, #tpu.memory_space<vmem>>
          %dma_wait3A_204 = arith.constant 0 : i32
          %dma_wait3A_205 = arith.constant 0 : i32
          %dma_wait3A_206 = tpu.memref_slice %arg3[%dma_wait3A_204, %dma_wait3A_205] : memref<10240x64xbf16, #tpu.memory_space<hbm>> -> memref<128x64xbf16, #tpu.memory_space<hbm>>
          %dma_wait3A_207 = arith.constant 0 : i32
          %dma_wait3A_208 = arith.constant 0 : i32
          %dma_wait3A_209 = tpu.memref_slice %arg9[%cond3A_19, %dma_wait3A_207, %dma_wait3A_208] : memref<8x128x64xbf16, #tpu.memory_space<vmem>> -> memref<1x128x64xbf16, #tpu.memory_space<vmem>>
          %dma_wait3A_210 = tpu.memref_squeeze %dma_wait3A_209 : memref<1x128x64xbf16, #tpu.memory_space<vmem>> -> memref<128x64xbf16, #tpu.memory_space<vmem>>
          %dma_wait3A_211 = arith.constant 0 : i32
          %dma_wait3A_212 = arith.constant 0 : i32
          %dma_wait3A_213 = tpu.memref_slice %arg3[%dma_wait3A_211, %dma_wait3A_212] : memref<10240x64xbf16, #tpu.memory_space<hbm>> -> memref<128x64xbf16, #tpu.memory_space<hbm>>
          tpu.wait_dma2 semaphore(%arg12 : memref<!tpu.dma_semaphore, #tpu.memory_space<semaphore_mem>>) src(%dma_wait3A_213 : memref<128x64xbf16, #tpu.memory_space<hbm>>) dst(%dma_wait3A_210 : memref<128x64xbf16, #tpu.memory_space<vmem>>)
          %sub3A_214 = arith.constant 4 : i32
          %sub3A_215 = arith.subi %add3A_121, %sub3A_214 : i32
          %dma_start3A = arith.constant 0 : i32
          %dma_start3A_216 = arith.constant 0 : i32
          %dma_start3A_217 = tpu.memref_slice %arg9[%cond3A_19, %dma_start3A, %dma_start3A_216] : memref<8x128x64xbf16, #tpu.memory_space<vmem>> -> memref<1x128x64xbf16, #tpu.memory_space<vmem>>
          %dma_start3A_218 = tpu.memref_squeeze %dma_start3A_217 : memref<1x128x64xbf16, #tpu.memory_space<vmem>> -> memref<128x64xbf16, #tpu.memory_space<vmem>>
          %dma_start3A_219 = arith.constant 0 : i32
          %dma_start3A_220 = tpu.memref_slice %arg8[%sub3A_215, %dma_start3A_219] : memref<160x128xi32, #tpu.memory_space<vmem>> -> memref<1x128xi32, #tpu.memory_space<vmem>>
          %dma_start3A_221 = tpu.memref_squeeze %dma_start3A_220 : memref<1x128xi32, #tpu.memory_space<vmem>> -> memref<128xi32, #tpu.memory_space<vmem>>
          %dma_start3A_222 = arith.constant 0 : i32
          %dma_start3A_223 = arith.constant 0 : i32
          %dma_start3A_224 = tpu.memref_slice %arg11[%dma_start3A_222, %dma_start3A_223] : memref<10240x64xbf16, #tpu.memory_space<vmem_shared>> -> memref<10240x64xbf16, #tpu.memory_space<vmem_shared>>
          tpu.enqueue_indirect_dma source(%dma_start3A_218 : memref<128x64xbf16, #tpu.memory_space<vmem>>) target(%dma_start3A_224 : memref<10240x64xbf16, #tpu.memory_space<vmem_shared>>) offsets(%dma_start3A_221 : memref<128xi32, #tpu.memory_space<vmem>>) semaphore(%arg20 : memref<!tpu.dma_semaphore, #tpu.memory_space<semaphore_mem>>) {add = true}
        } else {
        }
        %add3A_140 = arith.constant 5 : i32
        %add3A_141 = arith.addi %add3A_42, %add3A_140 : i32
        %ge3A_142 = arith.constant 8 : i32
        %ge3A_143 = arith.cmpi sge, %add3A_141, %ge3A_142 : i32
        %convert_element_type3A_144 = arith.extui %ge3A_143 : i1 to i32
        %cond3A_145 = arith.constant 0 : i32
        %cond3A_146 = arith.cmpi ne, %convert_element_type3A_144, %cond3A_145 : i32
        scf.if %cond3A_146 {
          %sub3A = arith.constant 8 : i32
          %sub3A_200 = arith.subi %add3A_141, %sub3A : i32
          %dma_wait3A = arith.constant 0 : i32
          %dma_wait3A_201 = arith.constant 0 : i32
          %dma_wait3A_202 = tpu.memref_slice %arg9[%cond3A_22, %dma_wait3A, %dma_wait3A_201] : memref<8x128x64xbf16, #tpu.memory_space<vmem>> -> memref<1x128x64xbf16, #tpu.memory_space<vmem>>
          %dma_wait3A_203 = tpu.memref_squeeze %dma_wait3A_202 : memref<1x128x64xbf16, #tpu.memory_space<vmem>> -> memref<128x64xbf16, #tpu.memory_space<vmem>>
          %dma_wait3A_204 = arith.constant 0 : i32
          %dma_wait3A_205 = arith.constant 0 : i32
          %dma_wait3A_206 = tpu.memref_slice %arg11[%dma_wait3A_204, %dma_wait3A_205] : memref<10240x64xbf16, #tpu.memory_space<vmem_shared>> -> memref<128x64xbf16, #tpu.memory_space<vmem_shared>>
          %dma_wait3A_207 = arith.constant 0 : i32
          %dma_wait3A_208 = arith.constant 0 : i32
          %dma_wait3A_209 = tpu.memref_slice %arg11[%dma_wait3A_207, %dma_wait3A_208] : memref<10240x64xbf16, #tpu.memory_space<vmem_shared>> -> memref<128x64xbf16, #tpu.memory_space<vmem_shared>>
          %dma_wait3A_210 = arith.constant 0 : i32
          %dma_wait3A_211 = arith.constant 0 : i32
          %dma_wait3A_212 = tpu.memref_slice %arg9[%cond3A_22, %dma_wait3A_210, %dma_wait3A_211] : memref<8x128x64xbf16, #tpu.memory_space<vmem>> -> memref<1x128x64xbf16, #tpu.memory_space<vmem>>
          %dma_wait3A_213 = tpu.memref_squeeze %dma_wait3A_212 : memref<1x128x64xbf16, #tpu.memory_space<vmem>> -> memref<128x64xbf16, #tpu.memory_space<vmem>>
          tpu.wait_dma2 semaphore(%arg25 : memref<!tpu.dma_semaphore, #tpu.memory_space<semaphore_mem>>) src(%dma_wait3A_213 : memref<128x64xbf16, #tpu.memory_space<vmem>>) dst(%dma_wait3A_209 : memref<128x64xbf16, #tpu.memory_space<vmem_shared>>)
        } else {
        }
        %lt3A_147 = arith.constant 160 : i32
        %lt3A_148 = arith.cmpi slt, %add3A_141, %lt3A_147 : i32
        %convert_element_type3A_149 = arith.extui %lt3A_148 : i1 to i32
        %cond3A_150 = arith.constant 0 : i32
        %cond3A_151 = arith.cmpi ne, %convert_element_type3A_149, %cond3A_150 : i32
        scf.if %cond3A_151 {
          %dma_start3A = arith.constant 0 : i32
          %dma_start3A_200 = arith.constant 0 : i32
          %dma_start3A_201 = tpu.memref_slice %arg9[%cond3A_22, %dma_start3A, %dma_start3A_200] : memref<8x128x64xbf16, #tpu.memory_space<vmem>> -> memref<1x128x64xbf16, #tpu.memory_space<vmem>>
          %dma_start3A_202 = tpu.memref_squeeze %dma_start3A_201 : memref<1x128x64xbf16, #tpu.memory_space<vmem>> -> memref<128x64xbf16, #tpu.memory_space<vmem>>
          %dma_start3A_203 = arith.constant 0 : i32
          %dma_start3A_204 = tpu.memref_slice %arg7[%add3A_141, %dma_start3A_203] : memref<160x128xi32, #tpu.memory_space<vmem>> -> memref<1x128xi32, #tpu.memory_space<vmem>>
          %dma_start3A_205 = tpu.memref_squeeze %dma_start3A_204 : memref<1x128xi32, #tpu.memory_space<vmem>> -> memref<128xi32, #tpu.memory_space<vmem>>
          %dma_start3A_206 = arith.constant 0 : i32
          %dma_start3A_207 = arith.constant 0 : i32
          %dma_start3A_208 = tpu.memref_slice %arg3[%dma_start3A_206, %dma_start3A_207] : memref<10240x64xbf16, #tpu.memory_space<hbm>> -> memref<10240x64xbf16, #tpu.memory_space<hbm>>
          tpu.enqueue_indirect_dma source(%dma_start3A_208 : memref<10240x64xbf16, #tpu.memory_space<hbm>>) target(%dma_start3A_202 : memref<128x64xbf16, #tpu.memory_space<vmem>>) offsets(%dma_start3A_205 : memref<128xi32, #tpu.memory_space<vmem>>) semaphore(%arg17 : memref<!tpu.dma_semaphore, #tpu.memory_space<semaphore_mem>>)
        } else {
        }
        %ge3A_152 = arith.constant 4 : i32
        %ge3A_153 = arith.cmpi sge, %add3A_141, %ge3A_152 : i32
        %lt3A_154 = arith.constant 164 : i32
        %lt3A_155 = arith.cmpi slt, %add3A_141, %lt3A_154 : i32
        %and3A_156 = arith.andi %ge3A_153, %lt3A_155 : i1
        %convert_element_type3A_157 = arith.extui %and3A_156 : i1 to i32
        %cond3A_158 = arith.constant 0 : i32
        %cond3A_159 = arith.cmpi ne, %convert_element_type3A_157, %cond3A_158 : i32
        scf.if %cond3A_159 {
          %sub3A = arith.constant 4 : i32
          %sub3A_200 = arith.subi %add3A_141, %sub3A : i32
          %dma_wait3A = arith.constant 0 : i32
          %dma_wait3A_201 = arith.constant 0 : i32
          %dma_wait3A_202 = tpu.memref_slice %arg9[%cond3A_21, %dma_wait3A, %dma_wait3A_201] : memref<8x128x64xbf16, #tpu.memory_space<vmem>> -> memref<1x128x64xbf16, #tpu.memory_space<vmem>>
          %dma_wait3A_203 = tpu.memref_squeeze %dma_wait3A_202 : memref<1x128x64xbf16, #tpu.memory_space<vmem>> -> memref<128x64xbf16, #tpu.memory_space<vmem>>
          %dma_wait3A_204 = arith.constant 0 : i32
          %dma_wait3A_205 = arith.constant 0 : i32
          %dma_wait3A_206 = tpu.memref_slice %arg3[%dma_wait3A_204, %dma_wait3A_205] : memref<10240x64xbf16, #tpu.memory_space<hbm>> -> memref<128x64xbf16, #tpu.memory_space<hbm>>
          %dma_wait3A_207 = arith.constant 0 : i32
          %dma_wait3A_208 = arith.constant 0 : i32
          %dma_wait3A_209 = tpu.memref_slice %arg9[%cond3A_21, %dma_wait3A_207, %dma_wait3A_208] : memref<8x128x64xbf16, #tpu.memory_space<vmem>> -> memref<1x128x64xbf16, #tpu.memory_space<vmem>>
          %dma_wait3A_210 = tpu.memref_squeeze %dma_wait3A_209 : memref<1x128x64xbf16, #tpu.memory_space<vmem>> -> memref<128x64xbf16, #tpu.memory_space<vmem>>
          %dma_wait3A_211 = arith.constant 0 : i32
          %dma_wait3A_212 = arith.constant 0 : i32
          %dma_wait3A_213 = tpu.memref_slice %arg3[%dma_wait3A_211, %dma_wait3A_212] : memref<10240x64xbf16, #tpu.memory_space<hbm>> -> memref<128x64xbf16, #tpu.memory_space<hbm>>
          tpu.wait_dma2 semaphore(%arg13 : memref<!tpu.dma_semaphore, #tpu.memory_space<semaphore_mem>>) src(%dma_wait3A_213 : memref<128x64xbf16, #tpu.memory_space<hbm>>) dst(%dma_wait3A_210 : memref<128x64xbf16, #tpu.memory_space<vmem>>)
          %sub3A_214 = arith.constant 4 : i32
          %sub3A_215 = arith.subi %add3A_141, %sub3A_214 : i32
          %dma_start3A = arith.constant 0 : i32
          %dma_start3A_216 = arith.constant 0 : i32
          %dma_start3A_217 = tpu.memref_slice %arg9[%cond3A_21, %dma_start3A, %dma_start3A_216] : memref<8x128x64xbf16, #tpu.memory_space<vmem>> -> memref<1x128x64xbf16, #tpu.memory_space<vmem>>
          %dma_start3A_218 = tpu.memref_squeeze %dma_start3A_217 : memref<1x128x64xbf16, #tpu.memory_space<vmem>> -> memref<128x64xbf16, #tpu.memory_space<vmem>>
          %dma_start3A_219 = arith.constant 0 : i32
          %dma_start3A_220 = tpu.memref_slice %arg8[%sub3A_215, %dma_start3A_219] : memref<160x128xi32, #tpu.memory_space<vmem>> -> memref<1x128xi32, #tpu.memory_space<vmem>>
          %dma_start3A_221 = tpu.memref_squeeze %dma_start3A_220 : memref<1x128xi32, #tpu.memory_space<vmem>> -> memref<128xi32, #tpu.memory_space<vmem>>
          %dma_start3A_222 = arith.constant 0 : i32
          %dma_start3A_223 = arith.constant 0 : i32
          %dma_start3A_224 = tpu.memref_slice %arg11[%dma_start3A_222, %dma_start3A_223] : memref<10240x64xbf16, #tpu.memory_space<vmem_shared>> -> memref<10240x64xbf16, #tpu.memory_space<vmem_shared>>
          tpu.enqueue_indirect_dma source(%dma_start3A_218 : memref<128x64xbf16, #tpu.memory_space<vmem>>) target(%dma_start3A_224 : memref<10240x64xbf16, #tpu.memory_space<vmem_shared>>) offsets(%dma_start3A_221 : memref<128xi32, #tpu.memory_space<vmem>>) semaphore(%arg21 : memref<!tpu.dma_semaphore, #tpu.memory_space<semaphore_mem>>) {add = true}
        } else {
        }
        %add3A_160 = arith.constant 6 : i32
        %add3A_161 = arith.addi %add3A_42, %add3A_160 : i32
        %ge3A_162 = arith.constant 8 : i32
        %ge3A_163 = arith.cmpi sge, %add3A_161, %ge3A_162 : i32
        %convert_element_type3A_164 = arith.extui %ge3A_163 : i1 to i32
        %cond3A_165 = arith.constant 0 : i32
        %cond3A_166 = arith.cmpi ne, %convert_element_type3A_164, %cond3A_165 : i32
        scf.if %cond3A_166 {
          %sub3A = arith.constant 8 : i32
          %sub3A_200 = arith.subi %add3A_161, %sub3A : i32
          %dma_wait3A = arith.constant 0 : i32
          %dma_wait3A_201 = arith.constant 0 : i32
          %dma_wait3A_202 = tpu.memref_slice %arg9[%cond3A_24, %dma_wait3A, %dma_wait3A_201] : memref<8x128x64xbf16, #tpu.memory_space<vmem>> -> memref<1x128x64xbf16, #tpu.memory_space<vmem>>
          %dma_wait3A_203 = tpu.memref_squeeze %dma_wait3A_202 : memref<1x128x64xbf16, #tpu.memory_space<vmem>> -> memref<128x64xbf16, #tpu.memory_space<vmem>>
          %dma_wait3A_204 = arith.constant 0 : i32
          %dma_wait3A_205 = arith.constant 0 : i32
          %dma_wait3A_206 = tpu.memref_slice %arg11[%dma_wait3A_204, %dma_wait3A_205] : memref<10240x64xbf16, #tpu.memory_space<vmem_shared>> -> memref<128x64xbf16, #tpu.memory_space<vmem_shared>>
          %dma_wait3A_207 = arith.constant 0 : i32
          %dma_wait3A_208 = arith.constant 0 : i32
          %dma_wait3A_209 = tpu.memref_slice %arg11[%dma_wait3A_207, %dma_wait3A_208] : memref<10240x64xbf16, #tpu.memory_space<vmem_shared>> -> memref<128x64xbf16, #tpu.memory_space<vmem_shared>>
          %dma_wait3A_210 = arith.constant 0 : i32
          %dma_wait3A_211 = arith.constant 0 : i32
          %dma_wait3A_212 = tpu.memref_slice %arg9[%cond3A_24, %dma_wait3A_210, %dma_wait3A_211] : memref<8x128x64xbf16, #tpu.memory_space<vmem>> -> memref<1x128x64xbf16, #tpu.memory_space<vmem>>
          %dma_wait3A_213 = tpu.memref_squeeze %dma_wait3A_212 : memref<1x128x64xbf16, #tpu.memory_space<vmem>> -> memref<128x64xbf16, #tpu.memory_space<vmem>>
          tpu.wait_dma2 semaphore(%arg26 : memref<!tpu.dma_semaphore, #tpu.memory_space<semaphore_mem>>) src(%dma_wait3A_213 : memref<128x64xbf16, #tpu.memory_space<vmem>>) dst(%dma_wait3A_209 : memref<128x64xbf16, #tpu.memory_space<vmem_shared>>)
        } else {
        }
        %lt3A_167 = arith.constant 160 : i32
        %lt3A_168 = arith.cmpi slt, %add3A_161, %lt3A_167 : i32
        %convert_element_type3A_169 = arith.extui %lt3A_168 : i1 to i32
        %cond3A_170 = arith.constant 0 : i32
        %cond3A_171 = arith.cmpi ne, %convert_element_type3A_169, %cond3A_170 : i32
        scf.if %cond3A_171 {
          %dma_start3A = arith.constant 0 : i32
          %dma_start3A_200 = arith.constant 0 : i32
          %dma_start3A_201 = tpu.memref_slice %arg9[%cond3A_24, %dma_start3A, %dma_start3A_200] : memref<8x128x64xbf16, #tpu.memory_space<vmem>> -> memref<1x128x64xbf16, #tpu.memory_space<vmem>>
          %dma_start3A_202 = tpu.memref_squeeze %dma_start3A_201 : memref<1x128x64xbf16, #tpu.memory_space<vmem>> -> memref<128x64xbf16, #tpu.memory_space<vmem>>
          %dma_start3A_203 = arith.constant 0 : i32
          %dma_start3A_204 = tpu.memref_slice %arg7[%add3A_161, %dma_start3A_203] : memref<160x128xi32, #tpu.memory_space<vmem>> -> memref<1x128xi32, #tpu.memory_space<vmem>>
          %dma_start3A_205 = tpu.memref_squeeze %dma_start3A_204 : memref<1x128xi32, #tpu.memory_space<vmem>> -> memref<128xi32, #tpu.memory_space<vmem>>
          %dma_start3A_206 = arith.constant 0 : i32
          %dma_start3A_207 = arith.constant 0 : i32
          %dma_start3A_208 = tpu.memref_slice %arg3[%dma_start3A_206, %dma_start3A_207] : memref<10240x64xbf16, #tpu.memory_space<hbm>> -> memref<10240x64xbf16, #tpu.memory_space<hbm>>
          tpu.enqueue_indirect_dma source(%dma_start3A_208 : memref<10240x64xbf16, #tpu.memory_space<hbm>>) target(%dma_start3A_202 : memref<128x64xbf16, #tpu.memory_space<vmem>>) offsets(%dma_start3A_205 : memref<128xi32, #tpu.memory_space<vmem>>) semaphore(%arg18 : memref<!tpu.dma_semaphore, #tpu.memory_space<semaphore_mem>>)
        } else {
        }
        %ge3A_172 = arith.constant 4 : i32
        %ge3A_173 = arith.cmpi sge, %add3A_161, %ge3A_172 : i32
        %lt3A_174 = arith.constant 164 : i32
        %lt3A_175 = arith.cmpi slt, %add3A_161, %lt3A_174 : i32
        %and3A_176 = arith.andi %ge3A_173, %lt3A_175 : i1
        %convert_element_type3A_177 = arith.extui %and3A_176 : i1 to i32
        %cond3A_178 = arith.constant 0 : i32
        %cond3A_179 = arith.cmpi ne, %convert_element_type3A_177, %cond3A_178 : i32
        scf.if %cond3A_179 {
          %sub3A = arith.constant 4 : i32
          %sub3A_200 = arith.subi %add3A_161, %sub3A : i32
          %dma_wait3A = arith.constant 0 : i32
          %dma_wait3A_201 = arith.constant 0 : i32
          %dma_wait3A_202 = tpu.memref_slice %arg9[%cond3A_23, %dma_wait3A, %dma_wait3A_201] : memref<8x128x64xbf16, #tpu.memory_space<vmem>> -> memref<1x128x64xbf16, #tpu.memory_space<vmem>>
          %dma_wait3A_203 = tpu.memref_squeeze %dma_wait3A_202 : memref<1x128x64xbf16, #tpu.memory_space<vmem>> -> memref<128x64xbf16, #tpu.memory_space<vmem>>
          %dma_wait3A_204 = arith.constant 0 : i32
          %dma_wait3A_205 = arith.constant 0 : i32
          %dma_wait3A_206 = tpu.memref_slice %arg3[%dma_wait3A_204, %dma_wait3A_205] : memref<10240x64xbf16, #tpu.memory_space<hbm>> -> memref<128x64xbf16, #tpu.memory_space<hbm>>
          %dma_wait3A_207 = arith.constant 0 : i32
          %dma_wait3A_208 = arith.constant 0 : i32
          %dma_wait3A_209 = tpu.memref_slice %arg9[%cond3A_23, %dma_wait3A_207, %dma_wait3A_208] : memref<8x128x64xbf16, #tpu.memory_space<vmem>> -> memref<1x128x64xbf16, #tpu.memory_space<vmem>>
          %dma_wait3A_210 = tpu.memref_squeeze %dma_wait3A_209 : memref<1x128x64xbf16, #tpu.memory_space<vmem>> -> memref<128x64xbf16, #tpu.memory_space<vmem>>
          %dma_wait3A_211 = arith.constant 0 : i32
          %dma_wait3A_212 = arith.constant 0 : i32
          %dma_wait3A_213 = tpu.memref_slice %arg3[%dma_wait3A_211, %dma_wait3A_212] : memref<10240x64xbf16, #tpu.memory_space<hbm>> -> memref<128x64xbf16, #tpu.memory_space<hbm>>
          tpu.wait_dma2 semaphore(%arg14 : memref<!tpu.dma_semaphore, #tpu.memory_space<semaphore_mem>>) src(%dma_wait3A_213 : memref<128x64xbf16, #tpu.memory_space<hbm>>) dst(%dma_wait3A_210 : memref<128x64xbf16, #tpu.memory_space<vmem>>)
          %sub3A_214 = arith.constant 4 : i32
          %sub3A_215 = arith.subi %add3A_161, %sub3A_214 : i32
          %dma_start3A = arith.constant 0 : i32
          %dma_start3A_216 = arith.constant 0 : i32
          %dma_start3A_217 = tpu.memref_slice %arg9[%cond3A_23, %dma_start3A, %dma_start3A_216] : memref<8x128x64xbf16, #tpu.memory_space<vmem>> -> memref<1x128x64xbf16, #tpu.memory_space<vmem>>
          %dma_start3A_218 = tpu.memref_squeeze %dma_start3A_217 : memref<1x128x64xbf16, #tpu.memory_space<vmem>> -> memref<128x64xbf16, #tpu.memory_space<vmem>>
          %dma_start3A_219 = arith.constant 0 : i32
          %dma_start3A_220 = tpu.memref_slice %arg8[%sub3A_215, %dma_start3A_219] : memref<160x128xi32, #tpu.memory_space<vmem>> -> memref<1x128xi32, #tpu.memory_space<vmem>>
          %dma_start3A_221 = tpu.memref_squeeze %dma_start3A_220 : memref<1x128xi32, #tpu.memory_space<vmem>> -> memref<128xi32, #tpu.memory_space<vmem>>
          %dma_start3A_222 = arith.constant 0 : i32
          %dma_start3A_223 = arith.constant 0 : i32
          %dma_start3A_224 = tpu.memref_slice %arg11[%dma_start3A_222, %dma_start3A_223] : memref<10240x64xbf16, #tpu.memory_space<vmem_shared>> -> memref<10240x64xbf16, #tpu.memory_space<vmem_shared>>
          tpu.enqueue_indirect_dma source(%dma_start3A_218 : memref<128x64xbf16, #tpu.memory_space<vmem>>) target(%dma_start3A_224 : memref<10240x64xbf16, #tpu.memory_space<vmem_shared>>) offsets(%dma_start3A_221 : memref<128xi32, #tpu.memory_space<vmem>>) semaphore(%arg22 : memref<!tpu.dma_semaphore, #tpu.memory_space<semaphore_mem>>) {add = true}
        } else {
        }
        %add3A_180 = arith.constant 7 : i32
        %add3A_181 = arith.addi %add3A_42, %add3A_180 : i32
        %ge3A_182 = arith.constant 8 : i32
        %ge3A_183 = arith.cmpi sge, %add3A_181, %ge3A_182 : i32
        %convert_element_type3A_184 = arith.extui %ge3A_183 : i1 to i32
        %cond3A_185 = arith.constant 0 : i32
        %cond3A_186 = arith.cmpi ne, %convert_element_type3A_184, %cond3A_185 : i32
        scf.if %cond3A_186 {
          %sub3A = arith.constant 8 : i32
          %sub3A_200 = arith.subi %add3A_181, %sub3A : i32
          %dma_wait3A = arith.constant 0 : i32
          %dma_wait3A_201 = arith.constant 0 : i32
          %dma_wait3A_202 = tpu.memref_slice %arg9[%cond3A_26, %dma_wait3A, %dma_wait3A_201] : memref<8x128x64xbf16, #tpu.memory_space<vmem>> -> memref<1x128x64xbf16, #tpu.memory_space<vmem>>
          %dma_wait3A_203 = tpu.memref_squeeze %dma_wait3A_202 : memref<1x128x64xbf16, #tpu.memory_space<vmem>> -> memref<128x64xbf16, #tpu.memory_space<vmem>>
          %dma_wait3A_204 = arith.constant 0 : i32
          %dma_wait3A_205 = arith.constant 0 : i32
          %dma_wait3A_206 = tpu.memref_slice %arg11[%dma_wait3A_204, %dma_wait3A_205] : memref<10240x64xbf16, #tpu.memory_space<vmem_shared>> -> memref<128x64xbf16, #tpu.memory_space<vmem_shared>>
          %dma_wait3A_207 = arith.constant 0 : i32
          %dma_wait3A_208 = arith.constant 0 : i32
          %dma_wait3A_209 = tpu.memref_slice %arg11[%dma_wait3A_207, %dma_wait3A_208] : memref<10240x64xbf16, #tpu.memory_space<vmem_shared>> -> memref<128x64xbf16, #tpu.memory_space<vmem_shared>>
          %dma_wait3A_210 = arith.constant 0 : i32
          %dma_wait3A_211 = arith.constant 0 : i32
          %dma_wait3A_212 = tpu.memref_slice %arg9[%cond3A_26, %dma_wait3A_210, %dma_wait3A_211] : memref<8x128x64xbf16, #tpu.memory_space<vmem>> -> memref<1x128x64xbf16, #tpu.memory_space<vmem>>
          %dma_wait3A_213 = tpu.memref_squeeze %dma_wait3A_212 : memref<1x128x64xbf16, #tpu.memory_space<vmem>> -> memref<128x64xbf16, #tpu.memory_space<vmem>>
          tpu.wait_dma2 semaphore(%arg27 : memref<!tpu.dma_semaphore, #tpu.memory_space<semaphore_mem>>) src(%dma_wait3A_213 : memref<128x64xbf16, #tpu.memory_space<vmem>>) dst(%dma_wait3A_209 : memref<128x64xbf16, #tpu.memory_space<vmem_shared>>)
        } else {
        }
        %lt3A_187 = arith.constant 160 : i32
        %lt3A_188 = arith.cmpi slt, %add3A_181, %lt3A_187 : i32
        %convert_element_type3A_189 = arith.extui %lt3A_188 : i1 to i32
        %cond3A_190 = arith.constant 0 : i32
        %cond3A_191 = arith.cmpi ne, %convert_element_type3A_189, %cond3A_190 : i32
        scf.if %cond3A_191 {
          %dma_start3A = arith.constant 0 : i32
          %dma_start3A_200 = arith.constant 0 : i32
          %dma_start3A_201 = tpu.memref_slice %arg9[%cond3A_26, %dma_start3A, %dma_start3A_200] : memref<8x128x64xbf16, #tpu.memory_space<vmem>> -> memref<1x128x64xbf16, #tpu.memory_space<vmem>>
          %dma_start3A_202 = tpu.memref_squeeze %dma_start3A_201 : memref<1x128x64xbf16, #tpu.memory_space<vmem>> -> memref<128x64xbf16, #tpu.memory_space<vmem>>
          %dma_start3A_203 = arith.constant 0 : i32
          %dma_start3A_204 = tpu.memref_slice %arg7[%add3A_181, %dma_start3A_203] : memref<160x128xi32, #tpu.memory_space<vmem>> -> memref<1x128xi32, #tpu.memory_space<vmem>>
          %dma_start3A_205 = tpu.memref_squeeze %dma_start3A_204 : memref<1x128xi32, #tpu.memory_space<vmem>> -> memref<128xi32, #tpu.memory_space<vmem>>
          %dma_start3A_206 = arith.constant 0 : i32
          %dma_start3A_207 = arith.constant 0 : i32
          %dma_start3A_208 = tpu.memref_slice %arg3[%dma_start3A_206, %dma_start3A_207] : memref<10240x64xbf16, #tpu.memory_space<hbm>> -> memref<10240x64xbf16, #tpu.memory_space<hbm>>
          tpu.enqueue_indirect_dma source(%dma_start3A_208 : memref<10240x64xbf16, #tpu.memory_space<hbm>>) target(%dma_start3A_202 : memref<128x64xbf16, #tpu.memory_space<vmem>>) offsets(%dma_start3A_205 : memref<128xi32, #tpu.memory_space<vmem>>) semaphore(%arg19 : memref<!tpu.dma_semaphore, #tpu.memory_space<semaphore_mem>>)
        } else {
        }
        %ge3A_192 = arith.constant 4 : i32
        %ge3A_193 = arith.cmpi sge, %add3A_181, %ge3A_192 : i32
        %lt3A_194 = arith.constant 164 : i32
        %lt3A_195 = arith.cmpi slt, %add3A_181, %lt3A_194 : i32
        %and3A_196 = arith.andi %ge3A_193, %lt3A_195 : i1
        %convert_element_type3A_197 = arith.extui %and3A_196 : i1 to i32
        %cond3A_198 = arith.constant 0 : i32
        %cond3A_199 = arith.cmpi ne, %convert_element_type3A_197, %cond3A_198 : i32
        scf.if %cond3A_199 {
          %sub3A = arith.constant 4 : i32
          %sub3A_200 = arith.subi %add3A_181, %sub3A : i32
          %dma_wait3A = arith.constant 0 : i32
          %dma_wait3A_201 = arith.constant 0 : i32
          %dma_wait3A_202 = tpu.memref_slice %arg9[%cond3A_25, %dma_wait3A, %dma_wait3A_201] : memref<8x128x64xbf16, #tpu.memory_space<vmem>> -> memref<1x128x64xbf16, #tpu.memory_space<vmem>>
          %dma_wait3A_203 = tpu.memref_squeeze %dma_wait3A_202 : memref<1x128x64xbf16, #tpu.memory_space<vmem>> -> memref<128x64xbf16, #tpu.memory_space<vmem>>
          %dma_wait3A_204 = arith.constant 0 : i32
          %dma_wait3A_205 = arith.constant 0 : i32
          %dma_wait3A_206 = tpu.memref_slice %arg3[%dma_wait3A_204, %dma_wait3A_205] : memref<10240x64xbf16, #tpu.memory_space<hbm>> -> memref<128x64xbf16, #tpu.memory_space<hbm>>
          %dma_wait3A_207 = arith.constant 0 : i32
          %dma_wait3A_208 = arith.constant 0 : i32
          %dma_wait3A_209 = tpu.memref_slice %arg9[%cond3A_25, %dma_wait3A_207, %dma_wait3A_208] : memref<8x128x64xbf16, #tpu.memory_space<vmem>> -> memref<1x128x64xbf16, #tpu.memory_space<vmem>>
          %dma_wait3A_210 = tpu.memref_squeeze %dma_wait3A_209 : memref<1x128x64xbf16, #tpu.memory_space<vmem>> -> memref<128x64xbf16, #tpu.memory_space<vmem>>
          %dma_wait3A_211 = arith.constant 0 : i32
          %dma_wait3A_212 = arith.constant 0 : i32
          %dma_wait3A_213 = tpu.memref_slice %arg3[%dma_wait3A_211, %dma_wait3A_212] : memref<10240x64xbf16, #tpu.memory_space<hbm>> -> memref<128x64xbf16, #tpu.memory_space<hbm>>
          tpu.wait_dma2 semaphore(%arg15 : memref<!tpu.dma_semaphore, #tpu.memory_space<semaphore_mem>>) src(%dma_wait3A_213 : memref<128x64xbf16, #tpu.memory_space<hbm>>) dst(%dma_wait3A_210 : memref<128x64xbf16, #tpu.memory_space<vmem>>)
          %sub3A_214 = arith.constant 4 : i32
          %sub3A_215 = arith.subi %add3A_181, %sub3A_214 : i32
          %dma_start3A = arith.constant 0 : i32
          %dma_start3A_216 = arith.constant 0 : i32
          %dma_start3A_217 = tpu.memref_slice %arg9[%cond3A_25, %dma_start3A, %dma_start3A_216] : memref<8x128x64xbf16, #tpu.memory_space<vmem>> -> memref<1x128x64xbf16, #tpu.memory_space<vmem>>
          %dma_start3A_218 = tpu.memref_squeeze %dma_start3A_217 : memref<1x128x64xbf16, #tpu.memory_space<vmem>> -> memref<128x64xbf16, #tpu.memory_space<vmem>>
          %dma_start3A_219 = arith.constant 0 : i32
          %dma_start3A_220 = tpu.memref_slice %arg8[%sub3A_215, %dma_start3A_219] : memref<160x128xi32, #tpu.memory_space<vmem>> -> memref<1x128xi32, #tpu.memory_space<vmem>>
          %dma_start3A_221 = tpu.memref_squeeze %dma_start3A_220 : memref<1x128xi32, #tpu.memory_space<vmem>> -> memref<128xi32, #tpu.memory_space<vmem>>
          %dma_start3A_222 = arith.constant 0 : i32
          %dma_start3A_223 = arith.constant 0 : i32
          %dma_start3A_224 = tpu.memref_slice %arg11[%dma_start3A_222, %dma_start3A_223] : memref<10240x64xbf16, #tpu.memory_space<vmem_shared>> -> memref<10240x64xbf16, #tpu.memory_space<vmem_shared>>
          tpu.enqueue_indirect_dma source(%dma_start3A_218 : memref<128x64xbf16, #tpu.memory_space<vmem>>) target(%dma_start3A_224 : memref<10240x64xbf16, #tpu.memory_space<vmem_shared>>) offsets(%dma_start3A_221 : memref<128xi32, #tpu.memory_space<vmem>>) semaphore(%arg23 : memref<!tpu.dma_semaphore, #tpu.memory_space<semaphore_mem>>) {add = true}
        } else {
        }
      }
      %scan3A_38 = arith.constant 21 : i32
    } else {
    }
    %barrier3A_29 = arith.constant 0 : index
    tpu.barrier barrier_id(%barrier3A_29)
    %mul3A_30 = arith.constant 640 : i32
    %mul3A_31 = arith.muli %arg1, %mul3A_30 : i32
    "tpu.region"() ({
      %run_scoped3A = tpu.sem_alloc : memref<!tpu.dma_semaphore, #tpu.memory_space<semaphore_mem>>
      %dma_start3A = arith.constant 0 : i32
      %dma_start3A_34 = tpu.memref_slice %arg11[%mul3A_31, %dma_start3A] : memref<10240x64xbf16, #tpu.memory_space<vmem_shared>> -> memref<640x64xbf16, #tpu.memory_space<vmem_shared>>
      %dma_start3A_35 = arith.constant 0 : i32
      %dma_start3A_36 = tpu.memref_slice %arg11[%mul3A_31, %dma_start3A_35] : memref<10240x64xbf16, #tpu.memory_space<vmem_shared>> -> memref<640x64xbf16, #tpu.memory_space<vmem_shared>>
      tpu.enqueue_dma source(%dma_start3A_36 : memref<640x64xbf16, #tpu.memory_space<vmem_shared>>) target(%arg10 : memref<640x64xbf16, #tpu.memory_space<vmem>>) target_semaphore(%run_scoped3A : memref<!tpu.dma_semaphore, #tpu.memory_space<semaphore_mem>>)
      %dma_wait3A = arith.constant 0 : i32
      %dma_wait3A_37 = tpu.memref_slice %arg11[%mul3A_31, %dma_wait3A] : memref<10240x64xbf16, #tpu.memory_space<vmem_shared>> -> memref<640x64xbf16, #tpu.memory_space<vmem_shared>>
      %dma_wait3A_38 = arith.constant 0 : i32
      %dma_wait3A_39 = tpu.memref_slice %arg11[%mul3A_31, %dma_wait3A_38] : memref<10240x64xbf16, #tpu.memory_space<vmem_shared>> -> memref<640x64xbf16, #tpu.memory_space<vmem_shared>>
      tpu.wait_dma2 semaphore(%run_scoped3A : memref<!tpu.dma_semaphore, #tpu.memory_space<semaphore_mem>>) src(%dma_wait3A_39 : memref<640x64xbf16, #tpu.memory_space<vmem_shared>>) dst(%arg10 : memref<640x64xbf16, #tpu.memory_space<vmem>>)
      tpu.yield
    }) : () -> ()
    %mul3A_32 = arith.constant 640 : i32
    %mul3A_33 = arith.muli %arg1, %mul3A_32 : i32
    "tpu.region"() ({
      %run_scoped3A = tpu.sem_alloc : memref<!tpu.dma_semaphore, #tpu.memory_space<semaphore_mem>>
      %dma_start3A = arith.constant 0 : i32
      %dma_start3A_34 = tpu.memref_slice %arg6[%arg0, %mul3A_33, %dma_start3A] : memref<2x10240x64xbf16, #tpu.memory_space<hbm>> -> memref<1x640x64xbf16, #tpu.memory_space<hbm>>
      %dma_start3A_35 = tpu.memref_squeeze %dma_start3A_34 : memref<1x640x64xbf16, #tpu.memory_space<hbm>> -> memref<640x64xbf16, #tpu.memory_space<hbm>>
      %dma_start3A_36 = arith.constant 0 : i32
      %dma_start3A_37 = tpu.memref_slice %arg6[%arg0, %mul3A_33, %dma_start3A_36] : memref<2x10240x64xbf16, #tpu.memory_space<hbm>> -> memref<1x640x64xbf16, #tpu.memory_space<hbm>>
      %dma_start3A_38 = tpu.memref_squeeze %dma_start3A_37 : memref<1x640x64xbf16, #tpu.memory_space<hbm>> -> memref<640x64xbf16, #tpu.memory_space<hbm>>
      tpu.enqueue_dma source(%arg10 : memref<640x64xbf16, #tpu.memory_space<vmem>>) target(%dma_start3A_38 : memref<640x64xbf16, #tpu.memory_space<hbm>>) target_semaphore(%run_scoped3A : memref<!tpu.dma_semaphore, #tpu.memory_space<semaphore_mem>>)
      %dma_wait3A = arith.constant 0 : i32
      %dma_wait3A_39 = tpu.memref_slice %arg6[%arg0, %mul3A_33, %dma_wait3A] : memref<2x10240x64xbf16, #tpu.memory_space<hbm>> -> memref<1x640x64xbf16, #tpu.memory_space<hbm>>
      %dma_wait3A_40 = tpu.memref_squeeze %dma_wait3A_39 : memref<1x640x64xbf16, #tpu.memory_space<hbm>> -> memref<640x64xbf16, #tpu.memory_space<hbm>>
      %dma_wait3A_41 = arith.constant 0 : i32
      %dma_wait3A_42 = tpu.memref_slice %arg6[%arg0, %mul3A_33, %dma_wait3A_41] : memref<2x10240x64xbf16, #tpu.memory_space<hbm>> -> memref<1x640x64xbf16, #tpu.memory_space<hbm>>
      %dma_wait3A_43 = tpu.memref_squeeze %dma_wait3A_42 : memref<1x640x64xbf16, #tpu.memory_space<hbm>> -> memref<640x64xbf16, #tpu.memory_space<hbm>>
      tpu.wait_dma2 semaphore(%run_scoped3A : memref<!tpu.dma_semaphore, #tpu.memory_space<semaphore_mem>>) src(%arg10 : memref<640x64xbf16, #tpu.memory_space<vmem>>) dst(%dma_wait3A_43 : memref<640x64xbf16, #tpu.memory_space<hbm>>)
      tpu.yield
    }) : () -> ()
    return
  }
}

#map = affine_map<(d0, d1) -> (0, 0, 0)>
#map1 = affine_map<(d0, d1) -> (0, 0)>
module attributes {stable_mosaic.version = 14 : i64} {
  func.func @_deg_body(%arg0: i32, %arg1: i32, %arg2: memref<16x160x128xi32, #tpu.memory_space<hbm>>, %arg3: memref<32x10240xf32, #tpu.memory_space<hbm>>, %arg4: memref<80x128xi32, #tpu.memory_space<vmem>>, %arg5: memref<10240xf32, #tpu.memory_space<vmem>>) attributes {dimension_semantics = [#tpu.dimension_semantics<core_parallel>, #tpu.dimension_semantics<subcore_parallel>], iteration_bounds = array<i64: 2, 16>, scalar_prefetch = 0 : i64, scratch_operands = 2 : i64, tpu.core_type = #tpu.core_type<sc_vector_subcore>, window_params = [{transform_indices = #map}, {transform_indices = #map1}]} {
    %mul3A = arith.constant 16 : i32
    %mul3A_0 = arith.muli %arg0, %mul3A : i32
    %add3A = arith.addi %mul3A_0, %arg1 : i32
    %broadcast_in_dim3A = arith.constant 0.000000e+00 : f32
    %broadcast_in_dim3A_1 = vector.broadcast %broadcast_in_dim3A : f32 to vector<16xf32>
    %scan3A = arith.constant 0 : i32
    %scan3A_2 = arith.constant 640 : i32
    %scan3A_3 = arith.addi %scan3A, %scan3A_2 : i32
    %scan3A_4 = arith.constant 1 : i32
    scf.for %scan3A_15 = %scan3A to %scan3A_3 step %scan3A_4  : i32 {
      %mul3A_16 = arith.constant 1 : i32
      %mul3A_17 = arith.muli %scan3A_15, %mul3A_16 : i32
      %add3A_18 = arith.constant 0 : i32
      %add3A_19 = arith.addi %add3A_18, %mul3A_17 : i32
      %mul3A_20 = arith.constant 16 : i32
      %mul3A_21 = arith.muli %add3A_19, %mul3A_20 : i32
      %swap3A = arith.index_cast %mul3A_21 : i32 to index
      %swap3A_22 = tpu.vector_load %arg5[%swap3A] {strides = array<i32>} : memref<10240xf32, #tpu.memory_space<vmem>>, vector<16xf32>,
      tpu.vector_store %arg5[%swap3A], %broadcast_in_dim3A_1 {strides = array<i32>} : memref<10240xf32, #tpu.memory_space<vmem>>, vector<16xf32>,
    }
    %scan3A_5 = arith.constant 640 : i32
    %mul3A_6 = arith.constant 80 : i32
    %mul3A_7 = arith.muli %arg0, %mul3A_6 : i32
    "tpu.region"() ({
      %run_scoped3A = tpu.sem_alloc : memref<!tpu.dma_semaphore, #tpu.memory_space<semaphore_mem>>
      %dma_start3A = arith.constant 0 : i32
      %dma_start3A_15 = tpu.memref_slice %arg2[%arg1, %mul3A_7, %dma_start3A] : memref<16x160x128xi32, #tpu.memory_space<hbm>> -> memref<1x80x128xi32, #tpu.memory_space<hbm>>
      %dma_start3A_16 = tpu.memref_squeeze %dma_start3A_15 : memref<1x80x128xi32, #tpu.memory_space<hbm>> -> memref<80x128xi32, #tpu.memory_space<hbm>>
      %dma_start3A_17 = arith.constant 0 : i32
      %dma_start3A_18 = tpu.memref_slice %arg2[%arg1, %mul3A_7, %dma_start3A_17] : memref<16x160x128xi32, #tpu.memory_space<hbm>> -> memref<1x80x128xi32, #tpu.memory_space<hbm>>
      %dma_start3A_19 = tpu.memref_squeeze %dma_start3A_18 : memref<1x80x128xi32, #tpu.memory_space<hbm>> -> memref<80x128xi32, #tpu.memory_space<hbm>>
      tpu.enqueue_dma source(%dma_start3A_19 : memref<80x128xi32, #tpu.memory_space<hbm>>) target(%arg4 : memref<80x128xi32, #tpu.memory_space<vmem>>) target_semaphore(%run_scoped3A : memref<!tpu.dma_semaphore, #tpu.memory_space<semaphore_mem>>)
      %dma_wait3A = arith.constant 0 : i32
      %dma_wait3A_20 = tpu.memref_slice %arg2[%arg1, %mul3A_7, %dma_wait3A] : memref<16x160x128xi32, #tpu.memory_space<hbm>> -> memref<1x80x128xi32, #tpu.memory_space<hbm>>
      %dma_wait3A_21 = tpu.memref_squeeze %dma_wait3A_20 : memref<1x80x128xi32, #tpu.memory_space<hbm>> -> memref<80x128xi32, #tpu.memory_space<hbm>>
      %dma_wait3A_22 = arith.constant 0 : i32
      %dma_wait3A_23 = tpu.memref_slice %arg2[%arg1, %mul3A_7, %dma_wait3A_22] : memref<16x160x128xi32, #tpu.memory_space<hbm>> -> memref<1x80x128xi32, #tpu.memory_space<hbm>>
      %dma_wait3A_24 = tpu.memref_squeeze %dma_wait3A_23 : memref<1x80x128xi32, #tpu.memory_space<hbm>> -> memref<80x128xi32, #tpu.memory_space<hbm>>
      tpu.wait_dma2 semaphore(%run_scoped3A : memref<!tpu.dma_semaphore, #tpu.memory_space<semaphore_mem>>) src(%dma_wait3A_24 : memref<80x128xi32, #tpu.memory_space<hbm>>) dst(%arg4 : memref<80x128xi32, #tpu.memory_space<vmem>>)
      tpu.yield
    }) : () -> ()
    %broadcast_in_dim3A_8 = arith.constant 1.000000e+00 : f32
    %broadcast_in_dim3A_9 = vector.broadcast %broadcast_in_dim3A_8 : f32 to vector<16xf32>
    %scan3A_10 = arith.constant 0 : i32
    %scan3A_11 = arith.constant 80 : i32
    %scan3A_12 = arith.addi %scan3A_10, %scan3A_11 : i32
    %scan3A_13 = arith.constant 1 : i32
    scf.for %scan3A_15 = %scan3A_10 to %scan3A_12 step %scan3A_13  : i32 {
      %mul3A_16 = arith.constant 1 : i32
      %mul3A_17 = arith.muli %scan3A_15, %mul3A_16 : i32
      %add3A_18 = arith.constant 0 : i32
      %add3A_19 = arith.addi %add3A_18, %mul3A_17 : i32
      %scan3A_20 = arith.constant 0 : i32
      %scan3A_21 = arith.constant 8 : i32
      %scan3A_22 = arith.addi %scan3A_20, %scan3A_21 : i32
      %scan3A_23 = arith.constant 1 : i32
      scf.for %scan3A_25 = %scan3A_20 to %scan3A_22 step %scan3A_23  : i32 {
        %mul3A_26 = arith.constant 1 : i32
        %mul3A_27 = arith.muli %scan3A_25, %mul3A_26 : i32
        %add3A_28 = arith.constant 0 : i32
        %add3A_29 = arith.addi %add3A_28, %mul3A_27 : i32
        %mul3A_30 = arith.constant 16 : i32
        %mul3A_31 = arith.muli %add3A_29, %mul3A_30 : i32
        %get3A = arith.index_cast %add3A_19 : i32 to index
        %get3A_32 = arith.index_cast %mul3A_31 : i32 to index
        %get3A_33 = tpu.vector_load %arg4[%get3A, %get3A_32] {strides = array<i32>} : memref<80x128xi32, #tpu.memory_space<vmem>>, vector<16xi32>,
        tpu.vector_store_idx %arg5[%get3A_33], %broadcast_in_dim3A_9 {add = true} : memref<10240xf32, #tpu.memory_space<vmem>>[vector<16xi32>], vector<16xf32>,
      }
      %scan3A_24 = arith.constant 8 : i32
    }
    %scan3A_14 = arith.constant 80 : i32
    "tpu.region"() ({
      %run_scoped3A = tpu.sem_alloc : memref<!tpu.dma_semaphore, #tpu.memory_space<semaphore_mem>>
      %dma_start3A = arith.constant 0 : i32
      %dma_start3A_15 = tpu.memref_slice %arg3[%add3A, %dma_start3A] : memref<32x10240xf32, #tpu.memory_space<hbm>> -> memref<1x10240xf32, #tpu.memory_space<hbm>>
      %dma_start3A_16 = tpu.memref_squeeze %dma_start3A_15 : memref<1x10240xf32, #tpu.memory_space<hbm>> -> memref<10240xf32, #tpu.memory_space<hbm>>
      %dma_start3A_17 = arith.constant 0 : i32
      %dma_start3A_18 = tpu.memref_slice %arg3[%add3A, %dma_start3A_17] : memref<32x10240xf32, #tpu.memory_space<hbm>> -> memref<1x10240xf32, #tpu.memory_space<hbm>>
      %dma_start3A_19 = tpu.memref_squeeze %dma_start3A_18 : memref<1x10240xf32, #tpu.memory_space<hbm>> -> memref<10240xf32, #tpu.memory_space<hbm>>
      tpu.enqueue_dma source(%arg5 : memref<10240xf32, #tpu.memory_space<vmem>>) target(%dma_start3A_19 : memref<10240xf32, #tpu.memory_space<hbm>>) target_semaphore(%run_scoped3A : memref<!tpu.dma_semaphore, #tpu.memory_space<semaphore_mem>>)
      %dma_wait3A = arith.constant 0 : i32
      %dma_wait3A_20 = tpu.memref_slice %arg3[%add3A, %dma_wait3A] : memref<32x10240xf32, #tpu.memory_space<hbm>> -> memref<1x10240xf32, #tpu.memory_space<hbm>>
      %dma_wait3A_21 = tpu.memref_squeeze %dma_wait3A_20 : memref<1x10240xf32, #tpu.memory_space<hbm>> -> memref<10240xf32, #tpu.memory_space<hbm>>
      %dma_wait3A_22 = arith.constant 0 : i32
      %dma_wait3A_23 = tpu.memref_slice %arg3[%add3A, %dma_wait3A_22] : memref<32x10240xf32, #tpu.memory_space<hbm>> -> memref<1x10240xf32, #tpu.memory_space<hbm>>
      %dma_wait3A_24 = tpu.memref_squeeze %dma_wait3A_23 : memref<1x10240xf32, #tpu.memory_space<hbm>> -> memref<10240xf32, #tpu.memory_space<hbm>>
      tpu.wait_dma2 semaphore(%run_scoped3A : memref<!tpu.dma_semaphore, #tpu.memory_space<semaphore_mem>>) src(%arg5 : memref<10240xf32, #tpu.memory_space<vmem>>) dst(%dma_wait3A_24 : memref<10240xf32, #tpu.memory_space<hbm>>)
      tpu.yield
    }) : () -> ()
    return
  }
}

#map = affine_map<(d0, d1) -> (0, 0)>
#map1 = affine_map<(d0, d1) -> (0, 0, 0)>
module attributes {stable_mosaic.version = 14 : i64} {
  func.func @_agg_body(%arg0: i32, %arg1: i32, %arg2: memref<10240x64xbf16, #tpu.memory_space<hbm>>, %arg3: memref<10240x64xbf16, #tpu.memory_space<hbm>>, %arg4: memref<16x160x128xi32, #tpu.memory_space<hbm>>, %arg5: memref<16x160x128xi32, #tpu.memory_space<hbm>>, %arg6: memref<2x10240x64xbf16, #tpu.memory_space<hbm>>, %arg7: memref<160x128xi32, #tpu.memory_space<vmem>>, %arg8: memref<160x128xi32, #tpu.memory_space<vmem>>, %arg9: memref<8x128x64xbf16, #tpu.memory_space<vmem>>, %arg10: memref<640x64xbf16, #tpu.memory_space<vmem>>, %arg11: memref<10240x64xbf16, #tpu.memory_space<vmem_shared>>, %arg12: memref<!tpu.dma_semaphore, #tpu.memory_space<semaphore_mem>>, %arg13: memref<!tpu.dma_semaphore, #tpu.memory_space<semaphore_mem>>, %arg14: memref<!tpu.dma_semaphore, #tpu.memory_space<semaphore_mem>>, %arg15: memref<!tpu.dma_semaphore, #tpu.memory_space<semaphore_mem>>, %arg16: memref<!tpu.dma_semaphore, #tpu.memory_space<semaphore_mem>>, %arg17: memref<!tpu.dma_semaphore, #tpu.memory_space<semaphore_mem>>, %arg18: memref<!tpu.dma_semaphore, #tpu.memory_space<semaphore_mem>>, %arg19: memref<!tpu.dma_semaphore, #tpu.memory_space<semaphore_mem>>, %arg20: memref<!tpu.dma_semaphore, #tpu.memory_space<semaphore_mem>>, %arg21: memref<!tpu.dma_semaphore, #tpu.memory_space<semaphore_mem>>, %arg22: memref<!tpu.dma_semaphore, #tpu.memory_space<semaphore_mem>>, %arg23: memref<!tpu.dma_semaphore, #tpu.memory_space<semaphore_mem>>, %arg24: memref<!tpu.dma_semaphore, #tpu.memory_space<semaphore_mem>>, %arg25: memref<!tpu.dma_semaphore, #tpu.memory_space<semaphore_mem>>, %arg26: memref<!tpu.dma_semaphore, #tpu.memory_space<semaphore_mem>>, %arg27: memref<!tpu.dma_semaphore, #tpu.memory_space<semaphore_mem>>) attributes {dimension_semantics = [#tpu.dimension_semantics<core_parallel>, #tpu.dimension_semantics<subcore_parallel>], iteration_bounds = array<i64: 2, 16>, scalar_prefetch = 0 : i64, scratch_operands = 21 : i64, tpu.core_type = #tpu.core_type<sc_vector_subcore>, window_params = [{transform_indices = #map}, {transform_indices = #map}, {transform_indices = #map1}, {transform_indices = #map1}, {transform_indices = #map1}]} {
    "tpu.region"() ({
      %run_scoped3A = tpu.sem_alloc : memref<!tpu.dma_semaphore, #tpu.memory_space<semaphore_mem>>
      %dma_start3A = arith.constant 0 : i32
      %dma_start3A_34 = arith.constant 0 : i32
      %dma_start3A_35 = tpu.memref_slice %arg4[%arg1, %dma_start3A, %dma_start3A_34] : memref<16x160x128xi32, #tpu.memory_space<hbm>> -> memref<1x160x128xi32, #tpu.memory_space<hbm>>
      %dma_start3A_36 = tpu.memref_squeeze %dma_start3A_35 : memref<1x160x128xi32, #tpu.memory_space<hbm>> -> memref<160x128xi32, #tpu.memory_space<hbm>>
      %dma_start3A_37 = arith.constant 0 : i32
      %dma_start3A_38 = arith.constant 0 : i32
      %dma_start3A_39 = tpu.memref_slice %arg4[%arg1, %dma_start3A_37, %dma_start3A_38] : memref<16x160x128xi32, #tpu.memory_space<hbm>> -> memref<1x160x128xi32, #tpu.memory_space<hbm>>
      %dma_start3A_40 = tpu.memref_squeeze %dma_start3A_39 : memref<1x160x128xi32, #tpu.memory_space<hbm>> -> memref<160x128xi32, #tpu.memory_space<hbm>>
      tpu.enqueue_dma source(%dma_start3A_40 : memref<160x128xi32, #tpu.memory_space<hbm>>) target(%arg7 : memref<160x128xi32, #tpu.memory_space<vmem>>) target_semaphore(%run_scoped3A : memref<!tpu.dma_semaphore, #tpu.memory_space<semaphore_mem>>)
      %dma_wait3A = arith.constant 0 : i32
      %dma_wait3A_41 = arith.constant 0 : i32
      %dma_wait3A_42 = tpu.memref_slice %arg4[%arg1, %dma_wait3A, %dma_wait3A_41] : memref<16x160x128xi32, #tpu.memory_space<hbm>> -> memref<1x160x128xi32, #tpu.memory_space<hbm>>
      %dma_wait3A_43 = tpu.memref_squeeze %dma_wait3A_42 : memref<1x160x128xi32, #tpu.memory_space<hbm>> -> memref<160x128xi32, #tpu.memory_space<hbm>>
      %dma_wait3A_44 = arith.constant 0 : i32
      %dma_wait3A_45 = arith.constant 0 : i32
      %dma_wait3A_46 = tpu.memref_slice %arg4[%arg1, %dma_wait3A_44, %dma_wait3A_45] : memref<16x160x128xi32, #tpu.memory_space<hbm>> -> memref<1x160x128xi32, #tpu.memory_space<hbm>>
      %dma_wait3A_47 = tpu.memref_squeeze %dma_wait3A_46 : memref<1x160x128xi32, #tpu.memory_space<hbm>> -> memref<160x128xi32, #tpu.memory_space<hbm>>
      tpu.wait_dma2 semaphore(%run_scoped3A : memref<!tpu.dma_semaphore, #tpu.memory_space<semaphore_mem>>) src(%dma_wait3A_47 : memref<160x128xi32, #tpu.memory_space<hbm>>) dst(%arg7 : memref<160x128xi32, #tpu.memory_space<vmem>>)
      tpu.yield
    }) : () -> ()
    "tpu.region"() ({
      %run_scoped3A = tpu.sem_alloc : memref<!tpu.dma_semaphore, #tpu.memory_space<semaphore_mem>>
      %dma_start3A = arith.constant 0 : i32
      %dma_start3A_34 = arith.constant 0 : i32
      %dma_start3A_35 = tpu.memref_slice %arg5[%arg1, %dma_start3A, %dma_start3A_34] : memref<16x160x128xi32, #tpu.memory_space<hbm>> -> memref<1x160x128xi32, #tpu.memory_space<hbm>>
      %dma_start3A_36 = tpu.memref_squeeze %dma_start3A_35 : memref<1x160x128xi32, #tpu.memory_space<hbm>> -> memref<160x128xi32, #tpu.memory_space<hbm>>
      %dma_start3A_37 = arith.constant 0 : i32
      %dma_start3A_38 = arith.constant 0 : i32
      %dma_start3A_39 = tpu.memref_slice %arg5[%arg1, %dma_start3A_37, %dma_start3A_38] : memref<16x160x128xi32, #tpu.memory_space<hbm>> -> memref<1x160x128xi32, #tpu.memory_space<hbm>>
      %dma_start3A_40 = tpu.memref_squeeze %dma_start3A_39 : memref<1x160x128xi32, #tpu.memory_space<hbm>> -> memref<160x128xi32, #tpu.memory_space<hbm>>
      tpu.enqueue_dma source(%dma_start3A_40 : memref<160x128xi32, #tpu.memory_space<hbm>>) target(%arg8 : memref<160x128xi32, #tpu.memory_space<vmem>>) target_semaphore(%run_scoped3A : memref<!tpu.dma_semaphore, #tpu.memory_space<semaphore_mem>>)
      %dma_wait3A = arith.constant 0 : i32
      %dma_wait3A_41 = arith.constant 0 : i32
      %dma_wait3A_42 = tpu.memref_slice %arg5[%arg1, %dma_wait3A, %dma_wait3A_41] : memref<16x160x128xi32, #tpu.memory_space<hbm>> -> memref<1x160x128xi32, #tpu.memory_space<hbm>>
      %dma_wait3A_43 = tpu.memref_squeeze %dma_wait3A_42 : memref<1x160x128xi32, #tpu.memory_space<hbm>> -> memref<160x128xi32, #tpu.memory_space<hbm>>
      %dma_wait3A_44 = arith.constant 0 : i32
      %dma_wait3A_45 = arith.constant 0 : i32
      %dma_wait3A_46 = tpu.memref_slice %arg5[%arg1, %dma_wait3A_44, %dma_wait3A_45] : memref<16x160x128xi32, #tpu.memory_space<hbm>> -> memref<1x160x128xi32, #tpu.memory_space<hbm>>
      %dma_wait3A_47 = tpu.memref_squeeze %dma_wait3A_46 : memref<1x160x128xi32, #tpu.memory_space<hbm>> -> memref<160x128xi32, #tpu.memory_space<hbm>>
      tpu.wait_dma2 semaphore(%run_scoped3A : memref<!tpu.dma_semaphore, #tpu.memory_space<semaphore_mem>>) src(%dma_wait3A_47 : memref<160x128xi32, #tpu.memory_space<hbm>>) dst(%arg8 : memref<160x128xi32, #tpu.memory_space<vmem>>)
      tpu.yield
    }) : () -> ()
    %broadcast_in_dim3A = arith.constant 0.000000e+00 : bf16
    %broadcast_in_dim3A_0 = vector.broadcast %broadcast_in_dim3A : bf16 to vector<32xbf16>
    %scan3A = arith.constant 0 : i32
    %scan3A_1 = arith.constant 640 : i32
    %scan3A_2 = arith.addi %scan3A, %scan3A_1 : i32
    %scan3A_3 = arith.constant 1 : i32
    scf.for %scan3A_34 = %scan3A to %scan3A_2 step %scan3A_3  : i32 {
      %mul3A_35 = arith.constant 1 : i32
      %mul3A_36 = arith.muli %scan3A_34, %mul3A_35 : i32
      %add3A = arith.constant 0 : i32
      %add3A_37 = arith.addi %add3A, %mul3A_36 : i32
      %scan3A_38 = arith.constant 0 : i32
      %scan3A_39 = arith.constant 2 : i32
      %scan3A_40 = arith.addi %scan3A_38, %scan3A_39 : i32
      %scan3A_41 = arith.constant 1 : i32
      scf.for %scan3A_43 = %scan3A_38 to %scan3A_40 step %scan3A_41  : i32 {
        %mul3A_44 = arith.constant 1 : i32
        %mul3A_45 = arith.muli %scan3A_43, %mul3A_44 : i32
        %add3A_46 = arith.constant 0 : i32
        %add3A_47 = arith.addi %add3A_46, %mul3A_45 : i32
        %mul3A_48 = arith.constant 32 : i32
        %mul3A_49 = arith.muli %add3A_47, %mul3A_48 : i32
        %swap3A = arith.index_cast %add3A_37 : i32 to index
        %swap3A_50 = arith.index_cast %mul3A_49 : i32 to index
        %swap3A_51 = tpu.vector_load %arg10[%swap3A, %swap3A_50] {strides = array<i32>} : memref<640x64xbf16, #tpu.memory_space<vmem>>, vector<32xbf16>,
        tpu.vector_store %arg10[%swap3A, %swap3A_50], %broadcast_in_dim3A_0 {strides = array<i32>} : memref<640x64xbf16, #tpu.memory_space<vmem>>, vector<32xbf16>,
      }
      %scan3A_42 = arith.constant 2 : i32
    }
    %scan3A_4 = arith.constant 640 : i32
    %mul3A = arith.constant 640 : i32
    %mul3A_5 = arith.muli %arg1, %mul3A : i32
    "tpu.region"() ({
      %run_scoped3A = tpu.sem_alloc : memref<!tpu.dma_semaphore, #tpu.memory_space<semaphore_mem>>
      %dma_start3A = arith.constant 0 : i32
      %dma_start3A_34 = tpu.memref_slice %arg11[%mul3A_5, %dma_start3A] : memref<10240x64xbf16, #tpu.memory_space<vmem_shared>> -> memref<640x64xbf16, #tpu.memory_space<vmem_shared>>
      %dma_start3A_35 = arith.constant 0 : i32
      %dma_start3A_36 = tpu.memref_slice %arg11[%mul3A_5, %dma_start3A_35] : memref<10240x64xbf16, #tpu.memory_space<vmem_shared>> -> memref<640x64xbf16, #tpu.memory_space<vmem_shared>>
      tpu.enqueue_dma source(%arg10 : memref<640x64xbf16, #tpu.memory_space<vmem>>) target(%dma_start3A_36 : memref<640x64xbf16, #tpu.memory_space<vmem_shared>>) target_semaphore(%run_scoped3A : memref<!tpu.dma_semaphore, #tpu.memory_space<semaphore_mem>>)
      %dma_wait3A = arith.constant 0 : i32
      %dma_wait3A_37 = tpu.memref_slice %arg11[%mul3A_5, %dma_wait3A] : memref<10240x64xbf16, #tpu.memory_space<vmem_shared>> -> memref<640x64xbf16, #tpu.memory_space<vmem_shared>>
      %dma_wait3A_38 = arith.constant 0 : i32
      %dma_wait3A_39 = tpu.memref_slice %arg11[%mul3A_5, %dma_wait3A_38] : memref<10240x64xbf16, #tpu.memory_space<vmem_shared>> -> memref<640x64xbf16, #tpu.memory_space<vmem_shared>>
      tpu.wait_dma2 semaphore(%run_scoped3A : memref<!tpu.dma_semaphore, #tpu.memory_space<semaphore_mem>>) src(%arg10 : memref<640x64xbf16, #tpu.memory_space<vmem>>) dst(%dma_wait3A_39 : memref<640x64xbf16, #tpu.memory_space<vmem_shared>>)
      tpu.yield
    }) : () -> ()
    %barrier3A = arith.constant 0 : index
    tpu.barrier barrier_id(%barrier3A)
    %eq3A = arith.constant 0 : i32
    %eq3A_6 = arith.cmpi eq, %arg0, %eq3A : i32
    %convert_element_type3A = arith.extui %eq3A_6 : i1 to i32
    %cond3A = arith.constant 0 : i32
    %cond3A_7 = arith.constant 4 : i32
    %cond3A_8 = arith.constant 1 : i32
    %cond3A_9 = arith.constant 5 : i32
    %cond3A_10 = arith.constant 2 : i32
    %cond3A_11 = arith.constant 6 : i32
    %cond3A_12 = arith.constant 3 : i32
    %cond3A_13 = arith.constant 7 : i32
    %cond3A_14 = arith.constant 0 : i32
    %cond3A_15 = arith.cmpi ne, %convert_element_type3A, %cond3A_14 : i32
    scf.if %cond3A_15 {
      %scan3A_34 = arith.constant 0 : i32
      %scan3A_35 = arith.constant 21 : i32
      %scan3A_36 = arith.addi %scan3A_34, %scan3A_35 : i32
      %scan3A_37 = arith.constant 1 : i32
      scf.for %scan3A_39 = %scan3A_34 to %scan3A_36 step %scan3A_37  : i32 {
        %mul3A_40 = arith.constant 8 : i32
        %mul3A_41 = arith.muli %scan3A_39, %mul3A_40 : i32
        %add3A = arith.constant 0 : i32
        %add3A_42 = arith.addi %add3A, %mul3A_41 : i32
        %add3A_43 = arith.constant 0 : i32
        %add3A_44 = arith.addi %add3A_42, %add3A_43 : i32
        %ge3A = arith.constant 8 : i32
        %ge3A_45 = arith.cmpi sge, %add3A_44, %ge3A : i32
        %convert_element_type3A_46 = arith.extui %ge3A_45 : i1 to i32
        %cond3A_47 = arith.constant 0 : i32
        %cond3A_48 = arith.cmpi ne, %convert_element_type3A_46, %cond3A_47 : i32
        scf.if %cond3A_48 {
          %sub3A = arith.constant 8 : i32
          %sub3A_200 = arith.subi %add3A_44, %sub3A : i32
          %dma_wait3A = arith.constant 0 : i32
          %dma_wait3A_201 = arith.constant 0 : i32
          %dma_wait3A_202 = tpu.memref_slice %arg9[%cond3A, %dma_wait3A, %dma_wait3A_201] : memref<8x128x64xbf16, #tpu.memory_space<vmem>> -> memref<1x128x64xbf16, #tpu.memory_space<vmem>>
          %dma_wait3A_203 = tpu.memref_squeeze %dma_wait3A_202 : memref<1x128x64xbf16, #tpu.memory_space<vmem>> -> memref<128x64xbf16, #tpu.memory_space<vmem>>
          %dma_wait3A_204 = arith.constant 0 : i32
          %dma_wait3A_205 = arith.constant 0 : i32
          %dma_wait3A_206 = tpu.memref_slice %arg11[%dma_wait3A_204, %dma_wait3A_205] : memref<10240x64xbf16, #tpu.memory_space<vmem_shared>> -> memref<128x64xbf16, #tpu.memory_space<vmem_shared>>
          %dma_wait3A_207 = arith.constant 0 : i32
          %dma_wait3A_208 = arith.constant 0 : i32
          %dma_wait3A_209 = tpu.memref_slice %arg11[%dma_wait3A_207, %dma_wait3A_208] : memref<10240x64xbf16, #tpu.memory_space<vmem_shared>> -> memref<128x64xbf16, #tpu.memory_space<vmem_shared>>
          %dma_wait3A_210 = arith.constant 0 : i32
          %dma_wait3A_211 = arith.constant 0 : i32
          %dma_wait3A_212 = tpu.memref_slice %arg9[%cond3A, %dma_wait3A_210, %dma_wait3A_211] : memref<8x128x64xbf16, #tpu.memory_space<vmem>> -> memref<1x128x64xbf16, #tpu.memory_space<vmem>>
          %dma_wait3A_213 = tpu.memref_squeeze %dma_wait3A_212 : memref<1x128x64xbf16, #tpu.memory_space<vmem>> -> memref<128x64xbf16, #tpu.memory_space<vmem>>
          tpu.wait_dma2 semaphore(%arg20 : memref<!tpu.dma_semaphore, #tpu.memory_space<semaphore_mem>>) src(%dma_wait3A_213 : memref<128x64xbf16, #tpu.memory_space<vmem>>) dst(%dma_wait3A_209 : memref<128x64xbf16, #tpu.memory_space<vmem_shared>>)
        } else {
        }
        %lt3A = arith.constant 160 : i32
        %lt3A_49 = arith.cmpi slt, %add3A_44, %lt3A : i32
        %convert_element_type3A_50 = arith.extui %lt3A_49 : i1 to i32
        %cond3A_51 = arith.constant 0 : i32
        %cond3A_52 = arith.cmpi ne, %convert_element_type3A_50, %cond3A_51 : i32
        scf.if %cond3A_52 {
          %dma_start3A = arith.constant 0 : i32
          %dma_start3A_200 = arith.constant 0 : i32
          %dma_start3A_201 = tpu.memref_slice %arg9[%cond3A, %dma_start3A, %dma_start3A_200] : memref<8x128x64xbf16, #tpu.memory_space<vmem>> -> memref<1x128x64xbf16, #tpu.memory_space<vmem>>
          %dma_start3A_202 = tpu.memref_squeeze %dma_start3A_201 : memref<1x128x64xbf16, #tpu.memory_space<vmem>> -> memref<128x64xbf16, #tpu.memory_space<vmem>>
          %dma_start3A_203 = arith.constant 0 : i32
          %dma_start3A_204 = tpu.memref_slice %arg7[%add3A_44, %dma_start3A_203] : memref<160x128xi32, #tpu.memory_space<vmem>> -> memref<1x128xi32, #tpu.memory_space<vmem>>
          %dma_start3A_205 = tpu.memref_squeeze %dma_start3A_204 : memref<1x128xi32, #tpu.memory_space<vmem>> -> memref<128xi32, #tpu.memory_space<vmem>>
          %dma_start3A_206 = arith.constant 0 : i32
          %dma_start3A_207 = arith.constant 0 : i32
          %dma_start3A_208 = tpu.memref_slice %arg2[%dma_start3A_206, %dma_start3A_207] : memref<10240x64xbf16, #tpu.memory_space<hbm>> -> memref<10240x64xbf16, #tpu.memory_space<hbm>>
          tpu.enqueue_indirect_dma source(%dma_start3A_208 : memref<10240x64xbf16, #tpu.memory_space<hbm>>) target(%dma_start3A_202 : memref<128x64xbf16, #tpu.memory_space<vmem>>) offsets(%dma_start3A_205 : memref<128xi32, #tpu.memory_space<vmem>>) semaphore(%arg12 : memref<!tpu.dma_semaphore, #tpu.memory_space<semaphore_mem>>)
        } else {
        }
        %ge3A_53 = arith.constant 4 : i32
        %ge3A_54 = arith.cmpi sge, %add3A_44, %ge3A_53 : i32
        %lt3A_55 = arith.constant 164 : i32
        %lt3A_56 = arith.cmpi slt, %add3A_44, %lt3A_55 : i32
        %and3A = arith.andi %ge3A_54, %lt3A_56 : i1
        %convert_element_type3A_57 = arith.extui %and3A : i1 to i32
        %cond3A_58 = arith.constant 0 : i32
        %cond3A_59 = arith.cmpi ne, %convert_element_type3A_57, %cond3A_58 : i32
        scf.if %cond3A_59 {
          %sub3A = arith.constant 4 : i32
          %sub3A_200 = arith.subi %add3A_44, %sub3A : i32
          %dma_wait3A = arith.constant 0 : i32
          %dma_wait3A_201 = arith.constant 0 : i32
          %dma_wait3A_202 = tpu.memref_slice %arg9[%cond3A_7, %dma_wait3A, %dma_wait3A_201] : memref<8x128x64xbf16, #tpu.memory_space<vmem>> -> memref<1x128x64xbf16, #tpu.memory_space<vmem>>
          %dma_wait3A_203 = tpu.memref_squeeze %dma_wait3A_202 : memref<1x128x64xbf16, #tpu.memory_space<vmem>> -> memref<128x64xbf16, #tpu.memory_space<vmem>>
          %dma_wait3A_204 = arith.constant 0 : i32
          %dma_wait3A_205 = arith.constant 0 : i32
          %dma_wait3A_206 = tpu.memref_slice %arg2[%dma_wait3A_204, %dma_wait3A_205] : memref<10240x64xbf16, #tpu.memory_space<hbm>> -> memref<128x64xbf16, #tpu.memory_space<hbm>>
          %dma_wait3A_207 = arith.constant 0 : i32
          %dma_wait3A_208 = arith.constant 0 : i32
          %dma_wait3A_209 = tpu.memref_slice %arg9[%cond3A_7, %dma_wait3A_207, %dma_wait3A_208] : memref<8x128x64xbf16, #tpu.memory_space<vmem>> -> memref<1x128x64xbf16, #tpu.memory_space<vmem>>
          %dma_wait3A_210 = tpu.memref_squeeze %dma_wait3A_209 : memref<1x128x64xbf16, #tpu.memory_space<vmem>> -> memref<128x64xbf16, #tpu.memory_space<vmem>>
          %dma_wait3A_211 = arith.constant 0 : i32
          %dma_wait3A_212 = arith.constant 0 : i32
          %dma_wait3A_213 = tpu.memref_slice %arg2[%dma_wait3A_211, %dma_wait3A_212] : memref<10240x64xbf16, #tpu.memory_space<hbm>> -> memref<128x64xbf16, #tpu.memory_space<hbm>>
          tpu.wait_dma2 semaphore(%arg16 : memref<!tpu.dma_semaphore, #tpu.memory_space<semaphore_mem>>) src(%dma_wait3A_213 : memref<128x64xbf16, #tpu.memory_space<hbm>>) dst(%dma_wait3A_210 : memref<128x64xbf16, #tpu.memory_space<vmem>>)
          %sub3A_214 = arith.constant 4 : i32
          %sub3A_215 = arith.subi %add3A_44, %sub3A_214 : i32
          %dma_start3A = arith.constant 0 : i32
          %dma_start3A_216 = arith.constant 0 : i32
          %dma_start3A_217 = tpu.memref_slice %arg9[%cond3A_7, %dma_start3A, %dma_start3A_216] : memref<8x128x64xbf16, #tpu.memory_space<vmem>> -> memref<1x128x64xbf16, #tpu.memory_space<vmem>>
          %dma_start3A_218 = tpu.memref_squeeze %dma_start3A_217 : memref<1x128x64xbf16, #tpu.memory_space<vmem>> -> memref<128x64xbf16, #tpu.memory_space<vmem>>
          %dma_start3A_219 = arith.constant 0 : i32
          %dma_start3A_220 = tpu.memref_slice %arg8[%sub3A_215, %dma_start3A_219] : memref<160x128xi32, #tpu.memory_space<vmem>> -> memref<1x128xi32, #tpu.memory_space<vmem>>
          %dma_start3A_221 = tpu.memref_squeeze %dma_start3A_220 : memref<1x128xi32, #tpu.memory_space<vmem>> -> memref<128xi32, #tpu.memory_space<vmem>>
          %dma_start3A_222 = arith.constant 0 : i32
          %dma_start3A_223 = arith.constant 0 : i32
          %dma_start3A_224 = tpu.memref_slice %arg11[%dma_start3A_222, %dma_start3A_223] : memref<10240x64xbf16, #tpu.memory_space<vmem_shared>> -> memref<10240x64xbf16, #tpu.memory_space<vmem_shared>>
          tpu.enqueue_indirect_dma source(%dma_start3A_218 : memref<128x64xbf16, #tpu.memory_space<vmem>>) target(%dma_start3A_224 : memref<10240x64xbf16, #tpu.memory_space<vmem_shared>>) offsets(%dma_start3A_221 : memref<128xi32, #tpu.memory_space<vmem>>) semaphore(%arg24 : memref<!tpu.dma_semaphore, #tpu.memory_space<semaphore_mem>>) {add = true}
        } else {
        }
        %add3A_60 = arith.constant 1 : i32
        %add3A_61 = arith.addi %add3A_42, %add3A_60 : i32
        %ge3A_62 = arith.constant 8 : i32
        %ge3A_63 = arith.cmpi sge, %add3A_61, %ge3A_62 : i32
        %convert_element_type3A_64 = arith.extui %ge3A_63 : i1 to i32
        %cond3A_65 = arith.constant 0 : i32
        %cond3A_66 = arith.cmpi ne, %convert_element_type3A_64, %cond3A_65 : i32
        scf.if %cond3A_66 {
          %sub3A = arith.constant 8 : i32
          %sub3A_200 = arith.subi %add3A_61, %sub3A : i32
          %dma_wait3A = arith.constant 0 : i32
          %dma_wait3A_201 = arith.constant 0 : i32
          %dma_wait3A_202 = tpu.memref_slice %arg9[%cond3A_8, %dma_wait3A, %dma_wait3A_201] : memref<8x128x64xbf16, #tpu.memory_space<vmem>> -> memref<1x128x64xbf16, #tpu.memory_space<vmem>>
          %dma_wait3A_203 = tpu.memref_squeeze %dma_wait3A_202 : memref<1x128x64xbf16, #tpu.memory_space<vmem>> -> memref<128x64xbf16, #tpu.memory_space<vmem>>
          %dma_wait3A_204 = arith.constant 0 : i32
          %dma_wait3A_205 = arith.constant 0 : i32
          %dma_wait3A_206 = tpu.memref_slice %arg11[%dma_wait3A_204, %dma_wait3A_205] : memref<10240x64xbf16, #tpu.memory_space<vmem_shared>> -> memref<128x64xbf16, #tpu.memory_space<vmem_shared>>
          %dma_wait3A_207 = arith.constant 0 : i32
          %dma_wait3A_208 = arith.constant 0 : i32
          %dma_wait3A_209 = tpu.memref_slice %arg11[%dma_wait3A_207, %dma_wait3A_208] : memref<10240x64xbf16, #tpu.memory_space<vmem_shared>> -> memref<128x64xbf16, #tpu.memory_space<vmem_shared>>
          %dma_wait3A_210 = arith.constant 0 : i32
          %dma_wait3A_211 = arith.constant 0 : i32
          %dma_wait3A_212 = tpu.memref_slice %arg9[%cond3A_8, %dma_wait3A_210, %dma_wait3A_211] : memref<8x128x64xbf16, #tpu.memory_space<vmem>> -> memref<1x128x64xbf16, #tpu.memory_space<vmem>>
          %dma_wait3A_213 = tpu.memref_squeeze %dma_wait3A_212 : memref<1x128x64xbf16, #tpu.memory_space<vmem>> -> memref<128x64xbf16, #tpu.memory_space<vmem>>
          tpu.wait_dma2 semaphore(%arg21 : memref<!tpu.dma_semaphore, #tpu.memory_space<semaphore_mem>>) src(%dma_wait3A_213 : memref<128x64xbf16, #tpu.memory_space<vmem>>) dst(%dma_wait3A_209 : memref<128x64xbf16, #tpu.memory_space<vmem_shared>>)
        } else {
        }
        %lt3A_67 = arith.constant 160 : i32
        %lt3A_68 = arith.cmpi slt, %add3A_61, %lt3A_67 : i32
        %convert_element_type3A_69 = arith.extui %lt3A_68 : i1 to i32
        %cond3A_70 = arith.constant 0 : i32
        %cond3A_71 = arith.cmpi ne, %convert_element_type3A_69, %cond3A_70 : i32
        scf.if %cond3A_71 {
          %dma_start3A = arith.constant 0 : i32
          %dma_start3A_200 = arith.constant 0 : i32
          %dma_start3A_201 = tpu.memref_slice %arg9[%cond3A_8, %dma_start3A, %dma_start3A_200] : memref<8x128x64xbf16, #tpu.memory_space<vmem>> -> memref<1x128x64xbf16, #tpu.memory_space<vmem>>
          %dma_start3A_202 = tpu.memref_squeeze %dma_start3A_201 : memref<1x128x64xbf16, #tpu.memory_space<vmem>> -> memref<128x64xbf16, #tpu.memory_space<vmem>>
          %dma_start3A_203 = arith.constant 0 : i32
          %dma_start3A_204 = tpu.memref_slice %arg7[%add3A_61, %dma_start3A_203] : memref<160x128xi32, #tpu.memory_space<vmem>> -> memref<1x128xi32, #tpu.memory_space<vmem>>
          %dma_start3A_205 = tpu.memref_squeeze %dma_start3A_204 : memref<1x128xi32, #tpu.memory_space<vmem>> -> memref<128xi32, #tpu.memory_space<vmem>>
          %dma_start3A_206 = arith.constant 0 : i32
          %dma_start3A_207 = arith.constant 0 : i32
          %dma_start3A_208 = tpu.memref_slice %arg2[%dma_start3A_206, %dma_start3A_207] : memref<10240x64xbf16, #tpu.memory_space<hbm>> -> memref<10240x64xbf16, #tpu.memory_space<hbm>>
          tpu.enqueue_indirect_dma source(%dma_start3A_208 : memref<10240x64xbf16, #tpu.memory_space<hbm>>) target(%dma_start3A_202 : memref<128x64xbf16, #tpu.memory_space<vmem>>) offsets(%dma_start3A_205 : memref<128xi32, #tpu.memory_space<vmem>>) semaphore(%arg13 : memref<!tpu.dma_semaphore, #tpu.memory_space<semaphore_mem>>)
        } else {
        }
        %ge3A_72 = arith.constant 4 : i32
        %ge3A_73 = arith.cmpi sge, %add3A_61, %ge3A_72 : i32
        %lt3A_74 = arith.constant 164 : i32
        %lt3A_75 = arith.cmpi slt, %add3A_61, %lt3A_74 : i32
        %and3A_76 = arith.andi %ge3A_73, %lt3A_75 : i1
        %convert_element_type3A_77 = arith.extui %and3A_76 : i1 to i32
        %cond3A_78 = arith.constant 0 : i32
        %cond3A_79 = arith.cmpi ne, %convert_element_type3A_77, %cond3A_78 : i32
        scf.if %cond3A_79 {
          %sub3A = arith.constant 4 : i32
          %sub3A_200 = arith.subi %add3A_61, %sub3A : i32
          %dma_wait3A = arith.constant 0 : i32
          %dma_wait3A_201 = arith.constant 0 : i32
          %dma_wait3A_202 = tpu.memref_slice %arg9[%cond3A_9, %dma_wait3A, %dma_wait3A_201] : memref<8x128x64xbf16, #tpu.memory_space<vmem>> -> memref<1x128x64xbf16, #tpu.memory_space<vmem>>
          %dma_wait3A_203 = tpu.memref_squeeze %dma_wait3A_202 : memref<1x128x64xbf16, #tpu.memory_space<vmem>> -> memref<128x64xbf16, #tpu.memory_space<vmem>>
          %dma_wait3A_204 = arith.constant 0 : i32
          %dma_wait3A_205 = arith.constant 0 : i32
          %dma_wait3A_206 = tpu.memref_slice %arg2[%dma_wait3A_204, %dma_wait3A_205] : memref<10240x64xbf16, #tpu.memory_space<hbm>> -> memref<128x64xbf16, #tpu.memory_space<hbm>>
          %dma_wait3A_207 = arith.constant 0 : i32
          %dma_wait3A_208 = arith.constant 0 : i32
          %dma_wait3A_209 = tpu.memref_slice %arg9[%cond3A_9, %dma_wait3A_207, %dma_wait3A_208] : memref<8x128x64xbf16, #tpu.memory_space<vmem>> -> memref<1x128x64xbf16, #tpu.memory_space<vmem>>
          %dma_wait3A_210 = tpu.memref_squeeze %dma_wait3A_209 : memref<1x128x64xbf16, #tpu.memory_space<vmem>> -> memref<128x64xbf16, #tpu.memory_space<vmem>>
          %dma_wait3A_211 = arith.constant 0 : i32
          %dma_wait3A_212 = arith.constant 0 : i32
          %dma_wait3A_213 = tpu.memref_slice %arg2[%dma_wait3A_211, %dma_wait3A_212] : memref<10240x64xbf16, #tpu.memory_space<hbm>> -> memref<128x64xbf16, #tpu.memory_space<hbm>>
          tpu.wait_dma2 semaphore(%arg17 : memref<!tpu.dma_semaphore, #tpu.memory_space<semaphore_mem>>) src(%dma_wait3A_213 : memref<128x64xbf16, #tpu.memory_space<hbm>>) dst(%dma_wait3A_210 : memref<128x64xbf16, #tpu.memory_space<vmem>>)
          %sub3A_214 = arith.constant 4 : i32
          %sub3A_215 = arith.subi %add3A_61, %sub3A_214 : i32
          %dma_start3A = arith.constant 0 : i32
          %dma_start3A_216 = arith.constant 0 : i32
          %dma_start3A_217 = tpu.memref_slice %arg9[%cond3A_9, %dma_start3A, %dma_start3A_216] : memref<8x128x64xbf16, #tpu.memory_space<vmem>> -> memref<1x128x64xbf16, #tpu.memory_space<vmem>>
          %dma_start3A_218 = tpu.memref_squeeze %dma_start3A_217 : memref<1x128x64xbf16, #tpu.memory_space<vmem>> -> memref<128x64xbf16, #tpu.memory_space<vmem>>
          %dma_start3A_219 = arith.constant 0 : i32
          %dma_start3A_220 = tpu.memref_slice %arg8[%sub3A_215, %dma_start3A_219] : memref<160x128xi32, #tpu.memory_space<vmem>> -> memref<1x128xi32, #tpu.memory_space<vmem>>
          %dma_start3A_221 = tpu.memref_squeeze %dma_start3A_220 : memref<1x128xi32, #tpu.memory_space<vmem>> -> memref<128xi32, #tpu.memory_space<vmem>>
          %dma_start3A_222 = arith.constant 0 : i32
          %dma_start3A_223 = arith.constant 0 : i32
          %dma_start3A_224 = tpu.memref_slice %arg11[%dma_start3A_222, %dma_start3A_223] : memref<10240x64xbf16, #tpu.memory_space<vmem_shared>> -> memref<10240x64xbf16, #tpu.memory_space<vmem_shared>>
          tpu.enqueue_indirect_dma source(%dma_start3A_218 : memref<128x64xbf16, #tpu.memory_space<vmem>>) target(%dma_start3A_224 : memref<10240x64xbf16, #tpu.memory_space<vmem_shared>>) offsets(%dma_start3A_221 : memref<128xi32, #tpu.memory_space<vmem>>) semaphore(%arg25 : memref<!tpu.dma_semaphore, #tpu.memory_space<semaphore_mem>>) {add = true}
        } else {
        }
        %add3A_80 = arith.constant 2 : i32
        %add3A_81 = arith.addi %add3A_42, %add3A_80 : i32
        %ge3A_82 = arith.constant 8 : i32
        %ge3A_83 = arith.cmpi sge, %add3A_81, %ge3A_82 : i32
        %convert_element_type3A_84 = arith.extui %ge3A_83 : i1 to i32
        %cond3A_85 = arith.constant 0 : i32
        %cond3A_86 = arith.cmpi ne, %convert_element_type3A_84, %cond3A_85 : i32
        scf.if %cond3A_86 {
          %sub3A = arith.constant 8 : i32
          %sub3A_200 = arith.subi %add3A_81, %sub3A : i32
          %dma_wait3A = arith.constant 0 : i32
          %dma_wait3A_201 = arith.constant 0 : i32
          %dma_wait3A_202 = tpu.memref_slice %arg9[%cond3A_10, %dma_wait3A, %dma_wait3A_201] : memref<8x128x64xbf16, #tpu.memory_space<vmem>> -> memref<1x128x64xbf16, #tpu.memory_space<vmem>>
          %dma_wait3A_203 = tpu.memref_squeeze %dma_wait3A_202 : memref<1x128x64xbf16, #tpu.memory_space<vmem>> -> memref<128x64xbf16, #tpu.memory_space<vmem>>
          %dma_wait3A_204 = arith.constant 0 : i32
          %dma_wait3A_205 = arith.constant 0 : i32
          %dma_wait3A_206 = tpu.memref_slice %arg11[%dma_wait3A_204, %dma_wait3A_205] : memref<10240x64xbf16, #tpu.memory_space<vmem_shared>> -> memref<128x64xbf16, #tpu.memory_space<vmem_shared>>
          %dma_wait3A_207 = arith.constant 0 : i32
          %dma_wait3A_208 = arith.constant 0 : i32
          %dma_wait3A_209 = tpu.memref_slice %arg11[%dma_wait3A_207, %dma_wait3A_208] : memref<10240x64xbf16, #tpu.memory_space<vmem_shared>> -> memref<128x64xbf16, #tpu.memory_space<vmem_shared>>
          %dma_wait3A_210 = arith.constant 0 : i32
          %dma_wait3A_211 = arith.constant 0 : i32
          %dma_wait3A_212 = tpu.memref_slice %arg9[%cond3A_10, %dma_wait3A_210, %dma_wait3A_211] : memref<8x128x64xbf16, #tpu.memory_space<vmem>> -> memref<1x128x64xbf16, #tpu.memory_space<vmem>>
          %dma_wait3A_213 = tpu.memref_squeeze %dma_wait3A_212 : memref<1x128x64xbf16, #tpu.memory_space<vmem>> -> memref<128x64xbf16, #tpu.memory_space<vmem>>
          tpu.wait_dma2 semaphore(%arg22 : memref<!tpu.dma_semaphore, #tpu.memory_space<semaphore_mem>>) src(%dma_wait3A_213 : memref<128x64xbf16, #tpu.memory_space<vmem>>) dst(%dma_wait3A_209 : memref<128x64xbf16, #tpu.memory_space<vmem_shared>>)
        } else {
        }
        %lt3A_87 = arith.constant 160 : i32
        %lt3A_88 = arith.cmpi slt, %add3A_81, %lt3A_87 : i32
        %convert_element_type3A_89 = arith.extui %lt3A_88 : i1 to i32
        %cond3A_90 = arith.constant 0 : i32
        %cond3A_91 = arith.cmpi ne, %convert_element_type3A_89, %cond3A_90 : i32
        scf.if %cond3A_91 {
          %dma_start3A = arith.constant 0 : i32
          %dma_start3A_200 = arith.constant 0 : i32
          %dma_start3A_201 = tpu.memref_slice %arg9[%cond3A_10, %dma_start3A, %dma_start3A_200] : memref<8x128x64xbf16, #tpu.memory_space<vmem>> -> memref<1x128x64xbf16, #tpu.memory_space<vmem>>
          %dma_start3A_202 = tpu.memref_squeeze %dma_start3A_201 : memref<1x128x64xbf16, #tpu.memory_space<vmem>> -> memref<128x64xbf16, #tpu.memory_space<vmem>>
          %dma_start3A_203 = arith.constant 0 : i32
          %dma_start3A_204 = tpu.memref_slice %arg7[%add3A_81, %dma_start3A_203] : memref<160x128xi32, #tpu.memory_space<vmem>> -> memref<1x128xi32, #tpu.memory_space<vmem>>
          %dma_start3A_205 = tpu.memref_squeeze %dma_start3A_204 : memref<1x128xi32, #tpu.memory_space<vmem>> -> memref<128xi32, #tpu.memory_space<vmem>>
          %dma_start3A_206 = arith.constant 0 : i32
          %dma_start3A_207 = arith.constant 0 : i32
          %dma_start3A_208 = tpu.memref_slice %arg2[%dma_start3A_206, %dma_start3A_207] : memref<10240x64xbf16, #tpu.memory_space<hbm>> -> memref<10240x64xbf16, #tpu.memory_space<hbm>>
          tpu.enqueue_indirect_dma source(%dma_start3A_208 : memref<10240x64xbf16, #tpu.memory_space<hbm>>) target(%dma_start3A_202 : memref<128x64xbf16, #tpu.memory_space<vmem>>) offsets(%dma_start3A_205 : memref<128xi32, #tpu.memory_space<vmem>>) semaphore(%arg14 : memref<!tpu.dma_semaphore, #tpu.memory_space<semaphore_mem>>)
        } else {
        }
        %ge3A_92 = arith.constant 4 : i32
        %ge3A_93 = arith.cmpi sge, %add3A_81, %ge3A_92 : i32
        %lt3A_94 = arith.constant 164 : i32
        %lt3A_95 = arith.cmpi slt, %add3A_81, %lt3A_94 : i32
        %and3A_96 = arith.andi %ge3A_93, %lt3A_95 : i1
        %convert_element_type3A_97 = arith.extui %and3A_96 : i1 to i32
        %cond3A_98 = arith.constant 0 : i32
        %cond3A_99 = arith.cmpi ne, %convert_element_type3A_97, %cond3A_98 : i32
        scf.if %cond3A_99 {
          %sub3A = arith.constant 4 : i32
          %sub3A_200 = arith.subi %add3A_81, %sub3A : i32
          %dma_wait3A = arith.constant 0 : i32
          %dma_wait3A_201 = arith.constant 0 : i32
          %dma_wait3A_202 = tpu.memref_slice %arg9[%cond3A_11, %dma_wait3A, %dma_wait3A_201] : memref<8x128x64xbf16, #tpu.memory_space<vmem>> -> memref<1x128x64xbf16, #tpu.memory_space<vmem>>
          %dma_wait3A_203 = tpu.memref_squeeze %dma_wait3A_202 : memref<1x128x64xbf16, #tpu.memory_space<vmem>> -> memref<128x64xbf16, #tpu.memory_space<vmem>>
          %dma_wait3A_204 = arith.constant 0 : i32
          %dma_wait3A_205 = arith.constant 0 : i32
          %dma_wait3A_206 = tpu.memref_slice %arg2[%dma_wait3A_204, %dma_wait3A_205] : memref<10240x64xbf16, #tpu.memory_space<hbm>> -> memref<128x64xbf16, #tpu.memory_space<hbm>>
          %dma_wait3A_207 = arith.constant 0 : i32
          %dma_wait3A_208 = arith.constant 0 : i32
          %dma_wait3A_209 = tpu.memref_slice %arg9[%cond3A_11, %dma_wait3A_207, %dma_wait3A_208] : memref<8x128x64xbf16, #tpu.memory_space<vmem>> -> memref<1x128x64xbf16, #tpu.memory_space<vmem>>
          %dma_wait3A_210 = tpu.memref_squeeze %dma_wait3A_209 : memref<1x128x64xbf16, #tpu.memory_space<vmem>> -> memref<128x64xbf16, #tpu.memory_space<vmem>>
          %dma_wait3A_211 = arith.constant 0 : i32
          %dma_wait3A_212 = arith.constant 0 : i32
          %dma_wait3A_213 = tpu.memref_slice %arg2[%dma_wait3A_211, %dma_wait3A_212] : memref<10240x64xbf16, #tpu.memory_space<hbm>> -> memref<128x64xbf16, #tpu.memory_space<hbm>>
          tpu.wait_dma2 semaphore(%arg18 : memref<!tpu.dma_semaphore, #tpu.memory_space<semaphore_mem>>) src(%dma_wait3A_213 : memref<128x64xbf16, #tpu.memory_space<hbm>>) dst(%dma_wait3A_210 : memref<128x64xbf16, #tpu.memory_space<vmem>>)
          %sub3A_214 = arith.constant 4 : i32
          %sub3A_215 = arith.subi %add3A_81, %sub3A_214 : i32
          %dma_start3A = arith.constant 0 : i32
          %dma_start3A_216 = arith.constant 0 : i32
          %dma_start3A_217 = tpu.memref_slice %arg9[%cond3A_11, %dma_start3A, %dma_start3A_216] : memref<8x128x64xbf16, #tpu.memory_space<vmem>> -> memref<1x128x64xbf16, #tpu.memory_space<vmem>>
          %dma_start3A_218 = tpu.memref_squeeze %dma_start3A_217 : memref<1x128x64xbf16, #tpu.memory_space<vmem>> -> memref<128x64xbf16, #tpu.memory_space<vmem>>
          %dma_start3A_219 = arith.constant 0 : i32
          %dma_start3A_220 = tpu.memref_slice %arg8[%sub3A_215, %dma_start3A_219] : memref<160x128xi32, #tpu.memory_space<vmem>> -> memref<1x128xi32, #tpu.memory_space<vmem>>
          %dma_start3A_221 = tpu.memref_squeeze %dma_start3A_220 : memref<1x128xi32, #tpu.memory_space<vmem>> -> memref<128xi32, #tpu.memory_space<vmem>>
          %dma_start3A_222 = arith.constant 0 : i32
          %dma_start3A_223 = arith.constant 0 : i32
          %dma_start3A_224 = tpu.memref_slice %arg11[%dma_start3A_222, %dma_start3A_223] : memref<10240x64xbf16, #tpu.memory_space<vmem_shared>> -> memref<10240x64xbf16, #tpu.memory_space<vmem_shared>>
          tpu.enqueue_indirect_dma source(%dma_start3A_218 : memref<128x64xbf16, #tpu.memory_space<vmem>>) target(%dma_start3A_224 : memref<10240x64xbf16, #tpu.memory_space<vmem_shared>>) offsets(%dma_start3A_221 : memref<128xi32, #tpu.memory_space<vmem>>) semaphore(%arg26 : memref<!tpu.dma_semaphore, #tpu.memory_space<semaphore_mem>>) {add = true}
        } else {
        }
        %add3A_100 = arith.constant 3 : i32
        %add3A_101 = arith.addi %add3A_42, %add3A_100 : i32
        %ge3A_102 = arith.constant 8 : i32
        %ge3A_103 = arith.cmpi sge, %add3A_101, %ge3A_102 : i32
        %convert_element_type3A_104 = arith.extui %ge3A_103 : i1 to i32
        %cond3A_105 = arith.constant 0 : i32
        %cond3A_106 = arith.cmpi ne, %convert_element_type3A_104, %cond3A_105 : i32
        scf.if %cond3A_106 {
          %sub3A = arith.constant 8 : i32
          %sub3A_200 = arith.subi %add3A_101, %sub3A : i32
          %dma_wait3A = arith.constant 0 : i32
          %dma_wait3A_201 = arith.constant 0 : i32
          %dma_wait3A_202 = tpu.memref_slice %arg9[%cond3A_12, %dma_wait3A, %dma_wait3A_201] : memref<8x128x64xbf16, #tpu.memory_space<vmem>> -> memref<1x128x64xbf16, #tpu.memory_space<vmem>>
          %dma_wait3A_203 = tpu.memref_squeeze %dma_wait3A_202 : memref<1x128x64xbf16, #tpu.memory_space<vmem>> -> memref<128x64xbf16, #tpu.memory_space<vmem>>
          %dma_wait3A_204 = arith.constant 0 : i32
          %dma_wait3A_205 = arith.constant 0 : i32
          %dma_wait3A_206 = tpu.memref_slice %arg11[%dma_wait3A_204, %dma_wait3A_205] : memref<10240x64xbf16, #tpu.memory_space<vmem_shared>> -> memref<128x64xbf16, #tpu.memory_space<vmem_shared>>
          %dma_wait3A_207 = arith.constant 0 : i32
          %dma_wait3A_208 = arith.constant 0 : i32
          %dma_wait3A_209 = tpu.memref_slice %arg11[%dma_wait3A_207, %dma_wait3A_208] : memref<10240x64xbf16, #tpu.memory_space<vmem_shared>> -> memref<128x64xbf16, #tpu.memory_space<vmem_shared>>
          %dma_wait3A_210 = arith.constant 0 : i32
          %dma_wait3A_211 = arith.constant 0 : i32
          %dma_wait3A_212 = tpu.memref_slice %arg9[%cond3A_12, %dma_wait3A_210, %dma_wait3A_211] : memref<8x128x64xbf16, #tpu.memory_space<vmem>> -> memref<1x128x64xbf16, #tpu.memory_space<vmem>>
          %dma_wait3A_213 = tpu.memref_squeeze %dma_wait3A_212 : memref<1x128x64xbf16, #tpu.memory_space<vmem>> -> memref<128x64xbf16, #tpu.memory_space<vmem>>
          tpu.wait_dma2 semaphore(%arg23 : memref<!tpu.dma_semaphore, #tpu.memory_space<semaphore_mem>>) src(%dma_wait3A_213 : memref<128x64xbf16, #tpu.memory_space<vmem>>) dst(%dma_wait3A_209 : memref<128x64xbf16, #tpu.memory_space<vmem_shared>>)
        } else {
        }
        %lt3A_107 = arith.constant 160 : i32
        %lt3A_108 = arith.cmpi slt, %add3A_101, %lt3A_107 : i32
        %convert_element_type3A_109 = arith.extui %lt3A_108 : i1 to i32
        %cond3A_110 = arith.constant 0 : i32
        %cond3A_111 = arith.cmpi ne, %convert_element_type3A_109, %cond3A_110 : i32
        scf.if %cond3A_111 {
          %dma_start3A = arith.constant 0 : i32
          %dma_start3A_200 = arith.constant 0 : i32
          %dma_start3A_201 = tpu.memref_slice %arg9[%cond3A_12, %dma_start3A, %dma_start3A_200] : memref<8x128x64xbf16, #tpu.memory_space<vmem>> -> memref<1x128x64xbf16, #tpu.memory_space<vmem>>
          %dma_start3A_202 = tpu.memref_squeeze %dma_start3A_201 : memref<1x128x64xbf16, #tpu.memory_space<vmem>> -> memref<128x64xbf16, #tpu.memory_space<vmem>>
          %dma_start3A_203 = arith.constant 0 : i32
          %dma_start3A_204 = tpu.memref_slice %arg7[%add3A_101, %dma_start3A_203] : memref<160x128xi32, #tpu.memory_space<vmem>> -> memref<1x128xi32, #tpu.memory_space<vmem>>
          %dma_start3A_205 = tpu.memref_squeeze %dma_start3A_204 : memref<1x128xi32, #tpu.memory_space<vmem>> -> memref<128xi32, #tpu.memory_space<vmem>>
          %dma_start3A_206 = arith.constant 0 : i32
          %dma_start3A_207 = arith.constant 0 : i32
          %dma_start3A_208 = tpu.memref_slice %arg2[%dma_start3A_206, %dma_start3A_207] : memref<10240x64xbf16, #tpu.memory_space<hbm>> -> memref<10240x64xbf16, #tpu.memory_space<hbm>>
          tpu.enqueue_indirect_dma source(%dma_start3A_208 : memref<10240x64xbf16, #tpu.memory_space<hbm>>) target(%dma_start3A_202 : memref<128x64xbf16, #tpu.memory_space<vmem>>) offsets(%dma_start3A_205 : memref<128xi32, #tpu.memory_space<vmem>>) semaphore(%arg15 : memref<!tpu.dma_semaphore, #tpu.memory_space<semaphore_mem>>)
        } else {
        }
        %ge3A_112 = arith.constant 4 : i32
        %ge3A_113 = arith.cmpi sge, %add3A_101, %ge3A_112 : i32
        %lt3A_114 = arith.constant 164 : i32
        %lt3A_115 = arith.cmpi slt, %add3A_101, %lt3A_114 : i32
        %and3A_116 = arith.andi %ge3A_113, %lt3A_115 : i1
        %convert_element_type3A_117 = arith.extui %and3A_116 : i1 to i32
        %cond3A_118 = arith.constant 0 : i32
        %cond3A_119 = arith.cmpi ne, %convert_element_type3A_117, %cond3A_118 : i32
        scf.if %cond3A_119 {
          %sub3A = arith.constant 4 : i32
          %sub3A_200 = arith.subi %add3A_101, %sub3A : i32
          %dma_wait3A = arith.constant 0 : i32
          %dma_wait3A_201 = arith.constant 0 : i32
          %dma_wait3A_202 = tpu.memref_slice %arg9[%cond3A_13, %dma_wait3A, %dma_wait3A_201] : memref<8x128x64xbf16, #tpu.memory_space<vmem>> -> memref<1x128x64xbf16, #tpu.memory_space<vmem>>
          %dma_wait3A_203 = tpu.memref_squeeze %dma_wait3A_202 : memref<1x128x64xbf16, #tpu.memory_space<vmem>> -> memref<128x64xbf16, #tpu.memory_space<vmem>>
          %dma_wait3A_204 = arith.constant 0 : i32
          %dma_wait3A_205 = arith.constant 0 : i32
          %dma_wait3A_206 = tpu.memref_slice %arg2[%dma_wait3A_204, %dma_wait3A_205] : memref<10240x64xbf16, #tpu.memory_space<hbm>> -> memref<128x64xbf16, #tpu.memory_space<hbm>>
          %dma_wait3A_207 = arith.constant 0 : i32
          %dma_wait3A_208 = arith.constant 0 : i32
          %dma_wait3A_209 = tpu.memref_slice %arg9[%cond3A_13, %dma_wait3A_207, %dma_wait3A_208] : memref<8x128x64xbf16, #tpu.memory_space<vmem>> -> memref<1x128x64xbf16, #tpu.memory_space<vmem>>
          %dma_wait3A_210 = tpu.memref_squeeze %dma_wait3A_209 : memref<1x128x64xbf16, #tpu.memory_space<vmem>> -> memref<128x64xbf16, #tpu.memory_space<vmem>>
          %dma_wait3A_211 = arith.constant 0 : i32
          %dma_wait3A_212 = arith.constant 0 : i32
          %dma_wait3A_213 = tpu.memref_slice %arg2[%dma_wait3A_211, %dma_wait3A_212] : memref<10240x64xbf16, #tpu.memory_space<hbm>> -> memref<128x64xbf16, #tpu.memory_space<hbm>>
          tpu.wait_dma2 semaphore(%arg19 : memref<!tpu.dma_semaphore, #tpu.memory_space<semaphore_mem>>) src(%dma_wait3A_213 : memref<128x64xbf16, #tpu.memory_space<hbm>>) dst(%dma_wait3A_210 : memref<128x64xbf16, #tpu.memory_space<vmem>>)
          %sub3A_214 = arith.constant 4 : i32
          %sub3A_215 = arith.subi %add3A_101, %sub3A_214 : i32
          %dma_start3A = arith.constant 0 : i32
          %dma_start3A_216 = arith.constant 0 : i32
          %dma_start3A_217 = tpu.memref_slice %arg9[%cond3A_13, %dma_start3A, %dma_start3A_216] : memref<8x128x64xbf16, #tpu.memory_space<vmem>> -> memref<1x128x64xbf16, #tpu.memory_space<vmem>>
          %dma_start3A_218 = tpu.memref_squeeze %dma_start3A_217 : memref<1x128x64xbf16, #tpu.memory_space<vmem>> -> memref<128x64xbf16, #tpu.memory_space<vmem>>
          %dma_start3A_219 = arith.constant 0 : i32
          %dma_start3A_220 = tpu.memref_slice %arg8[%sub3A_215, %dma_start3A_219] : memref<160x128xi32, #tpu.memory_space<vmem>> -> memref<1x128xi32, #tpu.memory_space<vmem>>
          %dma_start3A_221 = tpu.memref_squeeze %dma_start3A_220 : memref<1x128xi32, #tpu.memory_space<vmem>> -> memref<128xi32, #tpu.memory_space<vmem>>
          %dma_start3A_222 = arith.constant 0 : i32
          %dma_start3A_223 = arith.constant 0 : i32
          %dma_start3A_224 = tpu.memref_slice %arg11[%dma_start3A_222, %dma_start3A_223] : memref<10240x64xbf16, #tpu.memory_space<vmem_shared>> -> memref<10240x64xbf16, #tpu.memory_space<vmem_shared>>
          tpu.enqueue_indirect_dma source(%dma_start3A_218 : memref<128x64xbf16, #tpu.memory_space<vmem>>) target(%dma_start3A_224 : memref<10240x64xbf16, #tpu.memory_space<vmem_shared>>) offsets(%dma_start3A_221 : memref<128xi32, #tpu.memory_space<vmem>>) semaphore(%arg27 : memref<!tpu.dma_semaphore, #tpu.memory_space<semaphore_mem>>) {add = true}
        } else {
        }
        %add3A_120 = arith.constant 4 : i32
        %add3A_121 = arith.addi %add3A_42, %add3A_120 : i32
        %ge3A_122 = arith.constant 8 : i32
        %ge3A_123 = arith.cmpi sge, %add3A_121, %ge3A_122 : i32
        %convert_element_type3A_124 = arith.extui %ge3A_123 : i1 to i32
        %cond3A_125 = arith.constant 0 : i32
        %cond3A_126 = arith.cmpi ne, %convert_element_type3A_124, %cond3A_125 : i32
        scf.if %cond3A_126 {
          %sub3A = arith.constant 8 : i32
          %sub3A_200 = arith.subi %add3A_121, %sub3A : i32
          %dma_wait3A = arith.constant 0 : i32
          %dma_wait3A_201 = arith.constant 0 : i32
          %dma_wait3A_202 = tpu.memref_slice %arg9[%cond3A_7, %dma_wait3A, %dma_wait3A_201] : memref<8x128x64xbf16, #tpu.memory_space<vmem>> -> memref<1x128x64xbf16, #tpu.memory_space<vmem>>
          %dma_wait3A_203 = tpu.memref_squeeze %dma_wait3A_202 : memref<1x128x64xbf16, #tpu.memory_space<vmem>> -> memref<128x64xbf16, #tpu.memory_space<vmem>>
          %dma_wait3A_204 = arith.constant 0 : i32
          %dma_wait3A_205 = arith.constant 0 : i32
          %dma_wait3A_206 = tpu.memref_slice %arg11[%dma_wait3A_204, %dma_wait3A_205] : memref<10240x64xbf16, #tpu.memory_space<vmem_shared>> -> memref<128x64xbf16, #tpu.memory_space<vmem_shared>>
          %dma_wait3A_207 = arith.constant 0 : i32
          %dma_wait3A_208 = arith.constant 0 : i32
          %dma_wait3A_209 = tpu.memref_slice %arg11[%dma_wait3A_207, %dma_wait3A_208] : memref<10240x64xbf16, #tpu.memory_space<vmem_shared>> -> memref<128x64xbf16, #tpu.memory_space<vmem_shared>>
          %dma_wait3A_210 = arith.constant 0 : i32
          %dma_wait3A_211 = arith.constant 0 : i32
          %dma_wait3A_212 = tpu.memref_slice %arg9[%cond3A_7, %dma_wait3A_210, %dma_wait3A_211] : memref<8x128x64xbf16, #tpu.memory_space<vmem>> -> memref<1x128x64xbf16, #tpu.memory_space<vmem>>
          %dma_wait3A_213 = tpu.memref_squeeze %dma_wait3A_212 : memref<1x128x64xbf16, #tpu.memory_space<vmem>> -> memref<128x64xbf16, #tpu.memory_space<vmem>>
          tpu.wait_dma2 semaphore(%arg24 : memref<!tpu.dma_semaphore, #tpu.memory_space<semaphore_mem>>) src(%dma_wait3A_213 : memref<128x64xbf16, #tpu.memory_space<vmem>>) dst(%dma_wait3A_209 : memref<128x64xbf16, #tpu.memory_space<vmem_shared>>)
        } else {
        }
        %lt3A_127 = arith.constant 160 : i32
        %lt3A_128 = arith.cmpi slt, %add3A_121, %lt3A_127 : i32
        %convert_element_type3A_129 = arith.extui %lt3A_128 : i1 to i32
        %cond3A_130 = arith.constant 0 : i32
        %cond3A_131 = arith.cmpi ne, %convert_element_type3A_129, %cond3A_130 : i32
        scf.if %cond3A_131 {
          %dma_start3A = arith.constant 0 : i32
          %dma_start3A_200 = arith.constant 0 : i32
          %dma_start3A_201 = tpu.memref_slice %arg9[%cond3A_7, %dma_start3A, %dma_start3A_200] : memref<8x128x64xbf16, #tpu.memory_space<vmem>> -> memref<1x128x64xbf16, #tpu.memory_space<vmem>>
          %dma_start3A_202 = tpu.memref_squeeze %dma_start3A_201 : memref<1x128x64xbf16, #tpu.memory_space<vmem>> -> memref<128x64xbf16, #tpu.memory_space<vmem>>
          %dma_start3A_203 = arith.constant 0 : i32
          %dma_start3A_204 = tpu.memref_slice %arg7[%add3A_121, %dma_start3A_203] : memref<160x128xi32, #tpu.memory_space<vmem>> -> memref<1x128xi32, #tpu.memory_space<vmem>>
          %dma_start3A_205 = tpu.memref_squeeze %dma_start3A_204 : memref<1x128xi32, #tpu.memory_space<vmem>> -> memref<128xi32, #tpu.memory_space<vmem>>
          %dma_start3A_206 = arith.constant 0 : i32
          %dma_start3A_207 = arith.constant 0 : i32
          %dma_start3A_208 = tpu.memref_slice %arg2[%dma_start3A_206, %dma_start3A_207] : memref<10240x64xbf16, #tpu.memory_space<hbm>> -> memref<10240x64xbf16, #tpu.memory_space<hbm>>
          tpu.enqueue_indirect_dma source(%dma_start3A_208 : memref<10240x64xbf16, #tpu.memory_space<hbm>>) target(%dma_start3A_202 : memref<128x64xbf16, #tpu.memory_space<vmem>>) offsets(%dma_start3A_205 : memref<128xi32, #tpu.memory_space<vmem>>) semaphore(%arg16 : memref<!tpu.dma_semaphore, #tpu.memory_space<semaphore_mem>>)
        } else {
        }
        %ge3A_132 = arith.constant 4 : i32
        %ge3A_133 = arith.cmpi sge, %add3A_121, %ge3A_132 : i32
        %lt3A_134 = arith.constant 164 : i32
        %lt3A_135 = arith.cmpi slt, %add3A_121, %lt3A_134 : i32
        %and3A_136 = arith.andi %ge3A_133, %lt3A_135 : i1
        %convert_element_type3A_137 = arith.extui %and3A_136 : i1 to i32
        %cond3A_138 = arith.constant 0 : i32
        %cond3A_139 = arith.cmpi ne, %convert_element_type3A_137, %cond3A_138 : i32
        scf.if %cond3A_139 {
          %sub3A = arith.constant 4 : i32
          %sub3A_200 = arith.subi %add3A_121, %sub3A : i32
          %dma_wait3A = arith.constant 0 : i32
          %dma_wait3A_201 = arith.constant 0 : i32
          %dma_wait3A_202 = tpu.memref_slice %arg9[%cond3A, %dma_wait3A, %dma_wait3A_201] : memref<8x128x64xbf16, #tpu.memory_space<vmem>> -> memref<1x128x64xbf16, #tpu.memory_space<vmem>>
          %dma_wait3A_203 = tpu.memref_squeeze %dma_wait3A_202 : memref<1x128x64xbf16, #tpu.memory_space<vmem>> -> memref<128x64xbf16, #tpu.memory_space<vmem>>
          %dma_wait3A_204 = arith.constant 0 : i32
          %dma_wait3A_205 = arith.constant 0 : i32
          %dma_wait3A_206 = tpu.memref_slice %arg2[%dma_wait3A_204, %dma_wait3A_205] : memref<10240x64xbf16, #tpu.memory_space<hbm>> -> memref<128x64xbf16, #tpu.memory_space<hbm>>
          %dma_wait3A_207 = arith.constant 0 : i32
          %dma_wait3A_208 = arith.constant 0 : i32
          %dma_wait3A_209 = tpu.memref_slice %arg9[%cond3A, %dma_wait3A_207, %dma_wait3A_208] : memref<8x128x64xbf16, #tpu.memory_space<vmem>> -> memref<1x128x64xbf16, #tpu.memory_space<vmem>>
          %dma_wait3A_210 = tpu.memref_squeeze %dma_wait3A_209 : memref<1x128x64xbf16, #tpu.memory_space<vmem>> -> memref<128x64xbf16, #tpu.memory_space<vmem>>
          %dma_wait3A_211 = arith.constant 0 : i32
          %dma_wait3A_212 = arith.constant 0 : i32
          %dma_wait3A_213 = tpu.memref_slice %arg2[%dma_wait3A_211, %dma_wait3A_212] : memref<10240x64xbf16, #tpu.memory_space<hbm>> -> memref<128x64xbf16, #tpu.memory_space<hbm>>
          tpu.wait_dma2 semaphore(%arg12 : memref<!tpu.dma_semaphore, #tpu.memory_space<semaphore_mem>>) src(%dma_wait3A_213 : memref<128x64xbf16, #tpu.memory_space<hbm>>) dst(%dma_wait3A_210 : memref<128x64xbf16, #tpu.memory_space<vmem>>)
          %sub3A_214 = arith.constant 4 : i32
          %sub3A_215 = arith.subi %add3A_121, %sub3A_214 : i32
          %dma_start3A = arith.constant 0 : i32
          %dma_start3A_216 = arith.constant 0 : i32
          %dma_start3A_217 = tpu.memref_slice %arg9[%cond3A, %dma_start3A, %dma_start3A_216] : memref<8x128x64xbf16, #tpu.memory_space<vmem>> -> memref<1x128x64xbf16, #tpu.memory_space<vmem>>
          %dma_start3A_218 = tpu.memref_squeeze %dma_start3A_217 : memref<1x128x64xbf16, #tpu.memory_space<vmem>> -> memref<128x64xbf16, #tpu.memory_space<vmem>>
          %dma_start3A_219 = arith.constant 0 : i32
          %dma_start3A_220 = tpu.memref_slice %arg8[%sub3A_215, %dma_start3A_219] : memref<160x128xi32, #tpu.memory_space<vmem>> -> memref<1x128xi32, #tpu.memory_space<vmem>>
          %dma_start3A_221 = tpu.memref_squeeze %dma_start3A_220 : memref<1x128xi32, #tpu.memory_space<vmem>> -> memref<128xi32, #tpu.memory_space<vmem>>
          %dma_start3A_222 = arith.constant 0 : i32
          %dma_start3A_223 = arith.constant 0 : i32
          %dma_start3A_224 = tpu.memref_slice %arg11[%dma_start3A_222, %dma_start3A_223] : memref<10240x64xbf16, #tpu.memory_space<vmem_shared>> -> memref<10240x64xbf16, #tpu.memory_space<vmem_shared>>
          tpu.enqueue_indirect_dma source(%dma_start3A_218 : memref<128x64xbf16, #tpu.memory_space<vmem>>) target(%dma_start3A_224 : memref<10240x64xbf16, #tpu.memory_space<vmem_shared>>) offsets(%dma_start3A_221 : memref<128xi32, #tpu.memory_space<vmem>>) semaphore(%arg20 : memref<!tpu.dma_semaphore, #tpu.memory_space<semaphore_mem>>) {add = true}
        } else {
        }
        %add3A_140 = arith.constant 5 : i32
        %add3A_141 = arith.addi %add3A_42, %add3A_140 : i32
        %ge3A_142 = arith.constant 8 : i32
        %ge3A_143 = arith.cmpi sge, %add3A_141, %ge3A_142 : i32
        %convert_element_type3A_144 = arith.extui %ge3A_143 : i1 to i32
        %cond3A_145 = arith.constant 0 : i32
        %cond3A_146 = arith.cmpi ne, %convert_element_type3A_144, %cond3A_145 : i32
        scf.if %cond3A_146 {
          %sub3A = arith.constant 8 : i32
          %sub3A_200 = arith.subi %add3A_141, %sub3A : i32
          %dma_wait3A = arith.constant 0 : i32
          %dma_wait3A_201 = arith.constant 0 : i32
          %dma_wait3A_202 = tpu.memref_slice %arg9[%cond3A_9, %dma_wait3A, %dma_wait3A_201] : memref<8x128x64xbf16, #tpu.memory_space<vmem>> -> memref<1x128x64xbf16, #tpu.memory_space<vmem>>
          %dma_wait3A_203 = tpu.memref_squeeze %dma_wait3A_202 : memref<1x128x64xbf16, #tpu.memory_space<vmem>> -> memref<128x64xbf16, #tpu.memory_space<vmem>>
          %dma_wait3A_204 = arith.constant 0 : i32
          %dma_wait3A_205 = arith.constant 0 : i32
          %dma_wait3A_206 = tpu.memref_slice %arg11[%dma_wait3A_204, %dma_wait3A_205] : memref<10240x64xbf16, #tpu.memory_space<vmem_shared>> -> memref<128x64xbf16, #tpu.memory_space<vmem_shared>>
          %dma_wait3A_207 = arith.constant 0 : i32
          %dma_wait3A_208 = arith.constant 0 : i32
          %dma_wait3A_209 = tpu.memref_slice %arg11[%dma_wait3A_207, %dma_wait3A_208] : memref<10240x64xbf16, #tpu.memory_space<vmem_shared>> -> memref<128x64xbf16, #tpu.memory_space<vmem_shared>>
          %dma_wait3A_210 = arith.constant 0 : i32
          %dma_wait3A_211 = arith.constant 0 : i32
          %dma_wait3A_212 = tpu.memref_slice %arg9[%cond3A_9, %dma_wait3A_210, %dma_wait3A_211] : memref<8x128x64xbf16, #tpu.memory_space<vmem>> -> memref<1x128x64xbf16, #tpu.memory_space<vmem>>
          %dma_wait3A_213 = tpu.memref_squeeze %dma_wait3A_212 : memref<1x128x64xbf16, #tpu.memory_space<vmem>> -> memref<128x64xbf16, #tpu.memory_space<vmem>>
          tpu.wait_dma2 semaphore(%arg25 : memref<!tpu.dma_semaphore, #tpu.memory_space<semaphore_mem>>) src(%dma_wait3A_213 : memref<128x64xbf16, #tpu.memory_space<vmem>>) dst(%dma_wait3A_209 : memref<128x64xbf16, #tpu.memory_space<vmem_shared>>)
        } else {
        }
        %lt3A_147 = arith.constant 160 : i32
        %lt3A_148 = arith.cmpi slt, %add3A_141, %lt3A_147 : i32
        %convert_element_type3A_149 = arith.extui %lt3A_148 : i1 to i32
        %cond3A_150 = arith.constant 0 : i32
        %cond3A_151 = arith.cmpi ne, %convert_element_type3A_149, %cond3A_150 : i32
        scf.if %cond3A_151 {
          %dma_start3A = arith.constant 0 : i32
          %dma_start3A_200 = arith.constant 0 : i32
          %dma_start3A_201 = tpu.memref_slice %arg9[%cond3A_9, %dma_start3A, %dma_start3A_200] : memref<8x128x64xbf16, #tpu.memory_space<vmem>> -> memref<1x128x64xbf16, #tpu.memory_space<vmem>>
          %dma_start3A_202 = tpu.memref_squeeze %dma_start3A_201 : memref<1x128x64xbf16, #tpu.memory_space<vmem>> -> memref<128x64xbf16, #tpu.memory_space<vmem>>
          %dma_start3A_203 = arith.constant 0 : i32
          %dma_start3A_204 = tpu.memref_slice %arg7[%add3A_141, %dma_start3A_203] : memref<160x128xi32, #tpu.memory_space<vmem>> -> memref<1x128xi32, #tpu.memory_space<vmem>>
          %dma_start3A_205 = tpu.memref_squeeze %dma_start3A_204 : memref<1x128xi32, #tpu.memory_space<vmem>> -> memref<128xi32, #tpu.memory_space<vmem>>
          %dma_start3A_206 = arith.constant 0 : i32
          %dma_start3A_207 = arith.constant 0 : i32
          %dma_start3A_208 = tpu.memref_slice %arg2[%dma_start3A_206, %dma_start3A_207] : memref<10240x64xbf16, #tpu.memory_space<hbm>> -> memref<10240x64xbf16, #tpu.memory_space<hbm>>
          tpu.enqueue_indirect_dma source(%dma_start3A_208 : memref<10240x64xbf16, #tpu.memory_space<hbm>>) target(%dma_start3A_202 : memref<128x64xbf16, #tpu.memory_space<vmem>>) offsets(%dma_start3A_205 : memref<128xi32, #tpu.memory_space<vmem>>) semaphore(%arg17 : memref<!tpu.dma_semaphore, #tpu.memory_space<semaphore_mem>>)
        } else {
        }
        %ge3A_152 = arith.constant 4 : i32
        %ge3A_153 = arith.cmpi sge, %add3A_141, %ge3A_152 : i32
        %lt3A_154 = arith.constant 164 : i32
        %lt3A_155 = arith.cmpi slt, %add3A_141, %lt3A_154 : i32
        %and3A_156 = arith.andi %ge3A_153, %lt3A_155 : i1
        %convert_element_type3A_157 = arith.extui %and3A_156 : i1 to i32
        %cond3A_158 = arith.constant 0 : i32
        %cond3A_159 = arith.cmpi ne, %convert_element_type3A_157, %cond3A_158 : i32
        scf.if %cond3A_159 {
          %sub3A = arith.constant 4 : i32
          %sub3A_200 = arith.subi %add3A_141, %sub3A : i32
          %dma_wait3A = arith.constant 0 : i32
          %dma_wait3A_201 = arith.constant 0 : i32
          %dma_wait3A_202 = tpu.memref_slice %arg9[%cond3A_8, %dma_wait3A, %dma_wait3A_201] : memref<8x128x64xbf16, #tpu.memory_space<vmem>> -> memref<1x128x64xbf16, #tpu.memory_space<vmem>>
          %dma_wait3A_203 = tpu.memref_squeeze %dma_wait3A_202 : memref<1x128x64xbf16, #tpu.memory_space<vmem>> -> memref<128x64xbf16, #tpu.memory_space<vmem>>
          %dma_wait3A_204 = arith.constant 0 : i32
          %dma_wait3A_205 = arith.constant 0 : i32
          %dma_wait3A_206 = tpu.memref_slice %arg2[%dma_wait3A_204, %dma_wait3A_205] : memref<10240x64xbf16, #tpu.memory_space<hbm>> -> memref<128x64xbf16, #tpu.memory_space<hbm>>
          %dma_wait3A_207 = arith.constant 0 : i32
          %dma_wait3A_208 = arith.constant 0 : i32
          %dma_wait3A_209 = tpu.memref_slice %arg9[%cond3A_8, %dma_wait3A_207, %dma_wait3A_208] : memref<8x128x64xbf16, #tpu.memory_space<vmem>> -> memref<1x128x64xbf16, #tpu.memory_space<vmem>>
          %dma_wait3A_210 = tpu.memref_squeeze %dma_wait3A_209 : memref<1x128x64xbf16, #tpu.memory_space<vmem>> -> memref<128x64xbf16, #tpu.memory_space<vmem>>
          %dma_wait3A_211 = arith.constant 0 : i32
          %dma_wait3A_212 = arith.constant 0 : i32
          %dma_wait3A_213 = tpu.memref_slice %arg2[%dma_wait3A_211, %dma_wait3A_212] : memref<10240x64xbf16, #tpu.memory_space<hbm>> -> memref<128x64xbf16, #tpu.memory_space<hbm>>
          tpu.wait_dma2 semaphore(%arg13 : memref<!tpu.dma_semaphore, #tpu.memory_space<semaphore_mem>>) src(%dma_wait3A_213 : memref<128x64xbf16, #tpu.memory_space<hbm>>) dst(%dma_wait3A_210 : memref<128x64xbf16, #tpu.memory_space<vmem>>)
          %sub3A_214 = arith.constant 4 : i32
          %sub3A_215 = arith.subi %add3A_141, %sub3A_214 : i32
          %dma_start3A = arith.constant 0 : i32
          %dma_start3A_216 = arith.constant 0 : i32
          %dma_start3A_217 = tpu.memref_slice %arg9[%cond3A_8, %dma_start3A, %dma_start3A_216] : memref<8x128x64xbf16, #tpu.memory_space<vmem>> -> memref<1x128x64xbf16, #tpu.memory_space<vmem>>
          %dma_start3A_218 = tpu.memref_squeeze %dma_start3A_217 : memref<1x128x64xbf16, #tpu.memory_space<vmem>> -> memref<128x64xbf16, #tpu.memory_space<vmem>>
          %dma_start3A_219 = arith.constant 0 : i32
          %dma_start3A_220 = tpu.memref_slice %arg8[%sub3A_215, %dma_start3A_219] : memref<160x128xi32, #tpu.memory_space<vmem>> -> memref<1x128xi32, #tpu.memory_space<vmem>>
          %dma_start3A_221 = tpu.memref_squeeze %dma_start3A_220 : memref<1x128xi32, #tpu.memory_space<vmem>> -> memref<128xi32, #tpu.memory_space<vmem>>
          %dma_start3A_222 = arith.constant 0 : i32
          %dma_start3A_223 = arith.constant 0 : i32
          %dma_start3A_224 = tpu.memref_slice %arg11[%dma_start3A_222, %dma_start3A_223] : memref<10240x64xbf16, #tpu.memory_space<vmem_shared>> -> memref<10240x64xbf16, #tpu.memory_space<vmem_shared>>
          tpu.enqueue_indirect_dma source(%dma_start3A_218 : memref<128x64xbf16, #tpu.memory_space<vmem>>) target(%dma_start3A_224 : memref<10240x64xbf16, #tpu.memory_space<vmem_shared>>) offsets(%dma_start3A_221 : memref<128xi32, #tpu.memory_space<vmem>>) semaphore(%arg21 : memref<!tpu.dma_semaphore, #tpu.memory_space<semaphore_mem>>) {add = true}
        } else {
        }
        %add3A_160 = arith.constant 6 : i32
        %add3A_161 = arith.addi %add3A_42, %add3A_160 : i32
        %ge3A_162 = arith.constant 8 : i32
        %ge3A_163 = arith.cmpi sge, %add3A_161, %ge3A_162 : i32
        %convert_element_type3A_164 = arith.extui %ge3A_163 : i1 to i32
        %cond3A_165 = arith.constant 0 : i32
        %cond3A_166 = arith.cmpi ne, %convert_element_type3A_164, %cond3A_165 : i32
        scf.if %cond3A_166 {
          %sub3A = arith.constant 8 : i32
          %sub3A_200 = arith.subi %add3A_161, %sub3A : i32
          %dma_wait3A = arith.constant 0 : i32
          %dma_wait3A_201 = arith.constant 0 : i32
          %dma_wait3A_202 = tpu.memref_slice %arg9[%cond3A_11, %dma_wait3A, %dma_wait3A_201] : memref<8x128x64xbf16, #tpu.memory_space<vmem>> -> memref<1x128x64xbf16, #tpu.memory_space<vmem>>
          %dma_wait3A_203 = tpu.memref_squeeze %dma_wait3A_202 : memref<1x128x64xbf16, #tpu.memory_space<vmem>> -> memref<128x64xbf16, #tpu.memory_space<vmem>>
          %dma_wait3A_204 = arith.constant 0 : i32
          %dma_wait3A_205 = arith.constant 0 : i32
          %dma_wait3A_206 = tpu.memref_slice %arg11[%dma_wait3A_204, %dma_wait3A_205] : memref<10240x64xbf16, #tpu.memory_space<vmem_shared>> -> memref<128x64xbf16, #tpu.memory_space<vmem_shared>>
          %dma_wait3A_207 = arith.constant 0 : i32
          %dma_wait3A_208 = arith.constant 0 : i32
          %dma_wait3A_209 = tpu.memref_slice %arg11[%dma_wait3A_207, %dma_wait3A_208] : memref<10240x64xbf16, #tpu.memory_space<vmem_shared>> -> memref<128x64xbf16, #tpu.memory_space<vmem_shared>>
          %dma_wait3A_210 = arith.constant 0 : i32
          %dma_wait3A_211 = arith.constant 0 : i32
          %dma_wait3A_212 = tpu.memref_slice %arg9[%cond3A_11, %dma_wait3A_210, %dma_wait3A_211] : memref<8x128x64xbf16, #tpu.memory_space<vmem>> -> memref<1x128x64xbf16, #tpu.memory_space<vmem>>
          %dma_wait3A_213 = tpu.memref_squeeze %dma_wait3A_212 : memref<1x128x64xbf16, #tpu.memory_space<vmem>> -> memref<128x64xbf16, #tpu.memory_space<vmem>>
          tpu.wait_dma2 semaphore(%arg26 : memref<!tpu.dma_semaphore, #tpu.memory_space<semaphore_mem>>) src(%dma_wait3A_213 : memref<128x64xbf16, #tpu.memory_space<vmem>>) dst(%dma_wait3A_209 : memref<128x64xbf16, #tpu.memory_space<vmem_shared>>)
        } else {
        }
        %lt3A_167 = arith.constant 160 : i32
        %lt3A_168 = arith.cmpi slt, %add3A_161, %lt3A_167 : i32
        %convert_element_type3A_169 = arith.extui %lt3A_168 : i1 to i32
        %cond3A_170 = arith.constant 0 : i32
        %cond3A_171 = arith.cmpi ne, %convert_element_type3A_169, %cond3A_170 : i32
        scf.if %cond3A_171 {
          %dma_start3A = arith.constant 0 : i32
          %dma_start3A_200 = arith.constant 0 : i32
          %dma_start3A_201 = tpu.memref_slice %arg9[%cond3A_11, %dma_start3A, %dma_start3A_200] : memref<8x128x64xbf16, #tpu.memory_space<vmem>> -> memref<1x128x64xbf16, #tpu.memory_space<vmem>>
          %dma_start3A_202 = tpu.memref_squeeze %dma_start3A_201 : memref<1x128x64xbf16, #tpu.memory_space<vmem>> -> memref<128x64xbf16, #tpu.memory_space<vmem>>
          %dma_start3A_203 = arith.constant 0 : i32
          %dma_start3A_204 = tpu.memref_slice %arg7[%add3A_161, %dma_start3A_203] : memref<160x128xi32, #tpu.memory_space<vmem>> -> memref<1x128xi32, #tpu.memory_space<vmem>>
          %dma_start3A_205 = tpu.memref_squeeze %dma_start3A_204 : memref<1x128xi32, #tpu.memory_space<vmem>> -> memref<128xi32, #tpu.memory_space<vmem>>
          %dma_start3A_206 = arith.constant 0 : i32
          %dma_start3A_207 = arith.constant 0 : i32
          %dma_start3A_208 = tpu.memref_slice %arg2[%dma_start3A_206, %dma_start3A_207] : memref<10240x64xbf16, #tpu.memory_space<hbm>> -> memref<10240x64xbf16, #tpu.memory_space<hbm>>
          tpu.enqueue_indirect_dma source(%dma_start3A_208 : memref<10240x64xbf16, #tpu.memory_space<hbm>>) target(%dma_start3A_202 : memref<128x64xbf16, #tpu.memory_space<vmem>>) offsets(%dma_start3A_205 : memref<128xi32, #tpu.memory_space<vmem>>) semaphore(%arg18 : memref<!tpu.dma_semaphore, #tpu.memory_space<semaphore_mem>>)
        } else {
        }
        %ge3A_172 = arith.constant 4 : i32
        %ge3A_173 = arith.cmpi sge, %add3A_161, %ge3A_172 : i32
        %lt3A_174 = arith.constant 164 : i32
        %lt3A_175 = arith.cmpi slt, %add3A_161, %lt3A_174 : i32
        %and3A_176 = arith.andi %ge3A_173, %lt3A_175 : i1
        %convert_element_type3A_177 = arith.extui %and3A_176 : i1 to i32
        %cond3A_178 = arith.constant 0 : i32
        %cond3A_179 = arith.cmpi ne, %convert_element_type3A_177, %cond3A_178 : i32
        scf.if %cond3A_179 {
          %sub3A = arith.constant 4 : i32
          %sub3A_200 = arith.subi %add3A_161, %sub3A : i32
          %dma_wait3A = arith.constant 0 : i32
          %dma_wait3A_201 = arith.constant 0 : i32
          %dma_wait3A_202 = tpu.memref_slice %arg9[%cond3A_10, %dma_wait3A, %dma_wait3A_201] : memref<8x128x64xbf16, #tpu.memory_space<vmem>> -> memref<1x128x64xbf16, #tpu.memory_space<vmem>>
          %dma_wait3A_203 = tpu.memref_squeeze %dma_wait3A_202 : memref<1x128x64xbf16, #tpu.memory_space<vmem>> -> memref<128x64xbf16, #tpu.memory_space<vmem>>
          %dma_wait3A_204 = arith.constant 0 : i32
          %dma_wait3A_205 = arith.constant 0 : i32
          %dma_wait3A_206 = tpu.memref_slice %arg2[%dma_wait3A_204, %dma_wait3A_205] : memref<10240x64xbf16, #tpu.memory_space<hbm>> -> memref<128x64xbf16, #tpu.memory_space<hbm>>
          %dma_wait3A_207 = arith.constant 0 : i32
          %dma_wait3A_208 = arith.constant 0 : i32
          %dma_wait3A_209 = tpu.memref_slice %arg9[%cond3A_10, %dma_wait3A_207, %dma_wait3A_208] : memref<8x128x64xbf16, #tpu.memory_space<vmem>> -> memref<1x128x64xbf16, #tpu.memory_space<vmem>>
          %dma_wait3A_210 = tpu.memref_squeeze %dma_wait3A_209 : memref<1x128x64xbf16, #tpu.memory_space<vmem>> -> memref<128x64xbf16, #tpu.memory_space<vmem>>
          %dma_wait3A_211 = arith.constant 0 : i32
          %dma_wait3A_212 = arith.constant 0 : i32
          %dma_wait3A_213 = tpu.memref_slice %arg2[%dma_wait3A_211, %dma_wait3A_212] : memref<10240x64xbf16, #tpu.memory_space<hbm>> -> memref<128x64xbf16, #tpu.memory_space<hbm>>
          tpu.wait_dma2 semaphore(%arg14 : memref<!tpu.dma_semaphore, #tpu.memory_space<semaphore_mem>>) src(%dma_wait3A_213 : memref<128x64xbf16, #tpu.memory_space<hbm>>) dst(%dma_wait3A_210 : memref<128x64xbf16, #tpu.memory_space<vmem>>)
          %sub3A_214 = arith.constant 4 : i32
          %sub3A_215 = arith.subi %add3A_161, %sub3A_214 : i32
          %dma_start3A = arith.constant 0 : i32
          %dma_start3A_216 = arith.constant 0 : i32
          %dma_start3A_217 = tpu.memref_slice %arg9[%cond3A_10, %dma_start3A, %dma_start3A_216] : memref<8x128x64xbf16, #tpu.memory_space<vmem>> -> memref<1x128x64xbf16, #tpu.memory_space<vmem>>
          %dma_start3A_218 = tpu.memref_squeeze %dma_start3A_217 : memref<1x128x64xbf16, #tpu.memory_space<vmem>> -> memref<128x64xbf16, #tpu.memory_space<vmem>>
          %dma_start3A_219 = arith.constant 0 : i32
          %dma_start3A_220 = tpu.memref_slice %arg8[%sub3A_215, %dma_start3A_219] : memref<160x128xi32, #tpu.memory_space<vmem>> -> memref<1x128xi32, #tpu.memory_space<vmem>>
          %dma_start3A_221 = tpu.memref_squeeze %dma_start3A_220 : memref<1x128xi32, #tpu.memory_space<vmem>> -> memref<128xi32, #tpu.memory_space<vmem>>
          %dma_start3A_222 = arith.constant 0 : i32
          %dma_start3A_223 = arith.constant 0 : i32
          %dma_start3A_224 = tpu.memref_slice %arg11[%dma_start3A_222, %dma_start3A_223] : memref<10240x64xbf16, #tpu.memory_space<vmem_shared>> -> memref<10240x64xbf16, #tpu.memory_space<vmem_shared>>
          tpu.enqueue_indirect_dma source(%dma_start3A_218 : memref<128x64xbf16, #tpu.memory_space<vmem>>) target(%dma_start3A_224 : memref<10240x64xbf16, #tpu.memory_space<vmem_shared>>) offsets(%dma_start3A_221 : memref<128xi32, #tpu.memory_space<vmem>>) semaphore(%arg22 : memref<!tpu.dma_semaphore, #tpu.memory_space<semaphore_mem>>) {add = true}
        } else {
        }
        %add3A_180 = arith.constant 7 : i32
        %add3A_181 = arith.addi %add3A_42, %add3A_180 : i32
        %ge3A_182 = arith.constant 8 : i32
        %ge3A_183 = arith.cmpi sge, %add3A_181, %ge3A_182 : i32
        %convert_element_type3A_184 = arith.extui %ge3A_183 : i1 to i32
        %cond3A_185 = arith.constant 0 : i32
        %cond3A_186 = arith.cmpi ne, %convert_element_type3A_184, %cond3A_185 : i32
        scf.if %cond3A_186 {
          %sub3A = arith.constant 8 : i32
          %sub3A_200 = arith.subi %add3A_181, %sub3A : i32
          %dma_wait3A = arith.constant 0 : i32
          %dma_wait3A_201 = arith.constant 0 : i32
          %dma_wait3A_202 = tpu.memref_slice %arg9[%cond3A_13, %dma_wait3A, %dma_wait3A_201] : memref<8x128x64xbf16, #tpu.memory_space<vmem>> -> memref<1x128x64xbf16, #tpu.memory_space<vmem>>
          %dma_wait3A_203 = tpu.memref_squeeze %dma_wait3A_202 : memref<1x128x64xbf16, #tpu.memory_space<vmem>> -> memref<128x64xbf16, #tpu.memory_space<vmem>>
          %dma_wait3A_204 = arith.constant 0 : i32
          %dma_wait3A_205 = arith.constant 0 : i32
          %dma_wait3A_206 = tpu.memref_slice %arg11[%dma_wait3A_204, %dma_wait3A_205] : memref<10240x64xbf16, #tpu.memory_space<vmem_shared>> -> memref<128x64xbf16, #tpu.memory_space<vmem_shared>>
          %dma_wait3A_207 = arith.constant 0 : i32
          %dma_wait3A_208 = arith.constant 0 : i32
          %dma_wait3A_209 = tpu.memref_slice %arg11[%dma_wait3A_207, %dma_wait3A_208] : memref<10240x64xbf16, #tpu.memory_space<vmem_shared>> -> memref<128x64xbf16, #tpu.memory_space<vmem_shared>>
          %dma_wait3A_210 = arith.constant 0 : i32
          %dma_wait3A_211 = arith.constant 0 : i32
          %dma_wait3A_212 = tpu.memref_slice %arg9[%cond3A_13, %dma_wait3A_210, %dma_wait3A_211] : memref<8x128x64xbf16, #tpu.memory_space<vmem>> -> memref<1x128x64xbf16, #tpu.memory_space<vmem>>
          %dma_wait3A_213 = tpu.memref_squeeze %dma_wait3A_212 : memref<1x128x64xbf16, #tpu.memory_space<vmem>> -> memref<128x64xbf16, #tpu.memory_space<vmem>>
          tpu.wait_dma2 semaphore(%arg27 : memref<!tpu.dma_semaphore, #tpu.memory_space<semaphore_mem>>) src(%dma_wait3A_213 : memref<128x64xbf16, #tpu.memory_space<vmem>>) dst(%dma_wait3A_209 : memref<128x64xbf16, #tpu.memory_space<vmem_shared>>)
        } else {
        }
        %lt3A_187 = arith.constant 160 : i32
        %lt3A_188 = arith.cmpi slt, %add3A_181, %lt3A_187 : i32
        %convert_element_type3A_189 = arith.extui %lt3A_188 : i1 to i32
        %cond3A_190 = arith.constant 0 : i32
        %cond3A_191 = arith.cmpi ne, %convert_element_type3A_189, %cond3A_190 : i32
        scf.if %cond3A_191 {
          %dma_start3A = arith.constant 0 : i32
          %dma_start3A_200 = arith.constant 0 : i32
          %dma_start3A_201 = tpu.memref_slice %arg9[%cond3A_13, %dma_start3A, %dma_start3A_200] : memref<8x128x64xbf16, #tpu.memory_space<vmem>> -> memref<1x128x64xbf16, #tpu.memory_space<vmem>>
          %dma_start3A_202 = tpu.memref_squeeze %dma_start3A_201 : memref<1x128x64xbf16, #tpu.memory_space<vmem>> -> memref<128x64xbf16, #tpu.memory_space<vmem>>
          %dma_start3A_203 = arith.constant 0 : i32
          %dma_start3A_204 = tpu.memref_slice %arg7[%add3A_181, %dma_start3A_203] : memref<160x128xi32, #tpu.memory_space<vmem>> -> memref<1x128xi32, #tpu.memory_space<vmem>>
          %dma_start3A_205 = tpu.memref_squeeze %dma_start3A_204 : memref<1x128xi32, #tpu.memory_space<vmem>> -> memref<128xi32, #tpu.memory_space<vmem>>
          %dma_start3A_206 = arith.constant 0 : i32
          %dma_start3A_207 = arith.constant 0 : i32
          %dma_start3A_208 = tpu.memref_slice %arg2[%dma_start3A_206, %dma_start3A_207] : memref<10240x64xbf16, #tpu.memory_space<hbm>> -> memref<10240x64xbf16, #tpu.memory_space<hbm>>
          tpu.enqueue_indirect_dma source(%dma_start3A_208 : memref<10240x64xbf16, #tpu.memory_space<hbm>>) target(%dma_start3A_202 : memref<128x64xbf16, #tpu.memory_space<vmem>>) offsets(%dma_start3A_205 : memref<128xi32, #tpu.memory_space<vmem>>) semaphore(%arg19 : memref<!tpu.dma_semaphore, #tpu.memory_space<semaphore_mem>>)
        } else {
        }
        %ge3A_192 = arith.constant 4 : i32
        %ge3A_193 = arith.cmpi sge, %add3A_181, %ge3A_192 : i32
        %lt3A_194 = arith.constant 164 : i32
        %lt3A_195 = arith.cmpi slt, %add3A_181, %lt3A_194 : i32
        %and3A_196 = arith.andi %ge3A_193, %lt3A_195 : i1
        %convert_element_type3A_197 = arith.extui %and3A_196 : i1 to i32
        %cond3A_198 = arith.constant 0 : i32
        %cond3A_199 = arith.cmpi ne, %convert_element_type3A_197, %cond3A_198 : i32
        scf.if %cond3A_199 {
          %sub3A = arith.constant 4 : i32
          %sub3A_200 = arith.subi %add3A_181, %sub3A : i32
          %dma_wait3A = arith.constant 0 : i32
          %dma_wait3A_201 = arith.constant 0 : i32
          %dma_wait3A_202 = tpu.memref_slice %arg9[%cond3A_12, %dma_wait3A, %dma_wait3A_201] : memref<8x128x64xbf16, #tpu.memory_space<vmem>> -> memref<1x128x64xbf16, #tpu.memory_space<vmem>>
          %dma_wait3A_203 = tpu.memref_squeeze %dma_wait3A_202 : memref<1x128x64xbf16, #tpu.memory_space<vmem>> -> memref<128x64xbf16, #tpu.memory_space<vmem>>
          %dma_wait3A_204 = arith.constant 0 : i32
          %dma_wait3A_205 = arith.constant 0 : i32
          %dma_wait3A_206 = tpu.memref_slice %arg2[%dma_wait3A_204, %dma_wait3A_205] : memref<10240x64xbf16, #tpu.memory_space<hbm>> -> memref<128x64xbf16, #tpu.memory_space<hbm>>
          %dma_wait3A_207 = arith.constant 0 : i32
          %dma_wait3A_208 = arith.constant 0 : i32
          %dma_wait3A_209 = tpu.memref_slice %arg9[%cond3A_12, %dma_wait3A_207, %dma_wait3A_208] : memref<8x128x64xbf16, #tpu.memory_space<vmem>> -> memref<1x128x64xbf16, #tpu.memory_space<vmem>>
          %dma_wait3A_210 = tpu.memref_squeeze %dma_wait3A_209 : memref<1x128x64xbf16, #tpu.memory_space<vmem>> -> memref<128x64xbf16, #tpu.memory_space<vmem>>
          %dma_wait3A_211 = arith.constant 0 : i32
          %dma_wait3A_212 = arith.constant 0 : i32
          %dma_wait3A_213 = tpu.memref_slice %arg2[%dma_wait3A_211, %dma_wait3A_212] : memref<10240x64xbf16, #tpu.memory_space<hbm>> -> memref<128x64xbf16, #tpu.memory_space<hbm>>
          tpu.wait_dma2 semaphore(%arg15 : memref<!tpu.dma_semaphore, #tpu.memory_space<semaphore_mem>>) src(%dma_wait3A_213 : memref<128x64xbf16, #tpu.memory_space<hbm>>) dst(%dma_wait3A_210 : memref<128x64xbf16, #tpu.memory_space<vmem>>)
          %sub3A_214 = arith.constant 4 : i32
          %sub3A_215 = arith.subi %add3A_181, %sub3A_214 : i32
          %dma_start3A = arith.constant 0 : i32
          %dma_start3A_216 = arith.constant 0 : i32
          %dma_start3A_217 = tpu.memref_slice %arg9[%cond3A_12, %dma_start3A, %dma_start3A_216] : memref<8x128x64xbf16, #tpu.memory_space<vmem>> -> memref<1x128x64xbf16, #tpu.memory_space<vmem>>
          %dma_start3A_218 = tpu.memref_squeeze %dma_start3A_217 : memref<1x128x64xbf16, #tpu.memory_space<vmem>> -> memref<128x64xbf16, #tpu.memory_space<vmem>>
          %dma_start3A_219 = arith.constant 0 : i32
          %dma_start3A_220 = tpu.memref_slice %arg8[%sub3A_215, %dma_start3A_219] : memref<160x128xi32, #tpu.memory_space<vmem>> -> memref<1x128xi32, #tpu.memory_space<vmem>>
          %dma_start3A_221 = tpu.memref_squeeze %dma_start3A_220 : memref<1x128xi32, #tpu.memory_space<vmem>> -> memref<128xi32, #tpu.memory_space<vmem>>
          %dma_start3A_222 = arith.constant 0 : i32
          %dma_start3A_223 = arith.constant 0 : i32
          %dma_start3A_224 = tpu.memref_slice %arg11[%dma_start3A_222, %dma_start3A_223] : memref<10240x64xbf16, #tpu.memory_space<vmem_shared>> -> memref<10240x64xbf16, #tpu.memory_space<vmem_shared>>
          tpu.enqueue_indirect_dma source(%dma_start3A_218 : memref<128x64xbf16, #tpu.memory_space<vmem>>) target(%dma_start3A_224 : memref<10240x64xbf16, #tpu.memory_space<vmem_shared>>) offsets(%dma_start3A_221 : memref<128xi32, #tpu.memory_space<vmem>>) semaphore(%arg23 : memref<!tpu.dma_semaphore, #tpu.memory_space<semaphore_mem>>) {add = true}
        } else {
        }
      }
      %scan3A_38 = arith.constant 21 : i32
    } else {
    }
    %eq3A_16 = arith.constant 1 : i32
    %eq3A_17 = arith.cmpi eq, %arg0, %eq3A_16 : i32
    %convert_element_type3A_18 = arith.extui %eq3A_17 : i1 to i32
    %cond3A_19 = arith.constant 0 : i32
    %cond3A_20 = arith.constant 4 : i32
    %cond3A_21 = arith.constant 1 : i32
    %cond3A_22 = arith.constant 5 : i32
    %cond3A_23 = arith.constant 2 : i32
    %cond3A_24 = arith.constant 6 : i32
    %cond3A_25 = arith.constant 3 : i32
    %cond3A_26 = arith.constant 7 : i32
    %cond3A_27 = arith.constant 0 : i32
    %cond3A_28 = arith.cmpi ne, %convert_element_type3A_18, %cond3A_27 : i32
    scf.if %cond3A_28 {
      %scan3A_34 = arith.constant 0 : i32
      %scan3A_35 = arith.constant 21 : i32
      %scan3A_36 = arith.addi %scan3A_34, %scan3A_35 : i32
      %scan3A_37 = arith.constant 1 : i32
      scf.for %scan3A_39 = %scan3A_34 to %scan3A_36 step %scan3A_37  : i32 {
        %mul3A_40 = arith.constant 8 : i32
        %mul3A_41 = arith.muli %scan3A_39, %mul3A_40 : i32
        %add3A = arith.constant 0 : i32
        %add3A_42 = arith.addi %add3A, %mul3A_41 : i32
        %add3A_43 = arith.constant 0 : i32
        %add3A_44 = arith.addi %add3A_42, %add3A_43 : i32
        %ge3A = arith.constant 8 : i32
        %ge3A_45 = arith.cmpi sge, %add3A_44, %ge3A : i32
        %convert_element_type3A_46 = arith.extui %ge3A_45 : i1 to i32
        %cond3A_47 = arith.constant 0 : i32
        %cond3A_48 = arith.cmpi ne, %convert_element_type3A_46, %cond3A_47 : i32
        scf.if %cond3A_48 {
          %sub3A = arith.constant 8 : i32
          %sub3A_200 = arith.subi %add3A_44, %sub3A : i32
          %dma_wait3A = arith.constant 0 : i32
          %dma_wait3A_201 = arith.constant 0 : i32
          %dma_wait3A_202 = tpu.memref_slice %arg9[%cond3A_19, %dma_wait3A, %dma_wait3A_201] : memref<8x128x64xbf16, #tpu.memory_space<vmem>> -> memref<1x128x64xbf16, #tpu.memory_space<vmem>>
          %dma_wait3A_203 = tpu.memref_squeeze %dma_wait3A_202 : memref<1x128x64xbf16, #tpu.memory_space<vmem>> -> memref<128x64xbf16, #tpu.memory_space<vmem>>
          %dma_wait3A_204 = arith.constant 0 : i32
          %dma_wait3A_205 = arith.constant 0 : i32
          %dma_wait3A_206 = tpu.memref_slice %arg11[%dma_wait3A_204, %dma_wait3A_205] : memref<10240x64xbf16, #tpu.memory_space<vmem_shared>> -> memref<128x64xbf16, #tpu.memory_space<vmem_shared>>
          %dma_wait3A_207 = arith.constant 0 : i32
          %dma_wait3A_208 = arith.constant 0 : i32
          %dma_wait3A_209 = tpu.memref_slice %arg11[%dma_wait3A_207, %dma_wait3A_208] : memref<10240x64xbf16, #tpu.memory_space<vmem_shared>> -> memref<128x64xbf16, #tpu.memory_space<vmem_shared>>
          %dma_wait3A_210 = arith.constant 0 : i32
          %dma_wait3A_211 = arith.constant 0 : i32
          %dma_wait3A_212 = tpu.memref_slice %arg9[%cond3A_19, %dma_wait3A_210, %dma_wait3A_211] : memref<8x128x64xbf16, #tpu.memory_space<vmem>> -> memref<1x128x64xbf16, #tpu.memory_space<vmem>>
          %dma_wait3A_213 = tpu.memref_squeeze %dma_wait3A_212 : memref<1x128x64xbf16, #tpu.memory_space<vmem>> -> memref<128x64xbf16, #tpu.memory_space<vmem>>
          tpu.wait_dma2 semaphore(%arg20 : memref<!tpu.dma_semaphore, #tpu.memory_space<semaphore_mem>>) src(%dma_wait3A_213 : memref<128x64xbf16, #tpu.memory_space<vmem>>) dst(%dma_wait3A_209 : memref<128x64xbf16, #tpu.memory_space<vmem_shared>>)
        } else {
        }
        %lt3A = arith.constant 160 : i32
        %lt3A_49 = arith.cmpi slt, %add3A_44, %lt3A : i32
        %convert_element_type3A_50 = arith.extui %lt3A_49 : i1 to i32
        %cond3A_51 = arith.constant 0 : i32
        %cond3A_52 = arith.cmpi ne, %convert_element_type3A_50, %cond3A_51 : i32
        scf.if %cond3A_52 {
          %dma_start3A = arith.constant 0 : i32
          %dma_start3A_200 = arith.constant 0 : i32
          %dma_start3A_201 = tpu.memref_slice %arg9[%cond3A_19, %dma_start3A, %dma_start3A_200] : memref<8x128x64xbf16, #tpu.memory_space<vmem>> -> memref<1x128x64xbf16, #tpu.memory_space<vmem>>
          %dma_start3A_202 = tpu.memref_squeeze %dma_start3A_201 : memref<1x128x64xbf16, #tpu.memory_space<vmem>> -> memref<128x64xbf16, #tpu.memory_space<vmem>>
          %dma_start3A_203 = arith.constant 0 : i32
          %dma_start3A_204 = tpu.memref_slice %arg7[%add3A_44, %dma_start3A_203] : memref<160x128xi32, #tpu.memory_space<vmem>> -> memref<1x128xi32, #tpu.memory_space<vmem>>
          %dma_start3A_205 = tpu.memref_squeeze %dma_start3A_204 : memref<1x128xi32, #tpu.memory_space<vmem>> -> memref<128xi32, #tpu.memory_space<vmem>>
          %dma_start3A_206 = arith.constant 0 : i32
          %dma_start3A_207 = arith.constant 0 : i32
          %dma_start3A_208 = tpu.memref_slice %arg3[%dma_start3A_206, %dma_start3A_207] : memref<10240x64xbf16, #tpu.memory_space<hbm>> -> memref<10240x64xbf16, #tpu.memory_space<hbm>>
          tpu.enqueue_indirect_dma source(%dma_start3A_208 : memref<10240x64xbf16, #tpu.memory_space<hbm>>) target(%dma_start3A_202 : memref<128x64xbf16, #tpu.memory_space<vmem>>) offsets(%dma_start3A_205 : memref<128xi32, #tpu.memory_space<vmem>>) semaphore(%arg12 : memref<!tpu.dma_semaphore, #tpu.memory_space<semaphore_mem>>)
        } else {
        }
        %ge3A_53 = arith.constant 4 : i32
        %ge3A_54 = arith.cmpi sge, %add3A_44, %ge3A_53 : i32
        %lt3A_55 = arith.constant 164 : i32
        %lt3A_56 = arith.cmpi slt, %add3A_44, %lt3A_55 : i32
        %and3A = arith.andi %ge3A_54, %lt3A_56 : i1
        %convert_element_type3A_57 = arith.extui %and3A : i1 to i32
        %cond3A_58 = arith.constant 0 : i32
        %cond3A_59 = arith.cmpi ne, %convert_element_type3A_57, %cond3A_58 : i32
        scf.if %cond3A_59 {
          %sub3A = arith.constant 4 : i32
          %sub3A_200 = arith.subi %add3A_44, %sub3A : i32
          %dma_wait3A = arith.constant 0 : i32
          %dma_wait3A_201 = arith.constant 0 : i32
          %dma_wait3A_202 = tpu.memref_slice %arg9[%cond3A_20, %dma_wait3A, %dma_wait3A_201] : memref<8x128x64xbf16, #tpu.memory_space<vmem>> -> memref<1x128x64xbf16, #tpu.memory_space<vmem>>
          %dma_wait3A_203 = tpu.memref_squeeze %dma_wait3A_202 : memref<1x128x64xbf16, #tpu.memory_space<vmem>> -> memref<128x64xbf16, #tpu.memory_space<vmem>>
          %dma_wait3A_204 = arith.constant 0 : i32
          %dma_wait3A_205 = arith.constant 0 : i32
          %dma_wait3A_206 = tpu.memref_slice %arg3[%dma_wait3A_204, %dma_wait3A_205] : memref<10240x64xbf16, #tpu.memory_space<hbm>> -> memref<128x64xbf16, #tpu.memory_space<hbm>>
          %dma_wait3A_207 = arith.constant 0 : i32
          %dma_wait3A_208 = arith.constant 0 : i32
          %dma_wait3A_209 = tpu.memref_slice %arg9[%cond3A_20, %dma_wait3A_207, %dma_wait3A_208] : memref<8x128x64xbf16, #tpu.memory_space<vmem>> -> memref<1x128x64xbf16, #tpu.memory_space<vmem>>
          %dma_wait3A_210 = tpu.memref_squeeze %dma_wait3A_209 : memref<1x128x64xbf16, #tpu.memory_space<vmem>> -> memref<128x64xbf16, #tpu.memory_space<vmem>>
          %dma_wait3A_211 = arith.constant 0 : i32
          %dma_wait3A_212 = arith.constant 0 : i32
          %dma_wait3A_213 = tpu.memref_slice %arg3[%dma_wait3A_211, %dma_wait3A_212] : memref<10240x64xbf16, #tpu.memory_space<hbm>> -> memref<128x64xbf16, #tpu.memory_space<hbm>>
          tpu.wait_dma2 semaphore(%arg16 : memref<!tpu.dma_semaphore, #tpu.memory_space<semaphore_mem>>) src(%dma_wait3A_213 : memref<128x64xbf16, #tpu.memory_space<hbm>>) dst(%dma_wait3A_210 : memref<128x64xbf16, #tpu.memory_space<vmem>>)
          %sub3A_214 = arith.constant 4 : i32
          %sub3A_215 = arith.subi %add3A_44, %sub3A_214 : i32
          %dma_start3A = arith.constant 0 : i32
          %dma_start3A_216 = arith.constant 0 : i32
          %dma_start3A_217 = tpu.memref_slice %arg9[%cond3A_20, %dma_start3A, %dma_start3A_216] : memref<8x128x64xbf16, #tpu.memory_space<vmem>> -> memref<1x128x64xbf16, #tpu.memory_space<vmem>>
          %dma_start3A_218 = tpu.memref_squeeze %dma_start3A_217 : memref<1x128x64xbf16, #tpu.memory_space<vmem>> -> memref<128x64xbf16, #tpu.memory_space<vmem>>
          %dma_start3A_219 = arith.constant 0 : i32
          %dma_start3A_220 = tpu.memref_slice %arg8[%sub3A_215, %dma_start3A_219] : memref<160x128xi32, #tpu.memory_space<vmem>> -> memref<1x128xi32, #tpu.memory_space<vmem>>
          %dma_start3A_221 = tpu.memref_squeeze %dma_start3A_220 : memref<1x128xi32, #tpu.memory_space<vmem>> -> memref<128xi32, #tpu.memory_space<vmem>>
          %dma_start3A_222 = arith.constant 0 : i32
          %dma_start3A_223 = arith.constant 0 : i32
          %dma_start3A_224 = tpu.memref_slice %arg11[%dma_start3A_222, %dma_start3A_223] : memref<10240x64xbf16, #tpu.memory_space<vmem_shared>> -> memref<10240x64xbf16, #tpu.memory_space<vmem_shared>>
          tpu.enqueue_indirect_dma source(%dma_start3A_218 : memref<128x64xbf16, #tpu.memory_space<vmem>>) target(%dma_start3A_224 : memref<10240x64xbf16, #tpu.memory_space<vmem_shared>>) offsets(%dma_start3A_221 : memref<128xi32, #tpu.memory_space<vmem>>) semaphore(%arg24 : memref<!tpu.dma_semaphore, #tpu.memory_space<semaphore_mem>>) {add = true}
        } else {
        }
        %add3A_60 = arith.constant 1 : i32
        %add3A_61 = arith.addi %add3A_42, %add3A_60 : i32
        %ge3A_62 = arith.constant 8 : i32
        %ge3A_63 = arith.cmpi sge, %add3A_61, %ge3A_62 : i32
        %convert_element_type3A_64 = arith.extui %ge3A_63 : i1 to i32
        %cond3A_65 = arith.constant 0 : i32
        %cond3A_66 = arith.cmpi ne, %convert_element_type3A_64, %cond3A_65 : i32
        scf.if %cond3A_66 {
          %sub3A = arith.constant 8 : i32
          %sub3A_200 = arith.subi %add3A_61, %sub3A : i32
          %dma_wait3A = arith.constant 0 : i32
          %dma_wait3A_201 = arith.constant 0 : i32
          %dma_wait3A_202 = tpu.memref_slice %arg9[%cond3A_21, %dma_wait3A, %dma_wait3A_201] : memref<8x128x64xbf16, #tpu.memory_space<vmem>> -> memref<1x128x64xbf16, #tpu.memory_space<vmem>>
          %dma_wait3A_203 = tpu.memref_squeeze %dma_wait3A_202 : memref<1x128x64xbf16, #tpu.memory_space<vmem>> -> memref<128x64xbf16, #tpu.memory_space<vmem>>
          %dma_wait3A_204 = arith.constant 0 : i32
          %dma_wait3A_205 = arith.constant 0 : i32
          %dma_wait3A_206 = tpu.memref_slice %arg11[%dma_wait3A_204, %dma_wait3A_205] : memref<10240x64xbf16, #tpu.memory_space<vmem_shared>> -> memref<128x64xbf16, #tpu.memory_space<vmem_shared>>
          %dma_wait3A_207 = arith.constant 0 : i32
          %dma_wait3A_208 = arith.constant 0 : i32
          %dma_wait3A_209 = tpu.memref_slice %arg11[%dma_wait3A_207, %dma_wait3A_208] : memref<10240x64xbf16, #tpu.memory_space<vmem_shared>> -> memref<128x64xbf16, #tpu.memory_space<vmem_shared>>
          %dma_wait3A_210 = arith.constant 0 : i32
          %dma_wait3A_211 = arith.constant 0 : i32
          %dma_wait3A_212 = tpu.memref_slice %arg9[%cond3A_21, %dma_wait3A_210, %dma_wait3A_211] : memref<8x128x64xbf16, #tpu.memory_space<vmem>> -> memref<1x128x64xbf16, #tpu.memory_space<vmem>>
          %dma_wait3A_213 = tpu.memref_squeeze %dma_wait3A_212 : memref<1x128x64xbf16, #tpu.memory_space<vmem>> -> memref<128x64xbf16, #tpu.memory_space<vmem>>
          tpu.wait_dma2 semaphore(%arg21 : memref<!tpu.dma_semaphore, #tpu.memory_space<semaphore_mem>>) src(%dma_wait3A_213 : memref<128x64xbf16, #tpu.memory_space<vmem>>) dst(%dma_wait3A_209 : memref<128x64xbf16, #tpu.memory_space<vmem_shared>>)
        } else {
        }
        %lt3A_67 = arith.constant 160 : i32
        %lt3A_68 = arith.cmpi slt, %add3A_61, %lt3A_67 : i32
        %convert_element_type3A_69 = arith.extui %lt3A_68 : i1 to i32
        %cond3A_70 = arith.constant 0 : i32
        %cond3A_71 = arith.cmpi ne, %convert_element_type3A_69, %cond3A_70 : i32
        scf.if %cond3A_71 {
          %dma_start3A = arith.constant 0 : i32
          %dma_start3A_200 = arith.constant 0 : i32
          %dma_start3A_201 = tpu.memref_slice %arg9[%cond3A_21, %dma_start3A, %dma_start3A_200] : memref<8x128x64xbf16, #tpu.memory_space<vmem>> -> memref<1x128x64xbf16, #tpu.memory_space<vmem>>
          %dma_start3A_202 = tpu.memref_squeeze %dma_start3A_201 : memref<1x128x64xbf16, #tpu.memory_space<vmem>> -> memref<128x64xbf16, #tpu.memory_space<vmem>>
          %dma_start3A_203 = arith.constant 0 : i32
          %dma_start3A_204 = tpu.memref_slice %arg7[%add3A_61, %dma_start3A_203] : memref<160x128xi32, #tpu.memory_space<vmem>> -> memref<1x128xi32, #tpu.memory_space<vmem>>
          %dma_start3A_205 = tpu.memref_squeeze %dma_start3A_204 : memref<1x128xi32, #tpu.memory_space<vmem>> -> memref<128xi32, #tpu.memory_space<vmem>>
          %dma_start3A_206 = arith.constant 0 : i32
          %dma_start3A_207 = arith.constant 0 : i32
          %dma_start3A_208 = tpu.memref_slice %arg3[%dma_start3A_206, %dma_start3A_207] : memref<10240x64xbf16, #tpu.memory_space<hbm>> -> memref<10240x64xbf16, #tpu.memory_space<hbm>>
          tpu.enqueue_indirect_dma source(%dma_start3A_208 : memref<10240x64xbf16, #tpu.memory_space<hbm>>) target(%dma_start3A_202 : memref<128x64xbf16, #tpu.memory_space<vmem>>) offsets(%dma_start3A_205 : memref<128xi32, #tpu.memory_space<vmem>>) semaphore(%arg13 : memref<!tpu.dma_semaphore, #tpu.memory_space<semaphore_mem>>)
        } else {
        }
        %ge3A_72 = arith.constant 4 : i32
        %ge3A_73 = arith.cmpi sge, %add3A_61, %ge3A_72 : i32
        %lt3A_74 = arith.constant 164 : i32
        %lt3A_75 = arith.cmpi slt, %add3A_61, %lt3A_74 : i32
        %and3A_76 = arith.andi %ge3A_73, %lt3A_75 : i1
        %convert_element_type3A_77 = arith.extui %and3A_76 : i1 to i32
        %cond3A_78 = arith.constant 0 : i32
        %cond3A_79 = arith.cmpi ne, %convert_element_type3A_77, %cond3A_78 : i32
        scf.if %cond3A_79 {
          %sub3A = arith.constant 4 : i32
          %sub3A_200 = arith.subi %add3A_61, %sub3A : i32
          %dma_wait3A = arith.constant 0 : i32
          %dma_wait3A_201 = arith.constant 0 : i32
          %dma_wait3A_202 = tpu.memref_slice %arg9[%cond3A_22, %dma_wait3A, %dma_wait3A_201] : memref<8x128x64xbf16, #tpu.memory_space<vmem>> -> memref<1x128x64xbf16, #tpu.memory_space<vmem>>
          %dma_wait3A_203 = tpu.memref_squeeze %dma_wait3A_202 : memref<1x128x64xbf16, #tpu.memory_space<vmem>> -> memref<128x64xbf16, #tpu.memory_space<vmem>>
          %dma_wait3A_204 = arith.constant 0 : i32
          %dma_wait3A_205 = arith.constant 0 : i32
          %dma_wait3A_206 = tpu.memref_slice %arg3[%dma_wait3A_204, %dma_wait3A_205] : memref<10240x64xbf16, #tpu.memory_space<hbm>> -> memref<128x64xbf16, #tpu.memory_space<hbm>>
          %dma_wait3A_207 = arith.constant 0 : i32
          %dma_wait3A_208 = arith.constant 0 : i32
          %dma_wait3A_209 = tpu.memref_slice %arg9[%cond3A_22, %dma_wait3A_207, %dma_wait3A_208] : memref<8x128x64xbf16, #tpu.memory_space<vmem>> -> memref<1x128x64xbf16, #tpu.memory_space<vmem>>
          %dma_wait3A_210 = tpu.memref_squeeze %dma_wait3A_209 : memref<1x128x64xbf16, #tpu.memory_space<vmem>> -> memref<128x64xbf16, #tpu.memory_space<vmem>>
          %dma_wait3A_211 = arith.constant 0 : i32
          %dma_wait3A_212 = arith.constant 0 : i32
          %dma_wait3A_213 = tpu.memref_slice %arg3[%dma_wait3A_211, %dma_wait3A_212] : memref<10240x64xbf16, #tpu.memory_space<hbm>> -> memref<128x64xbf16, #tpu.memory_space<hbm>>
          tpu.wait_dma2 semaphore(%arg17 : memref<!tpu.dma_semaphore, #tpu.memory_space<semaphore_mem>>) src(%dma_wait3A_213 : memref<128x64xbf16, #tpu.memory_space<hbm>>) dst(%dma_wait3A_210 : memref<128x64xbf16, #tpu.memory_space<vmem>>)
          %sub3A_214 = arith.constant 4 : i32
          %sub3A_215 = arith.subi %add3A_61, %sub3A_214 : i32
          %dma_start3A = arith.constant 0 : i32
          %dma_start3A_216 = arith.constant 0 : i32
          %dma_start3A_217 = tpu.memref_slice %arg9[%cond3A_22, %dma_start3A, %dma_start3A_216] : memref<8x128x64xbf16, #tpu.memory_space<vmem>> -> memref<1x128x64xbf16, #tpu.memory_space<vmem>>
          %dma_start3A_218 = tpu.memref_squeeze %dma_start3A_217 : memref<1x128x64xbf16, #tpu.memory_space<vmem>> -> memref<128x64xbf16, #tpu.memory_space<vmem>>
          %dma_start3A_219 = arith.constant 0 : i32
          %dma_start3A_220 = tpu.memref_slice %arg8[%sub3A_215, %dma_start3A_219] : memref<160x128xi32, #tpu.memory_space<vmem>> -> memref<1x128xi32, #tpu.memory_space<vmem>>
          %dma_start3A_221 = tpu.memref_squeeze %dma_start3A_220 : memref<1x128xi32, #tpu.memory_space<vmem>> -> memref<128xi32, #tpu.memory_space<vmem>>
          %dma_start3A_222 = arith.constant 0 : i32
          %dma_start3A_223 = arith.constant 0 : i32
          %dma_start3A_224 = tpu.memref_slice %arg11[%dma_start3A_222, %dma_start3A_223] : memref<10240x64xbf16, #tpu.memory_space<vmem_shared>> -> memref<10240x64xbf16, #tpu.memory_space<vmem_shared>>
          tpu.enqueue_indirect_dma source(%dma_start3A_218 : memref<128x64xbf16, #tpu.memory_space<vmem>>) target(%dma_start3A_224 : memref<10240x64xbf16, #tpu.memory_space<vmem_shared>>) offsets(%dma_start3A_221 : memref<128xi32, #tpu.memory_space<vmem>>) semaphore(%arg25 : memref<!tpu.dma_semaphore, #tpu.memory_space<semaphore_mem>>) {add = true}
        } else {
        }
        %add3A_80 = arith.constant 2 : i32
        %add3A_81 = arith.addi %add3A_42, %add3A_80 : i32
        %ge3A_82 = arith.constant 8 : i32
        %ge3A_83 = arith.cmpi sge, %add3A_81, %ge3A_82 : i32
        %convert_element_type3A_84 = arith.extui %ge3A_83 : i1 to i32
        %cond3A_85 = arith.constant 0 : i32
        %cond3A_86 = arith.cmpi ne, %convert_element_type3A_84, %cond3A_85 : i32
        scf.if %cond3A_86 {
          %sub3A = arith.constant 8 : i32
          %sub3A_200 = arith.subi %add3A_81, %sub3A : i32
          %dma_wait3A = arith.constant 0 : i32
          %dma_wait3A_201 = arith.constant 0 : i32
          %dma_wait3A_202 = tpu.memref_slice %arg9[%cond3A_23, %dma_wait3A, %dma_wait3A_201] : memref<8x128x64xbf16, #tpu.memory_space<vmem>> -> memref<1x128x64xbf16, #tpu.memory_space<vmem>>
          %dma_wait3A_203 = tpu.memref_squeeze %dma_wait3A_202 : memref<1x128x64xbf16, #tpu.memory_space<vmem>> -> memref<128x64xbf16, #tpu.memory_space<vmem>>
          %dma_wait3A_204 = arith.constant 0 : i32
          %dma_wait3A_205 = arith.constant 0 : i32
          %dma_wait3A_206 = tpu.memref_slice %arg11[%dma_wait3A_204, %dma_wait3A_205] : memref<10240x64xbf16, #tpu.memory_space<vmem_shared>> -> memref<128x64xbf16, #tpu.memory_space<vmem_shared>>
          %dma_wait3A_207 = arith.constant 0 : i32
          %dma_wait3A_208 = arith.constant 0 : i32
          %dma_wait3A_209 = tpu.memref_slice %arg11[%dma_wait3A_207, %dma_wait3A_208] : memref<10240x64xbf16, #tpu.memory_space<vmem_shared>> -> memref<128x64xbf16, #tpu.memory_space<vmem_shared>>
          %dma_wait3A_210 = arith.constant 0 : i32
          %dma_wait3A_211 = arith.constant 0 : i32
          %dma_wait3A_212 = tpu.memref_slice %arg9[%cond3A_23, %dma_wait3A_210, %dma_wait3A_211] : memref<8x128x64xbf16, #tpu.memory_space<vmem>> -> memref<1x128x64xbf16, #tpu.memory_space<vmem>>
          %dma_wait3A_213 = tpu.memref_squeeze %dma_wait3A_212 : memref<1x128x64xbf16, #tpu.memory_space<vmem>> -> memref<128x64xbf16, #tpu.memory_space<vmem>>
          tpu.wait_dma2 semaphore(%arg22 : memref<!tpu.dma_semaphore, #tpu.memory_space<semaphore_mem>>) src(%dma_wait3A_213 : memref<128x64xbf16, #tpu.memory_space<vmem>>) dst(%dma_wait3A_209 : memref<128x64xbf16, #tpu.memory_space<vmem_shared>>)
        } else {
        }
        %lt3A_87 = arith.constant 160 : i32
        %lt3A_88 = arith.cmpi slt, %add3A_81, %lt3A_87 : i32
        %convert_element_type3A_89 = arith.extui %lt3A_88 : i1 to i32
        %cond3A_90 = arith.constant 0 : i32
        %cond3A_91 = arith.cmpi ne, %convert_element_type3A_89, %cond3A_90 : i32
        scf.if %cond3A_91 {
          %dma_start3A = arith.constant 0 : i32
          %dma_start3A_200 = arith.constant 0 : i32
          %dma_start3A_201 = tpu.memref_slice %arg9[%cond3A_23, %dma_start3A, %dma_start3A_200] : memref<8x128x64xbf16, #tpu.memory_space<vmem>> -> memref<1x128x64xbf16, #tpu.memory_space<vmem>>
          %dma_start3A_202 = tpu.memref_squeeze %dma_start3A_201 : memref<1x128x64xbf16, #tpu.memory_space<vmem>> -> memref<128x64xbf16, #tpu.memory_space<vmem>>
          %dma_start3A_203 = arith.constant 0 : i32
          %dma_start3A_204 = tpu.memref_slice %arg7[%add3A_81, %dma_start3A_203] : memref<160x128xi32, #tpu.memory_space<vmem>> -> memref<1x128xi32, #tpu.memory_space<vmem>>
          %dma_start3A_205 = tpu.memref_squeeze %dma_start3A_204 : memref<1x128xi32, #tpu.memory_space<vmem>> -> memref<128xi32, #tpu.memory_space<vmem>>
          %dma_start3A_206 = arith.constant 0 : i32
          %dma_start3A_207 = arith.constant 0 : i32
          %dma_start3A_208 = tpu.memref_slice %arg3[%dma_start3A_206, %dma_start3A_207] : memref<10240x64xbf16, #tpu.memory_space<hbm>> -> memref<10240x64xbf16, #tpu.memory_space<hbm>>
          tpu.enqueue_indirect_dma source(%dma_start3A_208 : memref<10240x64xbf16, #tpu.memory_space<hbm>>) target(%dma_start3A_202 : memref<128x64xbf16, #tpu.memory_space<vmem>>) offsets(%dma_start3A_205 : memref<128xi32, #tpu.memory_space<vmem>>) semaphore(%arg14 : memref<!tpu.dma_semaphore, #tpu.memory_space<semaphore_mem>>)
        } else {
        }
        %ge3A_92 = arith.constant 4 : i32
        %ge3A_93 = arith.cmpi sge, %add3A_81, %ge3A_92 : i32
        %lt3A_94 = arith.constant 164 : i32
        %lt3A_95 = arith.cmpi slt, %add3A_81, %lt3A_94 : i32
        %and3A_96 = arith.andi %ge3A_93, %lt3A_95 : i1
        %convert_element_type3A_97 = arith.extui %and3A_96 : i1 to i32
        %cond3A_98 = arith.constant 0 : i32
        %cond3A_99 = arith.cmpi ne, %convert_element_type3A_97, %cond3A_98 : i32
        scf.if %cond3A_99 {
          %sub3A = arith.constant 4 : i32
          %sub3A_200 = arith.subi %add3A_81, %sub3A : i32
          %dma_wait3A = arith.constant 0 : i32
          %dma_wait3A_201 = arith.constant 0 : i32
          %dma_wait3A_202 = tpu.memref_slice %arg9[%cond3A_24, %dma_wait3A, %dma_wait3A_201] : memref<8x128x64xbf16, #tpu.memory_space<vmem>> -> memref<1x128x64xbf16, #tpu.memory_space<vmem>>
          %dma_wait3A_203 = tpu.memref_squeeze %dma_wait3A_202 : memref<1x128x64xbf16, #tpu.memory_space<vmem>> -> memref<128x64xbf16, #tpu.memory_space<vmem>>
          %dma_wait3A_204 = arith.constant 0 : i32
          %dma_wait3A_205 = arith.constant 0 : i32
          %dma_wait3A_206 = tpu.memref_slice %arg3[%dma_wait3A_204, %dma_wait3A_205] : memref<10240x64xbf16, #tpu.memory_space<hbm>> -> memref<128x64xbf16, #tpu.memory_space<hbm>>
          %dma_wait3A_207 = arith.constant 0 : i32
          %dma_wait3A_208 = arith.constant 0 : i32
          %dma_wait3A_209 = tpu.memref_slice %arg9[%cond3A_24, %dma_wait3A_207, %dma_wait3A_208] : memref<8x128x64xbf16, #tpu.memory_space<vmem>> -> memref<1x128x64xbf16, #tpu.memory_space<vmem>>
          %dma_wait3A_210 = tpu.memref_squeeze %dma_wait3A_209 : memref<1x128x64xbf16, #tpu.memory_space<vmem>> -> memref<128x64xbf16, #tpu.memory_space<vmem>>
          %dma_wait3A_211 = arith.constant 0 : i32
          %dma_wait3A_212 = arith.constant 0 : i32
          %dma_wait3A_213 = tpu.memref_slice %arg3[%dma_wait3A_211, %dma_wait3A_212] : memref<10240x64xbf16, #tpu.memory_space<hbm>> -> memref<128x64xbf16, #tpu.memory_space<hbm>>
          tpu.wait_dma2 semaphore(%arg18 : memref<!tpu.dma_semaphore, #tpu.memory_space<semaphore_mem>>) src(%dma_wait3A_213 : memref<128x64xbf16, #tpu.memory_space<hbm>>) dst(%dma_wait3A_210 : memref<128x64xbf16, #tpu.memory_space<vmem>>)
          %sub3A_214 = arith.constant 4 : i32
          %sub3A_215 = arith.subi %add3A_81, %sub3A_214 : i32
          %dma_start3A = arith.constant 0 : i32
          %dma_start3A_216 = arith.constant 0 : i32
          %dma_start3A_217 = tpu.memref_slice %arg9[%cond3A_24, %dma_start3A, %dma_start3A_216] : memref<8x128x64xbf16, #tpu.memory_space<vmem>> -> memref<1x128x64xbf16, #tpu.memory_space<vmem>>
          %dma_start3A_218 = tpu.memref_squeeze %dma_start3A_217 : memref<1x128x64xbf16, #tpu.memory_space<vmem>> -> memref<128x64xbf16, #tpu.memory_space<vmem>>
          %dma_start3A_219 = arith.constant 0 : i32
          %dma_start3A_220 = tpu.memref_slice %arg8[%sub3A_215, %dma_start3A_219] : memref<160x128xi32, #tpu.memory_space<vmem>> -> memref<1x128xi32, #tpu.memory_space<vmem>>
          %dma_start3A_221 = tpu.memref_squeeze %dma_start3A_220 : memref<1x128xi32, #tpu.memory_space<vmem>> -> memref<128xi32, #tpu.memory_space<vmem>>
          %dma_start3A_222 = arith.constant 0 : i32
          %dma_start3A_223 = arith.constant 0 : i32
          %dma_start3A_224 = tpu.memref_slice %arg11[%dma_start3A_222, %dma_start3A_223] : memref<10240x64xbf16, #tpu.memory_space<vmem_shared>> -> memref<10240x64xbf16, #tpu.memory_space<vmem_shared>>
          tpu.enqueue_indirect_dma source(%dma_start3A_218 : memref<128x64xbf16, #tpu.memory_space<vmem>>) target(%dma_start3A_224 : memref<10240x64xbf16, #tpu.memory_space<vmem_shared>>) offsets(%dma_start3A_221 : memref<128xi32, #tpu.memory_space<vmem>>) semaphore(%arg26 : memref<!tpu.dma_semaphore, #tpu.memory_space<semaphore_mem>>) {add = true}
        } else {
        }
        %add3A_100 = arith.constant 3 : i32
        %add3A_101 = arith.addi %add3A_42, %add3A_100 : i32
        %ge3A_102 = arith.constant 8 : i32
        %ge3A_103 = arith.cmpi sge, %add3A_101, %ge3A_102 : i32
        %convert_element_type3A_104 = arith.extui %ge3A_103 : i1 to i32
        %cond3A_105 = arith.constant 0 : i32
        %cond3A_106 = arith.cmpi ne, %convert_element_type3A_104, %cond3A_105 : i32
        scf.if %cond3A_106 {
          %sub3A = arith.constant 8 : i32
          %sub3A_200 = arith.subi %add3A_101, %sub3A : i32
          %dma_wait3A = arith.constant 0 : i32
          %dma_wait3A_201 = arith.constant 0 : i32
          %dma_wait3A_202 = tpu.memref_slice %arg9[%cond3A_25, %dma_wait3A, %dma_wait3A_201] : memref<8x128x64xbf16, #tpu.memory_space<vmem>> -> memref<1x128x64xbf16, #tpu.memory_space<vmem>>
          %dma_wait3A_203 = tpu.memref_squeeze %dma_wait3A_202 : memref<1x128x64xbf16, #tpu.memory_space<vmem>> -> memref<128x64xbf16, #tpu.memory_space<vmem>>
          %dma_wait3A_204 = arith.constant 0 : i32
          %dma_wait3A_205 = arith.constant 0 : i32
          %dma_wait3A_206 = tpu.memref_slice %arg11[%dma_wait3A_204, %dma_wait3A_205] : memref<10240x64xbf16, #tpu.memory_space<vmem_shared>> -> memref<128x64xbf16, #tpu.memory_space<vmem_shared>>
          %dma_wait3A_207 = arith.constant 0 : i32
          %dma_wait3A_208 = arith.constant 0 : i32
          %dma_wait3A_209 = tpu.memref_slice %arg11[%dma_wait3A_207, %dma_wait3A_208] : memref<10240x64xbf16, #tpu.memory_space<vmem_shared>> -> memref<128x64xbf16, #tpu.memory_space<vmem_shared>>
          %dma_wait3A_210 = arith.constant 0 : i32
          %dma_wait3A_211 = arith.constant 0 : i32
          %dma_wait3A_212 = tpu.memref_slice %arg9[%cond3A_25, %dma_wait3A_210, %dma_wait3A_211] : memref<8x128x64xbf16, #tpu.memory_space<vmem>> -> memref<1x128x64xbf16, #tpu.memory_space<vmem>>
          %dma_wait3A_213 = tpu.memref_squeeze %dma_wait3A_212 : memref<1x128x64xbf16, #tpu.memory_space<vmem>> -> memref<128x64xbf16, #tpu.memory_space<vmem>>
          tpu.wait_dma2 semaphore(%arg23 : memref<!tpu.dma_semaphore, #tpu.memory_space<semaphore_mem>>) src(%dma_wait3A_213 : memref<128x64xbf16, #tpu.memory_space<vmem>>) dst(%dma_wait3A_209 : memref<128x64xbf16, #tpu.memory_space<vmem_shared>>)
        } else {
        }
        %lt3A_107 = arith.constant 160 : i32
        %lt3A_108 = arith.cmpi slt, %add3A_101, %lt3A_107 : i32
        %convert_element_type3A_109 = arith.extui %lt3A_108 : i1 to i32
        %cond3A_110 = arith.constant 0 : i32
        %cond3A_111 = arith.cmpi ne, %convert_element_type3A_109, %cond3A_110 : i32
        scf.if %cond3A_111 {
          %dma_start3A = arith.constant 0 : i32
          %dma_start3A_200 = arith.constant 0 : i32
          %dma_start3A_201 = tpu.memref_slice %arg9[%cond3A_25, %dma_start3A, %dma_start3A_200] : memref<8x128x64xbf16, #tpu.memory_space<vmem>> -> memref<1x128x64xbf16, #tpu.memory_space<vmem>>
          %dma_start3A_202 = tpu.memref_squeeze %dma_start3A_201 : memref<1x128x64xbf16, #tpu.memory_space<vmem>> -> memref<128x64xbf16, #tpu.memory_space<vmem>>
          %dma_start3A_203 = arith.constant 0 : i32
          %dma_start3A_204 = tpu.memref_slice %arg7[%add3A_101, %dma_start3A_203] : memref<160x128xi32, #tpu.memory_space<vmem>> -> memref<1x128xi32, #tpu.memory_space<vmem>>
          %dma_start3A_205 = tpu.memref_squeeze %dma_start3A_204 : memref<1x128xi32, #tpu.memory_space<vmem>> -> memref<128xi32, #tpu.memory_space<vmem>>
          %dma_start3A_206 = arith.constant 0 : i32
          %dma_start3A_207 = arith.constant 0 : i32
          %dma_start3A_208 = tpu.memref_slice %arg3[%dma_start3A_206, %dma_start3A_207] : memref<10240x64xbf16, #tpu.memory_space<hbm>> -> memref<10240x64xbf16, #tpu.memory_space<hbm>>
          tpu.enqueue_indirect_dma source(%dma_start3A_208 : memref<10240x64xbf16, #tpu.memory_space<hbm>>) target(%dma_start3A_202 : memref<128x64xbf16, #tpu.memory_space<vmem>>) offsets(%dma_start3A_205 : memref<128xi32, #tpu.memory_space<vmem>>) semaphore(%arg15 : memref<!tpu.dma_semaphore, #tpu.memory_space<semaphore_mem>>)
        } else {
        }
        %ge3A_112 = arith.constant 4 : i32
        %ge3A_113 = arith.cmpi sge, %add3A_101, %ge3A_112 : i32
        %lt3A_114 = arith.constant 164 : i32
        %lt3A_115 = arith.cmpi slt, %add3A_101, %lt3A_114 : i32
        %and3A_116 = arith.andi %ge3A_113, %lt3A_115 : i1
        %convert_element_type3A_117 = arith.extui %and3A_116 : i1 to i32
        %cond3A_118 = arith.constant 0 : i32
        %cond3A_119 = arith.cmpi ne, %convert_element_type3A_117, %cond3A_118 : i32
        scf.if %cond3A_119 {
          %sub3A = arith.constant 4 : i32
          %sub3A_200 = arith.subi %add3A_101, %sub3A : i32
          %dma_wait3A = arith.constant 0 : i32
          %dma_wait3A_201 = arith.constant 0 : i32
          %dma_wait3A_202 = tpu.memref_slice %arg9[%cond3A_26, %dma_wait3A, %dma_wait3A_201] : memref<8x128x64xbf16, #tpu.memory_space<vmem>> -> memref<1x128x64xbf16, #tpu.memory_space<vmem>>
          %dma_wait3A_203 = tpu.memref_squeeze %dma_wait3A_202 : memref<1x128x64xbf16, #tpu.memory_space<vmem>> -> memref<128x64xbf16, #tpu.memory_space<vmem>>
          %dma_wait3A_204 = arith.constant 0 : i32
          %dma_wait3A_205 = arith.constant 0 : i32
          %dma_wait3A_206 = tpu.memref_slice %arg3[%dma_wait3A_204, %dma_wait3A_205] : memref<10240x64xbf16, #tpu.memory_space<hbm>> -> memref<128x64xbf16, #tpu.memory_space<hbm>>
          %dma_wait3A_207 = arith.constant 0 : i32
          %dma_wait3A_208 = arith.constant 0 : i32
          %dma_wait3A_209 = tpu.memref_slice %arg9[%cond3A_26, %dma_wait3A_207, %dma_wait3A_208] : memref<8x128x64xbf16, #tpu.memory_space<vmem>> -> memref<1x128x64xbf16, #tpu.memory_space<vmem>>
          %dma_wait3A_210 = tpu.memref_squeeze %dma_wait3A_209 : memref<1x128x64xbf16, #tpu.memory_space<vmem>> -> memref<128x64xbf16, #tpu.memory_space<vmem>>
          %dma_wait3A_211 = arith.constant 0 : i32
          %dma_wait3A_212 = arith.constant 0 : i32
          %dma_wait3A_213 = tpu.memref_slice %arg3[%dma_wait3A_211, %dma_wait3A_212] : memref<10240x64xbf16, #tpu.memory_space<hbm>> -> memref<128x64xbf16, #tpu.memory_space<hbm>>
          tpu.wait_dma2 semaphore(%arg19 : memref<!tpu.dma_semaphore, #tpu.memory_space<semaphore_mem>>) src(%dma_wait3A_213 : memref<128x64xbf16, #tpu.memory_space<hbm>>) dst(%dma_wait3A_210 : memref<128x64xbf16, #tpu.memory_space<vmem>>)
          %sub3A_214 = arith.constant 4 : i32
          %sub3A_215 = arith.subi %add3A_101, %sub3A_214 : i32
          %dma_start3A = arith.constant 0 : i32
          %dma_start3A_216 = arith.constant 0 : i32
          %dma_start3A_217 = tpu.memref_slice %arg9[%cond3A_26, %dma_start3A, %dma_start3A_216] : memref<8x128x64xbf16, #tpu.memory_space<vmem>> -> memref<1x128x64xbf16, #tpu.memory_space<vmem>>
          %dma_start3A_218 = tpu.memref_squeeze %dma_start3A_217 : memref<1x128x64xbf16, #tpu.memory_space<vmem>> -> memref<128x64xbf16, #tpu.memory_space<vmem>>
          %dma_start3A_219 = arith.constant 0 : i32
          %dma_start3A_220 = tpu.memref_slice %arg8[%sub3A_215, %dma_start3A_219] : memref<160x128xi32, #tpu.memory_space<vmem>> -> memref<1x128xi32, #tpu.memory_space<vmem>>
          %dma_start3A_221 = tpu.memref_squeeze %dma_start3A_220 : memref<1x128xi32, #tpu.memory_space<vmem>> -> memref<128xi32, #tpu.memory_space<vmem>>
          %dma_start3A_222 = arith.constant 0 : i32
          %dma_start3A_223 = arith.constant 0 : i32
          %dma_start3A_224 = tpu.memref_slice %arg11[%dma_start3A_222, %dma_start3A_223] : memref<10240x64xbf16, #tpu.memory_space<vmem_shared>> -> memref<10240x64xbf16, #tpu.memory_space<vmem_shared>>
          tpu.enqueue_indirect_dma source(%dma_start3A_218 : memref<128x64xbf16, #tpu.memory_space<vmem>>) target(%dma_start3A_224 : memref<10240x64xbf16, #tpu.memory_space<vmem_shared>>) offsets(%dma_start3A_221 : memref<128xi32, #tpu.memory_space<vmem>>) semaphore(%arg27 : memref<!tpu.dma_semaphore, #tpu.memory_space<semaphore_mem>>) {add = true}
        } else {
        }
        %add3A_120 = arith.constant 4 : i32
        %add3A_121 = arith.addi %add3A_42, %add3A_120 : i32
        %ge3A_122 = arith.constant 8 : i32
        %ge3A_123 = arith.cmpi sge, %add3A_121, %ge3A_122 : i32
        %convert_element_type3A_124 = arith.extui %ge3A_123 : i1 to i32
        %cond3A_125 = arith.constant 0 : i32
        %cond3A_126 = arith.cmpi ne, %convert_element_type3A_124, %cond3A_125 : i32
        scf.if %cond3A_126 {
          %sub3A = arith.constant 8 : i32
          %sub3A_200 = arith.subi %add3A_121, %sub3A : i32
          %dma_wait3A = arith.constant 0 : i32
          %dma_wait3A_201 = arith.constant 0 : i32
          %dma_wait3A_202 = tpu.memref_slice %arg9[%cond3A_20, %dma_wait3A, %dma_wait3A_201] : memref<8x128x64xbf16, #tpu.memory_space<vmem>> -> memref<1x128x64xbf16, #tpu.memory_space<vmem>>
          %dma_wait3A_203 = tpu.memref_squeeze %dma_wait3A_202 : memref<1x128x64xbf16, #tpu.memory_space<vmem>> -> memref<128x64xbf16, #tpu.memory_space<vmem>>
          %dma_wait3A_204 = arith.constant 0 : i32
          %dma_wait3A_205 = arith.constant 0 : i32
          %dma_wait3A_206 = tpu.memref_slice %arg11[%dma_wait3A_204, %dma_wait3A_205] : memref<10240x64xbf16, #tpu.memory_space<vmem_shared>> -> memref<128x64xbf16, #tpu.memory_space<vmem_shared>>
          %dma_wait3A_207 = arith.constant 0 : i32
          %dma_wait3A_208 = arith.constant 0 : i32
          %dma_wait3A_209 = tpu.memref_slice %arg11[%dma_wait3A_207, %dma_wait3A_208] : memref<10240x64xbf16, #tpu.memory_space<vmem_shared>> -> memref<128x64xbf16, #tpu.memory_space<vmem_shared>>
          %dma_wait3A_210 = arith.constant 0 : i32
          %dma_wait3A_211 = arith.constant 0 : i32
          %dma_wait3A_212 = tpu.memref_slice %arg9[%cond3A_20, %dma_wait3A_210, %dma_wait3A_211] : memref<8x128x64xbf16, #tpu.memory_space<vmem>> -> memref<1x128x64xbf16, #tpu.memory_space<vmem>>
          %dma_wait3A_213 = tpu.memref_squeeze %dma_wait3A_212 : memref<1x128x64xbf16, #tpu.memory_space<vmem>> -> memref<128x64xbf16, #tpu.memory_space<vmem>>
          tpu.wait_dma2 semaphore(%arg24 : memref<!tpu.dma_semaphore, #tpu.memory_space<semaphore_mem>>) src(%dma_wait3A_213 : memref<128x64xbf16, #tpu.memory_space<vmem>>) dst(%dma_wait3A_209 : memref<128x64xbf16, #tpu.memory_space<vmem_shared>>)
        } else {
        }
        %lt3A_127 = arith.constant 160 : i32
        %lt3A_128 = arith.cmpi slt, %add3A_121, %lt3A_127 : i32
        %convert_element_type3A_129 = arith.extui %lt3A_128 : i1 to i32
        %cond3A_130 = arith.constant 0 : i32
        %cond3A_131 = arith.cmpi ne, %convert_element_type3A_129, %cond3A_130 : i32
        scf.if %cond3A_131 {
          %dma_start3A = arith.constant 0 : i32
          %dma_start3A_200 = arith.constant 0 : i32
          %dma_start3A_201 = tpu.memref_slice %arg9[%cond3A_20, %dma_start3A, %dma_start3A_200] : memref<8x128x64xbf16, #tpu.memory_space<vmem>> -> memref<1x128x64xbf16, #tpu.memory_space<vmem>>
          %dma_start3A_202 = tpu.memref_squeeze %dma_start3A_201 : memref<1x128x64xbf16, #tpu.memory_space<vmem>> -> memref<128x64xbf16, #tpu.memory_space<vmem>>
          %dma_start3A_203 = arith.constant 0 : i32
          %dma_start3A_204 = tpu.memref_slice %arg7[%add3A_121, %dma_start3A_203] : memref<160x128xi32, #tpu.memory_space<vmem>> -> memref<1x128xi32, #tpu.memory_space<vmem>>
          %dma_start3A_205 = tpu.memref_squeeze %dma_start3A_204 : memref<1x128xi32, #tpu.memory_space<vmem>> -> memref<128xi32, #tpu.memory_space<vmem>>
          %dma_start3A_206 = arith.constant 0 : i32
          %dma_start3A_207 = arith.constant 0 : i32
          %dma_start3A_208 = tpu.memref_slice %arg3[%dma_start3A_206, %dma_start3A_207] : memref<10240x64xbf16, #tpu.memory_space<hbm>> -> memref<10240x64xbf16, #tpu.memory_space<hbm>>
          tpu.enqueue_indirect_dma source(%dma_start3A_208 : memref<10240x64xbf16, #tpu.memory_space<hbm>>) target(%dma_start3A_202 : memref<128x64xbf16, #tpu.memory_space<vmem>>) offsets(%dma_start3A_205 : memref<128xi32, #tpu.memory_space<vmem>>) semaphore(%arg16 : memref<!tpu.dma_semaphore, #tpu.memory_space<semaphore_mem>>)
        } else {
        }
        %ge3A_132 = arith.constant 4 : i32
        %ge3A_133 = arith.cmpi sge, %add3A_121, %ge3A_132 : i32
        %lt3A_134 = arith.constant 164 : i32
        %lt3A_135 = arith.cmpi slt, %add3A_121, %lt3A_134 : i32
        %and3A_136 = arith.andi %ge3A_133, %lt3A_135 : i1
        %convert_element_type3A_137 = arith.extui %and3A_136 : i1 to i32
        %cond3A_138 = arith.constant 0 : i32
        %cond3A_139 = arith.cmpi ne, %convert_element_type3A_137, %cond3A_138 : i32
        scf.if %cond3A_139 {
          %sub3A = arith.constant 4 : i32
          %sub3A_200 = arith.subi %add3A_121, %sub3A : i32
          %dma_wait3A = arith.constant 0 : i32
          %dma_wait3A_201 = arith.constant 0 : i32
          %dma_wait3A_202 = tpu.memref_slice %arg9[%cond3A_19, %dma_wait3A, %dma_wait3A_201] : memref<8x128x64xbf16, #tpu.memory_space<vmem>> -> memref<1x128x64xbf16, #tpu.memory_space<vmem>>
          %dma_wait3A_203 = tpu.memref_squeeze %dma_wait3A_202 : memref<1x128x64xbf16, #tpu.memory_space<vmem>> -> memref<128x64xbf16, #tpu.memory_space<vmem>>
          %dma_wait3A_204 = arith.constant 0 : i32
          %dma_wait3A_205 = arith.constant 0 : i32
          %dma_wait3A_206 = tpu.memref_slice %arg3[%dma_wait3A_204, %dma_wait3A_205] : memref<10240x64xbf16, #tpu.memory_space<hbm>> -> memref<128x64xbf16, #tpu.memory_space<hbm>>
          %dma_wait3A_207 = arith.constant 0 : i32
          %dma_wait3A_208 = arith.constant 0 : i32
          %dma_wait3A_209 = tpu.memref_slice %arg9[%cond3A_19, %dma_wait3A_207, %dma_wait3A_208] : memref<8x128x64xbf16, #tpu.memory_space<vmem>> -> memref<1x128x64xbf16, #tpu.memory_space<vmem>>
          %dma_wait3A_210 = tpu.memref_squeeze %dma_wait3A_209 : memref<1x128x64xbf16, #tpu.memory_space<vmem>> -> memref<128x64xbf16, #tpu.memory_space<vmem>>
          %dma_wait3A_211 = arith.constant 0 : i32
          %dma_wait3A_212 = arith.constant 0 : i32
          %dma_wait3A_213 = tpu.memref_slice %arg3[%dma_wait3A_211, %dma_wait3A_212] : memref<10240x64xbf16, #tpu.memory_space<hbm>> -> memref<128x64xbf16, #tpu.memory_space<hbm>>
          tpu.wait_dma2 semaphore(%arg12 : memref<!tpu.dma_semaphore, #tpu.memory_space<semaphore_mem>>) src(%dma_wait3A_213 : memref<128x64xbf16, #tpu.memory_space<hbm>>) dst(%dma_wait3A_210 : memref<128x64xbf16, #tpu.memory_space<vmem>>)
          %sub3A_214 = arith.constant 4 : i32
          %sub3A_215 = arith.subi %add3A_121, %sub3A_214 : i32
          %dma_start3A = arith.constant 0 : i32
          %dma_start3A_216 = arith.constant 0 : i32
          %dma_start3A_217 = tpu.memref_slice %arg9[%cond3A_19, %dma_start3A, %dma_start3A_216] : memref<8x128x64xbf16, #tpu.memory_space<vmem>> -> memref<1x128x64xbf16, #tpu.memory_space<vmem>>
          %dma_start3A_218 = tpu.memref_squeeze %dma_start3A_217 : memref<1x128x64xbf16, #tpu.memory_space<vmem>> -> memref<128x64xbf16, #tpu.memory_space<vmem>>
          %dma_start3A_219 = arith.constant 0 : i32
          %dma_start3A_220 = tpu.memref_slice %arg8[%sub3A_215, %dma_start3A_219] : memref<160x128xi32, #tpu.memory_space<vmem>> -> memref<1x128xi32, #tpu.memory_space<vmem>>
          %dma_start3A_221 = tpu.memref_squeeze %dma_start3A_220 : memref<1x128xi32, #tpu.memory_space<vmem>> -> memref<128xi32, #tpu.memory_space<vmem>>
          %dma_start3A_222 = arith.constant 0 : i32
          %dma_start3A_223 = arith.constant 0 : i32
          %dma_start3A_224 = tpu.memref_slice %arg11[%dma_start3A_222, %dma_start3A_223] : memref<10240x64xbf16, #tpu.memory_space<vmem_shared>> -> memref<10240x64xbf16, #tpu.memory_space<vmem_shared>>
          tpu.enqueue_indirect_dma source(%dma_start3A_218 : memref<128x64xbf16, #tpu.memory_space<vmem>>) target(%dma_start3A_224 : memref<10240x64xbf16, #tpu.memory_space<vmem_shared>>) offsets(%dma_start3A_221 : memref<128xi32, #tpu.memory_space<vmem>>) semaphore(%arg20 : memref<!tpu.dma_semaphore, #tpu.memory_space<semaphore_mem>>) {add = true}
        } else {
        }
        %add3A_140 = arith.constant 5 : i32
        %add3A_141 = arith.addi %add3A_42, %add3A_140 : i32
        %ge3A_142 = arith.constant 8 : i32
        %ge3A_143 = arith.cmpi sge, %add3A_141, %ge3A_142 : i32
        %convert_element_type3A_144 = arith.extui %ge3A_143 : i1 to i32
        %cond3A_145 = arith.constant 0 : i32
        %cond3A_146 = arith.cmpi ne, %convert_element_type3A_144, %cond3A_145 : i32
        scf.if %cond3A_146 {
          %sub3A = arith.constant 8 : i32
          %sub3A_200 = arith.subi %add3A_141, %sub3A : i32
          %dma_wait3A = arith.constant 0 : i32
          %dma_wait3A_201 = arith.constant 0 : i32
          %dma_wait3A_202 = tpu.memref_slice %arg9[%cond3A_22, %dma_wait3A, %dma_wait3A_201] : memref<8x128x64xbf16, #tpu.memory_space<vmem>> -> memref<1x128x64xbf16, #tpu.memory_space<vmem>>
          %dma_wait3A_203 = tpu.memref_squeeze %dma_wait3A_202 : memref<1x128x64xbf16, #tpu.memory_space<vmem>> -> memref<128x64xbf16, #tpu.memory_space<vmem>>
          %dma_wait3A_204 = arith.constant 0 : i32
          %dma_wait3A_205 = arith.constant 0 : i32
          %dma_wait3A_206 = tpu.memref_slice %arg11[%dma_wait3A_204, %dma_wait3A_205] : memref<10240x64xbf16, #tpu.memory_space<vmem_shared>> -> memref<128x64xbf16, #tpu.memory_space<vmem_shared>>
          %dma_wait3A_207 = arith.constant 0 : i32
          %dma_wait3A_208 = arith.constant 0 : i32
          %dma_wait3A_209 = tpu.memref_slice %arg11[%dma_wait3A_207, %dma_wait3A_208] : memref<10240x64xbf16, #tpu.memory_space<vmem_shared>> -> memref<128x64xbf16, #tpu.memory_space<vmem_shared>>
          %dma_wait3A_210 = arith.constant 0 : i32
          %dma_wait3A_211 = arith.constant 0 : i32
          %dma_wait3A_212 = tpu.memref_slice %arg9[%cond3A_22, %dma_wait3A_210, %dma_wait3A_211] : memref<8x128x64xbf16, #tpu.memory_space<vmem>> -> memref<1x128x64xbf16, #tpu.memory_space<vmem>>
          %dma_wait3A_213 = tpu.memref_squeeze %dma_wait3A_212 : memref<1x128x64xbf16, #tpu.memory_space<vmem>> -> memref<128x64xbf16, #tpu.memory_space<vmem>>
          tpu.wait_dma2 semaphore(%arg25 : memref<!tpu.dma_semaphore, #tpu.memory_space<semaphore_mem>>) src(%dma_wait3A_213 : memref<128x64xbf16, #tpu.memory_space<vmem>>) dst(%dma_wait3A_209 : memref<128x64xbf16, #tpu.memory_space<vmem_shared>>)
        } else {
        }
        %lt3A_147 = arith.constant 160 : i32
        %lt3A_148 = arith.cmpi slt, %add3A_141, %lt3A_147 : i32
        %convert_element_type3A_149 = arith.extui %lt3A_148 : i1 to i32
        %cond3A_150 = arith.constant 0 : i32
        %cond3A_151 = arith.cmpi ne, %convert_element_type3A_149, %cond3A_150 : i32
        scf.if %cond3A_151 {
          %dma_start3A = arith.constant 0 : i32
          %dma_start3A_200 = arith.constant 0 : i32
          %dma_start3A_201 = tpu.memref_slice %arg9[%cond3A_22, %dma_start3A, %dma_start3A_200] : memref<8x128x64xbf16, #tpu.memory_space<vmem>> -> memref<1x128x64xbf16, #tpu.memory_space<vmem>>
          %dma_start3A_202 = tpu.memref_squeeze %dma_start3A_201 : memref<1x128x64xbf16, #tpu.memory_space<vmem>> -> memref<128x64xbf16, #tpu.memory_space<vmem>>
          %dma_start3A_203 = arith.constant 0 : i32
          %dma_start3A_204 = tpu.memref_slice %arg7[%add3A_141, %dma_start3A_203] : memref<160x128xi32, #tpu.memory_space<vmem>> -> memref<1x128xi32, #tpu.memory_space<vmem>>
          %dma_start3A_205 = tpu.memref_squeeze %dma_start3A_204 : memref<1x128xi32, #tpu.memory_space<vmem>> -> memref<128xi32, #tpu.memory_space<vmem>>
          %dma_start3A_206 = arith.constant 0 : i32
          %dma_start3A_207 = arith.constant 0 : i32
          %dma_start3A_208 = tpu.memref_slice %arg3[%dma_start3A_206, %dma_start3A_207] : memref<10240x64xbf16, #tpu.memory_space<hbm>> -> memref<10240x64xbf16, #tpu.memory_space<hbm>>
          tpu.enqueue_indirect_dma source(%dma_start3A_208 : memref<10240x64xbf16, #tpu.memory_space<hbm>>) target(%dma_start3A_202 : memref<128x64xbf16, #tpu.memory_space<vmem>>) offsets(%dma_start3A_205 : memref<128xi32, #tpu.memory_space<vmem>>) semaphore(%arg17 : memref<!tpu.dma_semaphore, #tpu.memory_space<semaphore_mem>>)
        } else {
        }
        %ge3A_152 = arith.constant 4 : i32
        %ge3A_153 = arith.cmpi sge, %add3A_141, %ge3A_152 : i32
        %lt3A_154 = arith.constant 164 : i32
        %lt3A_155 = arith.cmpi slt, %add3A_141, %lt3A_154 : i32
        %and3A_156 = arith.andi %ge3A_153, %lt3A_155 : i1
        %convert_element_type3A_157 = arith.extui %and3A_156 : i1 to i32
        %cond3A_158 = arith.constant 0 : i32
        %cond3A_159 = arith.cmpi ne, %convert_element_type3A_157, %cond3A_158 : i32
        scf.if %cond3A_159 {
          %sub3A = arith.constant 4 : i32
          %sub3A_200 = arith.subi %add3A_141, %sub3A : i32
          %dma_wait3A = arith.constant 0 : i32
          %dma_wait3A_201 = arith.constant 0 : i32
          %dma_wait3A_202 = tpu.memref_slice %arg9[%cond3A_21, %dma_wait3A, %dma_wait3A_201] : memref<8x128x64xbf16, #tpu.memory_space<vmem>> -> memref<1x128x64xbf16, #tpu.memory_space<vmem>>
          %dma_wait3A_203 = tpu.memref_squeeze %dma_wait3A_202 : memref<1x128x64xbf16, #tpu.memory_space<vmem>> -> memref<128x64xbf16, #tpu.memory_space<vmem>>
          %dma_wait3A_204 = arith.constant 0 : i32
          %dma_wait3A_205 = arith.constant 0 : i32
          %dma_wait3A_206 = tpu.memref_slice %arg3[%dma_wait3A_204, %dma_wait3A_205] : memref<10240x64xbf16, #tpu.memory_space<hbm>> -> memref<128x64xbf16, #tpu.memory_space<hbm>>
          %dma_wait3A_207 = arith.constant 0 : i32
          %dma_wait3A_208 = arith.constant 0 : i32
          %dma_wait3A_209 = tpu.memref_slice %arg9[%cond3A_21, %dma_wait3A_207, %dma_wait3A_208] : memref<8x128x64xbf16, #tpu.memory_space<vmem>> -> memref<1x128x64xbf16, #tpu.memory_space<vmem>>
          %dma_wait3A_210 = tpu.memref_squeeze %dma_wait3A_209 : memref<1x128x64xbf16, #tpu.memory_space<vmem>> -> memref<128x64xbf16, #tpu.memory_space<vmem>>
          %dma_wait3A_211 = arith.constant 0 : i32
          %dma_wait3A_212 = arith.constant 0 : i32
          %dma_wait3A_213 = tpu.memref_slice %arg3[%dma_wait3A_211, %dma_wait3A_212] : memref<10240x64xbf16, #tpu.memory_space<hbm>> -> memref<128x64xbf16, #tpu.memory_space<hbm>>
          tpu.wait_dma2 semaphore(%arg13 : memref<!tpu.dma_semaphore, #tpu.memory_space<semaphore_mem>>) src(%dma_wait3A_213 : memref<128x64xbf16, #tpu.memory_space<hbm>>) dst(%dma_wait3A_210 : memref<128x64xbf16, #tpu.memory_space<vmem>>)
          %sub3A_214 = arith.constant 4 : i32
          %sub3A_215 = arith.subi %add3A_141, %sub3A_214 : i32
          %dma_start3A = arith.constant 0 : i32
          %dma_start3A_216 = arith.constant 0 : i32
          %dma_start3A_217 = tpu.memref_slice %arg9[%cond3A_21, %dma_start3A, %dma_start3A_216] : memref<8x128x64xbf16, #tpu.memory_space<vmem>> -> memref<1x128x64xbf16, #tpu.memory_space<vmem>>
          %dma_start3A_218 = tpu.memref_squeeze %dma_start3A_217 : memref<1x128x64xbf16, #tpu.memory_space<vmem>> -> memref<128x64xbf16, #tpu.memory_space<vmem>>
          %dma_start3A_219 = arith.constant 0 : i32
          %dma_start3A_220 = tpu.memref_slice %arg8[%sub3A_215, %dma_start3A_219] : memref<160x128xi32, #tpu.memory_space<vmem>> -> memref<1x128xi32, #tpu.memory_space<vmem>>
          %dma_start3A_221 = tpu.memref_squeeze %dma_start3A_220 : memref<1x128xi32, #tpu.memory_space<vmem>> -> memref<128xi32, #tpu.memory_space<vmem>>
          %dma_start3A_222 = arith.constant 0 : i32
          %dma_start3A_223 = arith.constant 0 : i32
          %dma_start3A_224 = tpu.memref_slice %arg11[%dma_start3A_222, %dma_start3A_223] : memref<10240x64xbf16, #tpu.memory_space<vmem_shared>> -> memref<10240x64xbf16, #tpu.memory_space<vmem_shared>>
          tpu.enqueue_indirect_dma source(%dma_start3A_218 : memref<128x64xbf16, #tpu.memory_space<vmem>>) target(%dma_start3A_224 : memref<10240x64xbf16, #tpu.memory_space<vmem_shared>>) offsets(%dma_start3A_221 : memref<128xi32, #tpu.memory_space<vmem>>) semaphore(%arg21 : memref<!tpu.dma_semaphore, #tpu.memory_space<semaphore_mem>>) {add = true}
        } else {
        }
        %add3A_160 = arith.constant 6 : i32
        %add3A_161 = arith.addi %add3A_42, %add3A_160 : i32
        %ge3A_162 = arith.constant 8 : i32
        %ge3A_163 = arith.cmpi sge, %add3A_161, %ge3A_162 : i32
        %convert_element_type3A_164 = arith.extui %ge3A_163 : i1 to i32
        %cond3A_165 = arith.constant 0 : i32
        %cond3A_166 = arith.cmpi ne, %convert_element_type3A_164, %cond3A_165 : i32
        scf.if %cond3A_166 {
          %sub3A = arith.constant 8 : i32
          %sub3A_200 = arith.subi %add3A_161, %sub3A : i32
          %dma_wait3A = arith.constant 0 : i32
          %dma_wait3A_201 = arith.constant 0 : i32
          %dma_wait3A_202 = tpu.memref_slice %arg9[%cond3A_24, %dma_wait3A, %dma_wait3A_201] : memref<8x128x64xbf16, #tpu.memory_space<vmem>> -> memref<1x128x64xbf16, #tpu.memory_space<vmem>>
          %dma_wait3A_203 = tpu.memref_squeeze %dma_wait3A_202 : memref<1x128x64xbf16, #tpu.memory_space<vmem>> -> memref<128x64xbf16, #tpu.memory_space<vmem>>
          %dma_wait3A_204 = arith.constant 0 : i32
          %dma_wait3A_205 = arith.constant 0 : i32
          %dma_wait3A_206 = tpu.memref_slice %arg11[%dma_wait3A_204, %dma_wait3A_205] : memref<10240x64xbf16, #tpu.memory_space<vmem_shared>> -> memref<128x64xbf16, #tpu.memory_space<vmem_shared>>
          %dma_wait3A_207 = arith.constant 0 : i32
          %dma_wait3A_208 = arith.constant 0 : i32
          %dma_wait3A_209 = tpu.memref_slice %arg11[%dma_wait3A_207, %dma_wait3A_208] : memref<10240x64xbf16, #tpu.memory_space<vmem_shared>> -> memref<128x64xbf16, #tpu.memory_space<vmem_shared>>
          %dma_wait3A_210 = arith.constant 0 : i32
          %dma_wait3A_211 = arith.constant 0 : i32
          %dma_wait3A_212 = tpu.memref_slice %arg9[%cond3A_24, %dma_wait3A_210, %dma_wait3A_211] : memref<8x128x64xbf16, #tpu.memory_space<vmem>> -> memref<1x128x64xbf16, #tpu.memory_space<vmem>>
          %dma_wait3A_213 = tpu.memref_squeeze %dma_wait3A_212 : memref<1x128x64xbf16, #tpu.memory_space<vmem>> -> memref<128x64xbf16, #tpu.memory_space<vmem>>
          tpu.wait_dma2 semaphore(%arg26 : memref<!tpu.dma_semaphore, #tpu.memory_space<semaphore_mem>>) src(%dma_wait3A_213 : memref<128x64xbf16, #tpu.memory_space<vmem>>) dst(%dma_wait3A_209 : memref<128x64xbf16, #tpu.memory_space<vmem_shared>>)
        } else {
        }
        %lt3A_167 = arith.constant 160 : i32
        %lt3A_168 = arith.cmpi slt, %add3A_161, %lt3A_167 : i32
        %convert_element_type3A_169 = arith.extui %lt3A_168 : i1 to i32
        %cond3A_170 = arith.constant 0 : i32
        %cond3A_171 = arith.cmpi ne, %convert_element_type3A_169, %cond3A_170 : i32
        scf.if %cond3A_171 {
          %dma_start3A = arith.constant 0 : i32
          %dma_start3A_200 = arith.constant 0 : i32
          %dma_start3A_201 = tpu.memref_slice %arg9[%cond3A_24, %dma_start3A, %dma_start3A_200] : memref<8x128x64xbf16, #tpu.memory_space<vmem>> -> memref<1x128x64xbf16, #tpu.memory_space<vmem>>
          %dma_start3A_202 = tpu.memref_squeeze %dma_start3A_201 : memref<1x128x64xbf16, #tpu.memory_space<vmem>> -> memref<128x64xbf16, #tpu.memory_space<vmem>>
          %dma_start3A_203 = arith.constant 0 : i32
          %dma_start3A_204 = tpu.memref_slice %arg7[%add3A_161, %dma_start3A_203] : memref<160x128xi32, #tpu.memory_space<vmem>> -> memref<1x128xi32, #tpu.memory_space<vmem>>
          %dma_start3A_205 = tpu.memref_squeeze %dma_start3A_204 : memref<1x128xi32, #tpu.memory_space<vmem>> -> memref<128xi32, #tpu.memory_space<vmem>>
          %dma_start3A_206 = arith.constant 0 : i32
          %dma_start3A_207 = arith.constant 0 : i32
          %dma_start3A_208 = tpu.memref_slice %arg3[%dma_start3A_206, %dma_start3A_207] : memref<10240x64xbf16, #tpu.memory_space<hbm>> -> memref<10240x64xbf16, #tpu.memory_space<hbm>>
          tpu.enqueue_indirect_dma source(%dma_start3A_208 : memref<10240x64xbf16, #tpu.memory_space<hbm>>) target(%dma_start3A_202 : memref<128x64xbf16, #tpu.memory_space<vmem>>) offsets(%dma_start3A_205 : memref<128xi32, #tpu.memory_space<vmem>>) semaphore(%arg18 : memref<!tpu.dma_semaphore, #tpu.memory_space<semaphore_mem>>)
        } else {
        }
        %ge3A_172 = arith.constant 4 : i32
        %ge3A_173 = arith.cmpi sge, %add3A_161, %ge3A_172 : i32
        %lt3A_174 = arith.constant 164 : i32
        %lt3A_175 = arith.cmpi slt, %add3A_161, %lt3A_174 : i32
        %and3A_176 = arith.andi %ge3A_173, %lt3A_175 : i1
        %convert_element_type3A_177 = arith.extui %and3A_176 : i1 to i32
        %cond3A_178 = arith.constant 0 : i32
        %cond3A_179 = arith.cmpi ne, %convert_element_type3A_177, %cond3A_178 : i32
        scf.if %cond3A_179 {
          %sub3A = arith.constant 4 : i32
          %sub3A_200 = arith.subi %add3A_161, %sub3A : i32
          %dma_wait3A = arith.constant 0 : i32
          %dma_wait3A_201 = arith.constant 0 : i32
          %dma_wait3A_202 = tpu.memref_slice %arg9[%cond3A_23, %dma_wait3A, %dma_wait3A_201] : memref<8x128x64xbf16, #tpu.memory_space<vmem>> -> memref<1x128x64xbf16, #tpu.memory_space<vmem>>
          %dma_wait3A_203 = tpu.memref_squeeze %dma_wait3A_202 : memref<1x128x64xbf16, #tpu.memory_space<vmem>> -> memref<128x64xbf16, #tpu.memory_space<vmem>>
          %dma_wait3A_204 = arith.constant 0 : i32
          %dma_wait3A_205 = arith.constant 0 : i32
          %dma_wait3A_206 = tpu.memref_slice %arg3[%dma_wait3A_204, %dma_wait3A_205] : memref<10240x64xbf16, #tpu.memory_space<hbm>> -> memref<128x64xbf16, #tpu.memory_space<hbm>>
          %dma_wait3A_207 = arith.constant 0 : i32
          %dma_wait3A_208 = arith.constant 0 : i32
          %dma_wait3A_209 = tpu.memref_slice %arg9[%cond3A_23, %dma_wait3A_207, %dma_wait3A_208] : memref<8x128x64xbf16, #tpu.memory_space<vmem>> -> memref<1x128x64xbf16, #tpu.memory_space<vmem>>
          %dma_wait3A_210 = tpu.memref_squeeze %dma_wait3A_209 : memref<1x128x64xbf16, #tpu.memory_space<vmem>> -> memref<128x64xbf16, #tpu.memory_space<vmem>>
          %dma_wait3A_211 = arith.constant 0 : i32
          %dma_wait3A_212 = arith.constant 0 : i32
          %dma_wait3A_213 = tpu.memref_slice %arg3[%dma_wait3A_211, %dma_wait3A_212] : memref<10240x64xbf16, #tpu.memory_space<hbm>> -> memref<128x64xbf16, #tpu.memory_space<hbm>>
          tpu.wait_dma2 semaphore(%arg14 : memref<!tpu.dma_semaphore, #tpu.memory_space<semaphore_mem>>) src(%dma_wait3A_213 : memref<128x64xbf16, #tpu.memory_space<hbm>>) dst(%dma_wait3A_210 : memref<128x64xbf16, #tpu.memory_space<vmem>>)
          %sub3A_214 = arith.constant 4 : i32
          %sub3A_215 = arith.subi %add3A_161, %sub3A_214 : i32
          %dma_start3A = arith.constant 0 : i32
          %dma_start3A_216 = arith.constant 0 : i32
          %dma_start3A_217 = tpu.memref_slice %arg9[%cond3A_23, %dma_start3A, %dma_start3A_216] : memref<8x128x64xbf16, #tpu.memory_space<vmem>> -> memref<1x128x64xbf16, #tpu.memory_space<vmem>>
          %dma_start3A_218 = tpu.memref_squeeze %dma_start3A_217 : memref<1x128x64xbf16, #tpu.memory_space<vmem>> -> memref<128x64xbf16, #tpu.memory_space<vmem>>
          %dma_start3A_219 = arith.constant 0 : i32
          %dma_start3A_220 = tpu.memref_slice %arg8[%sub3A_215, %dma_start3A_219] : memref<160x128xi32, #tpu.memory_space<vmem>> -> memref<1x128xi32, #tpu.memory_space<vmem>>
          %dma_start3A_221 = tpu.memref_squeeze %dma_start3A_220 : memref<1x128xi32, #tpu.memory_space<vmem>> -> memref<128xi32, #tpu.memory_space<vmem>>
          %dma_start3A_222 = arith.constant 0 : i32
          %dma_start3A_223 = arith.constant 0 : i32
          %dma_start3A_224 = tpu.memref_slice %arg11[%dma_start3A_222, %dma_start3A_223] : memref<10240x64xbf16, #tpu.memory_space<vmem_shared>> -> memref<10240x64xbf16, #tpu.memory_space<vmem_shared>>
          tpu.enqueue_indirect_dma source(%dma_start3A_218 : memref<128x64xbf16, #tpu.memory_space<vmem>>) target(%dma_start3A_224 : memref<10240x64xbf16, #tpu.memory_space<vmem_shared>>) offsets(%dma_start3A_221 : memref<128xi32, #tpu.memory_space<vmem>>) semaphore(%arg22 : memref<!tpu.dma_semaphore, #tpu.memory_space<semaphore_mem>>) {add = true}
        } else {
        }
        %add3A_180 = arith.constant 7 : i32
        %add3A_181 = arith.addi %add3A_42, %add3A_180 : i32
        %ge3A_182 = arith.constant 8 : i32
        %ge3A_183 = arith.cmpi sge, %add3A_181, %ge3A_182 : i32
        %convert_element_type3A_184 = arith.extui %ge3A_183 : i1 to i32
        %cond3A_185 = arith.constant 0 : i32
        %cond3A_186 = arith.cmpi ne, %convert_element_type3A_184, %cond3A_185 : i32
        scf.if %cond3A_186 {
          %sub3A = arith.constant 8 : i32
          %sub3A_200 = arith.subi %add3A_181, %sub3A : i32
          %dma_wait3A = arith.constant 0 : i32
          %dma_wait3A_201 = arith.constant 0 : i32
          %dma_wait3A_202 = tpu.memref_slice %arg9[%cond3A_26, %dma_wait3A, %dma_wait3A_201] : memref<8x128x64xbf16, #tpu.memory_space<vmem>> -> memref<1x128x64xbf16, #tpu.memory_space<vmem>>
          %dma_wait3A_203 = tpu.memref_squeeze %dma_wait3A_202 : memref<1x128x64xbf16, #tpu.memory_space<vmem>> -> memref<128x64xbf16, #tpu.memory_space<vmem>>
          %dma_wait3A_204 = arith.constant 0 : i32
          %dma_wait3A_205 = arith.constant 0 : i32
          %dma_wait3A_206 = tpu.memref_slice %arg11[%dma_wait3A_204, %dma_wait3A_205] : memref<10240x64xbf16, #tpu.memory_space<vmem_shared>> -> memref<128x64xbf16, #tpu.memory_space<vmem_shared>>
          %dma_wait3A_207 = arith.constant 0 : i32
          %dma_wait3A_208 = arith.constant 0 : i32
          %dma_wait3A_209 = tpu.memref_slice %arg11[%dma_wait3A_207, %dma_wait3A_208] : memref<10240x64xbf16, #tpu.memory_space<vmem_shared>> -> memref<128x64xbf16, #tpu.memory_space<vmem_shared>>
          %dma_wait3A_210 = arith.constant 0 : i32
          %dma_wait3A_211 = arith.constant 0 : i32
          %dma_wait3A_212 = tpu.memref_slice %arg9[%cond3A_26, %dma_wait3A_210, %dma_wait3A_211] : memref<8x128x64xbf16, #tpu.memory_space<vmem>> -> memref<1x128x64xbf16, #tpu.memory_space<vmem>>
          %dma_wait3A_213 = tpu.memref_squeeze %dma_wait3A_212 : memref<1x128x64xbf16, #tpu.memory_space<vmem>> -> memref<128x64xbf16, #tpu.memory_space<vmem>>
          tpu.wait_dma2 semaphore(%arg27 : memref<!tpu.dma_semaphore, #tpu.memory_space<semaphore_mem>>) src(%dma_wait3A_213 : memref<128x64xbf16, #tpu.memory_space<vmem>>) dst(%dma_wait3A_209 : memref<128x64xbf16, #tpu.memory_space<vmem_shared>>)
        } else {
        }
        %lt3A_187 = arith.constant 160 : i32
        %lt3A_188 = arith.cmpi slt, %add3A_181, %lt3A_187 : i32
        %convert_element_type3A_189 = arith.extui %lt3A_188 : i1 to i32
        %cond3A_190 = arith.constant 0 : i32
        %cond3A_191 = arith.cmpi ne, %convert_element_type3A_189, %cond3A_190 : i32
        scf.if %cond3A_191 {
          %dma_start3A = arith.constant 0 : i32
          %dma_start3A_200 = arith.constant 0 : i32
          %dma_start3A_201 = tpu.memref_slice %arg9[%cond3A_26, %dma_start3A, %dma_start3A_200] : memref<8x128x64xbf16, #tpu.memory_space<vmem>> -> memref<1x128x64xbf16, #tpu.memory_space<vmem>>
          %dma_start3A_202 = tpu.memref_squeeze %dma_start3A_201 : memref<1x128x64xbf16, #tpu.memory_space<vmem>> -> memref<128x64xbf16, #tpu.memory_space<vmem>>
          %dma_start3A_203 = arith.constant 0 : i32
          %dma_start3A_204 = tpu.memref_slice %arg7[%add3A_181, %dma_start3A_203] : memref<160x128xi32, #tpu.memory_space<vmem>> -> memref<1x128xi32, #tpu.memory_space<vmem>>
          %dma_start3A_205 = tpu.memref_squeeze %dma_start3A_204 : memref<1x128xi32, #tpu.memory_space<vmem>> -> memref<128xi32, #tpu.memory_space<vmem>>
          %dma_start3A_206 = arith.constant 0 : i32
          %dma_start3A_207 = arith.constant 0 : i32
          %dma_start3A_208 = tpu.memref_slice %arg3[%dma_start3A_206, %dma_start3A_207] : memref<10240x64xbf16, #tpu.memory_space<hbm>> -> memref<10240x64xbf16, #tpu.memory_space<hbm>>
          tpu.enqueue_indirect_dma source(%dma_start3A_208 : memref<10240x64xbf16, #tpu.memory_space<hbm>>) target(%dma_start3A_202 : memref<128x64xbf16, #tpu.memory_space<vmem>>) offsets(%dma_start3A_205 : memref<128xi32, #tpu.memory_space<vmem>>) semaphore(%arg19 : memref<!tpu.dma_semaphore, #tpu.memory_space<semaphore_mem>>)
        } else {
        }
        %ge3A_192 = arith.constant 4 : i32
        %ge3A_193 = arith.cmpi sge, %add3A_181, %ge3A_192 : i32
        %lt3A_194 = arith.constant 164 : i32
        %lt3A_195 = arith.cmpi slt, %add3A_181, %lt3A_194 : i32
        %and3A_196 = arith.andi %ge3A_193, %lt3A_195 : i1
        %convert_element_type3A_197 = arith.extui %and3A_196 : i1 to i32
        %cond3A_198 = arith.constant 0 : i32
        %cond3A_199 = arith.cmpi ne, %convert_element_type3A_197, %cond3A_198 : i32
        scf.if %cond3A_199 {
          %sub3A = arith.constant 4 : i32
          %sub3A_200 = arith.subi %add3A_181, %sub3A : i32
          %dma_wait3A = arith.constant 0 : i32
          %dma_wait3A_201 = arith.constant 0 : i32
          %dma_wait3A_202 = tpu.memref_slice %arg9[%cond3A_25, %dma_wait3A, %dma_wait3A_201] : memref<8x128x64xbf16, #tpu.memory_space<vmem>> -> memref<1x128x64xbf16, #tpu.memory_space<vmem>>
          %dma_wait3A_203 = tpu.memref_squeeze %dma_wait3A_202 : memref<1x128x64xbf16, #tpu.memory_space<vmem>> -> memref<128x64xbf16, #tpu.memory_space<vmem>>
          %dma_wait3A_204 = arith.constant 0 : i32
          %dma_wait3A_205 = arith.constant 0 : i32
          %dma_wait3A_206 = tpu.memref_slice %arg3[%dma_wait3A_204, %dma_wait3A_205] : memref<10240x64xbf16, #tpu.memory_space<hbm>> -> memref<128x64xbf16, #tpu.memory_space<hbm>>
          %dma_wait3A_207 = arith.constant 0 : i32
          %dma_wait3A_208 = arith.constant 0 : i32
          %dma_wait3A_209 = tpu.memref_slice %arg9[%cond3A_25, %dma_wait3A_207, %dma_wait3A_208] : memref<8x128x64xbf16, #tpu.memory_space<vmem>> -> memref<1x128x64xbf16, #tpu.memory_space<vmem>>
          %dma_wait3A_210 = tpu.memref_squeeze %dma_wait3A_209 : memref<1x128x64xbf16, #tpu.memory_space<vmem>> -> memref<128x64xbf16, #tpu.memory_space<vmem>>
          %dma_wait3A_211 = arith.constant 0 : i32
          %dma_wait3A_212 = arith.constant 0 : i32
          %dma_wait3A_213 = tpu.memref_slice %arg3[%dma_wait3A_211, %dma_wait3A_212] : memref<10240x64xbf16, #tpu.memory_space<hbm>> -> memref<128x64xbf16, #tpu.memory_space<hbm>>
          tpu.wait_dma2 semaphore(%arg15 : memref<!tpu.dma_semaphore, #tpu.memory_space<semaphore_mem>>) src(%dma_wait3A_213 : memref<128x64xbf16, #tpu.memory_space<hbm>>) dst(%dma_wait3A_210 : memref<128x64xbf16, #tpu.memory_space<vmem>>)
          %sub3A_214 = arith.constant 4 : i32
          %sub3A_215 = arith.subi %add3A_181, %sub3A_214 : i32
          %dma_start3A = arith.constant 0 : i32
          %dma_start3A_216 = arith.constant 0 : i32
          %dma_start3A_217 = tpu.memref_slice %arg9[%cond3A_25, %dma_start3A, %dma_start3A_216] : memref<8x128x64xbf16, #tpu.memory_space<vmem>> -> memref<1x128x64xbf16, #tpu.memory_space<vmem>>
          %dma_start3A_218 = tpu.memref_squeeze %dma_start3A_217 : memref<1x128x64xbf16, #tpu.memory_space<vmem>> -> memref<128x64xbf16, #tpu.memory_space<vmem>>
          %dma_start3A_219 = arith.constant 0 : i32
          %dma_start3A_220 = tpu.memref_slice %arg8[%sub3A_215, %dma_start3A_219] : memref<160x128xi32, #tpu.memory_space<vmem>> -> memref<1x128xi32, #tpu.memory_space<vmem>>
          %dma_start3A_221 = tpu.memref_squeeze %dma_start3A_220 : memref<1x128xi32, #tpu.memory_space<vmem>> -> memref<128xi32, #tpu.memory_space<vmem>>
          %dma_start3A_222 = arith.constant 0 : i32
          %dma_start3A_223 = arith.constant 0 : i32
          %dma_start3A_224 = tpu.memref_slice %arg11[%dma_start3A_222, %dma_start3A_223] : memref<10240x64xbf16, #tpu.memory_space<vmem_shared>> -> memref<10240x64xbf16, #tpu.memory_space<vmem_shared>>
          tpu.enqueue_indirect_dma source(%dma_start3A_218 : memref<128x64xbf16, #tpu.memory_space<vmem>>) target(%dma_start3A_224 : memref<10240x64xbf16, #tpu.memory_space<vmem_shared>>) offsets(%dma_start3A_221 : memref<128xi32, #tpu.memory_space<vmem>>) semaphore(%arg23 : memref<!tpu.dma_semaphore, #tpu.memory_space<semaphore_mem>>) {add = true}
        } else {
        }
      }
      %scan3A_38 = arith.constant 21 : i32
    } else {
    }
    %barrier3A_29 = arith.constant 0 : index
    tpu.barrier barrier_id(%barrier3A_29)
    %mul3A_30 = arith.constant 640 : i32
    %mul3A_31 = arith.muli %arg1, %mul3A_30 : i32
    "tpu.region"() ({
      %run_scoped3A = tpu.sem_alloc : memref<!tpu.dma_semaphore, #tpu.memory_space<semaphore_mem>>
      %dma_start3A = arith.constant 0 : i32
      %dma_start3A_34 = tpu.memref_slice %arg11[%mul3A_31, %dma_start3A] : memref<10240x64xbf16, #tpu.memory_space<vmem_shared>> -> memref<640x64xbf16, #tpu.memory_space<vmem_shared>>
      %dma_start3A_35 = arith.constant 0 : i32
      %dma_start3A_36 = tpu.memref_slice %arg11[%mul3A_31, %dma_start3A_35] : memref<10240x64xbf16, #tpu.memory_space<vmem_shared>> -> memref<640x64xbf16, #tpu.memory_space<vmem_shared>>
      tpu.enqueue_dma source(%dma_start3A_36 : memref<640x64xbf16, #tpu.memory_space<vmem_shared>>) target(%arg10 : memref<640x64xbf16, #tpu.memory_space<vmem>>) target_semaphore(%run_scoped3A : memref<!tpu.dma_semaphore, #tpu.memory_space<semaphore_mem>>)
      %dma_wait3A = arith.constant 0 : i32
      %dma_wait3A_37 = tpu.memref_slice %arg11[%mul3A_31, %dma_wait3A] : memref<10240x64xbf16, #tpu.memory_space<vmem_shared>> -> memref<640x64xbf16, #tpu.memory_space<vmem_shared>>
      %dma_wait3A_38 = arith.constant 0 : i32
      %dma_wait3A_39 = tpu.memref_slice %arg11[%mul3A_31, %dma_wait3A_38] : memref<10240x64xbf16, #tpu.memory_space<vmem_shared>> -> memref<640x64xbf16, #tpu.memory_space<vmem_shared>>
      tpu.wait_dma2 semaphore(%run_scoped3A : memref<!tpu.dma_semaphore, #tpu.memory_space<semaphore_mem>>) src(%dma_wait3A_39 : memref<640x64xbf16, #tpu.memory_space<vmem_shared>>) dst(%arg10 : memref<640x64xbf16, #tpu.memory_space<vmem>>)
      tpu.yield
    }) : () -> ()
    %mul3A_32 = arith.constant 640 : i32
    %mul3A_33 = arith.muli %arg1, %mul3A_32 : i32
    "tpu.region"() ({
      %run_scoped3A = tpu.sem_alloc : memref<!tpu.dma_semaphore, #tpu.memory_space<semaphore_mem>>
      %dma_start3A = arith.constant 0 : i32
      %dma_start3A_34 = tpu.memref_slice %arg6[%arg0, %mul3A_33, %dma_start3A] : memref<2x10240x64xbf16, #tpu.memory_space<hbm>> -> memref<1x640x64xbf16, #tpu.memory_space<hbm>>
      %dma_start3A_35 = tpu.memref_squeeze %dma_start3A_34 : memref<1x640x64xbf16, #tpu.memory_space<hbm>> -> memref<640x64xbf16, #tpu.memory_space<hbm>>
      %dma_start3A_36 = arith.constant 0 : i32
      %dma_start3A_37 = tpu.memref_slice %arg6[%arg0, %mul3A_33, %dma_start3A_36] : memref<2x10240x64xbf16, #tpu.memory_space<hbm>> -> memref<1x640x64xbf16, #tpu.memory_space<hbm>>
      %dma_start3A_38 = tpu.memref_squeeze %dma_start3A_37 : memref<1x640x64xbf16, #tpu.memory_space<hbm>> -> memref<640x64xbf16, #tpu.memory_space<hbm>>
      tpu.enqueue_dma source(%arg10 : memref<640x64xbf16, #tpu.memory_space<vmem>>) target(%dma_start3A_38 : memref<640x64xbf16, #tpu.memory_space<hbm>>) target_semaphore(%run_scoped3A : memref<!tpu.dma_semaphore, #tpu.memory_space<semaphore_mem>>)
      %dma_wait3A = arith.constant 0 : i32
      %dma_wait3A_39 = tpu.memref_slice %arg6[%arg0, %mul3A_33, %dma_wait3A] : memref<2x10240x64xbf16, #tpu.memory_space<hbm>> -> memref<1x640x64xbf16, #tpu.memory_space<hbm>>
      %dma_wait3A_40 = tpu.memref_squeeze %dma_wait3A_39 : memref<1x640x64xbf16, #tpu.memory_space<hbm>> -> memref<640x64xbf16, #tpu.memory_space<hbm>>
      %dma_wait3A_41 = arith.constant 0 : i32
      %dma_wait3A_42 = tpu.memref_slice %arg6[%arg0, %mul3A_33, %dma_wait3A_41] : memref<2x10240x64xbf16, #tpu.memory_space<hbm>> -> memref<1x640x64xbf16, #tpu.memory_space<hbm>>
      %dma_wait3A_43 = tpu.memref_squeeze %dma_wait3A_42 : memref<1x640x64xbf16, #tpu.memory_space<hbm>> -> memref<640x64xbf16, #tpu.memory_space<hbm>>
      tpu.wait_dma2 semaphore(%run_scoped3A : memref<!tpu.dma_semaphore, #tpu.memory_space<semaphore_mem>>) src(%arg10 : memref<640x64xbf16, #tpu.memory_space<vmem>>) dst(%dma_wait3A_43 : memref<640x64xbf16, #tpu.memory_space<hbm>>)
      tpu.yield
    }) : () -> ()
    return
  }
}

module attributes {stable_mosaic.version = 14 : i64} {
  func.func @_mm1_body(%arg0: i32, %arg1: memref<512x128xf32, #tpu.memory_space<vmem>>, %arg2: memref<128x128xf32, #tpu.memory_space<vmem>>, %arg3: memref<32x512xf32, #tpu.memory_space<vmem>>, %arg4: memref<512x64xbf16, #tpu.memory_space<vmem>>, %arg5: memref<512x64xbf16, #tpu.memory_space<vmem>>, %arg6: memref<512x1xf32, #tpu.memory_space<vmem>>) attributes {dimension_semantics = [#tpu.dimension_semantics<arbitrary>], iteration_bounds = array<i64: 20>, scalar_prefetch = 0 : i64, scratch_operands = 0 : i64, tpu.core_type = #tpu.core_type<tc>, window_params = [{transform_indices = @transform_0, window_bounds = array<i64: 512, 128>}, {pipeline_mode = #tpu.pipeline_mode<synchronous>, transform_indices = @transform_1, window_bounds = array<i64: 128, 128>}, {transform_indices = @transform_2, window_bounds = array<i64: 32, 512>}, {transform_indices = @transform_3, window_bounds = array<i64: 512, 64>}, {transform_indices = @transform_4, window_bounds = array<i64: 512, 64>}, {transform_indices = @transform_5, window_bounds = array<i64: 512, 1>}]} {
    %get3A = arith.constant 0 : index
    %get3A_0 = arith.constant 0 : index
    %get3A_1 = vector.load %arg3[%get3A, %get3A_0] : memref<32x512xf32, #tpu.memory_space<vmem>>, vector<32x512xf32>
    %reduce_sum3A = arith.constant dense<0.000000e+00> : vector<512xf32>
    %reduce_sum3A_2 = vector.multi_reduction <add>, %get3A_1, %reduce_sum3A [0] : vector<32x512xf32> to vector<512xf32>
    %add3A = arith.constant 1.000000e+00 : f32
    %add3A_3 = vector.broadcast %add3A : f32 to vector<512xf32>
    %add3A_4 = arith.addf %reduce_sum3A_2, %add3A_3 : vector<512xf32>
    %rsqrt3A = math.rsqrt %add3A_4 : vector<512xf32>
    %broadcast_in_dim3A = vector.shape_cast %rsqrt3A : vector<512xf32> to vector<512x1xf32>
    %get3A_5 = arith.constant 0 : index
    %get3A_6 = arith.constant 0 : index
    %get3A_7 = vector.load %arg1[%get3A_5, %get3A_6] : memref<512x128xf32, #tpu.memory_space<vmem>>, vector<512x128xf32>
    %get3A_8 = arith.constant 0 : index
    %get3A_9 = arith.constant 0 : index
    %get3A_10 = vector.load %arg2[%get3A_8, %get3A_9] : memref<128x128xf32, #tpu.memory_space<vmem>>, vector<128x128xf32>
    %dot_general3A = arith.constant dense<0.000000e+00> : vector<512x128xf32>
    %dot_general3A_11 = tpu.matmul %get3A_7, %get3A_10, %dot_general3A {dimension_numbers = #tpu.dot_dimension_numbers<[1], [0], [0], [1], [0, 0, 1, 1], [], []>, transpose_lhs_hint = false} : vector<512x128xf32>, vector<128x128xf32>, vector<512x128xf32> -> vector<512x128xf32>
    %mul3A = vector.broadcast %broadcast_in_dim3A : vector<512x1xf32> to vector<512x128xf32>
    %mul3A_12 = arith.mulf %dot_general3A_11, %mul3A : vector<512x128xf32>
    %convert_element_type3A = arith.truncf %mul3A_12 : vector<512x128xf32> to vector<512x128xbf16>
    %slice3A = vector.extract_strided_slice %convert_element_type3A {offsets = [0, 0], sizes = [512, 64], strides = [1, 1]} : vector<512x128xbf16> to vector<512x64xbf16>
    %swap3A = arith.constant 0 : index
    %swap3A_13 = arith.constant 0 : index
    %swap3A_14 = vector.load %arg4[%swap3A, %swap3A_13] : memref<512x64xbf16, #tpu.memory_space<vmem>>, vector<512x64xbf16>
    tpu.vector_store %arg4[%swap3A, %swap3A_13], %slice3A {strides = array<i32>} : memref<512x64xbf16, #tpu.memory_space<vmem>>, vector<512x64xbf16>,
    %slice3A_15 = vector.extract_strided_slice %convert_element_type3A {offsets = [0, 64], sizes = [512, 64], strides = [1, 1]} : vector<512x128xbf16> to vector<512x64xbf16>
    %swap3A_16 = arith.constant 0 : index
    %swap3A_17 = arith.constant 0 : index
    %swap3A_18 = vector.load %arg5[%swap3A_16, %swap3A_17] : memref<512x64xbf16, #tpu.memory_space<vmem>>, vector<512x64xbf16>
    tpu.vector_store %arg5[%swap3A_16, %swap3A_17], %slice3A_15 {strides = array<i32>} : memref<512x64xbf16, #tpu.memory_space<vmem>>, vector<512x64xbf16>,
    %swap3A_19 = arith.constant 0 : index
    %swap3A_20 = arith.constant 0 : index
    %swap3A_21 = vector.load %arg6[%swap3A_19, %swap3A_20] : memref<512x1xf32, #tpu.memory_space<vmem>>, vector<512x1xf32>
    tpu.vector_store %arg6[%swap3A_19, %swap3A_20], %broadcast_in_dim3A {strides = array<i32>} : memref<512x1xf32, #tpu.memory_space<vmem>>, vector<512x1xf32>,
    return
  }
  func.func @transform_0(%arg0: i32) -> (i32, i32) {
    %c0_i32 = arith.constant 0 : i32
    %c0_i32_0 = arith.constant 0 : i32
    return %arg0, %c0_i32 : i32, i32
  }
  func.func @transform_1(%arg0: i32) -> (i32, i32) {
    %c0_i32 = arith.constant 0 : i32
    %c0_i32_0 = arith.constant 0 : i32
    %c0_i32_1 = arith.constant 0 : i32
    return %c0_i32, %c0_i32_0 : i32, i32
  }
  func.func @transform_2(%arg0: i32) -> (i32, i32) {
    %c0_i32 = arith.constant 0 : i32
    %c0_i32_0 = arith.constant 0 : i32
    return %c0_i32, %arg0 : i32, i32
  }
  func.func @transform_3(%arg0: i32) -> (i32, i32) {
    %c0_i32 = arith.constant 0 : i32
    %c0_i32_0 = arith.constant 0 : i32
    return %arg0, %c0_i32 : i32, i32
  }
  func.func @transform_4(%arg0: i32) -> (i32, i32) {
    %c0_i32 = arith.constant 0 : i32
    %c0_i32_0 = arith.constant 0 : i32
    return %arg0, %c0_i32 : i32, i32
  }
  func.func @transform_5(%arg0: i32) -> (i32, i32) {
    %c0_i32 = arith.constant 0 : i32
    %c0_i32_0 = arith.constant 0 : i32
    return %arg0, %c0_i32 : i32, i32
  }
}

module attributes {stable_mosaic.version = 14 : i64} {
  func.func @_mm2_body(%arg0: i32, %arg1: memref<512x64xbf16, #tpu.memory_space<vmem>>, %arg2: memref<512x64xbf16, #tpu.memory_space<vmem>>, %arg3: memref<1x512x64xbf16, #tpu.memory_space<vmem>>, %arg4: memref<1x512x64xbf16, #tpu.memory_space<vmem>>, %arg5: memref<512x1xf32, #tpu.memory_space<vmem>>, %arg6: memref<1x128xf32, #tpu.memory_space<vmem>>, %arg7: memref<128x128xf32, #tpu.memory_space<vmem>>, %arg8: memref<512x128xf32, #tpu.memory_space<vmem>>, %arg9: memref<512x64xbf16, #tpu.memory_space<vmem>>, %arg10: memref<512x64xbf16, #tpu.memory_space<vmem>>) attributes {dimension_semantics = [#tpu.dimension_semantics<arbitrary>], iteration_bounds = array<i64: 20>, scalar_prefetch = 0 : i64, scratch_operands = 0 : i64, tpu.core_type = #tpu.core_type<tc>, window_params = [{transform_indices = @transform_0, window_bounds = array<i64: 512, 64>}, {transform_indices = @transform_1, window_bounds = array<i64: 512, 64>}, {transform_indices = @transform_2, window_bounds = array<i64: 1, 512, 64>}, {transform_indices = @transform_3, window_bounds = array<i64: 1, 512, 64>}, {transform_indices = @transform_4, window_bounds = array<i64: 512, 1>}, {pipeline_mode = #tpu.pipeline_mode<synchronous>, transform_indices = @transform_5, window_bounds = array<i64: 1, 128>}, {pipeline_mode = #tpu.pipeline_mode<synchronous>, transform_indices = @transform_6, window_bounds = array<i64: 128, 128>}, {transform_indices = @transform_7, window_bounds = array<i64: 512, 128>}, {transform_indices = @transform_8, window_bounds = array<i64: 512, 64>}, {transform_indices = @transform_9, window_bounds = array<i64: 512, 64>}]} {
    %get3A = arith.constant 0 : index
    %get3A_0 = arith.constant 0 : index
    %get3A_1 = vector.load %arg5[%get3A, %get3A_0] : memref<512x1xf32, #tpu.memory_space<vmem>>, vector<512x1xf32>
    %get3A_2 = arith.constant 0 : index
    %get3A_3 = arith.constant 0 : index
    %get3A_4 = vector.load %arg1[%get3A_2, %get3A_3] : memref<512x64xbf16, #tpu.memory_space<vmem>>, vector<512x64xbf16>
    %convert_element_type3A = arith.extf %get3A_4 : vector<512x64xbf16> to vector<512x64xf32>
    %get3A_5 = arith.constant 0 : index
    %get3A_6 = arith.constant 0 : index
    %get3A_7 = arith.constant 0 : index
    %get3A_8 = vector.load %arg3[%get3A_5, %get3A_6, %get3A_7] : memref<1x512x64xbf16, #tpu.memory_space<vmem>>, vector<1x512x64xbf16>
    %get3A_9 = vector.shape_cast %get3A_8 : vector<1x512x64xbf16> to vector<512x64xbf16>
    %convert_element_type3A_10 = arith.extf %get3A_9 : vector<512x64xbf16> to vector<512x64xf32>
    %add3A = arith.addf %convert_element_type3A, %convert_element_type3A_10 : vector<512x64xf32>
    %get3A_11 = arith.constant 0 : index
    %get3A_12 = arith.constant 0 : index
    %get3A_13 = vector.load %arg2[%get3A_11, %get3A_12] : memref<512x64xbf16, #tpu.memory_space<vmem>>, vector<512x64xbf16>
    %convert_element_type3A_14 = arith.extf %get3A_13 : vector<512x64xbf16> to vector<512x64xf32>
    %get3A_15 = arith.constant 0 : index
    %get3A_16 = arith.constant 0 : index
    %get3A_17 = arith.constant 0 : index
    %get3A_18 = vector.load %arg4[%get3A_15, %get3A_16, %get3A_17] : memref<1x512x64xbf16, #tpu.memory_space<vmem>>, vector<1x512x64xbf16>
    %get3A_19 = vector.shape_cast %get3A_18 : vector<1x512x64xbf16> to vector<512x64xbf16>
    %convert_element_type3A_20 = arith.extf %get3A_19 : vector<512x64xbf16> to vector<512x64xf32>
    %add3A_21 = arith.addf %convert_element_type3A_14, %convert_element_type3A_20 : vector<512x64xf32>
    %concatenate3A = tpu.concatenate %add3A, %add3A_21 in 1 : vector<512x64xf32>, vector<512x64xf32> -> vector<512x128xf32>
    %mul3A = vector.broadcast %get3A_1 : vector<512x1xf32> to vector<512x128xf32>
    %mul3A_22 = arith.mulf %concatenate3A, %mul3A : vector<512x128xf32>
    %get3A_23 = arith.constant 0 : index
    %get3A_24 = arith.constant 0 : index
    %get3A_25 = vector.load %arg6[%get3A_23, %get3A_24] : memref<1x128xf32, #tpu.memory_space<vmem>>, vector<1x128xf32>
    %add3A_26 = vector.broadcast %get3A_25 : vector<1x128xf32> to vector<512x128xf32>
    %add3A_27 = arith.addf %mul3A_22, %add3A_26 : vector<512x128xf32>
    %swap3A = arith.constant 0 : index
    %swap3A_28 = arith.constant 0 : index
    %swap3A_29 = vector.load %arg8[%swap3A, %swap3A_28] : memref<512x128xf32, #tpu.memory_space<vmem>>, vector<512x128xf32>
    tpu.vector_store %arg8[%swap3A, %swap3A_28], %add3A_27 {strides = array<i32>} : memref<512x128xf32, #tpu.memory_space<vmem>>, vector<512x128xf32>,
    %max3A = arith.constant 0.000000e+00 : f32
    %max3A_30 = vector.broadcast %max3A : f32 to vector<512x128xf32>
    %max3A_31 = arith.maximumf %add3A_27, %max3A_30 : vector<512x128xf32>
    %get3A_32 = arith.constant 0 : index
    %get3A_33 = arith.constant 0 : index
    %get3A_34 = vector.load %arg7[%get3A_32, %get3A_33] : memref<128x128xf32, #tpu.memory_space<vmem>>, vector<128x128xf32>
    %dot_general3A = arith.constant dense<0.000000e+00> : vector<512x128xf32>
    %dot_general3A_35 = tpu.matmul %max3A_31, %get3A_34, %dot_general3A {dimension_numbers = #tpu.dot_dimension_numbers<[1], [0], [0], [1], [0, 0, 1, 1], [], []>, transpose_lhs_hint = false} : vector<512x128xf32>, vector<128x128xf32>, vector<512x128xf32> -> vector<512x128xf32>
    %mul3A_36 = vector.broadcast %get3A_1 : vector<512x1xf32> to vector<512x128xf32>
    %mul3A_37 = arith.mulf %dot_general3A_35, %mul3A_36 : vector<512x128xf32>
    %convert_element_type3A_38 = arith.truncf %mul3A_37 : vector<512x128xf32> to vector<512x128xbf16>
    %slice3A = vector.extract_strided_slice %convert_element_type3A_38 {offsets = [0, 0], sizes = [512, 64], strides = [1, 1]} : vector<512x128xbf16> to vector<512x64xbf16>
    %swap3A_39 = arith.constant 0 : index
    %swap3A_40 = arith.constant 0 : index
    %swap3A_41 = vector.load %arg9[%swap3A_39, %swap3A_40] : memref<512x64xbf16, #tpu.memory_space<vmem>>, vector<512x64xbf16>
    tpu.vector_store %arg9[%swap3A_39, %swap3A_40], %slice3A {strides = array<i32>} : memref<512x64xbf16, #tpu.memory_space<vmem>>, vector<512x64xbf16>,
    %slice3A_42 = vector.extract_strided_slice %convert_element_type3A_38 {offsets = [0, 64], sizes = [512, 64], strides = [1, 1]} : vector<512x128xbf16> to vector<512x64xbf16>
    %swap3A_43 = arith.constant 0 : index
    %swap3A_44 = arith.constant 0 : index
    %swap3A_45 = vector.load %arg10[%swap3A_43, %swap3A_44] : memref<512x64xbf16, #tpu.memory_space<vmem>>, vector<512x64xbf16>
    tpu.vector_store %arg10[%swap3A_43, %swap3A_44], %slice3A_42 {strides = array<i32>} : memref<512x64xbf16, #tpu.memory_space<vmem>>, vector<512x64xbf16>,
    return
  }
  func.func @transform_0(%arg0: i32) -> (i32, i32) {
    %c0_i32 = arith.constant 0 : i32
    %c0_i32_0 = arith.constant 0 : i32
    return %arg0, %c0_i32 : i32, i32
  }
  func.func @transform_1(%arg0: i32) -> (i32, i32) {
    %c0_i32 = arith.constant 0 : i32
    %c0_i32_0 = arith.constant 0 : i32
    return %arg0, %c0_i32 : i32, i32
  }
  func.func @transform_2(%arg0: i32) -> (i32, i32, i32) {
    %c0_i32 = arith.constant 0 : i32
    %c0_i32_0 = arith.constant 0 : i32
    %c0_i32_1 = arith.constant 0 : i32
    return %c0_i32, %arg0, %c0_i32_0 : i32, i32, i32
  }
  func.func @transform_3(%arg0: i32) -> (i32, i32, i32) {
    %c1_i32 = arith.constant 1 : i32
    %c0_i32 = arith.constant 0 : i32
    %c0_i32_0 = arith.constant 0 : i32
    return %c1_i32, %arg0, %c0_i32 : i32, i32, i32
  }
  func.func @transform_4(%arg0: i32) -> (i32, i32) {
    %c0_i32 = arith.constant 0 : i32
    %c0_i32_0 = arith.constant 0 : i32
    return %arg0, %c0_i32 : i32, i32
  }
  func.func @transform_5(%arg0: i32) -> (i32, i32) {
    %c0_i32 = arith.constant 0 : i32
    %c0_i32_0 = arith.constant 0 : i32
    %c0_i32_1 = arith.constant 0 : i32
    return %c0_i32, %c0_i32_0 : i32, i32
  }
  func.func @transform_6(%arg0: i32) -> (i32, i32) {
    %c0_i32 = arith.constant 0 : i32
    %c0_i32_0 = arith.constant 0 : i32
    %c0_i32_1 = arith.constant 0 : i32
    return %c0_i32, %c0_i32_0 : i32, i32
  }
  func.func @transform_7(%arg0: i32) -> (i32, i32) {
    %c0_i32 = arith.constant 0 : i32
    %c0_i32_0 = arith.constant 0 : i32
    return %arg0, %c0_i32 : i32, i32
  }
  func.func @transform_8(%arg0: i32) -> (i32, i32) {
    %c0_i32 = arith.constant 0 : i32
    %c0_i32_0 = arith.constant 0 : i32
    return %arg0, %c0_i32 : i32, i32
  }
  func.func @transform_9(%arg0: i32) -> (i32, i32) {
    %c0_i32 = arith.constant 0 : i32
    %c0_i32_0 = arith.constant 0 : i32
    return %arg0, %c0_i32 : i32, i32
  }
}

module attributes {stable_mosaic.version = 14 : i64} {
  func.func @_out_body(%arg0: i32, %arg1: memref<512x64xbf16, #tpu.memory_space<vmem>>, %arg2: memref<512x64xbf16, #tpu.memory_space<vmem>>, %arg3: memref<1x512x64xbf16, #tpu.memory_space<vmem>>, %arg4: memref<1x512x64xbf16, #tpu.memory_space<vmem>>, %arg5: memref<512x1xf32, #tpu.memory_space<vmem>>, %arg6: memref<1x128xf32, #tpu.memory_space<vmem>>, %arg7: memref<512x128xf32, #tpu.memory_space<vmem>>) attributes {dimension_semantics = [#tpu.dimension_semantics<arbitrary>], iteration_bounds = array<i64: 20>, scalar_prefetch = 0 : i64, scratch_operands = 0 : i64, tpu.core_type = #tpu.core_type<tc>, window_params = [{transform_indices = @transform_0, window_bounds = array<i64: 512, 64>}, {transform_indices = @transform_1, window_bounds = array<i64: 512, 64>}, {transform_indices = @transform_2, window_bounds = array<i64: 1, 512, 64>}, {transform_indices = @transform_3, window_bounds = array<i64: 1, 512, 64>}, {transform_indices = @transform_4, window_bounds = array<i64: 512, 1>}, {pipeline_mode = #tpu.pipeline_mode<synchronous>, transform_indices = @transform_5, window_bounds = array<i64: 1, 128>}, {transform_indices = @transform_6, window_bounds = array<i64: 512, 128>}]} {
    %get3A = arith.constant 0 : index
    %get3A_0 = arith.constant 0 : index
    %get3A_1 = vector.load %arg1[%get3A, %get3A_0] : memref<512x64xbf16, #tpu.memory_space<vmem>>, vector<512x64xbf16>
    %convert_element_type3A = arith.extf %get3A_1 : vector<512x64xbf16> to vector<512x64xf32>
    %get3A_2 = arith.constant 0 : index
    %get3A_3 = arith.constant 0 : index
    %get3A_4 = arith.constant 0 : index
    %get3A_5 = vector.load %arg3[%get3A_2, %get3A_3, %get3A_4] : memref<1x512x64xbf16, #tpu.memory_space<vmem>>, vector<1x512x64xbf16>
    %get3A_6 = vector.shape_cast %get3A_5 : vector<1x512x64xbf16> to vector<512x64xbf16>
    %convert_element_type3A_7 = arith.extf %get3A_6 : vector<512x64xbf16> to vector<512x64xf32>
    %add3A = arith.addf %convert_element_type3A, %convert_element_type3A_7 : vector<512x64xf32>
    %get3A_8 = arith.constant 0 : index
    %get3A_9 = arith.constant 0 : index
    %get3A_10 = vector.load %arg2[%get3A_8, %get3A_9] : memref<512x64xbf16, #tpu.memory_space<vmem>>, vector<512x64xbf16>
    %convert_element_type3A_11 = arith.extf %get3A_10 : vector<512x64xbf16> to vector<512x64xf32>
    %get3A_12 = arith.constant 0 : index
    %get3A_13 = arith.constant 0 : index
    %get3A_14 = arith.constant 0 : index
    %get3A_15 = vector.load %arg4[%get3A_12, %get3A_13, %get3A_14] : memref<1x512x64xbf16, #tpu.memory_space<vmem>>, vector<1x512x64xbf16>
    %get3A_16 = vector.shape_cast %get3A_15 : vector<1x512x64xbf16> to vector<512x64xbf16>
    %convert_element_type3A_17 = arith.extf %get3A_16 : vector<512x64xbf16> to vector<512x64xf32>
    %add3A_18 = arith.addf %convert_element_type3A_11, %convert_element_type3A_17 : vector<512x64xf32>
    %concatenate3A = tpu.concatenate %add3A, %add3A_18 in 1 : vector<512x64xf32>, vector<512x64xf32> -> vector<512x128xf32>
    %get3A_19 = arith.constant 0 : index
    %get3A_20 = arith.constant 0 : index
    %get3A_21 = vector.load %arg5[%get3A_19, %get3A_20] : memref<512x1xf32, #tpu.memory_space<vmem>>, vector<512x1xf32>
    %mul3A = vector.broadcast %get3A_21 : vector<512x1xf32> to vector<512x128xf32>
    %mul3A_22 = arith.mulf %concatenate3A, %mul3A : vector<512x128xf32>
    %get3A_23 = arith.constant 0 : index
    %get3A_24 = arith.constant 0 : index
    %get3A_25 = vector.load %arg6[%get3A_23, %get3A_24] : memref<1x128xf32, #tpu.memory_space<vmem>>, vector<1x128xf32>
    %add3A_26 = vector.broadcast %get3A_25 : vector<1x128xf32> to vector<512x128xf32>
    %add3A_27 = arith.addf %mul3A_22, %add3A_26 : vector<512x128xf32>
    %swap3A = arith.constant 0 : index
    %swap3A_28 = arith.constant 0 : index
    %swap3A_29 = vector.load %arg7[%swap3A, %swap3A_28] : memref<512x128xf32, #tpu.memory_space<vmem>>, vector<512x128xf32>
    tpu.vector_store %arg7[%swap3A, %swap3A_28], %add3A_27 {strides = array<i32>} : memref<512x128xf32, #tpu.memory_space<vmem>>, vector<512x128xf32>,
    return
  }
  func.func @transform_0(%arg0: i32) -> (i32, i32) {
    %c0_i32 = arith.constant 0 : i32
    %c0_i32_0 = arith.constant 0 : i32
    return %arg0, %c0_i32 : i32, i32
  }
  func.func @transform_1(%arg0: i32) -> (i32, i32) {
    %c0_i32 = arith.constant 0 : i32
    %c0_i32_0 = arith.constant 0 : i32
    return %arg0, %c0_i32 : i32, i32
  }
  func.func @transform_2(%arg0: i32) -> (i32, i32, i32) {
    %c0_i32 = arith.constant 0 : i32
    %c0_i32_0 = arith.constant 0 : i32
    %c0_i32_1 = arith.constant 0 : i32
    return %c0_i32, %arg0, %c0_i32_0 : i32, i32, i32
  }
  func.func @transform_3(%arg0: i32) -> (i32, i32, i32) {
    %c1_i32 = arith.constant 1 : i32
    %c0_i32 = arith.constant 0 : i32
    %c0_i32_0 = arith.constant 0 : i32
    return %c1_i32, %arg0, %c0_i32 : i32, i32, i32
  }
  func.func @transform_4(%arg0: i32) -> (i32, i32) {
    %c0_i32 = arith.constant 0 : i32
    %c0_i32_0 = arith.constant 0 : i32
    return %arg0, %c0_i32 : i32, i32
  }
  func.func @transform_5(%arg0: i32) -> (i32, i32) {
    %c0_i32 = arith.constant 0 : i32
    %c0_i32_0 = arith.constant 0 : i32
    %c0_i32_1 = arith.constant 0 : i32
    return %c0_i32, %c0_i32_0 : i32, i32
  }
  func.func @transform_6(%arg0: i32) -> (i32, i32) {
    %c0_i32 = arith.constant 0 : i32
    %c0_i32_0 = arith.constant 0 : i32
    return %arg0, %c0_i32 : i32, i32
  }
}

</mosaic_0001>

<sc_bundles>
// kernel: kernel.11.cloned.1.call-start
scs
__scs_entry_jumppad:
0x0: {  	(pc) =	sbr.rel $0x88, $3  }
0x1: {  	(tag) =	ssettag $0x0;
	lr =	simm.s32 $0x1  }
0x2: {  	[smem:$0x3F9B] =	sst lr;
	_ =	strace $0xD0000000  }
0x3: {  	_ = 	snop  }
0x4: {  	_ = 	snop  }
0x5: {  	_ = 	snop  }
0x6: {  	_ = 	snop  }
0x7: {  	_ = 	snop  }
__scs_overlays_trampoline_lowered:
0x8: {  	[smem:$0x3FAA] =	sst s0  }
0x9: {  	[smem:$0x3FAB] =	sst s1  }
0xa: {  	[smem:$0x3FAC] =	sst s2  }
0xb: {  	[smem:$0x3FAD] =	sst s3  }
0xc: {  	[smem:$0x3FAE] =	sst s4  }
0xd: {  	[smem:$0x3FAF] =	sst s5  }
0xe: {  	[smem:$0x3FB0] =	sst s6  }
0xf: {  	[smem:$0x3FB1] =	sst s7  }
0x10: {  	[smem:$0x3FB2] =	sst s8  }
0x11: {  	[smem:$0x3FB3] =	sst s9;
	s0 =	simm.s32 @!p0 $0x0  }
0x12: {  	s1 =	sld [smem:$0x3F99];
	s0 =	simm.s32 @p0 $0x1  }
0x13: {  	[smem:$0x3FB4] =	sst s0;
	s0 =	simm.s32 @!p1 $0x0  }
0x14: {  	s2 =	sld [smem:$0x3F98];
	s0 =	simm.s32 @p1 $0x1  }
0x15: {  	[smem:$0x3FB5] =	sst s0;
	s0 =	simm.s32 @!p2 $0x0  }
0x16: {  	s3 =	sld [smem:$0x3FDB];
	s0 =	simm.s32 @p2 $0x1  }
0x17: {  	s4 =	simm.s32 $0x1BF5;
	[smem:$0x3FB7] =	sst s0  }
0x18: {  	s0 =	sld [smem:$0x3F9A];
	_ =	swait.ge [sflag:s4], $0x0  }
0x19: {  	s7 =	sld [smem:$0x3F9B]  }
0x1a: {  	s8 =	sadd.s32 $0xFFFFE003, lr  }
0x1b: {  	s9 =	sadd.s32 $0xFFFFFEF7, lr;
	s5 =	simm.s32 $0xFFFFFFFF;
	p2 =	slt.u32 s8, $0xFFFFF086  }
0x1c: {  	p1 =	slt.u32 s9, $0xF7A;
	s5 =	simm.s32 @!p2 $0x0  }
0x1d: {  	s5 =	simm.s32 @p1 $0x1;
	p0 =	seq.s32 s7, s2  }
0x1e: {  	s7 =	smul.u32 @!p0 $0xF7A, s2;
	p2 =	seq.s32 @!p0 s5, $0x0  }
0x1f: {  	s9 =	smul.u32 $0xF7A, s1;
	s8 =	simm.s32 @!p0 $0x1BF5;
	p2 =	por !p2, p0  }
0x20: {  	[sflag:s8] =	ssyncset.s32 @!p0 $0xFFFFF086;
	s6 =	sadd.s32 @!p0 s3, s7;
	s7 =	simm.s32 @!p0 $0x108  }
0x21: {  	s3 =	sadd.s32 s3, s9;
	s6 =	sadd.s32 @!p0 $0x88, s6;
	s7 =	simm.s32 @p2 $0x1082  }
0x22: {  	[simem:s7], [sflag:s8] =	dma.local @!p0 [hbm:s6], $0xF7A  }
0x23: {  	s9 =	sor.u32 $0xD0000000, s2;
	s6 =	simm.s32 $0x108;
	_ =	swait.ge @!p0 [sflag:s8], $0x0  }
0x24: {  	s3 =	sadd.s32 $0x88, s3;
	s6 =	simm.s32 @!p1 $0x1082;
	[sflag:s4] =	ssyncset.s32 $0xFFFFF086  }
0x25: {  	[simem:s6], [sflag:s4] =	dma.local [hbm:s3], $0xF7A  }
0x26: {  	[smem:$0x3F9B] =	sst s1;
	(tag) =	ssettag s2;
	_ =	strace s9  }
0x27: {  	s1 =	sld [smem:$0x3FAB]  }
0x28: {  	s2 =	sld [smem:$0x3FAC]  }
0x29: {  	s4 =	sld [smem:$0x3FAE]  }
0x2a: {  	p0 =	seq.s32 s5, $0x0;
	s5 =	sld [smem:$0x3FAF]  }
0x2b: {  	s6 =	sld [smem:$0x3FB0]  }
0x2c: {  	s7 =	sld [smem:$0x3FB1]  }
0x2d: {  	s3 =	simm.s32 $0x108;
	s8 =	sld [smem:$0x3FB2]  }
0x2e: {  	s3 =	simm.s32 @!p0 $0x1082;
	s9 =	sld [smem:$0x3FB3]  }
0x2f: {  	lr =	sadd.s32 s0, s3;
	s0 =	sld [smem:$0x3FAA]  }
0x30: {  	s3 =	sld [smem:$0x3FAD]  }
0x31: {  	[smem:$0x3FB6] =	sst s10  }
0x32: {  	s10 =	sld [smem:$0x3FB4];
	_ =	sdelay $0x3  }
0x33: {  	p0 =	seq.s32 s10, $0x1;
	s10 =	sld [smem:$0x3FB6];
	_ =	sdelay $0x3  }
0x34: {  	[smem:$0x3FB6] =	sst s10  }
0x35: {  	s10 =	sld [smem:$0x3FB5];
	_ =	sdelay $0x3  }
0x36: {  	p1 =	seq.s32 s10, $0x1;
	s10 =	sld [smem:$0x3FB6];
	_ =	sdelay $0x3  }
0x37: {  	[smem:$0x3FB6] =	sst s10  }
0x38: {  	s10 =	sld [smem:$0x3FB7]  }
0x39: {  	_ = 	snop;
	(pc) =	sbr.ind lr, $3  }
0x3a: {  	_ = 	snop  }
0x3b: {  	_ = 	snop  }
0x3c: {  	p2 =	seq.s32 s10, $0x1;
	s10 =	sld [smem:$0x3FB6]  }
0x3d: {  	_ =	shalt  }
0x3e: {  	_ =	shalt  }
0x3f: {  	_ =	shalt  }
0x40: {  	_ =	shalt  }
0x41: {  	_ =	shalt  }
0x42: {  	_ =	shalt  }
0x43: {  	_ =	shalt  }
0x44: {  	_ =	shalt  }
0x45: {  	_ =	shalt  }
0x46: {  	_ =	shalt  }
0x47: {  	_ =	shalt  }
0x48: {  	_ =	shalt  }
0x49: {  	_ =	shalt  }
0x4a: {  	_ =	shalt  }
0x4b: {  	_ =	shalt  }
0x4c: {  	_ =	shalt  }
0x4d: {  	_ =	shalt  }
0x4e: {  	_ =	shalt  }
0x4f: {  	_ =	shalt  }
0x50: {  	_ =	shalt  }
0x51: {  	_ =	shalt  }
0x52: {  	_ =	shalt  }
0x53: {  	_ =	shalt  }
0x54: {  	_ =	shalt  }
0x55: {  	_ =	shalt  }
0x56: {  	_ =	shalt  }
0x57: {  	_ =	shalt  }
0x58: {  	_ =	shalt  }
0x59: {  	_ =	shalt  }
0x5a: {  	_ =	shalt  }
0x5b: {  	_ =	shalt  }
0x5c: {  	_ =	shalt  }
0x5d: {  	_ =	shalt  }
0x5e: {  	_ =	shalt  }
0x5f: {  	_ =	shalt  }
0x60: {  	_ =	shalt  }
0x61: {  	_ =	shalt  }
0x62: {  	_ =	shalt  }
0x63: {  	_ =	shalt  }
0x64: {  	_ =	shalt  }
0x65: {  	_ =	shalt  }
0x66: {  	_ =	shalt  }
0x67: {  	_ =	shalt  }
0x68: {  	_ =	shalt  }
0x69: {  	_ =	shalt  }
0x6a: {  	_ =	shalt  }
0x6b: {  	_ =	shalt  }
0x6c: {  	_ =	shalt  }
0x6d: {  	_ =	shalt  }
0x6e: {  	_ =	shalt  }
0x6f: {  	_ =	shalt  }
0x70: {  	_ =	shalt  }
0x71: {  	_ =	shalt  }
0x72: {  	_ =	shalt  }
0x73: {  	_ =	shalt  }
0x74: {  	_ =	shalt  }
0x75: {  	_ =	shalt  }
0x76: {  	_ =	shalt  }
0x77: {  	_ =	shalt  }
0x78: {  	_ =	shalt  }
0x79: {  	_ =	shalt  }
0x7a: {  	_ =	shalt  }
0x7b: {  	_ =	shalt  }
0x7c: {  	_ =	shalt  }
0x7d: {  	_ =	shalt  }
0x7e: {  	_ =	shalt  }
0x7f: {  	_ =	shalt  }
0x80: {  	_ =	shalt  }
0x81: {  	_ =	shalt  }
0x82: {  	_ =	shalt  }
0x83: {  	_ =	shalt  }
0x84: {  	_ =	shalt  }
0x85: {  	_ =	shalt  }
0x86: {  	_ =	shalt  }
0x87: {  	_ =	shalt  }
.Lfunc_end0:
.L_simem_size_0:
called_computation.1_lowered:
.L_overlay_start_0:
0x88: {  	s2 =	sld [smem:$0x3FD9]  }
0x89: {  	s3 =	sld [smem:$0x3FFE];
	_ =	sdelay $0x1  }
0x8a: {  	s1 =	srdreg.scid  }
0x8b: {  	s0 =	sand.u32 $0x1, s1  }
0x8c: {  	s14 =	sshll.u32 s0, $0xA;
	s2 =	sadd.s32 s3, s2  }
0x8d: {  	s2 =	sadd.s32 s2, s14  }
0x8e: {  	[smem:$0x3FC2] =	sst s2  }
0x8f: {  	_ = 	snop  }
0x90: {  	s2 =	sld [smem:$0x3FD0];
	_ =	sdelay $0x2  }
0x91: {  	s15 =	simm.s32 $0xA;
	s4 =	simm.s32 $0x10  }
0x92: {  	[smem:s4], [sflag:s15] =	dma.local [hbm:s2], $0x1  }
0x93: {  	_ =	swait.eq [sflag:s15], $0x1  }
0x94: {  	[sflag:s15] =	ssyncset.done $0x0  }
0x95: {  	s16 =	sld [smem:$0x10];
	[sflag:s15] =	ssyncadd.s32 $0xFFFFFFFF  }
0x96: {  	s17 =	sld [smem:$0x11];
	(tm) =	ssettm $0x1  }
0x97: {  	s18 =	sld [smem:$0x3FFB];
	_ =	sdelay $0x3  }
0x98: {  	_ =	strace s18  }
0x99: {  	s4 =	sld [smem:$0x3FFC];
	_ =	sdelay $0x3  }
0x9a: {  	_ =	strace s4  }
0x9b: {  	s4 =	sld [smem:$0x3FFD];
	_ =	sdelay $0x3  }
0x9c: {  	_ =	strace s4  }
0x9d: {  	_ =	strace $0x8FFFFFFF  }
0x9e: {  	s19 =	sld [smem:$0x3FDB];
	_ =	sdelay $0x1  }
0x9f: {  	s5 =	simm.s32 $_scs_section_size  }
0xa0: {  	s6 =	simm.s32 $_size__tile_overlayer_lowered;
	s7 =	simm.s32 $_tile_overlayer_lowered  }
0xa1: {  	s22 =	simm.s32 $0x1BFF;
	s21 =	sshll.u32 s7, $0x1;
	s4 =	sadd.s32 s5, s19  }
0xa2: {  	s8 =	simm.s32 $0x0;
	s20 =	sshll.u32 s6, $0x1;
	s6 =	sadd.s32 s21, s4  }
0xa3: {  	[timem:s8], [sflag:s22] =	dma.local [hbm:s6], s20  }
0xa4: {  	_ =	swait.ge [sflag:s22], s20  }
0xa5: {  	s5 =	ssub.s32 $0x0, s20;
	[sflag:s22] =	ssyncset.done $0x0  }
0xa6: {  	[sflag:s22] =	ssyncadd.s32 s5;
	_ =	sdelay $0x1  }
0xa7: {  	s23 =	simm.s32 $0x1B8B  }
0xa8: {  	_ =	swait.ge [sflag:s23], $0x1  }
0xa9: {  	[sflag:s23] =	ssyncset.done $0x0  }
0xaa: {  	s25 =	simm.s32 $0x1B8E;
	s24 =	sld [smem:$0x3FFE];
	[sflag:s23] =	ssyncadd.s32 $0xFFFFFFFF  }
0xab: {  	s26 =	simm.s32 $execute0_lowered;
	[smem:$0x3FD2] =	sst s25  }
0xac: {  	s6 =	sshll.u32 s26, $0x1;
	_ =	strace $0x80000049;
	[dreg:$0x1] =	wrdreg $0xFFFFFFFF  }
0xad: {  	s28 =	simm.s32 $_size_execute0_lowered;
	s4 =	sadd.s32 s4, s6;
	[dreg:$0x0] =	wrdreg $0x0  }
0xae: {  	s6 =	sshll.u32 s28, $0x1;
	[dreg:$0x2] =	wrdreg s4  }
0xaf: {  	[dreg:$0x3] =	wrdreg s6  }
0xb0: {  	[dreg:$0x4] =	wrdreg $0xC0  }
0xb1: {  	_ =	task [dreg:s8], $0x5FFFF  }
0xb2: {  	[dreg:$0x1] =	wrdreg $0xFFFFFFFF  }
0xb3: {  	[dreg:$0x0] =	wrdreg $0x60  }
0xb4: {  	[dreg:$0x2] =	wrdreg s17  }
0xb5: {  	[dreg:$0x3] =	wrdreg s24  }
0xb6: {  	[dreg:$0x4] =	wrdreg s16  }
0xb7: {  	[dreg:$0x5] =	wrdreg $0x170000  }
0xb8: {  	[dreg:$0x6] =	wrdreg $0x9  }
0xb9: {  	_ =	task.clear_ibuf [dreg:s8], $0x7FFFF;
	_ =	strace $0x90000049  }
0xba: {  	s29 =	simm.s32 $0x9;
	_ =	strace $0x8000004B  }
0xbb: {  	_ =	swait.ge [sflag:s29], $0x1  }
0xbc: {  	[sflag:s29] =	ssyncadd.s32 $0xFFFFFFFF  }
0xbd: {  	_ =	strace $0x9000004B  }
0xbe: {  	_ =	sfence  }
0xbf: {  	s30 =	sld [smem:$0x0];
	_ =	sdelay $0x2  }
0xc0: {  	s31 =	sshll.u32 s1, $0xD;
	s1 =	sshrl.u32 s1, $0x2  }
0xc1: {  	s3 =	sand.u32 $0x4000, s31;
	s1 =	sadd.s32 s1, s30  }
0xc2: {  	s0 =	sor.u32 s3, s0;
	s1 =	sshll.u32 s1, $0x11  }
0xc3: {  	s0 =	sor.u32 s1, s0  }
0xc4: {  	s0 =	sadd.s32 $0x8F2B, s0  }
0xc5: {  	[sflag:s0] =	ssyncadd.remote.s32 $0x1  }
0xc6: {  	_ =	sfence.sel $0xFFFF  }
0xc7: {  	[dreg:$0x0] =	wrdreg $0xFFFFFFFF;
	(pc) =	sbr.abs _section_cstart, $3  }
0xc8: {  	[dreg:$0x1] =	wrdreg $0xFFFFFFFF  }
0xc9: {  	_ =	task.clear_ibuf [dreg:s8], $0x2FFFF;
	_ =	strace $0x9FFFFFFF  }
0xca: {  	(tm) =	ssettm $0x7FFFFFFF  }
0xcb: {  	_ =	shalt  }
tec
execute0_lowered:
.L_overlay_start_1:
0x0: {  	(tag) =	ssettag $0x1  }
0x1: {  	s1 =	rddreg [dreg:$0x0]  }
0x2: {  	s0 =	rddreg [dreg:$0x1]  }
0x3: {  	s2 =	rddreg [dreg:$0x2]  }
0x4: {  	s3 =	rddreg [dreg:$0x3];
	s9 =	stileid.u32  }
0x5: {  	s5 =	srdreg.scid;
	s4 =	simm.s32 $0x0;
	s13 =	simm.s32 $0x12000  }
0x6: {  	s14 =	simm.s32 $0x80;
	s18 =	simm.s32 $0xC000;
	s19 =	simm.s32 $0x180  }
0x7: {  	s20 =	simm.s32 $0xD000;
	s21 =	simm.s32 $0xE000;
	s28 =	simm.s32 $0xA  }
0x8: {  	s29 =	simm.s32 $0x6;
	s30 =	simm.s32 $0xB;
	s31 =	simm.s32 $0x7  }
0x9: {  	s12 =	simm.s32 $0xD;
	s6 =	smul.u32 $0xA00, s9;
	s7 =	sand.u32 $0x1, s5  }
0xa: {  	[smem:$0x7FF] =	sst s4;
	s9 =	smul.u32 $0xA000, s9;
	s5 =	sadd.s32 $0x15800, s0  }
0xb: {  	s8 =	ssub.s32 $0x2, s7;
	_ =	strace $0x8000004A;
	s11 =	smul.u32 $0xA0000, s7  }
0xc: {  	p0 =	seq.s32 s7, $0x1;
	s10 =	sshrl.u32 s8, $0x1;
	s0 =	sadd.s32 s6, s0  }
0xd: {  	s24 =	sshrl.u32 s9, $0x1;
	s6 =	simm.s32 $0x0;
	s22 =	ssub.s32 s8, s10  }
0xe: {  	s23 =	sadd.s32 $0xB800, s0;
	s9 =	sadd.s32 s9, s11;
	s0 =	sadd.s32 $0x1800, s0  }
0xf: {  	s10 =	sadd.s32 s24, s3;
	s11 =	simm.s32 $0x11;
	[dreg:$0x5] =	wrdreg s23  }
.Ltmp0:
0x10: {  	s24 =	simm.s32 $0xF000;
	[dreg:$0x6] =	wrdreg s0;
	(pc) =	sbr.rel .LBB2_1-.Ltmp0, $4  }
0x11: {  	s25 =	sshrl.u32 s9, $0x4;
	s26 =	smax.u32 s22, $0x1;
	s22 =	simm.s32 $0x11000  }
0x12: {  	s23 =	simm.s32 $0x10000;
	[dreg:$0x7] =	wrdreg s10;
	s0 =	sadd.s32 s2, s25  }
0x13: {  	[dreg:$0x9] =	wrdreg s26;
	s25 =	simm.s32 $0x9;
	s26 =	simm.s32 $0x5  }
0x14: {  	v0 =	vimm.bf16 $0.0e+00;
	s2 =	simm.s32 $0x8;
	[dreg:$0x8] =	wrdreg s0;
	s0 =	simm.s32 $0xC  }
.LBB2_12:
0x15: {  	[bflag:$0x0] =	sbarrier.arrive $0xFFFF  }
0x16: {  	s13 =	simm.s32 $0x12000;
	s10 =	rddreg [dreg:$0x7]  }
0x17: {  	[tilespmem:s13], [sflag:$0x11] =	stream.linear.gather [spmem:s10], $0x5000, $0x38;
	[tilespmem:$0x1C000] =	vst v63  }
0x18: {  	_ =	swait.ge [sflag:s11], $0x5000  }
0x19: {  	[sflag:s11] =	ssyncset.done $0x0  }
0x1a: {  	s7 =	rddreg [dreg:$0x8];
	[sflag:s11] =	ssyncadd.s32 $0xFFFFB000  }
0x1b: {  	[hbm4b:s7+s4] =	stream.linear.scatter [tilespmem:s13], [sflag:$0x11], $0x5000, $0x38;
	[tilespmem:$0x1C000] =	vst v63  }
0x1c: {  	_ =	swait.ge [sflag:s11], $0x5000  }
0x1d: {  	s6 =	sadd.s32 $0x1, s6;
	s17 =	rddreg [dreg:$0x9]  }
0x1e: {  	p1 =	sne.s32 s6, s17  }
.Ltmp1:
0x1f: {  	_ = 	snop;
	(pc) =	sbr.rel @!p1 .LBB2_13-.Ltmp1, $3  }
0x20: {  	_ =	sdelay $0x1  }
0x21: {  	[sflag:s11] =	ssyncset.done $0x0  }
0x22: {  	[sflag:s11] =	ssyncadd.s32 $0xFFFFB000  }
.LBB2_1:
0x23: {  	s7 =	rddreg [dreg:$0x5]  }
0x24: {  	[tilespmem:s4], [sflag:$0x11] =	stream.linear.gather [hbm4b:s7+s4], $0x5000, $0x38;
	[tilespmem:$0x1C000] =	vst v63  }
0x25: {  	_ =	swait.ge [sflag:s11], $0x5000  }
0x26: {  	[sflag:s11] =	ssyncset.done $0x0  }
0x27: {  	s8 =	simm.s32 $0x5000;
	s17 =	rddreg [dreg:$0x6];
	[sflag:s11] =	ssyncadd.s32 $0xFFFFB000  }
0x28: {  	[tilespmem:s8], [sflag:$0x11] =	stream.linear.gather [hbm4b:s17+s4], $0x5000, $0x38;
	[tilespmem:$0x1C000] =	vst v63  }
0x29: {  	_ =	swait.ge [sflag:s11], $0x5000  }
0x2a: {  	[sflag:s11] =	ssyncset.done $0x0  }
0x2b: {  	s7 =	simm.s32 $0x80;
	s8 =	simm.s32 $0x0;
	[sflag:s11] =	ssyncadd.s32 $0xFFFFB000  }
.LBB2_2:
0x2c: {  	p1 =	sne.s32 s7, $0x13F80;
	[tilespmem:s8+$0x12000] =	vst v0;
	s9 =	smov.u32 s7;
	s7 =	sadd.s32 $0x80, s7  }
.Ltmp2:
0x2d: {  	[tilespmem:s8+$0x12010] =	vst v0;
	(pc) =	sbr.rel @p1 .LBB2_2-.Ltmp2, $2  }
0x2e: {  	_ =	sdelay $0x2  }
0x2f: {  	s8 =	sshra.s32 s9, $0x2  }
0x30: {  	[tilespmem:s8+$0x12000] =	vst v0  }
0x31: {  	[tilespmem:s8+$0x12010] =	vst v0  }
0x32: {  	[spmem:s10] =	stream.linear.scatter [tilespmem:s13], [sflag:$0x11], $0x5000, $0x38;
	[tilespmem:$0x1C000] =	vst v63  }
.Ltmp3:
0x33: {  	_ =	swait.ge [sflag:s11], $0x5000;
	(pc) =	sbr.rel @p0 .LBB2_8-.Ltmp3, $4  }
.Ltmp4:
0x34: {  	[sflag:s11] =	ssyncset.done $0x0;
	(pc) =	sbr.rel @!p0 .LBB2_4-.Ltmp4, $4  }
0x35: {  	[sflag:s11] =	ssyncadd.s32 $0xFFFFB000  }
0x36: {  	[bflag:$0x0] =	sbarrier.arrive $0xFFFF  }
0x37: {  	s7 =	simm.s32 $0x0;
	s9 =	simm.s32 $0x7  }
0x38: {  	_ = 	snop  }
.LBB2_15:
0x39: {  	s8 =	simm.s32 $0xA000  }
0x3a: {  	[tilespmem:s8], [sflag:$0x1] =	stream.indirect.gather [hbm4b:s5+s14], $0x20, s4, s14, $0xb8;
	[tilespmem:$0x1C000] =	vst v63  }
0x3b: {  	s16 =	simm.s32 $0xB000  }
0x3c: {  	[tilespmem:s16], [sflag:$0x2] =	stream.indirect.gather [hbm4b:s5+s14], $0x20, s14, s14, $0xb8;
	[tilespmem:$0x1C000] =	vst v63  }
0x3d: {  	s17 =	simm.s32 $0x100;
	s10 =	simm.s32 $0x3  }
0x3e: {  	[tilespmem:s18], [sflag:$0x3] =	stream.indirect.gather [hbm4b:s5+s14], $0x20, s17, s14, $0xb8;
	[tilespmem:$0x1C000] =	vst v63  }
0x3f: {  	s13 =	simm.s32 $0x1;
	s15 =	simm.s32 $0x4;
	s8 =	simm.s32 $0x2  }
0x40: {  	[tilespmem:s20], [sflag:$0x4] =	stream.indirect.gather [hbm4b:s5+s14], $0x20, s19, s14, $0xb8;
	[tilespmem:$0x1C000] =	vst v63  }
.LBB2_10:
0x41: {  	s16 =	sshll.u32 s15, $0x7  }
0x42: {  	s16 =	sand.u32 $0x3FFFFF80, s16  }
0x43: {  	[tilespmem:s21], [sflag:$0x5] =	stream.indirect.gather [hbm4b:s5+s14], $0x20, s16, s14, $0xb8;
	[tilespmem:$0x1C000] =	vst v63  }
.LBB2_11:
0x44: {  	p2 =	sgt.u32 s15, $0xA3  }
0x45: {  	s15 =	simm.s32 @!p2 $0x1  }
0x46: {  	_ =	swait.ge @!p2 [sflag:s15], $0x1000  }
0x47: {  	[sflag:s15] =	ssyncset.done @!p2 $0x0  }
0x48: {  	[sflag:s15] =	ssyncadd.s32 @!p2 $0xFFFFF000;
	s15 =	sshra.s32 @!p2 s7, $0x2  }
0x49: {  	s16 =	simm.s32 @!p2 $0x80;
	s17 =	simm.s32 @!p2 $0xA000;
	s15 =	sadd.s32 @!p2 $0x5000, s15  }
0x4a: {  	[spmem:s3] =	stream.indirect.scatter.add.bf16 @!p2 [tilespmem:s17], [sflag:$0x9], $0x20, s15, s16, $0xb8;
	[tilespmem:$0x1C000] =	vst v63  }
0x4b: {  	s15 =	simm.s32 @!p1 $0xE  }
0x4c: {  	p2 =	seq.s32 @!p1 s7, $0x14000;
	_ =	swait.ge @!p1 [sflag:s15], $0x1000  }
0x4d: {  	p2 =	por p1, !p2;
	[sflag:s15] =	ssyncset.done @!p1 $0x0  }
0x4e: {  	s16 =	sadd.s32 $0xFFFFFFFE, s9;
	[sflag:s15] =	ssyncadd.s32 @!p1 $0xFFFFF000;
	s15 =	sshra.s32 @p2 s7, $0x2  }
0x4f: {  	p3 =	sgt.u32 s16, $0xA3;
	s15 =	sadd.s32 @p2 $0x280, s15  }
0x50: {  	[tilespmem:s24], [sflag:$0x6] =	stream.indirect.gather @p2 [hbm4b:s5+s14], $0x20, s15, s14, $0xb8;
	[tilespmem:$0x1C000] =	vst v63  }
0x51: {  	s15 =	simm.s32 @!p3 $0x2  }
0x52: {  	s13 =	sshll.u32 @!p3 s13, $0x7;
	_ =	swait.ge @!p3 [sflag:s15], $0x1000  }
0x53: {  	s16 =	simm.s32 @!p3 $0xB000;
	s13 =	sand.u32 @!p3 $0x3FFFFF80, s13;
	[sflag:s15] =	ssyncset.done @!p3 $0x0  }
0x54: {  	s13 =	sadd.s32 @!p3 $0x5000, s13;
	[sflag:s15] =	ssyncadd.s32 @!p3 $0xFFFFF000;
	s15 =	simm.s32 @!p3 $0x80  }
0x55: {  	[spmem:s3] =	stream.indirect.scatter.add.bf16 @!p3 [tilespmem:s16], [sflag:$0xA], $0x20, s13, s15, $0xb8;
	[tilespmem:$0x1C000] =	vst v63  }
0x56: {  	s13 =	simm.s32 @!p1 $0xF  }
0x57: {  	_ =	swait.ge @!p1 [sflag:s13], $0x1000  }
0x58: {  	[sflag:s13] =	ssyncset.done @!p1 $0x0  }
0x59: {  	s17 =	sadd.s32 $0xFFFFFFFF, s9;
	[sflag:s13] =	ssyncadd.s32 @!p1 $0xFFFFF000;
	s13 =	sshra.s32 @p2 s7, $0x2  }
0x5a: {  	p3 =	sgt.u32 s17, $0xA3;
	s13 =	sadd.s32 @p2 $0x300, s13  }
0x5b: {  	[tilespmem:s23], [sflag:$0x7] =	stream.indirect.gather @p2 [hbm4b:s5+s14], $0x20, s13, s14, $0xb8;
	[tilespmem:$0x1C000] =	vst v63  }
0x5c: {  	s13 =	simm.s32 @!p3 $0x3  }
0x5d: {  	s8 =	sshll.u32 @!p3 s8, $0x7;
	_ =	swait.ge @!p3 [sflag:s13], $0x1000  }
0x5e: {  	s15 =	simm.s32 @!p3 $0xC000;
	s8 =	sand.u32 @!p3 $0x3FFFFF80, s8;
	[sflag:s13] =	ssyncset.done @!p3 $0x0  }
0x5f: {  	s8 =	sadd.s32 @!p3 $0x5000, s8;
	[sflag:s13] =	ssyncadd.s32 @!p3 $0xFFFFF000;
	s13 =	simm.s32 @!p3 $0x80  }
0x60: {  	[spmem:s3] =	stream.indirect.scatter.add.bf16 @!p3 [tilespmem:s15], [sflag:$0xB], $0x20, s8, s13, $0xb8;
	[tilespmem:$0x1C000] =	vst v63  }
0x61: {  	s8 =	simm.s32 @!p1 $0x10  }
0x62: {  	_ =	swait.ge @!p1 [sflag:s8], $0x1000  }
0x63: {  	[sflag:s8] =	ssyncset.done @!p1 $0x0  }
0x64: {  	[sflag:s8] =	ssyncadd.s32 @!p1 $0xFFFFF000;
	s8 =	sshra.s32 @p2 s7, $0x2  }
0x65: {  	p1 =	sgt.u32 s9, $0xA3;
	s8 =	sadd.s32 @p2 $0x380, s8  }
0x66: {  	[tilespmem:s22], [sflag:$0x8] =	stream.indirect.gather @p2 [hbm4b:s5+s14], $0x20, s8, s14, $0xb8;
	[tilespmem:$0x1C000] =	vst v63  }
0x67: {  	s8 =	simm.s32 @!p1 $0x4  }
0x68: {  	_ =	swait.ge @!p1 [sflag:s8], $0x1000  }
0x69: {  	s10 =	sshll.u32 @!p1 s10, $0x7;
	[sflag:s8] =	ssyncset.done @!p1 $0x0  }
0x6a: {  	s7 =	sadd.s32 $0x1000, s7;
	[sflag:s8] =	ssyncadd.s32 @!p1 $0xFFFFF000;
	s8 =	sand.u32 @!p1 $0x3FFFFF80, s10  }
0x6b: {  	s13 =	simm.s32 @!p1 $0xD000;
	s10 =	simm.s32 @!p1 $0x80;
	s8 =	sadd.s32 @!p1 $0x5000, s8  }
0x6c: {  	[spmem:s3] =	stream.indirect.scatter.add.bf16 @!p1 [tilespmem:s13], [sflag:$0xC], $0x20, s8, s10, $0xb8;
	[tilespmem:$0x1C000] =	vst v63  }
0x6d: {  	p1 =	sne.s32 s7, $0x15000  }
.Ltmp5:
0x6e: {  	_ = 	snop;
	(pc) =	sbr.rel @!p1 .LBB2_12-.Ltmp5, $2  }
0x6f: {  	_ =	sdelay $0x2  }
0x70: {  	s9 =	sadd.s32 $0x8, s9  }
.LBB2_8:
0x71: {  	p1 =	seq.s32 s7, $0x0  }
.Ltmp6:
0x72: {  	_ = 	snop;
	(pc) =	sbr.rel @p1 .LBB2_15-.Ltmp6, $1  }
0x73: {  	_ =	sdelay $0x3  }
0x74: {  	_ =	swait.ge [sflag:s25], $0x1000;
	p2 =	seq.s32 s7, $0x14000  }
0x75: {  	[sflag:s25] =	ssyncset.done $0x0;
	s10 =	sshra.s32 @!p2 s7, $0x2  }
0x76: {  	s8 =	simm.s32 @!p2 $0x80;
	s13 =	simm.s32 @!p2 $0xA000;
	[sflag:s25] =	ssyncadd.s32 $0xFFFFF000  }
0x77: {  	[tilespmem:s13], [sflag:$0x1] =	stream.indirect.gather @!p2 [hbm4b:s5+s8], $0x20, s10, s8, $0xb8;
	[tilespmem:$0x1C000] =	vst v63  }
0x78: {  	s13 =	smov.u32 s7  }
0x79: {  	s13 =	simm.s32 @p2 $0x14000;
	_ =	swait.ge [sflag:s26], $0x1000  }
0x7a: {  	[sflag:s26] =	ssyncset.done $0x0;
	s15 =	sshra.s32 s13, $0x2  }
0x7b: {  	[sflag:s26] =	ssyncadd.s32 $0xFFFFF000;
	s13 =	sadd.s32 $0x4E00, s15  }
0x7c: {  	[spmem:s3] =	stream.indirect.scatter.add.bf16 [tilespmem:s21], [sflag:$0xD], $0x20, s13, s14, $0xb8;
	[tilespmem:$0x1C000] =	vst v63  }
0x7d: {  	_ =	swait.ge [sflag:s28], $0x1000  }
0x7e: {  	[sflag:s28] =	ssyncset.done $0x0  }
0x7f: {  	s16 =	simm.s32 @!p2 $0xB000;
	s13 =	sadd.s32 @!p2 $0x80, s10;
	[sflag:s28] =	ssyncadd.s32 $0xFFFFF000  }
0x80: {  	[tilespmem:s16], [sflag:$0x2] =	stream.indirect.gather @!p2 [hbm4b:s5+s8], $0x20, s13, s8, $0xb8;
	[tilespmem:$0x1C000] =	vst v63  }
0x81: {  	_ =	swait.ge [sflag:s29], $0x1000  }
0x82: {  	[sflag:s29] =	ssyncset.done $0x0  }
0x83: {  	s17 =	sadd.s32 $0x4E80, s15;
	[sflag:s29] =	ssyncadd.s32 $0xFFFFF000  }
0x84: {  	[spmem:s3] =	stream.indirect.scatter.add.bf16 [tilespmem:s24], [sflag:$0xE], $0x20, s17, s14, $0xb8;
	[tilespmem:$0x1C000] =	vst v63  }
0x85: {  	_ =	swait.ge [sflag:s30], $0x1000  }
0x86: {  	[sflag:s30] =	ssyncset.done $0x0  }
0x87: {  	s16 =	sadd.s32 @!p2 $0x100, s10;
	s17 =	simm.s32 @!p2 $0xC000;
	[sflag:s30] =	ssyncadd.s32 $0xFFFFF000  }
0x88: {  	[tilespmem:s17], [sflag:$0x3] =	stream.indirect.gather @!p2 [hbm4b:s5+s8], $0x20, s16, s8, $0xb8;
	[tilespmem:$0x1C000] =	vst v63  }
0x89: {  	_ =	swait.ge [sflag:s31], $0x1000  }
0x8a: {  	[sflag:s31] =	ssyncset.done $0x0  }
0x8b: {  	s17 =	sadd.s32 $0x4F00, s15;
	[sflag:s31] =	ssyncadd.s32 $0xFFFFF000  }
0x8c: {  	[spmem:s3] =	stream.indirect.scatter.add.bf16 [tilespmem:s23], [sflag:$0xF], $0x20, s17, s14, $0xb8;
	[tilespmem:$0x1C000] =	vst v63  }
0x8d: {  	_ =	swait.ge [sflag:s0], $0x1000  }
0x8e: {  	[sflag:s0] =	ssyncset.done $0x0  }
0x8f: {  	s10 =	sadd.s32 @!p2 $0x180, s10;
	s16 =	simm.s32 @!p2 $0xD000;
	[sflag:s0] =	ssyncadd.s32 $0xFFFFF000  }
0x90: {  	[tilespmem:s16], [sflag:$0x4] =	stream.indirect.gather @!p2 [hbm4b:s5+s8], $0x20, s10, s8, $0xb8;
	[tilespmem:$0x1C000] =	vst v63  }
0x91: {  	_ =	swait.ge [sflag:s2], $0x1000  }
0x92: {  	[sflag:s2] =	ssyncset.done $0x0  }
0x93: {  	s17 =	sadd.s32 $0x4F80, s15;
	[sflag:s2] =	ssyncadd.s32 $0xFFFFF000  }
0x94: {  	[spmem:s3] =	stream.indirect.scatter.add.bf16 [tilespmem:s22], [sflag:$0x10], $0x20, s17, s14, $0xb8;
	[tilespmem:$0x1C000] =	vst v63  }
.Ltmp7:
0x95: {  	_ = 	snop;
	(pc) =	sbr.rel @p2 .LBB2_11-.Ltmp7, $4  }
.Ltmp8:
0x96: {  	_ = 	snop;
	(pc) =	sbr.rel @!p2 .LBB2_10-.Ltmp8, $4  }
0x97: {  	_ =	swait.ge [sflag:s12], $0x1000  }
0x98: {  	s13 =	sadd.s32 $0xFFFFFFFA, s9;
	s15 =	sadd.s32 $0xFFFFFFFD, s9;
	[sflag:s12] =	ssyncset.done $0x0  }
0x99: {  	s8 =	sadd.s32 $0xFFFFFFFB, s9;
	s10 =	sadd.s32 $0xFFFFFFFC, s9;
	[sflag:s12] =	ssyncadd.s32 $0xFFFFF000  }
0x9a: {  	_ = 	snop  }
.LBB2_14:
0x9b: {  	s8 =	simm.s32 $0xA000  }
0x9c: {  	[tilespmem:s8], [sflag:$0x1] =	stream.indirect.gather [hbm4b:s1+s14], $0x20, s4, s14, $0xb8;
	[tilespmem:$0x1C000] =	vst v63  }
0x9d: {  	s16 =	simm.s32 $0xB000  }
0x9e: {  	[tilespmem:s16], [sflag:$0x2] =	stream.indirect.gather [hbm4b:s1+s14], $0x20, s14, s14, $0xb8;
	[tilespmem:$0x1C000] =	vst v63  }
0x9f: {  	s17 =	simm.s32 $0x100;
	s10 =	simm.s32 $0x3  }
0xa0: {  	[tilespmem:s18], [sflag:$0x3] =	stream.indirect.gather [hbm4b:s1+s14], $0x20, s17, s14, $0xb8;
	[tilespmem:$0x1C000] =	vst v63  }
0xa1: {  	s13 =	simm.s32 $0x1;
	s15 =	simm.s32 $0x4;
	s8 =	simm.s32 $0x2  }
0xa2: {  	[tilespmem:s20], [sflag:$0x4] =	stream.indirect.gather [hbm4b:s1+s14], $0x20, s19, s14, $0xb8;
	[tilespmem:$0x1C000] =	vst v63  }
.LBB2_6:
0xa3: {  	s16 =	sshll.u32 s15, $0x7  }
0xa4: {  	s16 =	sand.u32 $0x3FFFFF80, s16  }
0xa5: {  	[tilespmem:s21], [sflag:$0x5] =	stream.indirect.gather [hbm4b:s1+s14], $0x20, s16, s14, $0xb8;
	[tilespmem:$0x1C000] =	vst v63  }
.LBB2_7:
0xa6: {  	p2 =	sgt.u32 s15, $0xA3  }
0xa7: {  	s15 =	simm.s32 @!p2 $0x1  }
0xa8: {  	_ =	swait.ge @!p2 [sflag:s15], $0x1000  }
0xa9: {  	[sflag:s15] =	ssyncset.done @!p2 $0x0  }
0xaa: {  	[sflag:s15] =	ssyncadd.s32 @!p2 $0xFFFFF000;
	s15 =	sshra.s32 @!p2 s7, $0x2  }
0xab: {  	s16 =	simm.s32 @!p2 $0x80;
	s17 =	simm.s32 @!p2 $0xA000;
	s15 =	sadd.s32 @!p2 $0x5000, s15  }
0xac: {  	[spmem:s3] =	stream.indirect.scatter.add.bf16 @!p2 [tilespmem:s17], [sflag:$0x9], $0x20, s15, s16, $0xb8;
	[tilespmem:$0x1C000] =	vst v63  }
0xad: {  	s15 =	simm.s32 @!p1 $0xE  }
0xae: {  	p2 =	seq.s32 @!p1 s7, $0x14000;
	_ =	swait.ge @!p1 [sflag:s15], $0x1000  }
0xaf: {  	p2 =	por p1, !p2;
	[sflag:s15] =	ssyncset.done @!p1 $0x0  }
0xb0: {  	s16 =	sadd.s32 $0xFFFFFFFE, s9;
	[sflag:s15] =	ssyncadd.s32 @!p1 $0xFFFFF000;
	s15 =	sshra.s32 @p2 s7, $0x2  }
0xb1: {  	p3 =	sgt.u32 s16, $0xA3;
	s15 =	sadd.s32 @p2 $0x280, s15  }
0xb2: {  	[tilespmem:s24], [sflag:$0x6] =	stream.indirect.gather @p2 [hbm4b:s1+s14], $0x20, s15, s14, $0xb8;
	[tilespmem:$0x1C000] =	vst v63  }
0xb3: {  	s15 =	simm.s32 @!p3 $0x2  }
0xb4: {  	s13 =	sshll.u32 @!p3 s13, $0x7;
	_ =	swait.ge @!p3 [sflag:s15], $0x1000  }
0xb5: {  	s16 =	simm.s32 @!p3 $0xB000;
	s13 =	sand.u32 @!p3 $0x3FFFFF80, s13;
	[sflag:s15] =	ssyncset.done @!p3 $0x0  }
0xb6: {  	s13 =	sadd.s32 @!p3 $0x5000, s13;
	[sflag:s15] =	ssyncadd.s32 @!p3 $0xFFFFF000;
	s15 =	simm.s32 @!p3 $0x80  }
0xb7: {  	[spmem:s3] =	stream.indirect.scatter.add.bf16 @!p3 [tilespmem:s16], [sflag:$0xA], $0x20, s13, s15, $0xb8;
	[tilespmem:$0x1C000] =	vst v63  }
0xb8: {  	s13 =	simm.s32 @!p1 $0xF  }
0xb9: {  	_ =	swait.ge @!p1 [sflag:s13], $0x1000  }
0xba: {  	[sflag:s13] =	ssyncset.done @!p1 $0x0  }
0xbb: {  	s17 =	sadd.s32 $0xFFFFFFFF, s9;
	[sflag:s13] =	ssyncadd.s32 @!p1 $0xFFFFF000;
	s13 =	sshra.s32 @p2 s7, $0x2  }
0xbc: {  	p3 =	sgt.u32 s17, $0xA3;
	s13 =	sadd.s32 @p2 $0x300, s13  }
0xbd: {  	[tilespmem:s23], [sflag:$0x7] =	stream.indirect.gather @p2 [hbm4b:s1+s14], $0x20, s13, s14, $0xb8;
	[tilespmem:$0x1C000] =	vst v63  }
0xbe: {  	s13 =	simm.s32 @!p3 $0x3  }
0xbf: {  	s8 =	sshll.u32 @!p3 s8, $0x7;
	_ =	swait.ge @!p3 [sflag:s13], $0x1000  }
0xc0: {  	s15 =	simm.s32 @!p3 $0xC000;
	s8 =	sand.u32 @!p3 $0x3FFFFF80, s8;
	[sflag:s13] =	ssyncset.done @!p3 $0x0  }
0xc1: {  	s8 =	sadd.s32 @!p3 $0x5000, s8;
	[sflag:s13] =	ssyncadd.s32 @!p3 $0xFFFFF000;
	s13 =	simm.s32 @!p3 $0x80  }
0xc2: {  	[spmem:s3] =	stream.indirect.scatter.add.bf16 @!p3 [tilespmem:s15], [sflag:$0xB], $0x20, s8, s13, $0xb8;
	[tilespmem:$0x1C000] =	vst v63  }
0xc3: {  	s8 =	simm.s32 @!p1 $0x10  }
0xc4: {  	_ =	swait.ge @!p1 [sflag:s8], $0x1000  }
0xc5: {  	[sflag:s8] =	ssyncset.done @!p1 $0x0  }
0xc6: {  	[sflag:s8] =	ssyncadd.s32 @!p1 $0xFFFFF000;
	s8 =	sshra.s32 @p2 s7, $0x2  }
0xc7: {  	p1 =	sgt.u32 s9, $0xA3;
	s8 =	sadd.s32 @p2 $0x380, s8  }
0xc8: {  	[tilespmem:s22], [sflag:$0x8] =	stream.indirect.gather @p2 [hbm4b:s1+s14], $0x20, s8, s14, $0xb8;
	[tilespmem:$0x1C000] =	vst v63  }
0xc9: {  	s8 =	simm.s32 @!p1 $0x4  }
0xca: {  	_ =	swait.ge @!p1 [sflag:s8], $0x1000  }
0xcb: {  	s10 =	sshll.u32 @!p1 s10, $0x7;
	[sflag:s8] =	ssyncset.done @!p1 $0x0  }
0xcc: {  	s7 =	sadd.s32 $0x1000, s7;
	[sflag:s8] =	ssyncadd.s32 @!p1 $0xFFFFF000;
	s8 =	sand.u32 @!p1 $0x3FFFFF80, s10  }
0xcd: {  	s13 =	simm.s32 @!p1 $0xD000;
	s10 =	simm.s32 @!p1 $0x80;
	s8 =	sadd.s32 @!p1 $0x5000, s8  }
0xce: {  	[spmem:s3] =	stream.indirect.scatter.add.bf16 @!p1 [tilespmem:s13], [sflag:$0xC], $0x20, s8, s10, $0xb8;
	[tilespmem:$0x1C000] =	vst v63  }
0xcf: {  	p1 =	seq.s32 s7, $0x15000  }
.Ltmp9:
0xd0: {  	_ = 	snop;
	(pc) =	sbr.rel @p1 .LBB2_12-.Ltmp9, $2  }
0xd1: {  	_ =	sdelay $0x2  }
0xd2: {  	s9 =	sadd.s32 $0x8, s9  }
.LBB2_4:
0xd3: {  	p1 =	seq.s32 s7, $0x0  }
.Ltmp10:
0xd4: {  	_ = 	snop;
	(pc) =	sbr.rel @p1 .LBB2_14-.Ltmp10, $1  }
0xd5: {  	_ =	sdelay $0x3  }
0xd6: {  	_ =	swait.ge [sflag:s25], $0x1000;
	p2 =	seq.s32 s7, $0x14000  }
0xd7: {  	[sflag:s25] =	ssyncset.done $0x0;
	s10 =	sshra.s32 @!p2 s7, $0x2  }
0xd8: {  	s8 =	simm.s32 @!p2 $0x80;
	s13 =	simm.s32 @!p2 $0xA000;
	[sflag:s25] =	ssyncadd.s32 $0xFFFFF000  }
0xd9: {  	[tilespmem:s13], [sflag:$0x1] =	stream.indirect.gather @!p2 [hbm4b:s1+s8], $0x20, s10, s8, $0xb8;
	[tilespmem:$0x1C000] =	vst v63  }
0xda: {  	s13 =	smov.u32 s7  }
0xdb: {  	s13 =	simm.s32 @p2 $0x14000;
	_ =	swait.ge [sflag:s26], $0x1000  }
0xdc: {  	[sflag:s26] =	ssyncset.done $0x0;
	s15 =	sshra.s32 s13, $0x2  }
0xdd: {  	[sflag:s26] =	ssyncadd.s32 $0xFFFFF000;
	s13 =	sadd.s32 $0x4E00, s15  }
0xde: {  	[spmem:s3] =	stream.indirect.scatter.add.bf16 [tilespmem:s21], [sflag:$0xD], $0x20, s13, s14, $0xb8;
	[tilespmem:$0x1C000] =	vst v63  }
0xdf: {  	_ =	swait.ge [sflag:s28], $0x1000  }
0xe0: {  	[sflag:s28] =	ssyncset.done $0x0  }
0xe1: {  	s16 =	simm.s32 @!p2 $0xB000;
	s13 =	sadd.s32 @!p2 $0x80, s10;
	[sflag:s28] =	ssyncadd.s32 $0xFFFFF000  }
0xe2: {  	[tilespmem:s16], [sflag:$0x2] =	stream.indirect.gather @!p2 [hbm4b:s1+s8], $0x20, s13, s8, $0xb8;
	[tilespmem:$0x1C000] =	vst v63  }
0xe3: {  	_ =	swait.ge [sflag:s29], $0x1000  }
0xe4: {  	[sflag:s29] =	ssyncset.done $0x0  }
0xe5: {  	s17 =	sadd.s32 $0x4E80, s15;
	[sflag:s29] =	ssyncadd.s32 $0xFFFFF000  }
0xe6: {  	[spmem:s3] =	stream.indirect.scatter.add.bf16 [tilespmem:s24], [sflag:$0xE], $0x20, s17, s14, $0xb8;
	[tilespmem:$0x1C000] =	vst v63  }
0xe7: {  	_ =	swait.ge [sflag:s30], $0x1000  }
0xe8: {  	[sflag:s30] =	ssyncset.done $0x0  }
0xe9: {  	s16 =	sadd.s32 @!p2 $0x100, s10;
	s17 =	simm.s32 @!p2 $0xC000;
	[sflag:s30] =	ssyncadd.s32 $0xFFFFF000  }
0xea: {  	[tilespmem:s17], [sflag:$0x3] =	stream.indirect.gather @!p2 [hbm4b:s1+s8], $0x20, s16, s8, $0xb8;
	[tilespmem:$0x1C000] =	vst v63  }
0xeb: {  	_ =	swait.ge [sflag:s31], $0x1000  }
0xec: {  	[sflag:s31] =	ssyncset.done $0x0  }
0xed: {  	s17 =	sadd.s32 $0x4F00, s15;
	[sflag:s31] =	ssyncadd.s32 $0xFFFFF000  }
0xee: {  	[spmem:s3] =	stream.indirect.scatter.add.bf16 [tilespmem:s23], [sflag:$0xF], $0x20, s17, s14, $0xb8;
	[tilespmem:$0x1C000] =	vst v63  }
0xef: {  	_ =	swait.ge [sflag:s0], $0x1000  }
0xf0: {  	[sflag:s0] =	ssyncset.done $0x0  }
0xf1: {  	s10 =	sadd.s32 @!p2 $0x180, s10;
	s16 =	simm.s32 @!p2 $0xD000;
	[sflag:s0] =	ssyncadd.s32 $0xFFFFF000  }
0xf2: {  	[tilespmem:s16], [sflag:$0x4] =	stream.indirect.gather @!p2 [hbm4b:s1+s8], $0x20, s10, s8, $0xb8;
	[tilespmem:$0x1C000] =	vst v63  }
0xf3: {  	_ =	swait.ge [sflag:s2], $0x1000  }
0xf4: {  	[sflag:s2] =	ssyncset.done $0x0  }
0xf5: {  	s17 =	sadd.s32 $0x4F80, s15;
	[sflag:s2] =	ssyncadd.s32 $0xFFFFF000  }
0xf6: {  	[spmem:s3] =	stream.indirect.scatter.add.bf16 [tilespmem:s22], [sflag:$0x10], $0x20, s17, s14, $0xb8;
	[tilespmem:$0x1C000] =	vst v63  }
.Ltmp11:
0xf7: {  	_ = 	snop;
	(pc) =	sbr.rel @p2 .LBB2_7-.Ltmp11, $4  }
.Ltmp12:
0xf8: {  	_ = 	snop;
	(pc) =	sbr.rel @!p2 .LBB2_6-.Ltmp12, $4  }
0xf9: {  	_ =	swait.ge [sflag:s12], $0x1000  }
0xfa: {  	s13 =	sadd.s32 $0xFFFFFFFA, s9;
	s15 =	sadd.s32 $0xFFFFFFFD, s9;
	[sflag:s12] =	ssyncset.done $0x0  }
0xfb: {  	s8 =	sadd.s32 $0xFFFFFFFB, s9;
	s10 =	sadd.s32 $0xFFFFFFFC, s9;
	[sflag:s12] =	ssyncadd.s32 $0xFFFFF000  }
0xfc: {  	_ = 	snop  }
.LBB2_13:
0xfd: {  	_ =	sfence.sel $0x180000  }
0xfe: {  	[bflag:$0x0] =	sbarrier.arrive $0xFFFF  }
0xff: {  	_ =	strace $0x9000004A  }
0x100: {  	s0 =	stileid.u32;
	[bflag:$0x2] =	sbarrier.arrive $0xFFFF  }
0x101: {  	p0 =	sne.s32 s0, $0x0;
	s0 =	rddreg [dreg:$0x4]  }
0x102: {  	s0 =	sadd.s32 @!p0 $0x100000, s0  }
0x103: {  	[sflag:s0] =	ssyncadd.tile.s32 @!p0 $0x1;
	_ =	shalt  }
.Lfunc_end2:
_tile_overlayer_lowered:
.L_overlay_start_2:
0x104: {  	(tag) =	ssettag $0x2  }
0x105: {  	s0 =	rddreg [dreg:$0x0];
	s2 =	stileid.u32  }
0x106: {  	s1 =	rddreg [dreg:$0x1];
	p0 =	sne.s32 s2, $0x0  }
0x107: {  	s3 =	rddreg [dreg:$0x2];
	[bflag:$0x3] =	sbarrier.arrive $0xFFFF;
	s2 =	simm.s32 @!p0 $0x1C11  }
0x108: {  	[timem:s3], [sflag:s2] =	dma.local @!p0 [hbm:s0], s1  }
0x109: {  	s0 =	simm.s32 @!p0 $0x11  }
0x10a: {  	_ =	swait.ge @!p0 [sflag:s0], s1  }
0x10b: {  	s1 =	ssub.s32 @!p0 $0x0, s1;
	[sflag:s0] =	ssyncset.done @!p0 $0x0  }
0x10c: {  	[sflag:s0] =	ssyncadd.s32 @!p0 s1  }
0x10d: {  	[bflag:$0x3] =	sbarrier.arrive $0xFFFF  }
0x10e: {  	_ =	shalt  }

// kernel: kernel.14.cloned.1.call-start
scs
__scs_entry_jumppad:
0x0: {  	(pc) =	sbr.rel $0x88, $3  }
0x1: {  	(tag) =	ssettag $0x0;
	lr =	simm.s32 $0x1  }
0x2: {  	[smem:$0x3F9B] =	sst lr;
	_ =	strace $0xD0000000  }
0x3: {  	_ = 	snop  }
0x4: {  	_ = 	snop  }
0x5: {  	_ = 	snop  }
0x6: {  	_ = 	snop  }
0x7: {  	_ = 	snop  }
__scs_overlays_trampoline_lowered:
0x8: {  	[smem:$0x3FAA] =	sst s0  }
0x9: {  	[smem:$0x3FAB] =	sst s1  }
0xa: {  	[smem:$0x3FAC] =	sst s2  }
0xb: {  	[smem:$0x3FAD] =	sst s3  }
0xc: {  	[smem:$0x3FAE] =	sst s4  }
0xd: {  	[smem:$0x3FAF] =	sst s5  }
0xe: {  	[smem:$0x3FB0] =	sst s6  }
0xf: {  	[smem:$0x3FB1] =	sst s7  }
0x10: {  	[smem:$0x3FB2] =	sst s8  }
0x11: {  	[smem:$0x3FB3] =	sst s9;
	s0 =	simm.s32 @!p0 $0x0  }
0x12: {  	s1 =	sld [smem:$0x3F99];
	s0 =	simm.s32 @p0 $0x1  }
0x13: {  	[smem:$0x3FB4] =	sst s0;
	s0 =	simm.s32 @!p1 $0x0  }
0x14: {  	s2 =	sld [smem:$0x3F98];
	s0 =	simm.s32 @p1 $0x1  }
0x15: {  	[smem:$0x3FB5] =	sst s0;
	s0 =	simm.s32 @!p2 $0x0  }
0x16: {  	s3 =	sld [smem:$0x3FDB];
	s0 =	simm.s32 @p2 $0x1  }
0x17: {  	s4 =	simm.s32 $0x1BF5;
	[smem:$0x3FB7] =	sst s0  }
0x18: {  	s0 =	sld [smem:$0x3F9A];
	_ =	swait.ge [sflag:s4], $0x0  }
0x19: {  	s7 =	sld [smem:$0x3F9B]  }
0x1a: {  	s8 =	sadd.s32 $0xFFFFE003, lr  }
0x1b: {  	s9 =	sadd.s32 $0xFFFFFEF7, lr;
	s5 =	simm.s32 $0xFFFFFFFF;
	p2 =	slt.u32 s8, $0xFFFFF086  }
0x1c: {  	p1 =	slt.u32 s9, $0xF7A;
	s5 =	simm.s32 @!p2 $0x0  }
0x1d: {  	s5 =	simm.s32 @p1 $0x1;
	p0 =	seq.s32 s7, s2  }
0x1e: {  	s7 =	smul.u32 @!p0 $0xF7A, s2;
	p2 =	seq.s32 @!p0 s5, $0x0  }
0x1f: {  	s9 =	smul.u32 $0xF7A, s1;
	s8 =	simm.s32 @!p0 $0x1BF5;
	p2 =	por !p2, p0  }
0x20: {  	[sflag:s8] =	ssyncset.s32 @!p0 $0xFFFFF086;
	s6 =	sadd.s32 @!p0 s3, s7;
	s7 =	simm.s32 @!p0 $0x108  }
0x21: {  	s3 =	sadd.s32 s3, s9;
	s6 =	sadd.s32 @!p0 $0x88, s6;
	s7 =	simm.s32 @p2 $0x1082  }
0x22: {  	[simem:s7], [sflag:s8] =	dma.local @!p0 [hbm:s6], $0xF7A  }
0x23: {  	s9 =	sor.u32 $0xD0000000, s2;
	s6 =	simm.s32 $0x108;
	_ =	swait.ge @!p0 [sflag:s8], $0x0  }
0x24: {  	s3 =	sadd.s32 $0x88, s3;
	s6 =	simm.s32 @!p1 $0x1082;
	[sflag:s4] =	ssyncset.s32 $0xFFFFF086  }
0x25: {  	[simem:s6], [sflag:s4] =	dma.local [hbm:s3], $0xF7A  }
0x26: {  	[smem:$0x3F9B] =	sst s1;
	(tag) =	ssettag s2;
	_ =	strace s9  }
0x27: {  	s1 =	sld [smem:$0x3FAB]  }
0x28: {  	s2 =	sld [smem:$0x3FAC]  }
0x29: {  	s4 =	sld [smem:$0x3FAE]  }
0x2a: {  	p0 =	seq.s32 s5, $0x0;
	s5 =	sld [smem:$0x3FAF]  }
0x2b: {  	s6 =	sld [smem:$0x3FB0]  }
0x2c: {  	s7 =	sld [smem:$0x3FB1]  }
0x2d: {  	s3 =	simm.s32 $0x108;
	s8 =	sld [smem:$0x3FB2]  }
0x2e: {  	s3 =	simm.s32 @!p0 $0x1082;
	s9 =	sld [smem:$0x3FB3]  }
0x2f: {  	lr =	sadd.s32 s0, s3;
	s0 =	sld [smem:$0x3FAA]  }
0x30: {  	s3 =	sld [smem:$0x3FAD]  }
0x31: {  	[smem:$0x3FB6] =	sst s10  }
0x32: {  	s10 =	sld [smem:$0x3FB4];
	_ =	sdelay $0x3  }
0x33: {  	p0 =	seq.s32 s10, $0x1;
	s10 =	sld [smem:$0x3FB6];
	_ =	sdelay $0x3  }
0x34: {  	[smem:$0x3FB6] =	sst s10  }
0x35: {  	s10 =	sld [smem:$0x3FB5];
	_ =	sdelay $0x3  }
0x36: {  	p1 =	seq.s32 s10, $0x1;
	s10 =	sld [smem:$0x3FB6];
	_ =	sdelay $0x3  }
0x37: {  	[smem:$0x3FB6] =	sst s10  }
0x38: {  	s10 =	sld [smem:$0x3FB7]  }
0x39: {  	_ = 	snop;
	(pc) =	sbr.ind lr, $3  }
0x3a: {  	_ = 	snop  }
0x3b: {  	_ = 	snop  }
0x3c: {  	p2 =	seq.s32 s10, $0x1;
	s10 =	sld [smem:$0x3FB6]  }
0x3d: {  	_ =	shalt  }
0x3e: {  	_ =	shalt  }
0x3f: {  	_ =	shalt  }
0x40: {  	_ =	shalt  }
0x41: {  	_ =	shalt  }
0x42: {  	_ =	shalt  }
0x43: {  	_ =	shalt  }
0x44: {  	_ =	shalt  }
0x45: {  	_ =	shalt  }
0x46: {  	_ =	shalt  }
0x47: {  	_ =	shalt  }
0x48: {  	_ =	shalt  }
0x49: {  	_ =	shalt  }
0x4a: {  	_ =	shalt  }
0x4b: {  	_ =	shalt  }
0x4c: {  	_ =	shalt  }
0x4d: {  	_ =	shalt  }
0x4e: {  	_ =	shalt  }
0x4f: {  	_ =	shalt  }
0x50: {  	_ =	shalt  }
0x51: {  	_ =	shalt  }
0x52: {  	_ =	shalt  }
0x53: {  	_ =	shalt  }
0x54: {  	_ =	shalt  }
0x55: {  	_ =	shalt  }
0x56: {  	_ =	shalt  }
0x57: {  	_ =	shalt  }
0x58: {  	_ =	shalt  }
0x59: {  	_ =	shalt  }
0x5a: {  	_ =	shalt  }
0x5b: {  	_ =	shalt  }
0x5c: {  	_ =	shalt  }
0x5d: {  	_ =	shalt  }
0x5e: {  	_ =	shalt  }
0x5f: {  	_ =	shalt  }
0x60: {  	_ =	shalt  }
0x61: {  	_ =	shalt  }
0x62: {  	_ =	shalt  }
0x63: {  	_ =	shalt  }
0x64: {  	_ =	shalt  }
0x65: {  	_ =	shalt  }
0x66: {  	_ =	shalt  }
0x67: {  	_ =	shalt  }
0x68: {  	_ =	shalt  }
0x69: {  	_ =	shalt  }
0x6a: {  	_ =	shalt  }
0x6b: {  	_ =	shalt  }
0x6c: {  	_ =	shalt  }
0x6d: {  	_ =	shalt  }
0x6e: {  	_ =	shalt  }
0x6f: {  	_ =	shalt  }
0x70: {  	_ =	shalt  }
0x71: {  	_ =	shalt  }
0x72: {  	_ =	shalt  }
0x73: {  	_ =	shalt  }
0x74: {  	_ =	shalt  }
0x75: {  	_ =	shalt  }
0x76: {  	_ =	shalt  }
0x77: {  	_ =	shalt  }
0x78: {  	_ =	shalt  }
0x79: {  	_ =	shalt  }
0x7a: {  	_ =	shalt  }
0x7b: {  	_ =	shalt  }
0x7c: {  	_ =	shalt  }
0x7d: {  	_ =	shalt  }
0x7e: {  	_ =	shalt  }
0x7f: {  	_ =	shalt  }
0x80: {  	_ =	shalt  }
0x81: {  	_ =	shalt  }
0x82: {  	_ =	shalt  }
0x83: {  	_ =	shalt  }
0x84: {  	_ =	shalt  }
0x85: {  	_ =	shalt  }
0x86: {  	_ =	shalt  }
0x87: {  	_ =	shalt  }
.Lfunc_end0:
.L_simem_size_0:
called_computation.2_lowered:
.L_overlay_start_0:
0x88: {  	s2 =	sld [smem:$0x3FD9]  }
0x89: {  	s3 =	sld [smem:$0x3FFE];
	_ =	sdelay $0x1  }
0x8a: {  	s1 =	srdreg.scid  }
0x8b: {  	s0 =	sand.u32 $0x1, s1  }
0x8c: {  	s14 =	sshll.u32 s0, $0xA;
	s2 =	sadd.s32 s3, s2  }
0x8d: {  	s2 =	sadd.s32 s2, s14  }
0x8e: {  	[smem:$0x3FC2] =	sst s2  }
0x8f: {  	_ = 	snop  }
0x90: {  	s2 =	sld [smem:$0x3FD0];
	_ =	sdelay $0x2  }
0x91: {  	s15 =	simm.s32 $0xA;
	s4 =	simm.s32 $0x10  }
0x92: {  	[smem:s4], [sflag:s15] =	dma.local [hbm:s2], $0x1  }
0x93: {  	_ =	swait.eq [sflag:s15], $0x1  }
0x94: {  	[sflag:s15] =	ssyncset.done $0x0  }
0x95: {  	[sflag:s15] =	ssyncadd.s32 $0xFFFFFFFF  }
0x96: {  	s16 =	sld [smem:$0x10];
	(tm) =	ssettm $0x1  }
0x97: {  	s17 =	sld [smem:$0x3FFB];
	_ =	sdelay $0x3  }
0x98: {  	_ =	strace s17  }
0x99: {  	s3 =	sld [smem:$0x3FFC];
	_ =	sdelay $0x3  }
0x9a: {  	_ =	strace s3  }
0x9b: {  	s3 =	sld [smem:$0x3FFD];
	_ =	sdelay $0x3  }
0x9c: {  	_ =	strace s3  }
0x9d: {  	_ =	strace $0x8FFFFFFF  }
0x9e: {  	s18 =	sld [smem:$0x3FDB];
	_ =	sdelay $0x1  }
0x9f: {  	s19 =	simm.s32 $_scs_section_size  }
0xa0: {  	s5 =	simm.s32 $_size__tile_overlayer_lowered;
	s6 =	simm.s32 $_tile_overlayer_lowered  }
0xa1: {  	s22 =	simm.s32 $0x1BFF;
	s21 =	sshll.u32 s6, $0x1;
	s3 =	sadd.s32 s19, s18  }
0xa2: {  	s7 =	simm.s32 $0x0;
	s20 =	sshll.u32 s5, $0x1;
	s5 =	sadd.s32 s21, s3  }
0xa3: {  	[timem:s7], [sflag:s22] =	dma.local [hbm:s5], s20  }
0xa4: {  	_ =	swait.ge [sflag:s22], s20  }
0xa5: {  	s4 =	ssub.s32 $0x0, s20;
	[sflag:s22] =	ssyncset.done $0x0  }
0xa6: {  	[sflag:s22] =	ssyncadd.s32 s4;
	_ =	sdelay $0x1  }
0xa7: {  	s23 =	simm.s32 $0x1B8B  }
0xa8: {  	_ =	swait.ge [sflag:s23], $0x1  }
0xa9: {  	[sflag:s23] =	ssyncset.done $0x0  }
0xaa: {  	s25 =	simm.s32 $0x1B8E;
	s24 =	sld [smem:$0x3FFE];
	[sflag:s23] =	ssyncadd.s32 $0xFFFFFFFF  }
0xab: {  	s26 =	simm.s32 $execute0_lowered;
	[smem:$0x3FD2] =	sst s25  }
0xac: {  	s5 =	sshll.u32 s26, $0x1;
	_ =	strace $0x8000004C;
	[dreg:$0x1] =	wrdreg $0xFFFFFFFF  }
0xad: {  	s28 =	simm.s32 $_size_execute0_lowered;
	s3 =	sadd.s32 s3, s5;
	[dreg:$0x0] =	wrdreg $0x0  }
0xae: {  	s5 =	sshll.u32 s28, $0x1;
	[dreg:$0x2] =	wrdreg s3  }
0xaf: {  	[dreg:$0x3] =	wrdreg s5  }
0xb0: {  	[dreg:$0x4] =	wrdreg $0xC0  }
0xb1: {  	_ =	task [dreg:s7], $0x5FFFF  }
0xb2: {  	[dreg:$0x1] =	wrdreg $0xFFFFFFFF  }
0xb3: {  	[dreg:$0x0] =	wrdreg $0x60  }
0xb4: {  	[dreg:$0x2] =	wrdreg s24  }
0xb5: {  	[dreg:$0x3] =	wrdreg s16  }
0xb6: {  	[dreg:$0x4] =	wrdreg $0x170000  }
0xb7: {  	[dreg:$0x5] =	wrdreg $0x9  }
0xb8: {  	_ =	task.clear_ibuf [dreg:s7], $0x6FFFF;
	_ =	strace $0x9000004C  }
0xb9: {  	s29 =	simm.s32 $0x9;
	_ =	strace $0x8000004E  }
0xba: {  	_ =	swait.ge [sflag:s29], $0x1  }
0xbb: {  	[sflag:s29] =	ssyncadd.s32 $0xFFFFFFFF  }
0xbc: {  	_ =	strace $0x9000004E  }
0xbd: {  	_ =	sfence  }
0xbe: {  	s30 =	sld [smem:$0x0];
	_ =	sdelay $0x2  }
0xbf: {  	s31 =	sshll.u32 s1, $0xD;
	s1 =	sshrl.u32 s1, $0x2  }
0xc0: {  	s3 =	sand.u32 $0x4000, s31;
	s1 =	sadd.s32 s1, s30  }
0xc1: {  	s0 =	sor.u32 s3, s0;
	s1 =	sshll.u32 s1, $0x11  }
0xc2: {  	s0 =	sor.u32 s1, s0  }
0xc3: {  	s0 =	sadd.s32 $0x8F2B, s0  }
0xc4: {  	[sflag:s0] =	ssyncadd.remote.s32 $0x1  }
0xc5: {  	_ =	sfence.sel $0xFFFF  }
0xc6: {  	[dreg:$0x0] =	wrdreg $0xFFFFFFFF;
	(pc) =	sbr.abs _section_cstart, $3  }
0xc7: {  	[dreg:$0x1] =	wrdreg $0xFFFFFFFF  }
0xc8: {  	_ =	task.clear_ibuf [dreg:s7], $0x2FFFF;
	_ =	strace $0x9FFFFFFF  }
0xc9: {  	(tm) =	ssettm $0x7FFFFFFF  }
tec
execute0_lowered:
.L_overlay_start_1:
0x0: {  	(tag) =	ssettag $0x1  }
0x1: {  	s0 =	rddreg [dreg:$0x0]  }
0x2: {  	s1 =	rddreg [dreg:$0x1]  }
0x3: {  	s2 =	rddreg [dreg:$0x2];
	s3 =	simm.s32 $0x0;
	s5 =	stileid.u32  }
0x4: {  	s4 =	srdreg.scid;
	s13 =	simm.s32 $0x12000;
	s14 =	simm.s32 $0x80  }
0x5: {  	s18 =	simm.s32 $0xC000;
	s19 =	simm.s32 $0x180;
	s20 =	simm.s32 $0xD000  }
0x6: {  	s21 =	simm.s32 $0xE000;
	s28 =	simm.s32 $0xA;
	s29 =	simm.s32 $0x6  }
0x7: {  	s30 =	simm.s32 $0xB;
	s31 =	simm.s32 $0x7;
	s12 =	simm.s32 $0xD  }
0x8: {  	[smem:$0x7FF] =	sst s3;
	s6 =	smul.u32 $0xA00, s5;
	s7 =	sand.u32 $0x1, s4  }
0x9: {  	s9 =	smul.u32 $0xA000, s5;
	s4 =	sadd.s32 $0x15800, s0;
	s5 =	sadd.s32 $0x1F800, s0  }
0xa: {  	_ =	strace $0x8000004D;
	s8 =	ssub.s32 $0x2, s7;
	s11 =	smul.u32 $0xA0000, s7  }
0xb: {  	p0 =	seq.s32 s7, $0x1;
	s10 =	sshrl.u32 s8, $0x1;
	s0 =	sadd.s32 s6, s0  }
0xc: {  	s24 =	sshrl.u32 s9, $0x1;
	s6 =	simm.s32 $0x0;
	s22 =	ssub.s32 s8, s10  }
0xd: {  	s23 =	sadd.s32 $0xB800, s0;
	s9 =	sadd.s32 s9, s11;
	s0 =	sadd.s32 $0x1800, s0  }
0xe: {  	s10 =	sadd.s32 s24, s2;
	s11 =	simm.s32 $0x11;
	[dreg:$0x4] =	wrdreg s23  }
.Ltmp0:
0xf: {  	s24 =	simm.s32 $0xF000;
	[dreg:$0x5] =	wrdreg s0;
	(pc) =	sbr.rel .LBB2_1-.Ltmp0, $4  }
0x10: {  	s25 =	sshrl.u32 s9, $0x4;
	s26 =	smax.u32 s22, $0x1;
	s22 =	simm.s32 $0x11000  }
0x11: {  	s23 =	simm.s32 $0x10000;
	[dreg:$0x6] =	wrdreg s10;
	s0 =	sadd.s32 s1, s25  }
0x12: {  	[dreg:$0x8] =	wrdreg s26;
	s25 =	simm.s32 $0x9;
	s26 =	simm.s32 $0x5  }
0x13: {  	v0 =	vimm.bf16 $0.0e+00;
	s1 =	simm.s32 $0x8;
	[dreg:$0x7] =	wrdreg s0;
	s0 =	simm.s32 $0xC  }
.LBB2_12:
0x14: {  	[bflag:$0x0] =	sbarrier.arrive $0xFFFF  }
0x15: {  	s13 =	simm.s32 $0x12000;
	s10 =	rddreg [dreg:$0x6]  }
0x16: {  	[tilespmem:s13], [sflag:$0x11] =	stream.linear.gather [spmem:s10], $0x5000, $0x38;
	[tilespmem:$0x1C000] =	vst v63  }
0x17: {  	_ =	swait.ge [sflag:s11], $0x5000  }
0x18: {  	[sflag:s11] =	ssyncset.done $0x0  }
0x19: {  	s7 =	rddreg [dreg:$0x7];
	[sflag:s11] =	ssyncadd.s32 $0xFFFFB000  }
0x1a: {  	[hbm4b:s7+s3] =	stream.linear.scatter [tilespmem:s13], [sflag:$0x11], $0x5000, $0x38;
	[tilespmem:$0x1C000] =	vst v63  }
0x1b: {  	_ =	swait.ge [sflag:s11], $0x5000  }
0x1c: {  	s6 =	sadd.s32 $0x1, s6;
	s17 =	rddreg [dreg:$0x8]  }
0x1d: {  	p1 =	sne.s32 s6, s17  }
.Ltmp1:
0x1e: {  	_ = 	snop;
	(pc) =	sbr.rel @!p1 .LBB2_13-.Ltmp1, $3  }
0x1f: {  	_ =	sdelay $0x1  }
0x20: {  	[sflag:s11] =	ssyncset.done $0x0  }
0x21: {  	[sflag:s11] =	ssyncadd.s32 $0xFFFFB000  }
.LBB2_1:
0x22: {  	s7 =	rddreg [dreg:$0x4]  }
0x23: {  	[tilespmem:s3], [sflag:$0x11] =	stream.linear.gather [hbm4b:s7+s3], $0x5000, $0x38;
	[tilespmem:$0x1C000] =	vst v63  }
0x24: {  	_ =	swait.ge [sflag:s11], $0x5000  }
0x25: {  	[sflag:s11] =	ssyncset.done $0x0  }
0x26: {  	s8 =	simm.s32 $0x5000;
	s17 =	rddreg [dreg:$0x5];
	[sflag:s11] =	ssyncadd.s32 $0xFFFFB000  }
0x27: {  	[tilespmem:s8], [sflag:$0x11] =	stream.linear.gather [hbm4b:s17+s3], $0x5000, $0x38;
	[tilespmem:$0x1C000] =	vst v63  }
0x28: {  	_ =	swait.ge [sflag:s11], $0x5000  }
0x29: {  	[sflag:s11] =	ssyncset.done $0x0  }
0x2a: {  	s7 =	simm.s32 $0x80;
	s8 =	simm.s32 $0x0;
	[sflag:s11] =	ssyncadd.s32 $0xFFFFB000  }
.LBB2_2:
0x2b: {  	p1 =	sne.s32 s7, $0x13F80;
	[tilespmem:s8+$0x12000] =	vst v0;
	s9 =	smov.u32 s7;
	s7 =	sadd.s32 $0x80, s7  }
.Ltmp2:
0x2c: {  	[tilespmem:s8+$0x12010] =	vst v0;
	(pc) =	sbr.rel @p1 .LBB2_2-.Ltmp2, $2  }
0x2d: {  	_ =	sdelay $0x2  }
0x2e: {  	s8 =	sshra.s32 s9, $0x2  }
0x2f: {  	[tilespmem:s8+$0x12000] =	vst v0  }
0x30: {  	[tilespmem:s8+$0x12010] =	vst v0  }
0x31: {  	[spmem:s10] =	stream.linear.scatter [tilespmem:s13], [sflag:$0x11], $0x5000, $0x38;
	[tilespmem:$0x1C000] =	vst v63  }
.Ltmp3:
0x32: {  	_ =	swait.ge [sflag:s11], $0x5000;
	(pc) =	sbr.rel @p0 .LBB2_8-.Ltmp3, $4  }
.Ltmp4:
0x33: {  	[sflag:s11] =	ssyncset.done $0x0;
	(pc) =	sbr.rel @!p0 .LBB2_4-.Ltmp4, $4  }
0x34: {  	[sflag:s11] =	ssyncadd.s32 $0xFFFFB000  }
0x35: {  	[bflag:$0x0] =	sbarrier.arrive $0xFFFF  }
0x36: {  	s7 =	simm.s32 $0x0;
	s9 =	simm.s32 $0x7  }
0x37: {  	_ = 	snop  }
.LBB2_15:
0x38: {  	s8 =	simm.s32 $0xA000  }
0x39: {  	[tilespmem:s8], [sflag:$0x1] =	stream.indirect.gather [hbm4b:s5+s14], $0x20, s3, s14, $0xb8;
	[tilespmem:$0x1C000] =	vst v63  }
0x3a: {  	s16 =	simm.s32 $0xB000  }
0x3b: {  	[tilespmem:s16], [sflag:$0x2] =	stream.indirect.gather [hbm4b:s5+s14], $0x20, s14, s14, $0xb8;
	[tilespmem:$0x1C000] =	vst v63  }
0x3c: {  	s17 =	simm.s32 $0x100;
	s10 =	simm.s32 $0x3  }
0x3d: {  	[tilespmem:s18], [sflag:$0x3] =	stream.indirect.gather [hbm4b:s5+s14], $0x20, s17, s14, $0xb8;
	[tilespmem:$0x1C000] =	vst v63  }
0x3e: {  	s13 =	simm.s32 $0x1;
	s15 =	simm.s32 $0x4;
	s8 =	simm.s32 $0x2  }
0x3f: {  	[tilespmem:s20], [sflag:$0x4] =	stream.indirect.gather [hbm4b:s5+s14], $0x20, s19, s14, $0xb8;
	[tilespmem:$0x1C000] =	vst v63  }
.LBB2_10:
0x40: {  	s16 =	sshll.u32 s15, $0x7  }
0x41: {  	s16 =	sand.u32 $0x3FFFFF80, s16  }
0x42: {  	[tilespmem:s21], [sflag:$0x5] =	stream.indirect.gather [hbm4b:s5+s14], $0x20, s16, s14, $0xb8;
	[tilespmem:$0x1C000] =	vst v63  }
.LBB2_11:
0x43: {  	p2 =	sgt.u32 s15, $0xA3  }
0x44: {  	s15 =	simm.s32 @!p2 $0x1  }
0x45: {  	_ =	swait.ge @!p2 [sflag:s15], $0x1000  }
0x46: {  	[sflag:s15] =	ssyncset.done @!p2 $0x0  }
0x47: {  	[sflag:s15] =	ssyncadd.s32 @!p2 $0xFFFFF000;
	s15 =	sshra.s32 @!p2 s7, $0x2  }
0x48: {  	s16 =	simm.s32 @!p2 $0x80;
	s17 =	simm.s32 @!p2 $0xA000;
	s15 =	sadd.s32 @!p2 $0x5000, s15  }
0x49: {  	[spmem:s2] =	stream.indirect.scatter.add.bf16 @!p2 [tilespmem:s17], [sflag:$0x9], $0x20, s15, s16, $0xb8;
	[tilespmem:$0x1C000] =	vst v63  }
0x4a: {  	s15 =	simm.s32 @!p1 $0xE  }
0x4b: {  	p2 =	seq.s32 @!p1 s7, $0x14000;
	_ =	swait.ge @!p1 [sflag:s15], $0x1000  }
0x4c: {  	p2 =	por p1, !p2;
	[sflag:s15] =	ssyncset.done @!p1 $0x0  }
0x4d: {  	s16 =	sadd.s32 $0xFFFFFFFE, s9;
	[sflag:s15] =	ssyncadd.s32 @!p1 $0xFFFFF000;
	s15 =	sshra.s32 @p2 s7, $0x2  }
0x4e: {  	p3 =	sgt.u32 s16, $0xA3;
	s15 =	sadd.s32 @p2 $0x280, s15  }
0x4f: {  	[tilespmem:s24], [sflag:$0x6] =	stream.indirect.gather @p2 [hbm4b:s5+s14], $0x20, s15, s14, $0xb8;
	[tilespmem:$0x1C000] =	vst v63  }
0x50: {  	s15 =	simm.s32 @!p3 $0x2  }
0x51: {  	s13 =	sshll.u32 @!p3 s13, $0x7;
	_ =	swait.ge @!p3 [sflag:s15], $0x1000  }
0x52: {  	s16 =	simm.s32 @!p3 $0xB000;
	s13 =	sand.u32 @!p3 $0x3FFFFF80, s13;
	[sflag:s15] =	ssyncset.done @!p3 $0x0  }
0x53: {  	s13 =	sadd.s32 @!p3 $0x5000, s13;
	[sflag:s15] =	ssyncadd.s32 @!p3 $0xFFFFF000;
	s15 =	simm.s32 @!p3 $0x80  }
0x54: {  	[spmem:s2] =	stream.indirect.scatter.add.bf16 @!p3 [tilespmem:s16], [sflag:$0xA], $0x20, s13, s15, $0xb8;
	[tilespmem:$0x1C000] =	vst v63  }
0x55: {  	s13 =	simm.s32 @!p1 $0xF  }
0x56: {  	_ =	swait.ge @!p1 [sflag:s13], $0x1000  }
0x57: {  	[sflag:s13] =	ssyncset.done @!p1 $0x0  }
0x58: {  	s17 =	sadd.s32 $0xFFFFFFFF, s9;
	[sflag:s13] =	ssyncadd.s32 @!p1 $0xFFFFF000;
	s13 =	sshra.s32 @p2 s7, $0x2  }
0x59: {  	p3 =	sgt.u32 s17, $0xA3;
	s13 =	sadd.s32 @p2 $0x300, s13  }
0x5a: {  	[tilespmem:s23], [sflag:$0x7] =	stream.indirect.gather @p2 [hbm4b:s5+s14], $0x20, s13, s14, $0xb8;
	[tilespmem:$0x1C000] =	vst v63  }
0x5b: {  	s13 =	simm.s32 @!p3 $0x3  }
0x5c: {  	s8 =	sshll.u32 @!p3 s8, $0x7;
	_ =	swait.ge @!p3 [sflag:s13], $0x1000  }
0x5d: {  	s15 =	simm.s32 @!p3 $0xC000;
	s8 =	sand.u32 @!p3 $0x3FFFFF80, s8;
	[sflag:s13] =	ssyncset.done @!p3 $0x0  }
0x5e: {  	s8 =	sadd.s32 @!p3 $0x5000, s8;
	[sflag:s13] =	ssyncadd.s32 @!p3 $0xFFFFF000;
	s13 =	simm.s32 @!p3 $0x80  }
0x5f: {  	[spmem:s2] =	stream.indirect.scatter.add.bf16 @!p3 [tilespmem:s15], [sflag:$0xB], $0x20, s8, s13, $0xb8;
	[tilespmem:$0x1C000] =	vst v63  }
0x60: {  	s8 =	simm.s32 @!p1 $0x10  }
0x61: {  	_ =	swait.ge @!p1 [sflag:s8], $0x1000  }
0x62: {  	[sflag:s8] =	ssyncset.done @!p1 $0x0  }
0x63: {  	[sflag:s8] =	ssyncadd.s32 @!p1 $0xFFFFF000;
	s8 =	sshra.s32 @p2 s7, $0x2  }
0x64: {  	p1 =	sgt.u32 s9, $0xA3;
	s8 =	sadd.s32 @p2 $0x380, s8  }
0x65: {  	[tilespmem:s22], [sflag:$0x8] =	stream.indirect.gather @p2 [hbm4b:s5+s14], $0x20, s8, s14, $0xb8;
	[tilespmem:$0x1C000] =	vst v63  }
0x66: {  	s8 =	simm.s32 @!p1 $0x4  }
0x67: {  	_ =	swait.ge @!p1 [sflag:s8], $0x1000  }
0x68: {  	s10 =	sshll.u32 @!p1 s10, $0x7;
	[sflag:s8] =	ssyncset.done @!p1 $0x0  }
0x69: {  	s7 =	sadd.s32 $0x1000, s7;
	[sflag:s8] =	ssyncadd.s32 @!p1 $0xFFFFF000;
	s8 =	sand.u32 @!p1 $0x3FFFFF80, s10  }
0x6a: {  	s13 =	simm.s32 @!p1 $0xD000;
	s10 =	simm.s32 @!p1 $0x80;
	s8 =	sadd.s32 @!p1 $0x5000, s8  }
0x6b: {  	[spmem:s2] =	stream.indirect.scatter.add.bf16 @!p1 [tilespmem:s13], [sflag:$0xC], $0x20, s8, s10, $0xb8;
	[tilespmem:$0x1C000] =	vst v63  }
0x6c: {  	p1 =	sne.s32 s7, $0x15000  }
.Ltmp5:
0x6d: {  	_ = 	snop;
	(pc) =	sbr.rel @!p1 .LBB2_12-.Ltmp5, $2  }
0x6e: {  	_ =	sdelay $0x2  }
0x6f: {  	s9 =	sadd.s32 $0x8, s9  }
.LBB2_8:
0x70: {  	p1 =	seq.s32 s7, $0x0  }
.Ltmp6:
0x71: {  	_ = 	snop;
	(pc) =	sbr.rel @p1 .LBB2_15-.Ltmp6, $1  }
0x72: {  	_ =	sdelay $0x3  }
0x73: {  	_ =	swait.ge [sflag:s25], $0x1000;
	p2 =	seq.s32 s7, $0x14000  }
0x74: {  	[sflag:s25] =	ssyncset.done $0x0;
	s10 =	sshra.s32 @!p2 s7, $0x2  }
0x75: {  	s8 =	simm.s32 @!p2 $0x80;
	s13 =	simm.s32 @!p2 $0xA000;
	[sflag:s25] =	ssyncadd.s32 $0xFFFFF000  }
0x76: {  	[tilespmem:s13], [sflag:$0x1] =	stream.indirect.gather @!p2 [hbm4b:s5+s8], $0x20, s10, s8, $0xb8;
	[tilespmem:$0x1C000] =	vst v63  }
0x77: {  	s13 =	smov.u32 s7  }
0x78: {  	s13 =	simm.s32 @p2 $0x14000;
	_ =	swait.ge [sflag:s26], $0x1000  }
0x79: {  	[sflag:s26] =	ssyncset.done $0x0;
	s15 =	sshra.s32 s13, $0x2  }
0x7a: {  	[sflag:s26] =	ssyncadd.s32 $0xFFFFF000;
	s13 =	sadd.s32 $0x4E00, s15  }
0x7b: {  	[spmem:s2] =	stream.indirect.scatter.add.bf16 [tilespmem:s21], [sflag:$0xD], $0x20, s13, s14, $0xb8;
	[tilespmem:$0x1C000] =	vst v63  }
0x7c: {  	_ =	swait.ge [sflag:s28], $0x1000  }
0x7d: {  	[sflag:s28] =	ssyncset.done $0x0  }
0x7e: {  	s16 =	simm.s32 @!p2 $0xB000;
	s13 =	sadd.s32 @!p2 $0x80, s10;
	[sflag:s28] =	ssyncadd.s32 $0xFFFFF000  }
0x7f: {  	[tilespmem:s16], [sflag:$0x2] =	stream.indirect.gather @!p2 [hbm4b:s5+s8], $0x20, s13, s8, $0xb8;
	[tilespmem:$0x1C000] =	vst v63  }
0x80: {  	_ =	swait.ge [sflag:s29], $0x1000  }
0x81: {  	[sflag:s29] =	ssyncset.done $0x0  }
0x82: {  	s17 =	sadd.s32 $0x4E80, s15;
	[sflag:s29] =	ssyncadd.s32 $0xFFFFF000  }
0x83: {  	[spmem:s2] =	stream.indirect.scatter.add.bf16 [tilespmem:s24], [sflag:$0xE], $0x20, s17, s14, $0xb8;
	[tilespmem:$0x1C000] =	vst v63  }
0x84: {  	_ =	swait.ge [sflag:s30], $0x1000  }
0x85: {  	[sflag:s30] =	ssyncset.done $0x0  }
0x86: {  	s16 =	sadd.s32 @!p2 $0x100, s10;
	s17 =	simm.s32 @!p2 $0xC000;
	[sflag:s30] =	ssyncadd.s32 $0xFFFFF000  }
0x87: {  	[tilespmem:s17], [sflag:$0x3] =	stream.indirect.gather @!p2 [hbm4b:s5+s8], $0x20, s16, s8, $0xb8;
	[tilespmem:$0x1C000] =	vst v63  }
0x88: {  	_ =	swait.ge [sflag:s31], $0x1000  }
0x89: {  	[sflag:s31] =	ssyncset.done $0x0  }
0x8a: {  	s17 =	sadd.s32 $0x4F00, s15;
	[sflag:s31] =	ssyncadd.s32 $0xFFFFF000  }
0x8b: {  	[spmem:s2] =	stream.indirect.scatter.add.bf16 [tilespmem:s23], [sflag:$0xF], $0x20, s17, s14, $0xb8;
	[tilespmem:$0x1C000] =	vst v63  }
0x8c: {  	_ =	swait.ge [sflag:s0], $0x1000  }
0x8d: {  	[sflag:s0] =	ssyncset.done $0x0  }
0x8e: {  	s10 =	sadd.s32 @!p2 $0x180, s10;
	s16 =	simm.s32 @!p2 $0xD000;
	[sflag:s0] =	ssyncadd.s32 $0xFFFFF000  }
0x8f: {  	[tilespmem:s16], [sflag:$0x4] =	stream.indirect.gather @!p2 [hbm4b:s5+s8], $0x20, s10, s8, $0xb8;
	[tilespmem:$0x1C000] =	vst v63  }
0x90: {  	_ =	swait.ge [sflag:s1], $0x1000  }
0x91: {  	[sflag:s1] =	ssyncset.done $0x0  }
0x92: {  	s17 =	sadd.s32 $0x4F80, s15;
	[sflag:s1] =	ssyncadd.s32 $0xFFFFF000  }
0x93: {  	[spmem:s2] =	stream.indirect.scatter.add.bf16 [tilespmem:s22], [sflag:$0x10], $0x20, s17, s14, $0xb8;
	[tilespmem:$0x1C000] =	vst v63  }
.Ltmp7:
0x94: {  	_ = 	snop;
	(pc) =	sbr.rel @p2 .LBB2_11-.Ltmp7, $4  }
.Ltmp8:
0x95: {  	_ = 	snop;
	(pc) =	sbr.rel @!p2 .LBB2_10-.Ltmp8, $4  }
0x96: {  	_ =	swait.ge [sflag:s12], $0x1000  }
0x97: {  	s13 =	sadd.s32 $0xFFFFFFFA, s9;
	s15 =	sadd.s32 $0xFFFFFFFD, s9;
	[sflag:s12] =	ssyncset.done $0x0  }
0x98: {  	s8 =	sadd.s32 $0xFFFFFFFB, s9;
	s10 =	sadd.s32 $0xFFFFFFFC, s9;
	[sflag:s12] =	ssyncadd.s32 $0xFFFFF000  }
0x99: {  	_ = 	snop  }
.LBB2_14:
0x9a: {  	s8 =	simm.s32 $0xA000  }
0x9b: {  	[tilespmem:s8], [sflag:$0x1] =	stream.indirect.gather [hbm4b:s4+s14], $0x20, s3, s14, $0xb8;
	[tilespmem:$0x1C000] =	vst v63  }
0x9c: {  	s16 =	simm.s32 $0xB000  }
0x9d: {  	[tilespmem:s16], [sflag:$0x2] =	stream.indirect.gather [hbm4b:s4+s14], $0x20, s14, s14, $0xb8;
	[tilespmem:$0x1C000] =	vst v63  }
0x9e: {  	s17 =	simm.s32 $0x100;
	s10 =	simm.s32 $0x3  }
0x9f: {  	[tilespmem:s18], [sflag:$0x3] =	stream.indirect.gather [hbm4b:s4+s14], $0x20, s17, s14, $0xb8;
	[tilespmem:$0x1C000] =	vst v63  }
0xa0: {  	s13 =	simm.s32 $0x1;
	s15 =	simm.s32 $0x4;
	s8 =	simm.s32 $0x2  }
0xa1: {  	[tilespmem:s20], [sflag:$0x4] =	stream.indirect.gather [hbm4b:s4+s14], $0x20, s19, s14, $0xb8;
	[tilespmem:$0x1C000] =	vst v63  }
.LBB2_6:
0xa2: {  	s16 =	sshll.u32 s15, $0x7  }
0xa3: {  	s16 =	sand.u32 $0x3FFFFF80, s16  }
0xa4: {  	[tilespmem:s21], [sflag:$0x5] =	stream.indirect.gather [hbm4b:s4+s14], $0x20, s16, s14, $0xb8;
	[tilespmem:$0x1C000] =	vst v63  }
.LBB2_7:
0xa5: {  	p2 =	sgt.u32 s15, $0xA3  }
0xa6: {  	s15 =	simm.s32 @!p2 $0x1  }
0xa7: {  	_ =	swait.ge @!p2 [sflag:s15], $0x1000  }
0xa8: {  	[sflag:s15] =	ssyncset.done @!p2 $0x0  }
0xa9: {  	[sflag:s15] =	ssyncadd.s32 @!p2 $0xFFFFF000;
	s15 =	sshra.s32 @!p2 s7, $0x2  }
0xaa: {  	s16 =	simm.s32 @!p2 $0x80;
	s17 =	simm.s32 @!p2 $0xA000;
	s15 =	sadd.s32 @!p2 $0x5000, s15  }
0xab: {  	[spmem:s2] =	stream.indirect.scatter.add.bf16 @!p2 [tilespmem:s17], [sflag:$0x9], $0x20, s15, s16, $0xb8;
	[tilespmem:$0x1C000] =	vst v63  }
0xac: {  	s15 =	simm.s32 @!p1 $0xE  }
0xad: {  	p2 =	seq.s32 @!p1 s7, $0x14000;
	_ =	swait.ge @!p1 [sflag:s15], $0x1000  }
0xae: {  	p2 =	por p1, !p2;
	[sflag:s15] =	ssyncset.done @!p1 $0x0  }
0xaf: {  	s16 =	sadd.s32 $0xFFFFFFFE, s9;
	[sflag:s15] =	ssyncadd.s32 @!p1 $0xFFFFF000;
	s15 =	sshra.s32 @p2 s7, $0x2  }
0xb0: {  	p3 =	sgt.u32 s16, $0xA3;
	s15 =	sadd.s32 @p2 $0x280, s15  }
0xb1: {  	[tilespmem:s24], [sflag:$0x6] =	stream.indirect.gather @p2 [hbm4b:s4+s14], $0x20, s15, s14, $0xb8;
	[tilespmem:$0x1C000] =	vst v63  }
0xb2: {  	s15 =	simm.s32 @!p3 $0x2  }
0xb3: {  	s13 =	sshll.u32 @!p3 s13, $0x7;
	_ =	swait.ge @!p3 [sflag:s15], $0x1000  }
0xb4: {  	s16 =	simm.s32 @!p3 $0xB000;
	s13 =	sand.u32 @!p3 $0x3FFFFF80, s13;
	[sflag:s15] =	ssyncset.done @!p3 $0x0  }
0xb5: {  	s13 =	sadd.s32 @!p3 $0x5000, s13;
	[sflag:s15] =	ssyncadd.s32 @!p3 $0xFFFFF000;
	s15 =	simm.s32 @!p3 $0x80  }
0xb6: {  	[spmem:s2] =	stream.indirect.scatter.add.bf16 @!p3 [tilespmem:s16], [sflag:$0xA], $0x20, s13, s15, $0xb8;
	[tilespmem:$0x1C000] =	vst v63  }
0xb7: {  	s13 =	simm.s32 @!p1 $0xF  }
0xb8: {  	_ =	swait.ge @!p1 [sflag:s13], $0x1000  }
0xb9: {  	[sflag:s13] =	ssyncset.done @!p1 $0x0  }
0xba: {  	s17 =	sadd.s32 $0xFFFFFFFF, s9;
	[sflag:s13] =	ssyncadd.s32 @!p1 $0xFFFFF000;
	s13 =	sshra.s32 @p2 s7, $0x2  }
0xbb: {  	p3 =	sgt.u32 s17, $0xA3;
	s13 =	sadd.s32 @p2 $0x300, s13  }
0xbc: {  	[tilespmem:s23], [sflag:$0x7] =	stream.indirect.gather @p2 [hbm4b:s4+s14], $0x20, s13, s14, $0xb8;
	[tilespmem:$0x1C000] =	vst v63  }
0xbd: {  	s13 =	simm.s32 @!p3 $0x3  }
0xbe: {  	s8 =	sshll.u32 @!p3 s8, $0x7;
	_ =	swait.ge @!p3 [sflag:s13], $0x1000  }
0xbf: {  	s15 =	simm.s32 @!p3 $0xC000;
	s8 =	sand.u32 @!p3 $0x3FFFFF80, s8;
	[sflag:s13] =	ssyncset.done @!p3 $0x0  }
0xc0: {  	s8 =	sadd.s32 @!p3 $0x5000, s8;
	[sflag:s13] =	ssyncadd.s32 @!p3 $0xFFFFF000;
	s13 =	simm.s32 @!p3 $0x80  }
0xc1: {  	[spmem:s2] =	stream.indirect.scatter.add.bf16 @!p3 [tilespmem:s15], [sflag:$0xB], $0x20, s8, s13, $0xb8;
	[tilespmem:$0x1C000] =	vst v63  }
0xc2: {  	s8 =	simm.s32 @!p1 $0x10  }
0xc3: {  	_ =	swait.ge @!p1 [sflag:s8], $0x1000  }
0xc4: {  	[sflag:s8] =	ssyncset.done @!p1 $0x0  }
0xc5: {  	[sflag:s8] =	ssyncadd.s32 @!p1 $0xFFFFF000;
	s8 =	sshra.s32 @p2 s7, $0x2  }
0xc6: {  	p1 =	sgt.u32 s9, $0xA3;
	s8 =	sadd.s32 @p2 $0x380, s8  }
0xc7: {  	[tilespmem:s22], [sflag:$0x8] =	stream.indirect.gather @p2 [hbm4b:s4+s14], $0x20, s8, s14, $0xb8;
	[tilespmem:$0x1C000] =	vst v63  }
0xc8: {  	s8 =	simm.s32 @!p1 $0x4  }
0xc9: {  	_ =	swait.ge @!p1 [sflag:s8], $0x1000  }
0xca: {  	s10 =	sshll.u32 @!p1 s10, $0x7;
	[sflag:s8] =	ssyncset.done @!p1 $0x0  }
0xcb: {  	s7 =	sadd.s32 $0x1000, s7;
	[sflag:s8] =	ssyncadd.s32 @!p1 $0xFFFFF000;
	s8 =	sand.u32 @!p1 $0x3FFFFF80, s10  }
0xcc: {  	s13 =	simm.s32 @!p1 $0xD000;
	s10 =	simm.s32 @!p1 $0x80;
	s8 =	sadd.s32 @!p1 $0x5000, s8  }
0xcd: {  	[spmem:s2] =	stream.indirect.scatter.add.bf16 @!p1 [tilespmem:s13], [sflag:$0xC], $0x20, s8, s10, $0xb8;
	[tilespmem:$0x1C000] =	vst v63  }
0xce: {  	p1 =	seq.s32 s7, $0x15000  }
.Ltmp9:
0xcf: {  	_ = 	snop;
	(pc) =	sbr.rel @p1 .LBB2_12-.Ltmp9, $2  }
0xd0: {  	_ =	sdelay $0x2  }
0xd1: {  	s9 =	sadd.s32 $0x8, s9  }
.LBB2_4:
0xd2: {  	p1 =	seq.s32 s7, $0x0  }
.Ltmp10:
0xd3: {  	_ = 	snop;
	(pc) =	sbr.rel @p1 .LBB2_14-.Ltmp10, $1  }
0xd4: {  	_ =	sdelay $0x3  }
0xd5: {  	_ =	swait.ge [sflag:s25], $0x1000;
	p2 =	seq.s32 s7, $0x14000  }
0xd6: {  	[sflag:s25] =	ssyncset.done $0x0;
	s10 =	sshra.s32 @!p2 s7, $0x2  }
0xd7: {  	s8 =	simm.s32 @!p2 $0x80;
	s13 =	simm.s32 @!p2 $0xA000;
	[sflag:s25] =	ssyncadd.s32 $0xFFFFF000  }
0xd8: {  	[tilespmem:s13], [sflag:$0x1] =	stream.indirect.gather @!p2 [hbm4b:s4+s8], $0x20, s10, s8, $0xb8;
	[tilespmem:$0x1C000] =	vst v63  }
0xd9: {  	s13 =	smov.u32 s7  }
0xda: {  	s13 =	simm.s32 @p2 $0x14000;
	_ =	swait.ge [sflag:s26], $0x1000  }
0xdb: {  	[sflag:s26] =	ssyncset.done $0x0;
	s15 =	sshra.s32 s13, $0x2  }
0xdc: {  	[sflag:s26] =	ssyncadd.s32 $0xFFFFF000;
	s13 =	sadd.s32 $0x4E00, s15  }
0xdd: {  	[spmem:s2] =	stream.indirect.scatter.add.bf16 [tilespmem:s21], [sflag:$0xD], $0x20, s13, s14, $0xb8;
	[tilespmem:$0x1C000] =	vst v63  }
0xde: {  	_ =	swait.ge [sflag:s28], $0x1000  }
0xdf: {  	[sflag:s28] =	ssyncset.done $0x0  }
0xe0: {  	s16 =	simm.s32 @!p2 $0xB000;
	s13 =	sadd.s32 @!p2 $0x80, s10;
	[sflag:s28] =	ssyncadd.s32 $0xFFFFF000  }
0xe1: {  	[tilespmem:s16], [sflag:$0x2] =	stream.indirect.gather @!p2 [hbm4b:s4+s8], $0x20, s13, s8, $0xb8;
	[tilespmem:$0x1C000] =	vst v63  }
0xe2: {  	_ =	swait.ge [sflag:s29], $0x1000  }
0xe3: {  	[sflag:s29] =	ssyncset.done $0x0  }
0xe4: {  	s17 =	sadd.s32 $0x4E80, s15;
	[sflag:s29] =	ssyncadd.s32 $0xFFFFF000  }
0xe5: {  	[spmem:s2] =	stream.indirect.scatter.add.bf16 [tilespmem:s24], [sflag:$0xE], $0x20, s17, s14, $0xb8;
	[tilespmem:$0x1C000] =	vst v63  }
0xe6: {  	_ =	swait.ge [sflag:s30], $0x1000  }
0xe7: {  	[sflag:s30] =	ssyncset.done $0x0  }
0xe8: {  	s16 =	sadd.s32 @!p2 $0x100, s10;
	s17 =	simm.s32 @!p2 $0xC000;
	[sflag:s30] =	ssyncadd.s32 $0xFFFFF000  }
0xe9: {  	[tilespmem:s17], [sflag:$0x3] =	stream.indirect.gather @!p2 [hbm4b:s4+s8], $0x20, s16, s8, $0xb8;
	[tilespmem:$0x1C000] =	vst v63  }
0xea: {  	_ =	swait.ge [sflag:s31], $0x1000  }
0xeb: {  	[sflag:s31] =	ssyncset.done $0x0  }
0xec: {  	s17 =	sadd.s32 $0x4F00, s15;
	[sflag:s31] =	ssyncadd.s32 $0xFFFFF000  }
0xed: {  	[spmem:s2] =	stream.indirect.scatter.add.bf16 [tilespmem:s23], [sflag:$0xF], $0x20, s17, s14, $0xb8;
	[tilespmem:$0x1C000] =	vst v63  }
0xee: {  	_ =	swait.ge [sflag:s0], $0x1000  }
0xef: {  	[sflag:s0] =	ssyncset.done $0x0  }
0xf0: {  	s10 =	sadd.s32 @!p2 $0x180, s10;
	s16 =	simm.s32 @!p2 $0xD000;
	[sflag:s0] =	ssyncadd.s32 $0xFFFFF000  }
0xf1: {  	[tilespmem:s16], [sflag:$0x4] =	stream.indirect.gather @!p2 [hbm4b:s4+s8], $0x20, s10, s8, $0xb8;
	[tilespmem:$0x1C000] =	vst v63  }
0xf2: {  	_ =	swait.ge [sflag:s1], $0x1000  }
0xf3: {  	[sflag:s1] =	ssyncset.done $0x0  }
0xf4: {  	s17 =	sadd.s32 $0x4F80, s15;
	[sflag:s1] =	ssyncadd.s32 $0xFFFFF000  }
0xf5: {  	[spmem:s2] =	stream.indirect.scatter.add.bf16 [tilespmem:s22], [sflag:$0x10], $0x20, s17, s14, $0xb8;
	[tilespmem:$0x1C000] =	vst v63  }
.Ltmp11:
0xf6: {  	_ = 	snop;
	(pc) =	sbr.rel @p2 .LBB2_7-.Ltmp11, $4  }
.Ltmp12:
0xf7: {  	_ = 	snop;
	(pc) =	sbr.rel @!p2 .LBB2_6-.Ltmp12, $4  }
0xf8: {  	_ =	swait.ge [sflag:s12], $0x1000  }
0xf9: {  	s13 =	sadd.s32 $0xFFFFFFFA, s9;
	s15 =	sadd.s32 $0xFFFFFFFD, s9;
	[sflag:s12] =	ssyncset.done $0x0  }
0xfa: {  	s8 =	sadd.s32 $0xFFFFFFFB, s9;
	s10 =	sadd.s32 $0xFFFFFFFC, s9;
	[sflag:s12] =	ssyncadd.s32 $0xFFFFF000  }
0xfb: {  	_ = 	snop  }
.LBB2_13:
0xfc: {  	_ =	sfence.sel $0x180000  }
0xfd: {  	[bflag:$0x0] =	sbarrier.arrive $0xFFFF  }
0xfe: {  	_ =	strace $0x9000004D  }
0xff: {  	s0 =	stileid.u32;
	[bflag:$0x2] =	sbarrier.arrive $0xFFFF  }
0x100: {  	p0 =	sne.s32 s0, $0x0;
	s0 =	rddreg [dreg:$0x3]  }
0x101: {  	s0 =	sadd.s32 @!p0 $0x100000, s0  }
0x102: {  	[sflag:s0] =	ssyncadd.tile.s32 @!p0 $0x1;
	_ =	shalt  }
.Lfunc_end2:
_tile_overlayer_lowered:
.L_overlay_start_2:
0x103: {  	(tag) =	ssettag $0x2  }
0x104: {  	s0 =	rddreg [dreg:$0x0];
	s2 =	stileid.u32  }
0x105: {  	s1 =	rddreg [dreg:$0x1];
	p0 =	sne.s32 s2, $0x0  }
0x106: {  	s3 =	rddreg [dreg:$0x2];
	[bflag:$0x3] =	sbarrier.arrive $0xFFFF;
	s2 =	simm.s32 @!p0 $0x1C11  }
0x107: {  	[timem:s3], [sflag:s2] =	dma.local @!p0 [hbm:s0], s1  }
0x108: {  	s0 =	simm.s32 @!p0 $0x11  }
0x109: {  	_ =	swait.ge @!p0 [sflag:s0], s1  }
0x10a: {  	s1 =	ssub.s32 @!p0 $0x0, s1;
	[sflag:s0] =	ssyncset.done @!p0 $0x0  }
0x10b: {  	[sflag:s0] =	ssyncadd.s32 @!p0 s1  }
0x10c: {  	[bflag:$0x3] =	sbarrier.arrive $0xFFFF  }
0x10d: {  	_ =	shalt  }

// kernel: kernel.8.cloned.1.call-start
scs
__scs_entry_jumppad:
0x0: {  	(pc) =	sbr.rel $0x88, $3  }
0x1: {  	(tag) =	ssettag $0x0;
	lr =	simm.s32 $0x1  }
0x2: {  	[smem:$0x3F9B] =	sst lr;
	_ =	strace $0xD0000000  }
0x3: {  	_ = 	snop  }
0x4: {  	_ = 	snop  }
0x5: {  	_ = 	snop  }
0x6: {  	_ = 	snop  }
0x7: {  	_ = 	snop  }
__scs_overlays_trampoline_lowered:
0x8: {  	[smem:$0x3FAA] =	sst s0  }
0x9: {  	[smem:$0x3FAB] =	sst s1  }
0xa: {  	[smem:$0x3FAC] =	sst s2  }
0xb: {  	[smem:$0x3FAD] =	sst s3  }
0xc: {  	[smem:$0x3FAE] =	sst s4  }
0xd: {  	[smem:$0x3FAF] =	sst s5  }
0xe: {  	[smem:$0x3FB0] =	sst s6  }
0xf: {  	[smem:$0x3FB1] =	sst s7  }
0x10: {  	[smem:$0x3FB2] =	sst s8  }
0x11: {  	[smem:$0x3FB3] =	sst s9;
	s0 =	simm.s32 @!p0 $0x0  }
0x12: {  	s1 =	sld [smem:$0x3F99];
	s0 =	simm.s32 @p0 $0x1  }
0x13: {  	[smem:$0x3FB4] =	sst s0;
	s0 =	simm.s32 @!p1 $0x0  }
0x14: {  	s2 =	sld [smem:$0x3F98];
	s0 =	simm.s32 @p1 $0x1  }
0x15: {  	[smem:$0x3FB5] =	sst s0;
	s0 =	simm.s32 @!p2 $0x0  }
0x16: {  	s3 =	sld [smem:$0x3FDB];
	s0 =	simm.s32 @p2 $0x1  }
0x17: {  	s4 =	simm.s32 $0x1BF5;
	[smem:$0x3FB7] =	sst s0  }
0x18: {  	s0 =	sld [smem:$0x3F9A];
	_ =	swait.ge [sflag:s4], $0x0  }
0x19: {  	s7 =	sld [smem:$0x3F9B]  }
0x1a: {  	s8 =	sadd.s32 $0xFFFFE003, lr  }
0x1b: {  	s9 =	sadd.s32 $0xFFFFFEF7, lr;
	s5 =	simm.s32 $0xFFFFFFFF;
	p2 =	slt.u32 s8, $0xFFFFF086  }
0x1c: {  	p1 =	slt.u32 s9, $0xF7A;
	s5 =	simm.s32 @!p2 $0x0  }
0x1d: {  	s5 =	simm.s32 @p1 $0x1;
	p0 =	seq.s32 s7, s2  }
0x1e: {  	s7 =	smul.u32 @!p0 $0xF7A, s2;
	p2 =	seq.s32 @!p0 s5, $0x0  }
0x1f: {  	s9 =	smul.u32 $0xF7A, s1;
	s8 =	simm.s32 @!p0 $0x1BF5;
	p2 =	por !p2, p0  }
0x20: {  	[sflag:s8] =	ssyncset.s32 @!p0 $0xFFFFF086;
	s6 =	sadd.s32 @!p0 s3, s7;
	s7 =	simm.s32 @!p0 $0x108  }
0x21: {  	s3 =	sadd.s32 s3, s9;
	s6 =	sadd.s32 @!p0 $0x88, s6;
	s7 =	simm.s32 @p2 $0x1082  }
0x22: {  	[simem:s7], [sflag:s8] =	dma.local @!p0 [hbm:s6], $0xF7A  }
0x23: {  	s9 =	sor.u32 $0xD0000000, s2;
	s6 =	simm.s32 $0x108;
	_ =	swait.ge @!p0 [sflag:s8], $0x0  }
0x24: {  	s3 =	sadd.s32 $0x88, s3;
	s6 =	simm.s32 @!p1 $0x1082;
	[sflag:s4] =	ssyncset.s32 $0xFFFFF086  }
0x25: {  	[simem:s6], [sflag:s4] =	dma.local [hbm:s3], $0xF7A  }
0x26: {  	[smem:$0x3F9B] =	sst s1;
	(tag) =	ssettag s2;
	_ =	strace s9  }
0x27: {  	s1 =	sld [smem:$0x3FAB]  }
0x28: {  	s2 =	sld [smem:$0x3FAC]  }
0x29: {  	s4 =	sld [smem:$0x3FAE]  }
0x2a: {  	p0 =	seq.s32 s5, $0x0;
	s5 =	sld [smem:$0x3FAF]  }
0x2b: {  	s6 =	sld [smem:$0x3FB0]  }
0x2c: {  	s7 =	sld [smem:$0x3FB1]  }
0x2d: {  	s3 =	simm.s32 $0x108;
	s8 =	sld [smem:$0x3FB2]  }
0x2e: {  	s3 =	simm.s32 @!p0 $0x1082;
	s9 =	sld [smem:$0x3FB3]  }
0x2f: {  	lr =	sadd.s32 s0, s3;
	s0 =	sld [smem:$0x3FAA]  }
0x30: {  	s3 =	sld [smem:$0x3FAD]  }
0x31: {  	[smem:$0x3FB6] =	sst s10  }
0x32: {  	s10 =	sld [smem:$0x3FB4];
	_ =	sdelay $0x3  }
0x33: {  	p0 =	seq.s32 s10, $0x1;
	s10 =	sld [smem:$0x3FB6];
	_ =	sdelay $0x3  }
0x34: {  	[smem:$0x3FB6] =	sst s10  }
0x35: {  	s10 =	sld [smem:$0x3FB5];
	_ =	sdelay $0x3  }
0x36: {  	p1 =	seq.s32 s10, $0x1;
	s10 =	sld [smem:$0x3FB6];
	_ =	sdelay $0x3  }
0x37: {  	[smem:$0x3FB6] =	sst s10  }
0x38: {  	s10 =	sld [smem:$0x3FB7]  }
0x39: {  	_ = 	snop;
	(pc) =	sbr.ind lr, $3  }
0x3a: {  	_ = 	snop  }
0x3b: {  	_ = 	snop  }
0x3c: {  	p2 =	seq.s32 s10, $0x1;
	s10 =	sld [smem:$0x3FB6]  }
0x3d: {  	_ =	shalt  }
0x3e: {  	_ =	shalt  }
0x3f: {  	_ =	shalt  }
0x40: {  	_ =	shalt  }
0x41: {  	_ =	shalt  }
0x42: {  	_ =	shalt  }
0x43: {  	_ =	shalt  }
0x44: {  	_ =	shalt  }
0x45: {  	_ =	shalt  }
0x46: {  	_ =	shalt  }
0x47: {  	_ =	shalt  }
0x48: {  	_ =	shalt  }
0x49: {  	_ =	shalt  }
0x4a: {  	_ =	shalt  }
0x4b: {  	_ =	shalt  }
0x4c: {  	_ =	shalt  }
0x4d: {  	_ =	shalt  }
0x4e: {  	_ =	shalt  }
0x4f: {  	_ =	shalt  }
0x50: {  	_ =	shalt  }
0x51: {  	_ =	shalt  }
0x52: {  	_ =	shalt  }
0x53: {  	_ =	shalt  }
0x54: {  	_ =	shalt  }
0x55: {  	_ =	shalt  }
0x56: {  	_ =	shalt  }
0x57: {  	_ =	shalt  }
0x58: {  	_ =	shalt  }
0x59: {  	_ =	shalt  }
0x5a: {  	_ =	shalt  }
0x5b: {  	_ =	shalt  }
0x5c: {  	_ =	shalt  }
0x5d: {  	_ =	shalt  }
0x5e: {  	_ =	shalt  }
0x5f: {  	_ =	shalt  }
0x60: {  	_ =	shalt  }
0x61: {  	_ =	shalt  }
0x62: {  	_ =	shalt  }
0x63: {  	_ =	shalt  }
0x64: {  	_ =	shalt  }
0x65: {  	_ =	shalt  }
0x66: {  	_ =	shalt  }
0x67: {  	_ =	shalt  }
0x68: {  	_ =	shalt  }
0x69: {  	_ =	shalt  }
0x6a: {  	_ =	shalt  }
0x6b: {  	_ =	shalt  }
0x6c: {  	_ =	shalt  }
0x6d: {  	_ =	shalt  }
0x6e: {  	_ =	shalt  }
0x6f: {  	_ =	shalt  }
0x70: {  	_ =	shalt  }
0x71: {  	_ =	shalt  }
0x72: {  	_ =	shalt  }
0x73: {  	_ =	shalt  }
0x74: {  	_ =	shalt  }
0x75: {  	_ =	shalt  }
0x76: {  	_ =	shalt  }
0x77: {  	_ =	shalt  }
0x78: {  	_ =	shalt  }
0x79: {  	_ =	shalt  }
0x7a: {  	_ =	shalt  }
0x7b: {  	_ =	shalt  }
0x7c: {  	_ =	shalt  }
0x7d: {  	_ =	shalt  }
0x7e: {  	_ =	shalt  }
0x7f: {  	_ =	shalt  }
0x80: {  	_ =	shalt  }
0x81: {  	_ =	shalt  }
0x82: {  	_ =	shalt  }
0x83: {  	_ =	shalt  }
0x84: {  	_ =	shalt  }
0x85: {  	_ =	shalt  }
0x86: {  	_ =	shalt  }
0x87: {  	_ =	shalt  }
.Lfunc_end0:
.L_simem_size_0:
called_computation_lowered:
.L_overlay_start_0:
0x88: {  	s2 =	sld [smem:$0x3FD9]  }
0x89: {  	s3 =	sld [smem:$0x3FFE];
	_ =	sdelay $0x1  }
0x8a: {  	s1 =	srdreg.scid  }
0x8b: {  	s0 =	sand.u32 $0x1, s1  }
0x8c: {  	s14 =	sshll.u32 s0, $0xA;
	s2 =	sadd.s32 s3, s2  }
0x8d: {  	s2 =	sadd.s32 s2, s14  }
0x8e: {  	[smem:$0x3FC2] =	sst s2  }
0x8f: {  	_ = 	snop  }
0x90: {  	s2 =	sld [smem:$0x3FD0];
	_ =	sdelay $0x2  }
0x91: {  	s15 =	simm.s32 $0xA;
	s4 =	simm.s32 $0x10  }
0x92: {  	[smem:s4], [sflag:s15] =	dma.local [hbm:s2], $0x1  }
0x93: {  	_ =	swait.eq [sflag:s15], $0x1  }
0x94: {  	[sflag:s15] =	ssyncset.done $0x0  }
0x95: {  	[sflag:s15] =	ssyncadd.s32 $0xFFFFFFFF  }
0x96: {  	s16 =	sld [smem:$0x10];
	(tm) =	ssettm $0x1  }
0x97: {  	s17 =	sld [smem:$0x3FFB];
	_ =	sdelay $0x3  }
0x98: {  	_ =	strace s17  }
0x99: {  	s3 =	sld [smem:$0x3FFC];
	_ =	sdelay $0x3  }
0x9a: {  	_ =	strace s3  }
0x9b: {  	s3 =	sld [smem:$0x3FFD];
	_ =	sdelay $0x3  }
0x9c: {  	_ =	strace s3  }
0x9d: {  	_ =	strace $0x8FFFFFFF  }
0x9e: {  	s18 =	sld [smem:$0x3FDB];
	_ =	sdelay $0x1  }
0x9f: {  	s19 =	simm.s32 $_scs_section_size  }
0xa0: {  	s5 =	simm.s32 $_size__tile_overlayer_lowered;
	s6 =	simm.s32 $_tile_overlayer_lowered  }
0xa1: {  	s22 =	simm.s32 $0x1BFF;
	s21 =	sshll.u32 s6, $0x1;
	s3 =	sadd.s32 s19, s18  }
0xa2: {  	s7 =	simm.s32 $0x0;
	s20 =	sshll.u32 s5, $0x1;
	s5 =	sadd.s32 s21, s3  }
0xa3: {  	[timem:s7], [sflag:s22] =	dma.local [hbm:s5], s20  }
0xa4: {  	_ =	swait.ge [sflag:s22], s20  }
0xa5: {  	s4 =	ssub.s32 $0x0, s20;
	[sflag:s22] =	ssyncset.done $0x0  }
0xa6: {  	[sflag:s22] =	ssyncadd.s32 s4;
	_ =	sdelay $0x1  }
0xa7: {  	s23 =	simm.s32 $0x1B8B  }
0xa8: {  	_ =	swait.ge [sflag:s23], $0x1  }
0xa9: {  	[sflag:s23] =	ssyncset.done $0x0  }
0xaa: {  	s25 =	simm.s32 $0x1B8E;
	s24 =	sld [smem:$0x3FFE];
	[sflag:s23] =	ssyncadd.s32 $0xFFFFFFFF  }
0xab: {  	s26 =	simm.s32 $execute0_lowered;
	[smem:$0x3FD2] =	sst s25  }
0xac: {  	s5 =	sshll.u32 s26, $0x1;
	_ =	strace $0x80000046;
	[dreg:$0x1] =	wrdreg $0xFFFFFFFF  }
0xad: {  	s28 =	simm.s32 $_size_execute0_lowered;
	s3 =	sadd.s32 s3, s5;
	[dreg:$0x0] =	wrdreg $0x0  }
0xae: {  	s5 =	sshll.u32 s28, $0x1;
	[dreg:$0x2] =	wrdreg s3  }
0xaf: {  	[dreg:$0x3] =	wrdreg s5  }
0xb0: {  	[dreg:$0x4] =	wrdreg $0xC0  }
0xb1: {  	_ =	task [dreg:s7], $0x5FFFF  }
0xb2: {  	[dreg:$0x1] =	wrdreg $0xFFFFFFFF  }
0xb3: {  	[dreg:$0x0] =	wrdreg $0x60  }
0xb4: {  	[dreg:$0x2] =	wrdreg s24  }
0xb5: {  	[dreg:$0x3] =	wrdreg s16  }
0xb6: {  	[dreg:$0x4] =	wrdreg $0x9  }
0xb7: {  	_ =	task.clear_ibuf [dreg:s7], $0x5FFFF;
	_ =	strace $0x90000046  }
0xb8: {  	s29 =	simm.s32 $0x9;
	_ =	strace $0x80000048  }
0xb9: {  	_ =	swait.ge [sflag:s29], $0x1  }
0xba: {  	[sflag:s29] =	ssyncadd.s32 $0xFFFFFFFF  }
0xbb: {  	_ =	strace $0x90000048  }
0xbc: {  	_ =	sfence  }
0xbd: {  	s30 =	sld [smem:$0x0];
	_ =	sdelay $0x2  }
0xbe: {  	s31 =	sshll.u32 s1, $0xD;
	s1 =	sshrl.u32 s1, $0x2  }
0xbf: {  	s3 =	sand.u32 $0x4000, s31;
	s1 =	sadd.s32 s1, s30  }
0xc0: {  	s0 =	sor.u32 s3, s0;
	s1 =	sshll.u32 s1, $0x11  }
0xc1: {  	s0 =	sor.u32 s1, s0  }
0xc2: {  	s0 =	sadd.s32 $0x8F2B, s0  }
0xc3: {  	[sflag:s0] =	ssyncadd.remote.s32 $0x1  }
0xc4: {  	_ =	sfence.sel $0xFFFF  }
0xc5: {  	[dreg:$0x0] =	wrdreg $0xFFFFFFFF;
	(pc) =	sbr.abs _section_cstart, $3  }
0xc6: {  	[dreg:$0x1] =	wrdreg $0xFFFFFFFF  }
0xc7: {  	_ =	task.clear_ibuf [dreg:s7], $0x2FFFF;
	_ =	strace $0x9FFFFFFF  }
0xc8: {  	(tm) =	ssettm $0x7FFFFFFF  }
0xc9: {  	_ =	shalt  }
tec
execute0_lowered:
.L_overlay_start_1:
0x0: {  	(tag) =	ssettag $0x1  }
0x1: {  	s3 =	rddreg [dreg:$0x0];
	s1 =	srdreg.scid  }
0x2: {  	s0 =	stileid.u32;
	s4 =	rddreg [dreg:$0x1];
	s2 =	simm.s32 $0x0  }
0x3: {  	s5 =	sand.u32 $0x1, s1;
	s6 =	smul.u32 $0x5000, s0;
	s1 =	rddreg [dreg:$0x2]  }
0x4: {  	[smem:$0x7FF] =	sst s2;
	s7 =	smul.u32 $0x2800, s5;
	s8 =	sshll.u32 s5, $0x4  }
0x5: {  	s5 =	ssub.s32 $0x2, s5;
	_ =	strace $0x80000047;
	s30 =	sor.u32 s0, s8  }
0x6: {  	s31 =	sshrl.u32 s5, $0x1;
	s6 =	sadd.s32 s7, s6;
	s7 =	smul.u32 $0x500, s30  }
0x7: {  	s8 =	simm.s32 $0x0;
	s5 =	ssub.s32 s5, s31;
	s6 =	sshrl.u32 s6, $0x3  }
0x8: {  	s5 =	smax.u32 s5, $0x1;
	s3 =	sadd.s32 s6, s3;
	s4 =	sadd.s32 s4, s7  }
0x9: {  	v0 =	vimm.f32 $0.0e+00;
	v1 =	vimm.f32 $1.000000000e+00;
	s6 =	simm.s32 $0x1;
	s7 =	simm.s32 $0x2800;
	s3 =	sadd.s32 $0x1800, s3  }
.LBB2_1:
0xa: {  	s9 =	simm.s32 $0x40;
	s10 =	simm.s32 $0x0  }
.LBB2_2:
0xb: {  	p0 =	sne.s32 s9, $0x9FC0;
	[tilespmem:s10+$0x2800] =	vst v0;
	s10 =	smov.u32 s9;
	s9 =	sadd.s32 $0x40, s9  }
.Ltmp0:
0xc: {  	(pc) =	sbr.rel @p0 .LBB2_2-.Ltmp0, $2  }
0xd: {  	_ =	sdelay $0x2  }
0xe: {  	s10 =	sshra.s32 s10, $0x2  }
0xf: {  	[tilespmem:s10+$0x2800] =	vst v0  }
0x10: {  	[tilespmem:s2], [sflag:$0x1] =	stream.linear.gather [hbm4b:s3+s2], $0x2800, $0x38;
	[tilespmem:$0x5000] =	vst v63  }
0x11: {  	_ =	swait.ge [sflag:s6], $0x2800  }
0x12: {  	[sflag:s6] =	ssyncset.done $0x0  }
0x13: {  	s9 =	simm.s32 $0x1C0;
	[sflag:s6] =	ssyncadd.s32 $0xFFFFD800  }
.LBB2_4:
0x14: {  	s10 =	sshra.s32 s9, $0x2  }
0x15: {  	v2 =	vld [tilespmem:s10+$0xFFFFFF90];
	_ =	sdelay $0x7  }
0x16: {  	[tilespmem:v2+s7+$0x0] =	vst.idx.add.f32.msk $0xffff, v1  }
0x17: {  	v2 =	vld [tilespmem:s10+$0xFFFFFFA0];
	_ =	sdelay $0x7  }
0x18: {  	[tilespmem:v2+s7+$0x0] =	vst.idx.add.f32.msk $0xffff, v1  }
0x19: {  	v2 =	vld [tilespmem:s10+$0xFFFFFFB0];
	_ =	sdelay $0x7  }
0x1a: {  	[tilespmem:v2+s7+$0x0] =	vst.idx.add.f32.msk $0xffff, v1  }
0x1b: {  	v2 =	vld [tilespmem:s10+$0xFFFFFFC0];
	_ =	sdelay $0x7  }
0x1c: {  	[tilespmem:v2+s7+$0x0] =	vst.idx.add.f32.msk $0xffff, v1  }
0x1d: {  	v2 =	vld [tilespmem:s10+$0xFFFFFFD0];
	_ =	sdelay $0x7  }
0x1e: {  	[tilespmem:v2+s7+$0x0] =	vst.idx.add.f32.msk $0xffff, v1  }
0x1f: {  	v2 =	vld [tilespmem:s10+$0xFFFFFFE0];
	_ =	sdelay $0x7  }
0x20: {  	[tilespmem:v2+s7+$0x0] =	vst.idx.add.f32.msk $0xffff, v1  }
0x21: {  	v2 =	vld [tilespmem:s10+$0xFFFFFFF0];
	_ =	sdelay $0x7  }
0x22: {  	[tilespmem:v2+s7+$0x0] =	vst.idx.add.f32.msk $0xffff, v1  }
0x23: {  	v2 =	vld [tilespmem:s10+$0x0];
	_ =	sdelay $0x2  }
0x24: {  	p0 =	sne.s32 s9, $0x9FC0  }
.Ltmp1:
0x25: {  	_ = 	snop;
	(pc) =	sbr.rel @p0 .LBB2_4-.Ltmp1, $2  }
0x26: {  	_ =	sdelay $0x2  }
0x27: {  	s9 =	sadd.s32 $0x200, s9;
	[tilespmem:v2+s7+$0x0] =	vst.idx.add.f32.msk $0xffff, v1  }
0x28: {  	s8 =	sadd.s32 $0x1, s8  }
0x29: {  	p0 =	sne.s32 s8, s5  }
.Ltmp2:
0x2a: {  	_ = 	snop;
	(pc) =	sbr.rel @p0 .LBB2_1-.Ltmp2, $4  }
0x2b: {  	[hbm4b:s4+s2] =	stream.linear.scatter [tilespmem:s7], [sflag:$0x1], $0x2800, $0x38;
	[tilespmem:$0x5000] =	vst v63  }
0x2c: {  	_ =	swait.ge [sflag:s6], $0x2800  }
0x2d: {  	[sflag:s6] =	ssyncset.done $0x0  }
0x2e: {  	[sflag:s6] =	ssyncadd.s32 $0xFFFFD800  }
0x2f: {  	_ =	sfence.sel $0x180000  }
0x30: {  	[bflag:$0x0] =	sbarrier.arrive $0xFFFF  }
0x31: {  	p0 =	sne.s32 s0, $0x0;
	_ =	strace $0x90000047  }
0x32: {  	s0 =	sadd.s32 @!p0 $0x100000, s1;
	[bflag:$0x2] =	sbarrier.arrive $0xFFFF  }
0x33: {  	[sflag:s0] =	ssyncadd.tile.s32 @!p0 $0x1;
	_ =	shalt  }
.Lfunc_end2:
_tile_overlayer_lowered:
.L_overlay_start_2:
0x34: {  	(tag) =	ssettag $0x2  }
0x35: {  	s0 =	rddreg [dreg:$0x0];
	s2 =	stileid.u32  }
0x36: {  	s1 =	rddreg [dreg:$0x1];
	p0 =	sne.s32 s2, $0x0  }
0x37: {  	s3 =	rddreg [dreg:$0x2];
	[bflag:$0x3] =	sbarrier.arrive $0xFFFF;
	s2 =	simm.s32 @!p0 $0x1C01  }
0x38: {  	[timem:s3], [sflag:s2] =	dma.local @!p0 [hbm:s0], s1  }
0x39: {  	s0 =	simm.s32 @!p0 $0x1  }
0x3a: {  	_ =	swait.ge @!p0 [sflag:s0], s1  }
0x3b: {  	s1 =	ssub.s32 @!p0 $0x0, s1;
	[sflag:s0] =	ssyncset.done @!p0 $0x0  }
0x3c: {  	[sflag:s0] =	ssyncadd.s32 @!p0 s1  }
0x3d: {  	[bflag:$0x3] =	sbarrier.arrive $0xFFFF  }
0x3e: {  	_ =	shalt  }

</sc_bundles>
